<compile_context>
chip_gen: v7x
topology: tpu7x:2x2x1
jax: 0.10.2.dev20260603
libtpu: 0.0.44.dev20260713+nightly
codegen_flags: <defaults>
</compile_context>

<pallas_src>
import functools

import jax
import jax.numpy as jnp
from jax import lax
from jax.experimental import pallas as pl
from jax.experimental.pallas import tpu as pltpu
from jax.experimental.pallas import tpu_sc as plsc

N_NODES = 50000
N_EDGES = 800000
SEQ_LEN = 20
IN_FEAT = 5
HIDDEN = 128
GCN_HID = 16

NPAD = 50048
ROWS_PER_SUB = NPAD // 16
CH = 125
NCHUNK = N_EDGES // CH
NW = 32
CPW = NCHUNK // NW
KD = 8
NGROUP = CPW // KD


def _lstm_body(x_ref, wih_ref, whh_ref, b_ref, w1_ref, degp_ref,
               xw1_ref, dinv_ref, g1_ref):
    x = x_ref[...]
    nb = x.shape[0]
    h = jnp.zeros((nb, HIDDEN), jnp.float32)
    c = jnp.zeros((nb, HIDDEN), jnp.float32)
    bf = jnp.bfloat16
    wih = wih_ref[...].astype(bf)
    whh = whh_ref[...].astype(bf)
    b = b_ref[...]
    dn = (((1,), (0,)), ((), ()))
    for t in range(SEQ_LEN):
        x_t = x[:, IN_FEAT * t:IN_FEAT * (t + 1)]
        gates = lax.dot_general(x_t.astype(bf), wih, dn,
                                preferred_element_type=jnp.float32)
        gates = gates + lax.dot_general(h.astype(bf), whh, dn,
                                        preferred_element_type=jnp.float32)
        gates = gates + b
        i = jax.nn.sigmoid(gates[:, 0:HIDDEN])
        f = jax.nn.sigmoid(gates[:, HIDDEN:2 * HIDDEN])
        g = jnp.tanh(gates[:, 2 * HIDDEN:3 * HIDDEN])
        o = jax.nn.sigmoid(gates[:, 3 * HIDDEN:4 * HIDDEN])
        c = f * c + i * g
        h = o * jnp.tanh(c)
    xw1 = lax.dot_general(h, w1_ref[...], dn,
                          preferred_element_type=jnp.float32)
    deg = degp_ref[0] + degp_ref[1] + 1.0
    dinv = lax.rsqrt(deg)
    xw1_ref[...] = xw1
    dinv_ref[...] = dinv
    g1_ref[...] = dinv * xw1


def _lstm_xw1(x2d, wih_t, whh_t, bias, w1, degp):
    nb = 2000
    grid = N_NODES // nb
    return pl.pallas_call(
        _lstm_body,
        grid=(grid,),
        in_specs=[
            pl.BlockSpec((nb, SEQ_LEN * IN_FEAT), lambda i: (i, 0)),
            pl.BlockSpec((IN_FEAT, 4 * HIDDEN), lambda i: (0, 0)),
            pl.BlockSpec((HIDDEN, 4 * HIDDEN), lambda i: (0, 0)),
            pl.BlockSpec((1, 4 * HIDDEN), lambda i: (0, 0)),
            pl.BlockSpec((HIDDEN, GCN_HID), lambda i: (0, 0)),
            pl.BlockSpec((2, nb, 1), lambda i: (0, i, 0)),
        ],
        out_specs=[
            pl.BlockSpec((nb, GCN_HID), lambda i: (i, 0)),
            pl.BlockSpec((nb, 1), lambda i: (i, 0)),
            pl.BlockSpec((nb, GCN_HID), lambda i: (i, 0)),
        ],
        out_shape=[
            jax.ShapeDtypeStruct((N_NODES, GCN_HID), jnp.float32),
            jax.ShapeDtypeStruct((N_NODES, 1), jnp.float32),
            jax.ShapeDtypeStruct((N_NODES, GCN_HID), jnp.float32),
        ],
    )(x2d, wih_t, whh_t, bias, w1, degp)


def _sc_mesh():
    return plsc.VectorSubcoreMesh(core_axis_name="c", subcore_axis_name="s",
                                  num_cores=2, num_subcores=16)


@functools.partial(
    pl.kernel,
    out_type=jax.ShapeDtypeStruct((2, NPAD, 1), jnp.float32),
    mesh=_sc_mesh(),
    scratch_types=[
        pltpu.VMEM((CPW, CH), jnp.int32),
        pltpu.VMEM((CH, 1), jnp.float32),
        pltpu.VMEM_SHARED((NPAD, 1), jnp.float32),
        pltpu.SemaphoreType.DMA,
        pltpu.SemaphoreType.DMA,
    ],
    compiler_params=pltpu.CompilerParams(use_tc_tiling_on_sc=False),
)
def _sc_degree(dst_hbm, ones_hbm, zeros_hbm, out_hbm, didx, onev, acc,
               isem, ssem):
    cid = lax.axis_index("c")
    sid = lax.axis_index("s")
    wid = sid * 2 + cid
    base_rows = sid * ROWS_PER_SUB
    pltpu.async_copy(dst_hbm.at[pl.ds(wid * CPW, CPW)], didx, isem)
    pltpu.sync_copy(ones_hbm, onev)
    pltpu.sync_copy(zeros_hbm, acc.at[pl.ds(base_rows, ROWS_PER_SUB)])
    pltpu.make_async_copy(dst_hbm.at[pl.ds(wid * CPW, CPW)], didx, isem).wait()
    plsc.subcore_barrier()

    def group(gi, _):
        for b in range(KD):
            k = gi * KD + b
            pltpu.async_copy(onev, acc.at[didx.at[k]], ssem, add=True)
        for b in range(KD):
            k = gi * KD + b
            pltpu.make_async_copy(onev, acc.at[didx.at[k]], ssem).wait()
        return 0

    lax.fori_loop(0, NGROUP, group, 0)
    plsc.subcore_barrier()
    pltpu.sync_copy(acc.at[pl.ds(base_rows, ROWS_PER_SUB)],
                    out_hbm.at[cid, pl.ds(base_rows, ROWS_PER_SUB)])


@functools.partial(
    pl.kernel,
    out_type=jax.ShapeDtypeStruct((2, NPAD, GCN_HID), jnp.float32),
    mesh=_sc_mesh(),
    scratch_types=[
        pltpu.VMEM((CPW, CH), jnp.int32),
        pltpu.VMEM((CPW, CH), jnp.int32),
        pltpu.VMEM((KD, CH, GCN_HID), jnp.float32),
        pltpu.VMEM_SHARED((NPAD, GCN_HID), jnp.float32),
        pltpu.SemaphoreType.DMA,
        pltpu.SemaphoreType.DMA,
        pltpu.SemaphoreType.DMA,
    ],
    compiler_params=pltpu.CompilerParams(use_tc_tiling_on_sc=False),
)
def _sc_propagate(g_hbm, src_hbm, dst_hbm, zeros_hbm, out_hbm,
                  sidx, didx, rows, acc, isem, gsem, ssem):
    cid = lax.axis_index("c")
    sid = lax.axis_index("s")
    wid = sid * 2 + cid
    base_rows = sid * ROWS_PER_SUB
    pltpu.async_copy(src_hbm.at[pl.ds(wid * CPW, CPW)], sidx, isem)
    pltpu.async_copy(dst_hbm.at[pl.ds(wid * CPW, CPW)], didx, isem)
    pltpu.sync_copy(zeros_hbm, acc.at[pl.ds(base_rows, ROWS_PER_SUB)])
    pltpu.make_async_copy(src_hbm.at[pl.ds(wid * CPW, CPW)], sidx, isem).wait()
    pltpu.make_async_copy(dst_hbm.at[pl.ds(wid * CPW, CPW)], didx, isem).wait()
    plsc.subcore_barrier()

    def group(gi, _):
        for b in range(KD):
            k = gi * KD + b
            pltpu.async_copy(g_hbm.at[sidx.at[k]], rows.at[b], gsem)
        for b in range(KD):
            k = gi * KD + b
            pltpu.make_async_copy(g_hbm.at[sidx.at[k]], rows.at[b],
                                  gsem).wait()
            pltpu.async_copy(rows.at[b], acc.at[didx.at[k]], ssem, add=True)
        for b in range(KD):
            k = gi * KD + b
            pltpu.make_async_copy(rows.at[b], acc.at[didx.at[k]], ssem).wait()
        return 0

    lax.fori_loop(0, NGROUP, group, 0)
    plsc.subcore_barrier()
    pltpu.sync_copy(acc.at[pl.ds(base_rows, ROWS_PER_SUB)],
                    out_hbm.at[cid, pl.ds(base_rows, ROWS_PER_SUB)])


def _scale1_body(degp_ref, xw1_ref, dinv_ref, g1_ref):
    deg = degp_ref[0] + degp_ref[1] + 1.0
    dinv = lax.rsqrt(deg)
    dinv_ref[...] = dinv
    g1_ref[...] = dinv * xw1_ref[...]


def _scale2_body(accp_ref, xw1_ref, dinv_ref, b1_ref, y_ref, g2_ref):
    dinv = dinv_ref[...]
    acc = accp_ref[0] + accp_ref[1]
    p1 = dinv * acc + (dinv * dinv) * xw1_ref[...]
    y = jnp.maximum(p1 + b1_ref[...], 0.0)
    y_ref[...] = y
    g2_ref[...] = dinv * y


def _final_body(accp_ref, y_ref, dinv_ref, w2_ref, b2_ref, wfc_ref, bfc_ref,
                out_ref):
    dinv = dinv_ref[...]
    acc = accp_ref[0] + accp_ref[1]
    p2 = dinv * acc + (dinv * dinv) * y_ref[...]
    dn_t = (((1,), (1,)), ((), ()))
    v = lax.dot_general(w2_ref[...], wfc_ref[...], dn_t,
                        preferred_element_type=jnp.float32)
    c = lax.dot_general(b2_ref[...], wfc_ref[...], dn_t,
                        preferred_element_type=jnp.float32)
    dn = (((1,), (0,)), ((), ()))
    z = lax.dot_general(p2, v, dn, preferred_element_type=jnp.float32)
    z = z + c + bfc_ref[...]
    out_ref[...] = jnp.where(z > 0, z, 0.2 * z)


_NB2 = 5000
_GRID2 = N_NODES // _NB2


def _scale1(degp, xw1):
    return pl.pallas_call(
        _scale1_body,
        grid=(_GRID2,),
        in_specs=[
            pl.BlockSpec((2, _NB2, 1), lambda i: (0, i, 0)),
            pl.BlockSpec((_NB2, GCN_HID), lambda i: (i, 0)),
        ],
        out_specs=[
            pl.BlockSpec((_NB2, 1), lambda i: (i, 0)),
            pl.BlockSpec((_NB2, GCN_HID), lambda i: (i, 0)),
        ],
        out_shape=[
            jax.ShapeDtypeStruct((N_NODES, 1), jnp.float32),
            jax.ShapeDtypeStruct((N_NODES, GCN_HID), jnp.float32),
        ],
    )(degp, xw1)


def _scale2(accp, xw1, dinv, b1):
    return pl.pallas_call(
        _scale2_body,
        grid=(_GRID2,),
        in_specs=[
            pl.BlockSpec((2, _NB2, GCN_HID), lambda i: (0, i, 0)),
            pl.BlockSpec((_NB2, GCN_HID), lambda i: (i, 0)),
            pl.BlockSpec((_NB2, 1), lambda i: (i, 0)),
            pl.BlockSpec((1, GCN_HID), lambda i: (0, 0)),
        ],
        out_specs=[
            pl.BlockSpec((_NB2, GCN_HID), lambda i: (i, 0)),
            pl.BlockSpec((_NB2, GCN_HID), lambda i: (i, 0)),
        ],
        out_shape=[
            jax.ShapeDtypeStruct((N_NODES, GCN_HID), jnp.float32),
            jax.ShapeDtypeStruct((N_NODES, GCN_HID), jnp.float32),
        ],
    )(accp, xw1, dinv, b1)


def _final(accp, y, dinv, w2, b2, wfc, bfc):
    return pl.pallas_call(
        _final_body,
        grid=(_GRID2,),
        in_specs=[
            pl.BlockSpec((2, _NB2, GCN_HID), lambda i: (0, i, 0)),
            pl.BlockSpec((_NB2, GCN_HID), lambda i: (i, 0)),
            pl.BlockSpec((_NB2, 1), lambda i: (i, 0)),
            pl.BlockSpec((GCN_HID, HIDDEN), lambda i: (0, 0)),
            pl.BlockSpec((1, HIDDEN), lambda i: (0, 0)),
            pl.BlockSpec((1, HIDDEN), lambda i: (0, 0)),
            pl.BlockSpec((1, 1), lambda i: (0, 0)),
        ],
        out_specs=pl.BlockSpec((_NB2, 1), lambda i: (i, 0)),
        out_shape=jax.ShapeDtypeStruct((N_NODES, 1), jnp.float32),
    )(accp, y, dinv, w2, b2, wfc, bfc)


def kernel(inputs, edge_index, W_ih, W_hh, b_ih, b_hh, W1, b1, W2, b2,
           W_fc, b_fc):
    src = edge_index[0].astype(jnp.int32).reshape(NCHUNK, CH)
    dst = edge_index[1].astype(jnp.int32).reshape(NCHUNK, CH)
    x2d = inputs.reshape(N_NODES, SEQ_LEN * IN_FEAT)
    wih_t = W_ih.T
    whh_t = W_hh.T
    bias = (b_ih + b_hh).reshape(1, 4 * HIDDEN)

    ones_e = jnp.ones((CH, 1), jnp.float32)
    zeros1 = jnp.zeros((ROWS_PER_SUB, 1), jnp.float32)
    zeros16 = jnp.zeros((ROWS_PER_SUB, GCN_HID), jnp.float32)

    degp = _sc_degree(dst, ones_e, zeros1)
    degp = degp[:, :N_NODES]
    xw1, dinv, g1 = _lstm_xw1(x2d, wih_t, whh_t, bias, W1, degp)

    acc1 = _sc_propagate(g1, src, dst, zeros16)
    y, g2 = _scale2(acc1[:, :N_NODES], xw1, dinv, b1.reshape(1, GCN_HID))

    acc2 = _sc_propagate(g2, src, dst, zeros16)
    pred = _final(acc2[:, :N_NODES], y, dinv, W2,
                  b2.reshape(1, HIDDEN), W_fc, b_fc.reshape(1, 1))
    return pred

# --- scband reference (transcript-rebuilt; emitter-appended) ---
"""Pipeline reference for scband-gcnlstm-79671643340940 (READ-ONLY COPY).

The authoritative reference and input builder live on the scoring server;
editing this copy changes nothing except your own understanding.
"""

import jax, jax.numpy as jnp
import numpy as np

N_NODES = 50000
N_EDGES = 800000
SEQ_LEN = 20
IN_FEAT = 5
HIDDEN = 128
GCN_HID = 16


def setup_inputs(seed: int = 0) -> dict:
    key = jax.random.key(seed)
    ks = jax.random.split(key, 16)
    inputs = jax.random.normal(ks[0], (N_NODES, SEQ_LEN, IN_FEAT), dtype=jnp.float32)
    edge_index = jax.random.randint(ks[1], (2, N_EDGES), 0, N_NODES, dtype=jnp.int64)
    s = 0.05
    W_ih = jax.random.normal(ks[2], (4 * HIDDEN, IN_FEAT), dtype=jnp.float32) * s
    W_hh = jax.random.normal(ks[3], (4 * HIDDEN, HIDDEN), dtype=jnp.float32) * s
    b_ih = jax.random.normal(ks[4], (4 * HIDDEN,), dtype=jnp.float32) * s
    b_hh = jax.random.normal(ks[5], (4 * HIDDEN,), dtype=jnp.float32) * s
    W1 = jax.random.normal(ks[6], (HIDDEN, GCN_HID), dtype=jnp.float32) * s
    b1 = jax.random.normal(ks[7], (GCN_HID,), dtype=jnp.float32) * s
    W2 = jax.random.normal(ks[8], (GCN_HID, HIDDEN), dtype=jnp.float32) * s
    b2 = jax.random.normal(ks[9], (HIDDEN,), dtype=jnp.float32) * s
    W_fc = jax.random.normal(ks[10], (1, HIDDEN), dtype=jnp.float32) * s
    b_fc = jax.random.normal(ks[11], (1,), dtype=jnp.float32) * s
    return {
        'inputs': inputs, 'edge_index': edge_index,
        'W_ih': W_ih, 'W_hh': W_hh, 'b_ih': b_ih, 'b_hh': b_hh,
        'W1': W1, 'b1': b1, 'W2': W2, 'b2': b2, 'W_fc': W_fc, 'b_fc': b_fc,
    }


def _lstm_last(inputs, W_ih, W_hh, b_ih, b_hh):
    n = inputs.shape[0]
    h0 = jnp.zeros((n, HIDDEN), dtype=inputs.dtype)
    c0 = jnp.zeros((n, HIDDEN), dtype=inputs.dtype)
    xs = jnp.transpose(inputs, (1, 0, 2))  # [T, N, F]

    def step(carry, x_t):
        h, c = carry
        gates = x_t @ W_ih.T + h @ W_hh.T + b_ih + b_hh
        i, f, g, o = jnp.split(gates, 4, axis=-1)
        i = jax.nn.sigmoid(i)
        f = jax.nn.sigmoid(f)
        g = jnp.tanh(g)
        o = jax.nn.sigmoid(o)
        c = f * c + i * g
        h = o * jnp.tanh(c)
        return (h, c), None

    (h, c), _ = jax.lax.scan(step, (h0, c0), xs)
    return h  # last timestep output == x[:, -1, :]


def _gcn_conv(x, src, dst, W, b, n):
    # PyG GCNConv: linear transform, add self-loops, symmetric normalization, scatter-add, bias
    xw = x @ W
    loop = jnp.arange(n, dtype=src.dtype)
    src_sl = jnp.concatenate([src, loop])
    dst_sl = jnp.concatenate([dst, loop])
    ones = jnp.ones_like(dst_sl, dtype=xw.dtype)
    deg = jnp.zeros((n,), dtype=xw.dtype).at[dst_sl].add(ones)
    dinv = jnp.where(deg > 0, jax.lax.rsqrt(deg), 0.0)
    norm = dinv[src_sl] * dinv[dst_sl]
    msg = norm[:, None] * jnp.take(xw, src_sl, axis=0)
    out = jnp.zeros((n, xw.shape[1]), dtype=xw.dtype).at[dst_sl].add(msg)
    return out + b


def reference(inputs, edge_index, W_ih, W_hh, b_ih, b_hh, W1, b1, W2, b2, W_fc, b_fc):
    n = inputs.shape[0]
    src = edge_index[0]
    dst = edge_index[1]
    x = _lstm_last(inputs, W_ih, W_hh, b_ih, b_hh)
    x = _gcn_conv(x, src, dst, W1, b1, n)
    x = jax.nn.relu(x)
    x = _gcn_conv(x, src, dst, W2, b2, n)
    pred = jax.nn.leaky_relu(x @ W_fc.T + b_fc, negative_slope=0.2)
    return pred

if __name__ == "__main__":
    import jax
    _d = setup_inputs()
    print(jax.jit(kernel)(*tuple(_d.values())))

</pallas_src>

<mosaic_0001>
#map = affine_map<(d0, d1) -> (0, 0)>
#map1 = affine_map<(d0, d1) -> (0, 0, 0)>
module attributes {stable_mosaic.version = 14 : i64} {
  func.func @_sc_propagate(%arg0: i32, %arg1: i32, %arg2: memref<50000x16xf32, #tpu.memory_space<hbm>>, %arg3: memref<6400x125xi32, #tpu.memory_space<hbm>>, %arg4: memref<6400x125xi32, #tpu.memory_space<hbm>>, %arg5: memref<3128x16xf32, #tpu.memory_space<hbm>>, %arg6: memref<2x50048x16xf32, #tpu.memory_space<hbm>>, %arg7: memref<200x125xi32, #tpu.memory_space<vmem>>, %arg8: memref<200x125xi32, #tpu.memory_space<vmem>>, %arg9: memref<8x125x16xf32, #tpu.memory_space<vmem>>, %arg10: memref<50048x16xf32, #tpu.memory_space<vmem_shared>>, %arg11: memref<!tpu.dma_semaphore, #tpu.memory_space<semaphore_mem>>, %arg12: memref<!tpu.dma_semaphore, #tpu.memory_space<semaphore_mem>>, %arg13: memref<!tpu.dma_semaphore, #tpu.memory_space<semaphore_mem>>) attributes {dimension_semantics = [#tpu.dimension_semantics<core_parallel>, #tpu.dimension_semantics<subcore_parallel>], iteration_bounds = array<i64: 2, 16>, scalar_prefetch = 0 : i64, scratch_operands = 7 : i64, tpu.core_type = #tpu.core_type<sc_vector_subcore>, window_params = [{transform_indices = #map}, {transform_indices = #map}, {transform_indices = #map}, {transform_indices = #map}, {transform_indices = #map1}]} {
    %mul3A = arith.constant 2 : i32
    %mul3A_0 = arith.muli %arg1, %mul3A : i32
    %add3A = arith.addi %mul3A_0, %arg0 : i32
    %mul3A_1 = arith.constant 3128 : i32
    %mul3A_2 = arith.muli %arg1, %mul3A_1 : i32
    %mul3A_3 = arith.constant 200 : i32
    %mul3A_4 = arith.muli %add3A, %mul3A_3 : i32
    %dma_start3A = arith.constant 0 : i32
    %dma_start3A_5 = tpu.memref_slice %arg3[%mul3A_4, %dma_start3A] : memref<6400x125xi32, #tpu.memory_space<hbm>> -> memref<200x125xi32, #tpu.memory_space<hbm>>
    %dma_start3A_6 = arith.constant 0 : i32
    %dma_start3A_7 = tpu.memref_slice %arg3[%mul3A_4, %dma_start3A_6] : memref<6400x125xi32, #tpu.memory_space<hbm>> -> memref<200x125xi32, #tpu.memory_space<hbm>>
    tpu.enqueue_dma source(%dma_start3A_7 : memref<200x125xi32, #tpu.memory_space<hbm>>) target(%arg7 : memref<200x125xi32, #tpu.memory_space<vmem>>) target_semaphore(%arg11 : memref<!tpu.dma_semaphore, #tpu.memory_space<semaphore_mem>>)
    %mul3A_8 = arith.constant 200 : i32
    %mul3A_9 = arith.muli %add3A, %mul3A_8 : i32
    %dma_start3A_10 = arith.constant 0 : i32
    %dma_start3A_11 = tpu.memref_slice %arg4[%mul3A_9, %dma_start3A_10] : memref<6400x125xi32, #tpu.memory_space<hbm>> -> memref<200x125xi32, #tpu.memory_space<hbm>>
    %dma_start3A_12 = arith.constant 0 : i32
    %dma_start3A_13 = tpu.memref_slice %arg4[%mul3A_9, %dma_start3A_12] : memref<6400x125xi32, #tpu.memory_space<hbm>> -> memref<200x125xi32, #tpu.memory_space<hbm>>
    tpu.enqueue_dma source(%dma_start3A_13 : memref<200x125xi32, #tpu.memory_space<hbm>>) target(%arg8 : memref<200x125xi32, #tpu.memory_space<vmem>>) target_semaphore(%arg11 : memref<!tpu.dma_semaphore, #tpu.memory_space<semaphore_mem>>)
    "tpu.region"() ({
      %run_scoped3A = tpu.sem_alloc : memref<!tpu.dma_semaphore, #tpu.memory_space<semaphore_mem>>
      %dma_start3A_32 = arith.constant 0 : i32
      %dma_start3A_33 = tpu.memref_slice %arg10[%mul3A_2, %dma_start3A_32] : memref<50048x16xf32, #tpu.memory_space<vmem_shared>> -> memref<3128x16xf32, #tpu.memory_space<vmem_shared>>
      tpu.enqueue_dma source(%arg5 : memref<3128x16xf32, #tpu.memory_space<hbm>>) target(%dma_start3A_33 : memref<3128x16xf32, #tpu.memory_space<vmem_shared>>) target_semaphore(%run_scoped3A : memref<!tpu.dma_semaphore, #tpu.memory_space<semaphore_mem>>)
      %dma_wait3A_34 = arith.constant 0 : i32
      %dma_wait3A_35 = tpu.memref_slice %arg10[%mul3A_2, %dma_wait3A_34] : memref<50048x16xf32, #tpu.memory_space<vmem_shared>> -> memref<3128x16xf32, #tpu.memory_space<vmem_shared>>
      tpu.wait_dma2 semaphore(%run_scoped3A : memref<!tpu.dma_semaphore, #tpu.memory_space<semaphore_mem>>) src(%arg5 : memref<3128x16xf32, #tpu.memory_space<hbm>>) dst(%dma_wait3A_35 : memref<3128x16xf32, #tpu.memory_space<vmem_shared>>)
      tpu.yield
    }) : () -> ()
    %mul3A_14 = arith.constant 200 : i32
    %mul3A_15 = arith.muli %add3A, %mul3A_14 : i32
    %dma_wait3A = arith.constant 0 : i32
    %dma_wait3A_16 = tpu.memref_slice %arg3[%mul3A_15, %dma_wait3A] : memref<6400x125xi32, #tpu.memory_space<hbm>> -> memref<200x125xi32, #tpu.memory_space<hbm>>
    %dma_wait3A_17 = arith.constant 0 : i32
    %dma_wait3A_18 = tpu.memref_slice %arg3[%mul3A_15, %dma_wait3A_17] : memref<6400x125xi32, #tpu.memory_space<hbm>> -> memref<200x125xi32, #tpu.memory_space<hbm>>
    tpu.wait_dma2 semaphore(%arg11 : memref<!tpu.dma_semaphore, #tpu.memory_space<semaphore_mem>>) src(%dma_wait3A_18 : memref<200x125xi32, #tpu.memory_space<hbm>>) dst(%arg7 : memref<200x125xi32, #tpu.memory_space<vmem>>)
    %mul3A_19 = arith.constant 200 : i32
    %mul3A_20 = arith.muli %add3A, %mul3A_19 : i32
    %dma_wait3A_21 = arith.constant 0 : i32
    %dma_wait3A_22 = tpu.memref_slice %arg4[%mul3A_20, %dma_wait3A_21] : memref<6400x125xi32, #tpu.memory_space<hbm>> -> memref<200x125xi32, #tpu.memory_space<hbm>>
    %dma_wait3A_23 = arith.constant 0 : i32
    %dma_wait3A_24 = tpu.memref_slice %arg4[%mul3A_20, %dma_wait3A_23] : memref<6400x125xi32, #tpu.memory_space<hbm>> -> memref<200x125xi32, #tpu.memory_space<hbm>>
    tpu.wait_dma2 semaphore(%arg11 : memref<!tpu.dma_semaphore, #tpu.memory_space<semaphore_mem>>) src(%dma_wait3A_24 : memref<200x125xi32, #tpu.memory_space<hbm>>) dst(%arg8 : memref<200x125xi32, #tpu.memory_space<vmem>>)
    %barrier3A = arith.constant 0 : index
    tpu.barrier barrier_id(%barrier3A)
    %scan3A = arith.constant 0 : i32
    %scan3A_25 = arith.constant 0 : i32
    %scan3A_26 = arith.constant 25 : i32
    %scan3A_27 = arith.addi %scan3A_25, %scan3A_26 : i32
    %scan3A_28 = arith.constant 1 : i32
    %scan3A_29 = scf.for %scan3A_32 = %scan3A_25 to %scan3A_27 step %scan3A_28 iter_args(%scan3A_33 = %scan3A) -> (i32)  : i32 {
      %mul3A_34 = arith.constant 8 : i32
      %mul3A_35 = arith.muli %scan3A_32, %mul3A_34 : i32
      %add3A_36 = arith.constant 0 : i32
      %add3A_37 = arith.addi %mul3A_35, %add3A_36 : i32
      %dma_start3A_38 = arith.constant 0 : i32
      %dma_start3A_39 = arith.constant 0 : i32
      %dma_start3A_40 = arith.constant 0 : i32
      %dma_start3A_41 = tpu.memref_slice %arg9[%dma_start3A_38, %dma_start3A_39, %dma_start3A_40] : memref<8x125x16xf32, #tpu.memory_space<vmem>> -> memref<1x125x16xf32, #tpu.memory_space<vmem>>
      %dma_start3A_42 = tpu.memref_squeeze %dma_start3A_41 : memref<1x125x16xf32, #tpu.memory_space<vmem>> -> memref<125x16xf32, #tpu.memory_space<vmem>>
      %dma_start3A_43 = arith.constant 0 : i32
      %dma_start3A_44 = tpu.memref_slice %arg7[%add3A_37, %dma_start3A_43] : memref<200x125xi32, #tpu.memory_space<vmem>> -> memref<1x125xi32, #tpu.memory_space<vmem>>
      %dma_start3A_45 = tpu.memref_squeeze %dma_start3A_44 : memref<1x125xi32, #tpu.memory_space<vmem>> -> memref<125xi32, #tpu.memory_space<vmem>>
      %dma_start3A_46 = arith.constant 0 : i32
      %dma_start3A_47 = arith.constant 0 : i32
      %dma_start3A_48 = tpu.memref_slice %arg2[%dma_start3A_46, %dma_start3A_47] : memref<50000x16xf32, #tpu.memory_space<hbm>> -> memref<50000x16xf32, #tpu.memory_space<hbm>>
      tpu.enqueue_indirect_dma source(%dma_start3A_48 : memref<50000x16xf32, #tpu.memory_space<hbm>>) target(%dma_start3A_42 : memref<125x16xf32, #tpu.memory_space<vmem>>) offsets(%dma_start3A_45 : memref<125xi32, #tpu.memory_space<vmem>>) semaphore(%arg12 : memref<!tpu.dma_semaphore, #tpu.memory_space<semaphore_mem>>)
      %mul3A_49 = arith.constant 8 : i32
      %mul3A_50 = arith.muli %scan3A_32, %mul3A_49 : i32
      %add3A_51 = arith.constant 1 : i32
      %add3A_52 = arith.addi %mul3A_50, %add3A_51 : i32
      %dma_start3A_53 = arith.constant 1 : i32
      %dma_start3A_54 = arith.constant 0 : i32
      %dma_start3A_55 = arith.constant 0 : i32
      %dma_start3A_56 = tpu.memref_slice %arg9[%dma_start3A_53, %dma_start3A_54, %dma_start3A_55] : memref<8x125x16xf32, #tpu.memory_space<vmem>> -> memref<1x125x16xf32, #tpu.memory_space<vmem>>
      %dma_start3A_57 = tpu.memref_squeeze %dma_start3A_56 : memref<1x125x16xf32, #tpu.memory_space<vmem>> -> memref<125x16xf32, #tpu.memory_space<vmem>>
      %dma_start3A_58 = arith.constant 0 : i32
      %dma_start3A_59 = tpu.memref_slice %arg7[%add3A_52, %dma_start3A_58] : memref<200x125xi32, #tpu.memory_space<vmem>> -> memref<1x125xi32, #tpu.memory_space<vmem>>
      %dma_start3A_60 = tpu.memref_squeeze %dma_start3A_59 : memref<1x125xi32, #tpu.memory_space<vmem>> -> memref<125xi32, #tpu.memory_space<vmem>>
      %dma_start3A_61 = arith.constant 0 : i32
      %dma_start3A_62 = arith.constant 0 : i32
      %dma_start3A_63 = tpu.memref_slice %arg2[%dma_start3A_61, %dma_start3A_62] : memref<50000x16xf32, #tpu.memory_space<hbm>> -> memref<50000x16xf32, #tpu.memory_space<hbm>>
      tpu.enqueue_indirect_dma source(%dma_start3A_63 : memref<50000x16xf32, #tpu.memory_space<hbm>>) target(%dma_start3A_57 : memref<125x16xf32, #tpu.memory_space<vmem>>) offsets(%dma_start3A_60 : memref<125xi32, #tpu.memory_space<vmem>>) semaphore(%arg12 : memref<!tpu.dma_semaphore, #tpu.memory_space<semaphore_mem>>)
      %mul3A_64 = arith.constant 8 : i32
      %mul3A_65 = arith.muli %scan3A_32, %mul3A_64 : i32
      %add3A_66 = arith.constant 2 : i32
      %add3A_67 = arith.addi %mul3A_65, %add3A_66 : i32
      %dma_start3A_68 = arith.constant 2 : i32
      %dma_start3A_69 = arith.constant 0 : i32
      %dma_start3A_70 = arith.constant 0 : i32
      %dma_start3A_71 = tpu.memref_slice %arg9[%dma_start3A_68, %dma_start3A_69, %dma_start3A_70] : memref<8x125x16xf32, #tpu.memory_space<vmem>> -> memref<1x125x16xf32, #tpu.memory_space<vmem>>
      %dma_start3A_72 = tpu.memref_squeeze %dma_start3A_71 : memref<1x125x16xf32, #tpu.memory_space<vmem>> -> memref<125x16xf32, #tpu.memory_space<vmem>>
      %dma_start3A_73 = arith.constant 0 : i32
      %dma_start3A_74 = tpu.memref_slice %arg7[%add3A_67, %dma_start3A_73] : memref<200x125xi32, #tpu.memory_space<vmem>> -> memref<1x125xi32, #tpu.memory_space<vmem>>
      %dma_start3A_75 = tpu.memref_squeeze %dma_start3A_74 : memref<1x125xi32, #tpu.memory_space<vmem>> -> memref<125xi32, #tpu.memory_space<vmem>>
      %dma_start3A_76 = arith.constant 0 : i32
      %dma_start3A_77 = arith.constant 0 : i32
      %dma_start3A_78 = tpu.memref_slice %arg2[%dma_start3A_76, %dma_start3A_77] : memref<50000x16xf32, #tpu.memory_space<hbm>> -> memref<50000x16xf32, #tpu.memory_space<hbm>>
      tpu.enqueue_indirect_dma source(%dma_start3A_78 : memref<50000x16xf32, #tpu.memory_space<hbm>>) target(%dma_start3A_72 : memref<125x16xf32, #tpu.memory_space<vmem>>) offsets(%dma_start3A_75 : memref<125xi32, #tpu.memory_space<vmem>>) semaphore(%arg12 : memref<!tpu.dma_semaphore, #tpu.memory_space<semaphore_mem>>)
      %mul3A_79 = arith.constant 8 : i32
      %mul3A_80 = arith.muli %scan3A_32, %mul3A_79 : i32
      %add3A_81 = arith.constant 3 : i32
      %add3A_82 = arith.addi %mul3A_80, %add3A_81 : i32
      %dma_start3A_83 = arith.constant 3 : i32
      %dma_start3A_84 = arith.constant 0 : i32
      %dma_start3A_85 = arith.constant 0 : i32
      %dma_start3A_86 = tpu.memref_slice %arg9[%dma_start3A_83, %dma_start3A_84, %dma_start3A_85] : memref<8x125x16xf32, #tpu.memory_space<vmem>> -> memref<1x125x16xf32, #tpu.memory_space<vmem>>
      %dma_start3A_87 = tpu.memref_squeeze %dma_start3A_86 : memref<1x125x16xf32, #tpu.memory_space<vmem>> -> memref<125x16xf32, #tpu.memory_space<vmem>>
      %dma_start3A_88 = arith.constant 0 : i32
      %dma_start3A_89 = tpu.memref_slice %arg7[%add3A_82, %dma_start3A_88] : memref<200x125xi32, #tpu.memory_space<vmem>> -> memref<1x125xi32, #tpu.memory_space<vmem>>
      %dma_start3A_90 = tpu.memref_squeeze %dma_start3A_89 : memref<1x125xi32, #tpu.memory_space<vmem>> -> memref<125xi32, #tpu.memory_space<vmem>>
      %dma_start3A_91 = arith.constant 0 : i32
      %dma_start3A_92 = arith.constant 0 : i32
      %dma_start3A_93 = tpu.memref_slice %arg2[%dma_start3A_91, %dma_start3A_92] : memref<50000x16xf32, #tpu.memory_space<hbm>> -> memref<50000x16xf32, #tpu.memory_space<hbm>>
      tpu.enqueue_indirect_dma source(%dma_start3A_93 : memref<50000x16xf32, #tpu.memory_space<hbm>>) target(%dma_start3A_87 : memref<125x16xf32, #tpu.memory_space<vmem>>) offsets(%dma_start3A_90 : memref<125xi32, #tpu.memory_space<vmem>>) semaphore(%arg12 : memref<!tpu.dma_semaphore, #tpu.memory_space<semaphore_mem>>)
      %mul3A_94 = arith.constant 8 : i32
      %mul3A_95 = arith.muli %scan3A_32, %mul3A_94 : i32
      %add3A_96 = arith.constant 4 : i32
      %add3A_97 = arith.addi %mul3A_95, %add3A_96 : i32
      %dma_start3A_98 = arith.constant 4 : i32
      %dma_start3A_99 = arith.constant 0 : i32
      %dma_start3A_100 = arith.constant 0 : i32
      %dma_start3A_101 = tpu.memref_slice %arg9[%dma_start3A_98, %dma_start3A_99, %dma_start3A_100] : memref<8x125x16xf32, #tpu.memory_space<vmem>> -> memref<1x125x16xf32, #tpu.memory_space<vmem>>
      %dma_start3A_102 = tpu.memref_squeeze %dma_start3A_101 : memref<1x125x16xf32, #tpu.memory_space<vmem>> -> memref<125x16xf32, #tpu.memory_space<vmem>>
      %dma_start3A_103 = arith.constant 0 : i32
      %dma_start3A_104 = tpu.memref_slice %arg7[%add3A_97, %dma_start3A_103] : memref<200x125xi32, #tpu.memory_space<vmem>> -> memref<1x125xi32, #tpu.memory_space<vmem>>
      %dma_start3A_105 = tpu.memref_squeeze %dma_start3A_104 : memref<1x125xi32, #tpu.memory_space<vmem>> -> memref<125xi32, #tpu.memory_space<vmem>>
      %dma_start3A_106 = arith.constant 0 : i32
      %dma_start3A_107 = arith.constant 0 : i32
      %dma_start3A_108 = tpu.memref_slice %arg2[%dma_start3A_106, %dma_start3A_107] : memref<50000x16xf32, #tpu.memory_space<hbm>> -> memref<50000x16xf32, #tpu.memory_space<hbm>>
      tpu.enqueue_indirect_dma source(%dma_start3A_108 : memref<50000x16xf32, #tpu.memory_space<hbm>>) target(%dma_start3A_102 : memref<125x16xf32, #tpu.memory_space<vmem>>) offsets(%dma_start3A_105 : memref<125xi32, #tpu.memory_space<vmem>>) semaphore(%arg12 : memref<!tpu.dma_semaphore, #tpu.memory_space<semaphore_mem>>)
      %mul3A_109 = arith.constant 8 : i32
      %mul3A_110 = arith.muli %scan3A_32, %mul3A_109 : i32
      %add3A_111 = arith.constant 5 : i32
      %add3A_112 = arith.addi %mul3A_110, %add3A_111 : i32
      %dma_start3A_113 = arith.constant 5 : i32
      %dma_start3A_114 = arith.constant 0 : i32
      %dma_start3A_115 = arith.constant 0 : i32
      %dma_start3A_116 = tpu.memref_slice %arg9[%dma_start3A_113, %dma_start3A_114, %dma_start3A_115] : memref<8x125x16xf32, #tpu.memory_space<vmem>> -> memref<1x125x16xf32, #tpu.memory_space<vmem>>
      %dma_start3A_117 = tpu.memref_squeeze %dma_start3A_116 : memref<1x125x16xf32, #tpu.memory_space<vmem>> -> memref<125x16xf32, #tpu.memory_space<vmem>>
      %dma_start3A_118 = arith.constant 0 : i32
      %dma_start3A_119 = tpu.memref_slice %arg7[%add3A_112, %dma_start3A_118] : memref<200x125xi32, #tpu.memory_space<vmem>> -> memref<1x125xi32, #tpu.memory_space<vmem>>
      %dma_start3A_120 = tpu.memref_squeeze %dma_start3A_119 : memref<1x125xi32, #tpu.memory_space<vmem>> -> memref<125xi32, #tpu.memory_space<vmem>>
      %dma_start3A_121 = arith.constant 0 : i32
      %dma_start3A_122 = arith.constant 0 : i32
      %dma_start3A_123 = tpu.memref_slice %arg2[%dma_start3A_121, %dma_start3A_122] : memref<50000x16xf32, #tpu.memory_space<hbm>> -> memref<50000x16xf32, #tpu.memory_space<hbm>>
      tpu.enqueue_indirect_dma source(%dma_start3A_123 : memref<50000x16xf32, #tpu.memory_space<hbm>>) target(%dma_start3A_117 : memref<125x16xf32, #tpu.memory_space<vmem>>) offsets(%dma_start3A_120 : memref<125xi32, #tpu.memory_space<vmem>>) semaphore(%arg12 : memref<!tpu.dma_semaphore, #tpu.memory_space<semaphore_mem>>)
      %mul3A_124 = arith.constant 8 : i32
      %mul3A_125 = arith.muli %scan3A_32, %mul3A_124 : i32
      %add3A_126 = arith.constant 6 : i32
      %add3A_127 = arith.addi %mul3A_125, %add3A_126 : i32
      %dma_start3A_128 = arith.constant 6 : i32
      %dma_start3A_129 = arith.constant 0 : i32
      %dma_start3A_130 = arith.constant 0 : i32
      %dma_start3A_131 = tpu.memref_slice %arg9[%dma_start3A_128, %dma_start3A_129, %dma_start3A_130] : memref<8x125x16xf32, #tpu.memory_space<vmem>> -> memref<1x125x16xf32, #tpu.memory_space<vmem>>
      %dma_start3A_132 = tpu.memref_squeeze %dma_start3A_131 : memref<1x125x16xf32, #tpu.memory_space<vmem>> -> memref<125x16xf32, #tpu.memory_space<vmem>>
      %dma_start3A_133 = arith.constant 0 : i32
      %dma_start3A_134 = tpu.memref_slice %arg7[%add3A_127, %dma_start3A_133] : memref<200x125xi32, #tpu.memory_space<vmem>> -> memref<1x125xi32, #tpu.memory_space<vmem>>
      %dma_start3A_135 = tpu.memref_squeeze %dma_start3A_134 : memref<1x125xi32, #tpu.memory_space<vmem>> -> memref<125xi32, #tpu.memory_space<vmem>>
      %dma_start3A_136 = arith.constant 0 : i32
      %dma_start3A_137 = arith.constant 0 : i32
      %dma_start3A_138 = tpu.memref_slice %arg2[%dma_start3A_136, %dma_start3A_137] : memref<50000x16xf32, #tpu.memory_space<hbm>> -> memref<50000x16xf32, #tpu.memory_space<hbm>>
      tpu.enqueue_indirect_dma source(%dma_start3A_138 : memref<50000x16xf32, #tpu.memory_space<hbm>>) target(%dma_start3A_132 : memref<125x16xf32, #tpu.memory_space<vmem>>) offsets(%dma_start3A_135 : memref<125xi32, #tpu.memory_space<vmem>>) semaphore(%arg12 : memref<!tpu.dma_semaphore, #tpu.memory_space<semaphore_mem>>)
      %mul3A_139 = arith.constant 8 : i32
      %mul3A_140 = arith.muli %scan3A_32, %mul3A_139 : i32
      %add3A_141 = arith.constant 7 : i32
      %add3A_142 = arith.addi %mul3A_140, %add3A_141 : i32
      %dma_start3A_143 = arith.constant 7 : i32
      %dma_start3A_144 = arith.constant 0 : i32
      %dma_start3A_145 = arith.constant 0 : i32
      %dma_start3A_146 = tpu.memref_slice %arg9[%dma_start3A_143, %dma_start3A_144, %dma_start3A_145] : memref<8x125x16xf32, #tpu.memory_space<vmem>> -> memref<1x125x16xf32, #tpu.memory_space<vmem>>
      %dma_start3A_147 = tpu.memref_squeeze %dma_start3A_146 : memref<1x125x16xf32, #tpu.memory_space<vmem>> -> memref<125x16xf32, #tpu.memory_space<vmem>>
      %dma_start3A_148 = arith.constant 0 : i32
      %dma_start3A_149 = tpu.memref_slice %arg7[%add3A_142, %dma_start3A_148] : memref<200x125xi32, #tpu.memory_space<vmem>> -> memref<1x125xi32, #tpu.memory_space<vmem>>
      %dma_start3A_150 = tpu.memref_squeeze %dma_start3A_149 : memref<1x125xi32, #tpu.memory_space<vmem>> -> memref<125xi32, #tpu.memory_space<vmem>>
      %dma_start3A_151 = arith.constant 0 : i32
      %dma_start3A_152 = arith.constant 0 : i32
      %dma_start3A_153 = tpu.memref_slice %arg2[%dma_start3A_151, %dma_start3A_152] : memref<50000x16xf32, #tpu.memory_space<hbm>> -> memref<50000x16xf32, #tpu.memory_space<hbm>>
      tpu.enqueue_indirect_dma source(%dma_start3A_153 : memref<50000x16xf32, #tpu.memory_space<hbm>>) target(%dma_start3A_147 : memref<125x16xf32, #tpu.memory_space<vmem>>) offsets(%dma_start3A_150 : memref<125xi32, #tpu.memory_space<vmem>>) semaphore(%arg12 : memref<!tpu.dma_semaphore, #tpu.memory_space<semaphore_mem>>)
      %mul3A_154 = arith.constant 8 : i32
      %mul3A_155 = arith.muli %scan3A_32, %mul3A_154 : i32
      %add3A_156 = arith.constant 0 : i32
      %add3A_157 = arith.addi %mul3A_155, %add3A_156 : i32
      %dma_wait3A_158 = arith.constant 0 : i32
      %dma_wait3A_159 = arith.constant 0 : i32
      %dma_wait3A_160 = arith.constant 0 : i32
      %dma_wait3A_161 = tpu.memref_slice %arg9[%dma_wait3A_158, %dma_wait3A_159, %dma_wait3A_160] : memref<8x125x16xf32, #tpu.memory_space<vmem>> -> memref<1x125x16xf32, #tpu.memory_space<vmem>>
      %dma_wait3A_162 = tpu.memref_squeeze %dma_wait3A_161 : memref<1x125x16xf32, #tpu.memory_space<vmem>> -> memref<125x16xf32, #tpu.memory_space<vmem>>
      %dma_wait3A_163 = arith.constant 0 : i32
      %dma_wait3A_164 = tpu.memref_slice %arg7[%add3A_157, %dma_wait3A_163] : memref<200x125xi32, #tpu.memory_space<vmem>> -> memref<1x125xi32, #tpu.memory_space<vmem>>
      %dma_wait3A_165 = tpu.memref_squeeze %dma_wait3A_164 : memref<1x125xi32, #tpu.memory_space<vmem>> -> memref<125xi32, #tpu.memory_space<vmem>>
      %dma_wait3A_166 = arith.constant 0 : i32
      %dma_wait3A_167 = arith.constant 0 : i32
      %dma_wait3A_168 = tpu.memref_slice %arg2[%dma_wait3A_166, %dma_wait3A_167] : memref<50000x16xf32, #tpu.memory_space<hbm>> -> memref<50000x16xf32, #tpu.memory_space<hbm>>
      tpu.wait_indirect_dma semaphore(%arg12 : memref<!tpu.dma_semaphore, #tpu.memory_space<semaphore_mem>>) src(%dma_wait3A_168 : memref<50000x16xf32, #tpu.memory_space<hbm>>) dst(%dma_wait3A_162 : memref<125x16xf32, #tpu.memory_space<vmem>>)
      %dma_start3A_169 = arith.constant 0 : i32
      %dma_start3A_170 = arith.constant 0 : i32
      %dma_start3A_171 = arith.constant 0 : i32
      %dma_start3A_172 = tpu.memref_slice %arg9[%dma_start3A_169, %dma_start3A_170, %dma_start3A_171] : memref<8x125x16xf32, #tpu.memory_space<vmem>> -> memref<1x125x16xf32, #tpu.memory_space<vmem>>
      %dma_start3A_173 = tpu.memref_squeeze %dma_start3A_172 : memref<1x125x16xf32, #tpu.memory_space<vmem>> -> memref<125x16xf32, #tpu.memory_space<vmem>>
      %dma_start3A_174 = arith.constant 0 : i32
      %dma_start3A_175 = tpu.memref_slice %arg8[%add3A_157, %dma_start3A_174] : memref<200x125xi32, #tpu.memory_space<vmem>> -> memref<1x125xi32, #tpu.memory_space<vmem>>
      %dma_start3A_176 = tpu.memref_squeeze %dma_start3A_175 : memref<1x125xi32, #tpu.memory_space<vmem>> -> memref<125xi32, #tpu.memory_space<vmem>>
      %dma_start3A_177 = arith.constant 0 : i32
      %dma_start3A_178 = arith.constant 0 : i32
      %dma_start3A_179 = tpu.memref_slice %arg10[%dma_start3A_177, %dma_start3A_178] : memref<50048x16xf32, #tpu.memory_space<vmem_shared>> -> memref<50048x16xf32, #tpu.memory_space<vmem_shared>>
      tpu.enqueue_indirect_dma source(%dma_start3A_173 : memref<125x16xf32, #tpu.memory_space<vmem>>) target(%dma_start3A_179 : memref<50048x16xf32, #tpu.memory_space<vmem_shared>>) offsets(%dma_start3A_176 : memref<125xi32, #tpu.memory_space<vmem>>) semaphore(%arg13 : memref<!tpu.dma_semaphore, #tpu.memory_space<semaphore_mem>>) {add = true}
      %mul3A_180 = arith.constant 8 : i32
      %mul3A_181 = arith.muli %scan3A_32, %mul3A_180 : i32
      %add3A_182 = arith.constant 1 : i32
      %add3A_183 = arith.addi %mul3A_181, %add3A_182 : i32
      %dma_wait3A_184 = arith.constant 1 : i32
      %dma_wait3A_185 = arith.constant 0 : i32
      %dma_wait3A_186 = arith.constant 0 : i32
      %dma_wait3A_187 = tpu.memref_slice %arg9[%dma_wait3A_184, %dma_wait3A_185, %dma_wait3A_186] : memref<8x125x16xf32, #tpu.memory_space<vmem>> -> memref<1x125x16xf32, #tpu.memory_space<vmem>>
      %dma_wait3A_188 = tpu.memref_squeeze %dma_wait3A_187 : memref<1x125x16xf32, #tpu.memory_space<vmem>> -> memref<125x16xf32, #tpu.memory_space<vmem>>
      %dma_wait3A_189 = arith.constant 0 : i32
      %dma_wait3A_190 = tpu.memref_slice %arg7[%add3A_183, %dma_wait3A_189] : memref<200x125xi32, #tpu.memory_space<vmem>> -> memref<1x125xi32, #tpu.memory_space<vmem>>
      %dma_wait3A_191 = tpu.memref_squeeze %dma_wait3A_190 : memref<1x125xi32, #tpu.memory_space<vmem>> -> memref<125xi32, #tpu.memory_space<vmem>>
      %dma_wait3A_192 = arith.constant 0 : i32
      %dma_wait3A_193 = arith.constant 0 : i32
      %dma_wait3A_194 = tpu.memref_slice %arg2[%dma_wait3A_192, %dma_wait3A_193] : memref<50000x16xf32, #tpu.memory_space<hbm>> -> memref<50000x16xf32, #tpu.memory_space<hbm>>
      tpu.wait_indirect_dma semaphore(%arg12 : memref<!tpu.dma_semaphore, #tpu.memory_space<semaphore_mem>>) src(%dma_wait3A_194 : memref<50000x16xf32, #tpu.memory_space<hbm>>) dst(%dma_wait3A_188 : memref<125x16xf32, #tpu.memory_space<vmem>>)
      %dma_start3A_195 = arith.constant 1 : i32
      %dma_start3A_196 = arith.constant 0 : i32
      %dma_start3A_197 = arith.constant 0 : i32
      %dma_start3A_198 = tpu.memref_slice %arg9[%dma_start3A_195, %dma_start3A_196, %dma_start3A_197] : memref<8x125x16xf32, #tpu.memory_space<vmem>> -> memref<1x125x16xf32, #tpu.memory_space<vmem>>
      %dma_start3A_199 = tpu.memref_squeeze %dma_start3A_198 : memref<1x125x16xf32, #tpu.memory_space<vmem>> -> memref<125x16xf32, #tpu.memory_space<vmem>>
      %dma_start3A_200 = arith.constant 0 : i32
      %dma_start3A_201 = tpu.memref_slice %arg8[%add3A_183, %dma_start3A_200] : memref<200x125xi32, #tpu.memory_space<vmem>> -> memref<1x125xi32, #tpu.memory_space<vmem>>
      %dma_start3A_202 = tpu.memref_squeeze %dma_start3A_201 : memref<1x125xi32, #tpu.memory_space<vmem>> -> memref<125xi32, #tpu.memory_space<vmem>>
      %dma_start3A_203 = arith.constant 0 : i32
      %dma_start3A_204 = arith.constant 0 : i32
      %dma_start3A_205 = tpu.memref_slice %arg10[%dma_start3A_203, %dma_start3A_204] : memref<50048x16xf32, #tpu.memory_space<vmem_shared>> -> memref<50048x16xf32, #tpu.memory_space<vmem_shared>>
      tpu.enqueue_indirect_dma source(%dma_start3A_199 : memref<125x16xf32, #tpu.memory_space<vmem>>) target(%dma_start3A_205 : memref<50048x16xf32, #tpu.memory_space<vmem_shared>>) offsets(%dma_start3A_202 : memref<125xi32, #tpu.memory_space<vmem>>) semaphore(%arg13 : memref<!tpu.dma_semaphore, #tpu.memory_space<semaphore_mem>>) {add = true}
      %mul3A_206 = arith.constant 8 : i32
      %mul3A_207 = arith.muli %scan3A_32, %mul3A_206 : i32
      %add3A_208 = arith.constant 2 : i32
      %add3A_209 = arith.addi %mul3A_207, %add3A_208 : i32
      %dma_wait3A_210 = arith.constant 2 : i32
      %dma_wait3A_211 = arith.constant 0 : i32
      %dma_wait3A_212 = arith.constant 0 : i32
      %dma_wait3A_213 = tpu.memref_slice %arg9[%dma_wait3A_210, %dma_wait3A_211, %dma_wait3A_212] : memref<8x125x16xf32, #tpu.memory_space<vmem>> -> memref<1x125x16xf32, #tpu.memory_space<vmem>>
      %dma_wait3A_214 = tpu.memref_squeeze %dma_wait3A_213 : memref<1x125x16xf32, #tpu.memory_space<vmem>> -> memref<125x16xf32, #tpu.memory_space<vmem>>
      %dma_wait3A_215 = arith.constant 0 : i32
      %dma_wait3A_216 = tpu.memref_slice %arg7[%add3A_209, %dma_wait3A_215] : memref<200x125xi32, #tpu.memory_space<vmem>> -> memref<1x125xi32, #tpu.memory_space<vmem>>
      %dma_wait3A_217 = tpu.memref_squeeze %dma_wait3A_216 : memref<1x125xi32, #tpu.memory_space<vmem>> -> memref<125xi32, #tpu.memory_space<vmem>>
      %dma_wait3A_218 = arith.constant 0 : i32
      %dma_wait3A_219 = arith.constant 0 : i32
      %dma_wait3A_220 = tpu.memref_slice %arg2[%dma_wait3A_218, %dma_wait3A_219] : memref<50000x16xf32, #tpu.memory_space<hbm>> -> memref<50000x16xf32, #tpu.memory_space<hbm>>
      tpu.wait_indirect_dma semaphore(%arg12 : memref<!tpu.dma_semaphore, #tpu.memory_space<semaphore_mem>>) src(%dma_wait3A_220 : memref<50000x16xf32, #tpu.memory_space<hbm>>) dst(%dma_wait3A_214 : memref<125x16xf32, #tpu.memory_space<vmem>>)
      %dma_start3A_221 = arith.constant 2 : i32
      %dma_start3A_222 = arith.constant 0 : i32
      %dma_start3A_223 = arith.constant 0 : i32
      %dma_start3A_224 = tpu.memref_slice %arg9[%dma_start3A_221, %dma_start3A_222, %dma_start3A_223] : memref<8x125x16xf32, #tpu.memory_space<vmem>> -> memref<1x125x16xf32, #tpu.memory_space<vmem>>
      %dma_start3A_225 = tpu.memref_squeeze %dma_start3A_224 : memref<1x125x16xf32, #tpu.memory_space<vmem>> -> memref<125x16xf32, #tpu.memory_space<vmem>>
      %dma_start3A_226 = arith.constant 0 : i32
      %dma_start3A_227 = tpu.memref_slice %arg8[%add3A_209, %dma_start3A_226] : memref<200x125xi32, #tpu.memory_space<vmem>> -> memref<1x125xi32, #tpu.memory_space<vmem>>
      %dma_start3A_228 = tpu.memref_squeeze %dma_start3A_227 : memref<1x125xi32, #tpu.memory_space<vmem>> -> memref<125xi32, #tpu.memory_space<vmem>>
      %dma_start3A_229 = arith.constant 0 : i32
      %dma_start3A_230 = arith.constant 0 : i32
      %dma_start3A_231 = tpu.memref_slice %arg10[%dma_start3A_229, %dma_start3A_230] : memref<50048x16xf32, #tpu.memory_space<vmem_shared>> -> memref<50048x16xf32, #tpu.memory_space<vmem_shared>>
      tpu.enqueue_indirect_dma source(%dma_start3A_225 : memref<125x16xf32, #tpu.memory_space<vmem>>) target(%dma_start3A_231 : memref<50048x16xf32, #tpu.memory_space<vmem_shared>>) offsets(%dma_start3A_228 : memref<125xi32, #tpu.memory_space<vmem>>) semaphore(%arg13 : memref<!tpu.dma_semaphore, #tpu.memory_space<semaphore_mem>>) {add = true}
      %mul3A_232 = arith.constant 8 : i32
      %mul3A_233 = arith.muli %scan3A_32, %mul3A_232 : i32
      %add3A_234 = arith.constant 3 : i32
      %add3A_235 = arith.addi %mul3A_233, %add3A_234 : i32
      %dma_wait3A_236 = arith.constant 3 : i32
      %dma_wait3A_237 = arith.constant 0 : i32
      %dma_wait3A_238 = arith.constant 0 : i32
      %dma_wait3A_239 = tpu.memref_slice %arg9[%dma_wait3A_236, %dma_wait3A_237, %dma_wait3A_238] : memref<8x125x16xf32, #tpu.memory_space<vmem>> -> memref<1x125x16xf32, #tpu.memory_space<vmem>>
      %dma_wait3A_240 = tpu.memref_squeeze %dma_wait3A_239 : memref<1x125x16xf32, #tpu.memory_space<vmem>> -> memref<125x16xf32, #tpu.memory_space<vmem>>
      %dma_wait3A_241 = arith.constant 0 : i32
      %dma_wait3A_242 = tpu.memref_slice %arg7[%add3A_235, %dma_wait3A_241] : memref<200x125xi32, #tpu.memory_space<vmem>> -> memref<1x125xi32, #tpu.memory_space<vmem>>
      %dma_wait3A_243 = tpu.memref_squeeze %dma_wait3A_242 : memref<1x125xi32, #tpu.memory_space<vmem>> -> memref<125xi32, #tpu.memory_space<vmem>>
      %dma_wait3A_244 = arith.constant 0 : i32
      %dma_wait3A_245 = arith.constant 0 : i32
      %dma_wait3A_246 = tpu.memref_slice %arg2[%dma_wait3A_244, %dma_wait3A_245] : memref<50000x16xf32, #tpu.memory_space<hbm>> -> memref<50000x16xf32, #tpu.memory_space<hbm>>
      tpu.wait_indirect_dma semaphore(%arg12 : memref<!tpu.dma_semaphore, #tpu.memory_space<semaphore_mem>>) src(%dma_wait3A_246 : memref<50000x16xf32, #tpu.memory_space<hbm>>) dst(%dma_wait3A_240 : memref<125x16xf32, #tpu.memory_space<vmem>>)
      %dma_start3A_247 = arith.constant 3 : i32
      %dma_start3A_248 = arith.constant 0 : i32
      %dma_start3A_249 = arith.constant 0 : i32
      %dma_start3A_250 = tpu.memref_slice %arg9[%dma_start3A_247, %dma_start3A_248, %dma_start3A_249] : memref<8x125x16xf32, #tpu.memory_space<vmem>> -> memref<1x125x16xf32, #tpu.memory_space<vmem>>
      %dma_start3A_251 = tpu.memref_squeeze %dma_start3A_250 : memref<1x125x16xf32, #tpu.memory_space<vmem>> -> memref<125x16xf32, #tpu.memory_space<vmem>>
      %dma_start3A_252 = arith.constant 0 : i32
      %dma_start3A_253 = tpu.memref_slice %arg8[%add3A_235, %dma_start3A_252] : memref<200x125xi32, #tpu.memory_space<vmem>> -> memref<1x125xi32, #tpu.memory_space<vmem>>
      %dma_start3A_254 = tpu.memref_squeeze %dma_start3A_253 : memref<1x125xi32, #tpu.memory_space<vmem>> -> memref<125xi32, #tpu.memory_space<vmem>>
      %dma_start3A_255 = arith.constant 0 : i32
      %dma_start3A_256 = arith.constant 0 : i32
      %dma_start3A_257 = tpu.memref_slice %arg10[%dma_start3A_255, %dma_start3A_256] : memref<50048x16xf32, #tpu.memory_space<vmem_shared>> -> memref<50048x16xf32, #tpu.memory_space<vmem_shared>>
      tpu.enqueue_indirect_dma source(%dma_start3A_251 : memref<125x16xf32, #tpu.memory_space<vmem>>) target(%dma_start3A_257 : memref<50048x16xf32, #tpu.memory_space<vmem_shared>>) offsets(%dma_start3A_254 : memref<125xi32, #tpu.memory_space<vmem>>) semaphore(%arg13 : memref<!tpu.dma_semaphore, #tpu.memory_space<semaphore_mem>>) {add = true}
      %mul3A_258 = arith.constant 8 : i32
      %mul3A_259 = arith.muli %scan3A_32, %mul3A_258 : i32
      %add3A_260 = arith.constant 4 : i32
      %add3A_261 = arith.addi %mul3A_259, %add3A_260 : i32
      %dma_wait3A_262 = arith.constant 4 : i32
      %dma_wait3A_263 = arith.constant 0 : i32
      %dma_wait3A_264 = arith.constant 0 : i32
      %dma_wait3A_265 = tpu.memref_slice %arg9[%dma_wait3A_262, %dma_wait3A_263, %dma_wait3A_264] : memref<8x125x16xf32, #tpu.memory_space<vmem>> -> memref<1x125x16xf32, #tpu.memory_space<vmem>>
      %dma_wait3A_266 = tpu.memref_squeeze %dma_wait3A_265 : memref<1x125x16xf32, #tpu.memory_space<vmem>> -> memref<125x16xf32, #tpu.memory_space<vmem>>
      %dma_wait3A_267 = arith.constant 0 : i32
      %dma_wait3A_268 = tpu.memref_slice %arg7[%add3A_261, %dma_wait3A_267] : memref<200x125xi32, #tpu.memory_space<vmem>> -> memref<1x125xi32, #tpu.memory_space<vmem>>
      %dma_wait3A_269 = tpu.memref_squeeze %dma_wait3A_268 : memref<1x125xi32, #tpu.memory_space<vmem>> -> memref<125xi32, #tpu.memory_space<vmem>>
      %dma_wait3A_270 = arith.constant 0 : i32
      %dma_wait3A_271 = arith.constant 0 : i32
      %dma_wait3A_272 = tpu.memref_slice %arg2[%dma_wait3A_270, %dma_wait3A_271] : memref<50000x16xf32, #tpu.memory_space<hbm>> -> memref<50000x16xf32, #tpu.memory_space<hbm>>
      tpu.wait_indirect_dma semaphore(%arg12 : memref<!tpu.dma_semaphore, #tpu.memory_space<semaphore_mem>>) src(%dma_wait3A_272 : memref<50000x16xf32, #tpu.memory_space<hbm>>) dst(%dma_wait3A_266 : memref<125x16xf32, #tpu.memory_space<vmem>>)
      %dma_start3A_273 = arith.constant 4 : i32
      %dma_start3A_274 = arith.constant 0 : i32
      %dma_start3A_275 = arith.constant 0 : i32
      %dma_start3A_276 = tpu.memref_slice %arg9[%dma_start3A_273, %dma_start3A_274, %dma_start3A_275] : memref<8x125x16xf32, #tpu.memory_space<vmem>> -> memref<1x125x16xf32, #tpu.memory_space<vmem>>
      %dma_start3A_277 = tpu.memref_squeeze %dma_start3A_276 : memref<1x125x16xf32, #tpu.memory_space<vmem>> -> memref<125x16xf32, #tpu.memory_space<vmem>>
      %dma_start3A_278 = arith.constant 0 : i32
      %dma_start3A_279 = tpu.memref_slice %arg8[%add3A_261, %dma_start3A_278] : memref<200x125xi32, #tpu.memory_space<vmem>> -> memref<1x125xi32, #tpu.memory_space<vmem>>
      %dma_start3A_280 = tpu.memref_squeeze %dma_start3A_279 : memref<1x125xi32, #tpu.memory_space<vmem>> -> memref<125xi32, #tpu.memory_space<vmem>>
      %dma_start3A_281 = arith.constant 0 : i32
      %dma_start3A_282 = arith.constant 0 : i32
      %dma_start3A_283 = tpu.memref_slice %arg10[%dma_start3A_281, %dma_start3A_282] : memref<50048x16xf32, #tpu.memory_space<vmem_shared>> -> memref<50048x16xf32, #tpu.memory_space<vmem_shared>>
      tpu.enqueue_indirect_dma source(%dma_start3A_277 : memref<125x16xf32, #tpu.memory_space<vmem>>) target(%dma_start3A_283 : memref<50048x16xf32, #tpu.memory_space<vmem_shared>>) offsets(%dma_start3A_280 : memref<125xi32, #tpu.memory_space<vmem>>) semaphore(%arg13 : memref<!tpu.dma_semaphore, #tpu.memory_space<semaphore_mem>>) {add = true}
      %mul3A_284 = arith.constant 8 : i32
      %mul3A_285 = arith.muli %scan3A_32, %mul3A_284 : i32
      %add3A_286 = arith.constant 5 : i32
      %add3A_287 = arith.addi %mul3A_285, %add3A_286 : i32
      %dma_wait3A_288 = arith.constant 5 : i32
      %dma_wait3A_289 = arith.constant 0 : i32
      %dma_wait3A_290 = arith.constant 0 : i32
      %dma_wait3A_291 = tpu.memref_slice %arg9[%dma_wait3A_288, %dma_wait3A_289, %dma_wait3A_290] : memref<8x125x16xf32, #tpu.memory_space<vmem>> -> memref<1x125x16xf32, #tpu.memory_space<vmem>>
      %dma_wait3A_292 = tpu.memref_squeeze %dma_wait3A_291 : memref<1x125x16xf32, #tpu.memory_space<vmem>> -> memref<125x16xf32, #tpu.memory_space<vmem>>
      %dma_wait3A_293 = arith.constant 0 : i32
      %dma_wait3A_294 = tpu.memref_slice %arg7[%add3A_287, %dma_wait3A_293] : memref<200x125xi32, #tpu.memory_space<vmem>> -> memref<1x125xi32, #tpu.memory_space<vmem>>
      %dma_wait3A_295 = tpu.memref_squeeze %dma_wait3A_294 : memref<1x125xi32, #tpu.memory_space<vmem>> -> memref<125xi32, #tpu.memory_space<vmem>>
      %dma_wait3A_296 = arith.constant 0 : i32
      %dma_wait3A_297 = arith.constant 0 : i32
      %dma_wait3A_298 = tpu.memref_slice %arg2[%dma_wait3A_296, %dma_wait3A_297] : memref<50000x16xf32, #tpu.memory_space<hbm>> -> memref<50000x16xf32, #tpu.memory_space<hbm>>
      tpu.wait_indirect_dma semaphore(%arg12 : memref<!tpu.dma_semaphore, #tpu.memory_space<semaphore_mem>>) src(%dma_wait3A_298 : memref<50000x16xf32, #tpu.memory_space<hbm>>) dst(%dma_wait3A_292 : memref<125x16xf32, #tpu.memory_space<vmem>>)
      %dma_start3A_299 = arith.constant 5 : i32
      %dma_start3A_300 = arith.constant 0 : i32
      %dma_start3A_301 = arith.constant 0 : i32
      %dma_start3A_302 = tpu.memref_slice %arg9[%dma_start3A_299, %dma_start3A_300, %dma_start3A_301] : memref<8x125x16xf32, #tpu.memory_space<vmem>> -> memref<1x125x16xf32, #tpu.memory_space<vmem>>
      %dma_start3A_303 = tpu.memref_squeeze %dma_start3A_302 : memref<1x125x16xf32, #tpu.memory_space<vmem>> -> memref<125x16xf32, #tpu.memory_space<vmem>>
      %dma_start3A_304 = arith.constant 0 : i32
      %dma_start3A_305 = tpu.memref_slice %arg8[%add3A_287, %dma_start3A_304] : memref<200x125xi32, #tpu.memory_space<vmem>> -> memref<1x125xi32, #tpu.memory_space<vmem>>
      %dma_start3A_306 = tpu.memref_squeeze %dma_start3A_305 : memref<1x125xi32, #tpu.memory_space<vmem>> -> memref<125xi32, #tpu.memory_space<vmem>>
      %dma_start3A_307 = arith.constant 0 : i32
      %dma_start3A_308 = arith.constant 0 : i32
      %dma_start3A_309 = tpu.memref_slice %arg10[%dma_start3A_307, %dma_start3A_308] : memref<50048x16xf32, #tpu.memory_space<vmem_shared>> -> memref<50048x16xf32, #tpu.memory_space<vmem_shared>>
      tpu.enqueue_indirect_dma source(%dma_start3A_303 : memref<125x16xf32, #tpu.memory_space<vmem>>) target(%dma_start3A_309 : memref<50048x16xf32, #tpu.memory_space<vmem_shared>>) offsets(%dma_start3A_306 : memref<125xi32, #tpu.memory_space<vmem>>) semaphore(%arg13 : memref<!tpu.dma_semaphore, #tpu.memory_space<semaphore_mem>>) {add = true}
      %mul3A_310 = arith.constant 8 : i32
      %mul3A_311 = arith.muli %scan3A_32, %mul3A_310 : i32
      %add3A_312 = arith.constant 6 : i32
      %add3A_313 = arith.addi %mul3A_311, %add3A_312 : i32
      %dma_wait3A_314 = arith.constant 6 : i32
      %dma_wait3A_315 = arith.constant 0 : i32
      %dma_wait3A_316 = arith.constant 0 : i32
      %dma_wait3A_317 = tpu.memref_slice %arg9[%dma_wait3A_314, %dma_wait3A_315, %dma_wait3A_316] : memref<8x125x16xf32, #tpu.memory_space<vmem>> -> memref<1x125x16xf32, #tpu.memory_space<vmem>>
      %dma_wait3A_318 = tpu.memref_squeeze %dma_wait3A_317 : memref<1x125x16xf32, #tpu.memory_space<vmem>> -> memref<125x16xf32, #tpu.memory_space<vmem>>
      %dma_wait3A_319 = arith.constant 0 : i32
      %dma_wait3A_320 = tpu.memref_slice %arg7[%add3A_313, %dma_wait3A_319] : memref<200x125xi32, #tpu.memory_space<vmem>> -> memref<1x125xi32, #tpu.memory_space<vmem>>
      %dma_wait3A_321 = tpu.memref_squeeze %dma_wait3A_320 : memref<1x125xi32, #tpu.memory_space<vmem>> -> memref<125xi32, #tpu.memory_space<vmem>>
      %dma_wait3A_322 = arith.constant 0 : i32
      %dma_wait3A_323 = arith.constant 0 : i32
      %dma_wait3A_324 = tpu.memref_slice %arg2[%dma_wait3A_322, %dma_wait3A_323] : memref<50000x16xf32, #tpu.memory_space<hbm>> -> memref<50000x16xf32, #tpu.memory_space<hbm>>
      tpu.wait_indirect_dma semaphore(%arg12 : memref<!tpu.dma_semaphore, #tpu.memory_space<semaphore_mem>>) src(%dma_wait3A_324 : memref<50000x16xf32, #tpu.memory_space<hbm>>) dst(%dma_wait3A_318 : memref<125x16xf32, #tpu.memory_space<vmem>>)
      %dma_start3A_325 = arith.constant 6 : i32
      %dma_start3A_326 = arith.constant 0 : i32
      %dma_start3A_327 = arith.constant 0 : i32
      %dma_start3A_328 = tpu.memref_slice %arg9[%dma_start3A_325, %dma_start3A_326, %dma_start3A_327] : memref<8x125x16xf32, #tpu.memory_space<vmem>> -> memref<1x125x16xf32, #tpu.memory_space<vmem>>
      %dma_start3A_329 = tpu.memref_squeeze %dma_start3A_328 : memref<1x125x16xf32, #tpu.memory_space<vmem>> -> memref<125x16xf32, #tpu.memory_space<vmem>>
      %dma_start3A_330 = arith.constant 0 : i32
      %dma_start3A_331 = tpu.memref_slice %arg8[%add3A_313, %dma_start3A_330] : memref<200x125xi32, #tpu.memory_space<vmem>> -> memref<1x125xi32, #tpu.memory_space<vmem>>
      %dma_start3A_332 = tpu.memref_squeeze %dma_start3A_331 : memref<1x125xi32, #tpu.memory_space<vmem>> -> memref<125xi32, #tpu.memory_space<vmem>>
      %dma_start3A_333 = arith.constant 0 : i32
      %dma_start3A_334 = arith.constant 0 : i32
      %dma_start3A_335 = tpu.memref_slice %arg10[%dma_start3A_333, %dma_start3A_334] : memref<50048x16xf32, #tpu.memory_space<vmem_shared>> -> memref<50048x16xf32, #tpu.memory_space<vmem_shared>>
      tpu.enqueue_indirect_dma source(%dma_start3A_329 : memref<125x16xf32, #tpu.memory_space<vmem>>) target(%dma_start3A_335 : memref<50048x16xf32, #tpu.memory_space<vmem_shared>>) offsets(%dma_start3A_332 : memref<125xi32, #tpu.memory_space<vmem>>) semaphore(%arg13 : memref<!tpu.dma_semaphore, #tpu.memory_space<semaphore_mem>>) {add = true}
      %mul3A_336 = arith.constant 8 : i32
      %mul3A_337 = arith.muli %scan3A_32, %mul3A_336 : i32
      %add3A_338 = arith.constant 7 : i32
      %add3A_339 = arith.addi %mul3A_337, %add3A_338 : i32
      %dma_wait3A_340 = arith.constant 7 : i32
      %dma_wait3A_341 = arith.constant 0 : i32
      %dma_wait3A_342 = arith.constant 0 : i32
      %dma_wait3A_343 = tpu.memref_slice %arg9[%dma_wait3A_340, %dma_wait3A_341, %dma_wait3A_342] : memref<8x125x16xf32, #tpu.memory_space<vmem>> -> memref<1x125x16xf32, #tpu.memory_space<vmem>>
      %dma_wait3A_344 = tpu.memref_squeeze %dma_wait3A_343 : memref<1x125x16xf32, #tpu.memory_space<vmem>> -> memref<125x16xf32, #tpu.memory_space<vmem>>
      %dma_wait3A_345 = arith.constant 0 : i32
      %dma_wait3A_346 = tpu.memref_slice %arg7[%add3A_339, %dma_wait3A_345] : memref<200x125xi32, #tpu.memory_space<vmem>> -> memref<1x125xi32, #tpu.memory_space<vmem>>
      %dma_wait3A_347 = tpu.memref_squeeze %dma_wait3A_346 : memref<1x125xi32, #tpu.memory_space<vmem>> -> memref<125xi32, #tpu.memory_space<vmem>>
      %dma_wait3A_348 = arith.constant 0 : i32
      %dma_wait3A_349 = arith.constant 0 : i32
      %dma_wait3A_350 = tpu.memref_slice %arg2[%dma_wait3A_348, %dma_wait3A_349] : memref<50000x16xf32, #tpu.memory_space<hbm>> -> memref<50000x16xf32, #tpu.memory_space<hbm>>
      tpu.wait_indirect_dma semaphore(%arg12 : memref<!tpu.dma_semaphore, #tpu.memory_space<semaphore_mem>>) src(%dma_wait3A_350 : memref<50000x16xf32, #tpu.memory_space<hbm>>) dst(%dma_wait3A_344 : memref<125x16xf32, #tpu.memory_space<vmem>>)
      %dma_start3A_351 = arith.constant 7 : i32
      %dma_start3A_352 = arith.constant 0 : i32
      %dma_start3A_353 = arith.constant 0 : i32
      %dma_start3A_354 = tpu.memref_slice %arg9[%dma_start3A_351, %dma_start3A_352, %dma_start3A_353] : memref<8x125x16xf32, #tpu.memory_space<vmem>> -> memref<1x125x16xf32, #tpu.memory_space<vmem>>
      %dma_start3A_355 = tpu.memref_squeeze %dma_start3A_354 : memref<1x125x16xf32, #tpu.memory_space<vmem>> -> memref<125x16xf32, #tpu.memory_space<vmem>>
      %dma_start3A_356 = arith.constant 0 : i32
      %dma_start3A_357 = tpu.memref_slice %arg8[%add3A_339, %dma_start3A_356] : memref<200x125xi32, #tpu.memory_space<vmem>> -> memref<1x125xi32, #tpu.memory_space<vmem>>
      %dma_start3A_358 = tpu.memref_squeeze %dma_start3A_357 : memref<1x125xi32, #tpu.memory_space<vmem>> -> memref<125xi32, #tpu.memory_space<vmem>>
      %dma_start3A_359 = arith.constant 0 : i32
      %dma_start3A_360 = arith.constant 0 : i32
      %dma_start3A_361 = tpu.memref_slice %arg10[%dma_start3A_359, %dma_start3A_360] : memref<50048x16xf32, #tpu.memory_space<vmem_shared>> -> memref<50048x16xf32, #tpu.memory_space<vmem_shared>>
      tpu.enqueue_indirect_dma source(%dma_start3A_355 : memref<125x16xf32, #tpu.memory_space<vmem>>) target(%dma_start3A_361 : memref<50048x16xf32, #tpu.memory_space<vmem_shared>>) offsets(%dma_start3A_358 : memref<125xi32, #tpu.memory_space<vmem>>) semaphore(%arg13 : memref<!tpu.dma_semaphore, #tpu.memory_space<semaphore_mem>>) {add = true}
      %mul3A_362 = arith.constant 8 : i32
      %mul3A_363 = arith.muli %scan3A_32, %mul3A_362 : i32
      %add3A_364 = arith.constant 0 : i32
      %add3A_365 = arith.addi %mul3A_363, %add3A_364 : i32
      %dma_wait3A_366 = arith.constant 0 : i32
      %dma_wait3A_367 = arith.constant 0 : i32
      %dma_wait3A_368 = arith.constant 0 : i32
      %dma_wait3A_369 = tpu.memref_slice %arg9[%dma_wait3A_366, %dma_wait3A_367, %dma_wait3A_368] : memref<8x125x16xf32, #tpu.memory_space<vmem>> -> memref<1x125x16xf32, #tpu.memory_space<vmem>>
      %dma_wait3A_370 = tpu.memref_squeeze %dma_wait3A_369 : memref<1x125x16xf32, #tpu.memory_space<vmem>> -> memref<125x16xf32, #tpu.memory_space<vmem>>
      %dma_wait3A_371 = arith.constant 0 : i32
      %dma_wait3A_372 = tpu.memref_slice %arg8[%add3A_365, %dma_wait3A_371] : memref<200x125xi32, #tpu.memory_space<vmem>> -> memref<1x125xi32, #tpu.memory_space<vmem>>
      %dma_wait3A_373 = tpu.memref_squeeze %dma_wait3A_372 : memref<1x125xi32, #tpu.memory_space<vmem>> -> memref<125xi32, #tpu.memory_space<vmem>>
      %dma_wait3A_374 = arith.constant 0 : i32
      %dma_wait3A_375 = arith.constant 0 : i32
      %dma_wait3A_376 = tpu.memref_slice %arg10[%dma_wait3A_374, %dma_wait3A_375] : memref<50048x16xf32, #tpu.memory_space<vmem_shared>> -> memref<50048x16xf32, #tpu.memory_space<vmem_shared>>
      tpu.wait_indirect_dma semaphore(%arg13 : memref<!tpu.dma_semaphore, #tpu.memory_space<semaphore_mem>>) src(%dma_wait3A_370 : memref<125x16xf32, #tpu.memory_space<vmem>>) dst(%dma_wait3A_376 : memref<50048x16xf32, #tpu.memory_space<vmem_shared>>)
      %mul3A_377 = arith.constant 8 : i32
      %mul3A_378 = arith.muli %scan3A_32, %mul3A_377 : i32
      %add3A_379 = arith.constant 1 : i32
      %add3A_380 = arith.addi %mul3A_378, %add3A_379 : i32
      %dma_wait3A_381 = arith.constant 1 : i32
      %dma_wait3A_382 = arith.constant 0 : i32
      %dma_wait3A_383 = arith.constant 0 : i32
      %dma_wait3A_384 = tpu.memref_slice %arg9[%dma_wait3A_381, %dma_wait3A_382, %dma_wait3A_383] : memref<8x125x16xf32, #tpu.memory_space<vmem>> -> memref<1x125x16xf32, #tpu.memory_space<vmem>>
      %dma_wait3A_385 = tpu.memref_squeeze %dma_wait3A_384 : memref<1x125x16xf32, #tpu.memory_space<vmem>> -> memref<125x16xf32, #tpu.memory_space<vmem>>
      %dma_wait3A_386 = arith.constant 0 : i32
      %dma_wait3A_387 = tpu.memref_slice %arg8[%add3A_380, %dma_wait3A_386] : memref<200x125xi32, #tpu.memory_space<vmem>> -> memref<1x125xi32, #tpu.memory_space<vmem>>
      %dma_wait3A_388 = tpu.memref_squeeze %dma_wait3A_387 : memref<1x125xi32, #tpu.memory_space<vmem>> -> memref<125xi32, #tpu.memory_space<vmem>>
      %dma_wait3A_389 = arith.constant 0 : i32
      %dma_wait3A_390 = arith.constant 0 : i32
      %dma_wait3A_391 = tpu.memref_slice %arg10[%dma_wait3A_389, %dma_wait3A_390] : memref<50048x16xf32, #tpu.memory_space<vmem_shared>> -> memref<50048x16xf32, #tpu.memory_space<vmem_shared>>
      tpu.wait_indirect_dma semaphore(%arg13 : memref<!tpu.dma_semaphore, #tpu.memory_space<semaphore_mem>>) src(%dma_wait3A_385 : memref<125x16xf32, #tpu.memory_space<vmem>>) dst(%dma_wait3A_391 : memref<50048x16xf32, #tpu.memory_space<vmem_shared>>)
      %mul3A_392 = arith.constant 8 : i32
      %mul3A_393 = arith.muli %scan3A_32, %mul3A_392 : i32
      %add3A_394 = arith.constant 2 : i32
      %add3A_395 = arith.addi %mul3A_393, %add3A_394 : i32
      %dma_wait3A_396 = arith.constant 2 : i32
      %dma_wait3A_397 = arith.constant 0 : i32
      %dma_wait3A_398 = arith.constant 0 : i32
      %dma_wait3A_399 = tpu.memref_slice %arg9[%dma_wait3A_396, %dma_wait3A_397, %dma_wait3A_398] : memref<8x125x16xf32, #tpu.memory_space<vmem>> -> memref<1x125x16xf32, #tpu.memory_space<vmem>>
      %dma_wait3A_400 = tpu.memref_squeeze %dma_wait3A_399 : memref<1x125x16xf32, #tpu.memory_space<vmem>> -> memref<125x16xf32, #tpu.memory_space<vmem>>
      %dma_wait3A_401 = arith.constant 0 : i32
      %dma_wait3A_402 = tpu.memref_slice %arg8[%add3A_395, %dma_wait3A_401] : memref<200x125xi32, #tpu.memory_space<vmem>> -> memref<1x125xi32, #tpu.memory_space<vmem>>
      %dma_wait3A_403 = tpu.memref_squeeze %dma_wait3A_402 : memref<1x125xi32, #tpu.memory_space<vmem>> -> memref<125xi32, #tpu.memory_space<vmem>>
      %dma_wait3A_404 = arith.constant 0 : i32
      %dma_wait3A_405 = arith.constant 0 : i32
      %dma_wait3A_406 = tpu.memref_slice %arg10[%dma_wait3A_404, %dma_wait3A_405] : memref<50048x16xf32, #tpu.memory_space<vmem_shared>> -> memref<50048x16xf32, #tpu.memory_space<vmem_shared>>
      tpu.wait_indirect_dma semaphore(%arg13 : memref<!tpu.dma_semaphore, #tpu.memory_space<semaphore_mem>>) src(%dma_wait3A_400 : memref<125x16xf32, #tpu.memory_space<vmem>>) dst(%dma_wait3A_406 : memref<50048x16xf32, #tpu.memory_space<vmem_shared>>)
      %mul3A_407 = arith.constant 8 : i32
      %mul3A_408 = arith.muli %scan3A_32, %mul3A_407 : i32
      %add3A_409 = arith.constant 3 : i32
      %add3A_410 = arith.addi %mul3A_408, %add3A_409 : i32
      %dma_wait3A_411 = arith.constant 3 : i32
      %dma_wait3A_412 = arith.constant 0 : i32
      %dma_wait3A_413 = arith.constant 0 : i32
      %dma_wait3A_414 = tpu.memref_slice %arg9[%dma_wait3A_411, %dma_wait3A_412, %dma_wait3A_413] : memref<8x125x16xf32, #tpu.memory_space<vmem>> -> memref<1x125x16xf32, #tpu.memory_space<vmem>>
      %dma_wait3A_415 = tpu.memref_squeeze %dma_wait3A_414 : memref<1x125x16xf32, #tpu.memory_space<vmem>> -> memref<125x16xf32, #tpu.memory_space<vmem>>
      %dma_wait3A_416 = arith.constant 0 : i32
      %dma_wait3A_417 = tpu.memref_slice %arg8[%add3A_410, %dma_wait3A_416] : memref<200x125xi32, #tpu.memory_space<vmem>> -> memref<1x125xi32, #tpu.memory_space<vmem>>
      %dma_wait3A_418 = tpu.memref_squeeze %dma_wait3A_417 : memref<1x125xi32, #tpu.memory_space<vmem>> -> memref<125xi32, #tpu.memory_space<vmem>>
      %dma_wait3A_419 = arith.constant 0 : i32
      %dma_wait3A_420 = arith.constant 0 : i32
      %dma_wait3A_421 = tpu.memref_slice %arg10[%dma_wait3A_419, %dma_wait3A_420] : memref<50048x16xf32, #tpu.memory_space<vmem_shared>> -> memref<50048x16xf32, #tpu.memory_space<vmem_shared>>
      tpu.wait_indirect_dma semaphore(%arg13 : memref<!tpu.dma_semaphore, #tpu.memory_space<semaphore_mem>>) src(%dma_wait3A_415 : memref<125x16xf32, #tpu.memory_space<vmem>>) dst(%dma_wait3A_421 : memref<50048x16xf32, #tpu.memory_space<vmem_shared>>)
      %mul3A_422 = arith.constant 8 : i32
      %mul3A_423 = arith.muli %scan3A_32, %mul3A_422 : i32
      %add3A_424 = arith.constant 4 : i32
      %add3A_425 = arith.addi %mul3A_423, %add3A_424 : i32
      %dma_wait3A_426 = arith.constant 4 : i32
      %dma_wait3A_427 = arith.constant 0 : i32
      %dma_wait3A_428 = arith.constant 0 : i32
      %dma_wait3A_429 = tpu.memref_slice %arg9[%dma_wait3A_426, %dma_wait3A_427, %dma_wait3A_428] : memref<8x125x16xf32, #tpu.memory_space<vmem>> -> memref<1x125x16xf32, #tpu.memory_space<vmem>>
      %dma_wait3A_430 = tpu.memref_squeeze %dma_wait3A_429 : memref<1x125x16xf32, #tpu.memory_space<vmem>> -> memref<125x16xf32, #tpu.memory_space<vmem>>
      %dma_wait3A_431 = arith.constant 0 : i32
      %dma_wait3A_432 = tpu.memref_slice %arg8[%add3A_425, %dma_wait3A_431] : memref<200x125xi32, #tpu.memory_space<vmem>> -> memref<1x125xi32, #tpu.memory_space<vmem>>
      %dma_wait3A_433 = tpu.memref_squeeze %dma_wait3A_432 : memref<1x125xi32, #tpu.memory_space<vmem>> -> memref<125xi32, #tpu.memory_space<vmem>>
      %dma_wait3A_434 = arith.constant 0 : i32
      %dma_wait3A_435 = arith.constant 0 : i32
      %dma_wait3A_436 = tpu.memref_slice %arg10[%dma_wait3A_434, %dma_wait3A_435] : memref<50048x16xf32, #tpu.memory_space<vmem_shared>> -> memref<50048x16xf32, #tpu.memory_space<vmem_shared>>
      tpu.wait_indirect_dma semaphore(%arg13 : memref<!tpu.dma_semaphore, #tpu.memory_space<semaphore_mem>>) src(%dma_wait3A_430 : memref<125x16xf32, #tpu.memory_space<vmem>>) dst(%dma_wait3A_436 : memref<50048x16xf32, #tpu.memory_space<vmem_shared>>)
      %mul3A_437 = arith.constant 8 : i32
      %mul3A_438 = arith.muli %scan3A_32, %mul3A_437 : i32
      %add3A_439 = arith.constant 5 : i32
      %add3A_440 = arith.addi %mul3A_438, %add3A_439 : i32
      %dma_wait3A_441 = arith.constant 5 : i32
      %dma_wait3A_442 = arith.constant 0 : i32
      %dma_wait3A_443 = arith.constant 0 : i32
      %dma_wait3A_444 = tpu.memref_slice %arg9[%dma_wait3A_441, %dma_wait3A_442, %dma_wait3A_443] : memref<8x125x16xf32, #tpu.memory_space<vmem>> -> memref<1x125x16xf32, #tpu.memory_space<vmem>>
      %dma_wait3A_445 = tpu.memref_squeeze %dma_wait3A_444 : memref<1x125x16xf32, #tpu.memory_space<vmem>> -> memref<125x16xf32, #tpu.memory_space<vmem>>
      %dma_wait3A_446 = arith.constant 0 : i32
      %dma_wait3A_447 = tpu.memref_slice %arg8[%add3A_440, %dma_wait3A_446] : memref<200x125xi32, #tpu.memory_space<vmem>> -> memref<1x125xi32, #tpu.memory_space<vmem>>
      %dma_wait3A_448 = tpu.memref_squeeze %dma_wait3A_447 : memref<1x125xi32, #tpu.memory_space<vmem>> -> memref<125xi32, #tpu.memory_space<vmem>>
      %dma_wait3A_449 = arith.constant 0 : i32
      %dma_wait3A_450 = arith.constant 0 : i32
      %dma_wait3A_451 = tpu.memref_slice %arg10[%dma_wait3A_449, %dma_wait3A_450] : memref<50048x16xf32, #tpu.memory_space<vmem_shared>> -> memref<50048x16xf32, #tpu.memory_space<vmem_shared>>
      tpu.wait_indirect_dma semaphore(%arg13 : memref<!tpu.dma_semaphore, #tpu.memory_space<semaphore_mem>>) src(%dma_wait3A_445 : memref<125x16xf32, #tpu.memory_space<vmem>>) dst(%dma_wait3A_451 : memref<50048x16xf32, #tpu.memory_space<vmem_shared>>)
      %mul3A_452 = arith.constant 8 : i32
      %mul3A_453 = arith.muli %scan3A_32, %mul3A_452 : i32
      %add3A_454 = arith.constant 6 : i32
      %add3A_455 = arith.addi %mul3A_453, %add3A_454 : i32
      %dma_wait3A_456 = arith.constant 6 : i32
      %dma_wait3A_457 = arith.constant 0 : i32
      %dma_wait3A_458 = arith.constant 0 : i32
      %dma_wait3A_459 = tpu.memref_slice %arg9[%dma_wait3A_456, %dma_wait3A_457, %dma_wait3A_458] : memref<8x125x16xf32, #tpu.memory_space<vmem>> -> memref<1x125x16xf32, #tpu.memory_space<vmem>>
      %dma_wait3A_460 = tpu.memref_squeeze %dma_wait3A_459 : memref<1x125x16xf32, #tpu.memory_space<vmem>> -> memref<125x16xf32, #tpu.memory_space<vmem>>
      %dma_wait3A_461 = arith.constant 0 : i32
      %dma_wait3A_462 = tpu.memref_slice %arg8[%add3A_455, %dma_wait3A_461] : memref<200x125xi32, #tpu.memory_space<vmem>> -> memref<1x125xi32, #tpu.memory_space<vmem>>
      %dma_wait3A_463 = tpu.memref_squeeze %dma_wait3A_462 : memref<1x125xi32, #tpu.memory_space<vmem>> -> memref<125xi32, #tpu.memory_space<vmem>>
      %dma_wait3A_464 = arith.constant 0 : i32
      %dma_wait3A_465 = arith.constant 0 : i32
      %dma_wait3A_466 = tpu.memref_slice %arg10[%dma_wait3A_464, %dma_wait3A_465] : memref<50048x16xf32, #tpu.memory_space<vmem_shared>> -> memref<50048x16xf32, #tpu.memory_space<vmem_shared>>
      tpu.wait_indirect_dma semaphore(%arg13 : memref<!tpu.dma_semaphore, #tpu.memory_space<semaphore_mem>>) src(%dma_wait3A_460 : memref<125x16xf32, #tpu.memory_space<vmem>>) dst(%dma_wait3A_466 : memref<50048x16xf32, #tpu.memory_space<vmem_shared>>)
      %mul3A_467 = arith.constant 8 : i32
      %mul3A_468 = arith.muli %scan3A_32, %mul3A_467 : i32
      %add3A_469 = arith.constant 7 : i32
      %add3A_470 = arith.addi %mul3A_468, %add3A_469 : i32
      %dma_wait3A_471 = arith.constant 7 : i32
      %dma_wait3A_472 = arith.constant 0 : i32
      %dma_wait3A_473 = arith.constant 0 : i32
      %dma_wait3A_474 = tpu.memref_slice %arg9[%dma_wait3A_471, %dma_wait3A_472, %dma_wait3A_473] : memref<8x125x16xf32, #tpu.memory_space<vmem>> -> memref<1x125x16xf32, #tpu.memory_space<vmem>>
      %dma_wait3A_475 = tpu.memref_squeeze %dma_wait3A_474 : memref<1x125x16xf32, #tpu.memory_space<vmem>> -> memref<125x16xf32, #tpu.memory_space<vmem>>
      %dma_wait3A_476 = arith.constant 0 : i32
      %dma_wait3A_477 = tpu.memref_slice %arg8[%add3A_470, %dma_wait3A_476] : memref<200x125xi32, #tpu.memory_space<vmem>> -> memref<1x125xi32, #tpu.memory_space<vmem>>
      %dma_wait3A_478 = tpu.memref_squeeze %dma_wait3A_477 : memref<1x125xi32, #tpu.memory_space<vmem>> -> memref<125xi32, #tpu.memory_space<vmem>>
      %dma_wait3A_479 = arith.constant 0 : i32
      %dma_wait3A_480 = arith.constant 0 : i32
      %dma_wait3A_481 = tpu.memref_slice %arg10[%dma_wait3A_479, %dma_wait3A_480] : memref<50048x16xf32, #tpu.memory_space<vmem_shared>> -> memref<50048x16xf32, #tpu.memory_space<vmem_shared>>
      tpu.wait_indirect_dma semaphore(%arg13 : memref<!tpu.dma_semaphore, #tpu.memory_space<semaphore_mem>>) src(%dma_wait3A_475 : memref<125x16xf32, #tpu.memory_space<vmem>>) dst(%dma_wait3A_481 : memref<50048x16xf32, #tpu.memory_space<vmem_shared>>)
      %scan3A_482 = arith.constant 0 : i32
      scf.yield %scan3A_482 : i32
    }
    %scan3A_30 = arith.constant 25 : i32
    %barrier3A_31 = arith.constant 0 : index
    tpu.barrier barrier_id(%barrier3A_31)
    "tpu.region"() ({
      %run_scoped3A = tpu.sem_alloc : memref<!tpu.dma_semaphore, #tpu.memory_space<semaphore_mem>>
      %dma_start3A_32 = arith.constant 0 : i32
      %dma_start3A_33 = tpu.memref_slice %arg6[%arg0, %mul3A_2, %dma_start3A_32] : memref<2x50048x16xf32, #tpu.memory_space<hbm>> -> memref<1x3128x16xf32, #tpu.memory_space<hbm>>
      %dma_start3A_34 = tpu.memref_squeeze %dma_start3A_33 : memref<1x3128x16xf32, #tpu.memory_space<hbm>> -> memref<3128x16xf32, #tpu.memory_space<hbm>>
      %dma_start3A_35 = arith.constant 0 : i32
      %dma_start3A_36 = tpu.memref_slice %arg10[%mul3A_2, %dma_start3A_35] : memref<50048x16xf32, #tpu.memory_space<vmem_shared>> -> memref<3128x16xf32, #tpu.memory_space<vmem_shared>>
      tpu.enqueue_dma source(%dma_start3A_36 : memref<3128x16xf32, #tpu.memory_space<vmem_shared>>) target(%dma_start3A_34 : memref<3128x16xf32, #tpu.memory_space<hbm>>) target_semaphore(%run_scoped3A : memref<!tpu.dma_semaphore, #tpu.memory_space<semaphore_mem>>)
      %dma_wait3A_37 = arith.constant 0 : i32
      %dma_wait3A_38 = tpu.memref_slice %arg6[%arg0, %mul3A_2, %dma_wait3A_37] : memref<2x50048x16xf32, #tpu.memory_space<hbm>> -> memref<1x3128x16xf32, #tpu.memory_space<hbm>>
      %dma_wait3A_39 = tpu.memref_squeeze %dma_wait3A_38 : memref<1x3128x16xf32, #tpu.memory_space<hbm>> -> memref<3128x16xf32, #tpu.memory_space<hbm>>
      %dma_wait3A_40 = arith.constant 0 : i32
      %dma_wait3A_41 = tpu.memref_slice %arg10[%mul3A_2, %dma_wait3A_40] : memref<50048x16xf32, #tpu.memory_space<vmem_shared>> -> memref<3128x16xf32, #tpu.memory_space<vmem_shared>>
      tpu.wait_dma2 semaphore(%run_scoped3A : memref<!tpu.dma_semaphore, #tpu.memory_space<semaphore_mem>>) src(%dma_wait3A_41 : memref<3128x16xf32, #tpu.memory_space<vmem_shared>>) dst(%dma_wait3A_39 : memref<3128x16xf32, #tpu.memory_space<hbm>>)
      tpu.yield
    }) : () -> ()
    return
  }
}

#map = affine_map<(d0, d1) -> (0, 0)>
#map1 = affine_map<(d0, d1) -> (0, 0, 0)>
module attributes {stable_mosaic.version = 14 : i64} {
  func.func @_sc_degree(%arg0: i32, %arg1: i32, %arg2: memref<6400x125xi32, #tpu.memory_space<hbm>>, %arg3: memref<125x1xf32, #tpu.memory_space<hbm>>, %arg4: memref<3128x1xf32, #tpu.memory_space<hbm>>, %arg5: memref<2x50048x1xf32, #tpu.memory_space<hbm>>, %arg6: memref<200x125xi32, #tpu.memory_space<vmem>>, %arg7: memref<125x1xf32, #tpu.memory_space<vmem>>, %arg8: memref<50048x1xf32, #tpu.memory_space<vmem_shared>>, %arg9: memref<!tpu.dma_semaphore, #tpu.memory_space<semaphore_mem>>, %arg10: memref<!tpu.dma_semaphore, #tpu.memory_space<semaphore_mem>>) attributes {dimension_semantics = [#tpu.dimension_semantics<core_parallel>, #tpu.dimension_semantics<subcore_parallel>], iteration_bounds = array<i64: 2, 16>, scalar_prefetch = 0 : i64, scratch_operands = 5 : i64, tpu.core_type = #tpu.core_type<sc_vector_subcore>, window_params = [{transform_indices = #map}, {transform_indices = #map}, {transform_indices = #map}, {transform_indices = #map1}]} {
    %mul3A = arith.constant 2 : i32
    %mul3A_0 = arith.muli %arg1, %mul3A : i32
    %add3A = arith.addi %mul3A_0, %arg0 : i32
    %mul3A_1 = arith.constant 3128 : i32
    %mul3A_2 = arith.muli %arg1, %mul3A_1 : i32
    %mul3A_3 = arith.constant 200 : i32
    %mul3A_4 = arith.muli %add3A, %mul3A_3 : i32
    %dma_start3A = arith.constant 0 : i32
    %dma_start3A_5 = tpu.memref_slice %arg2[%mul3A_4, %dma_start3A] : memref<6400x125xi32, #tpu.memory_space<hbm>> -> memref<200x125xi32, #tpu.memory_space<hbm>>
    %dma_start3A_6 = arith.constant 0 : i32
    %dma_start3A_7 = tpu.memref_slice %arg2[%mul3A_4, %dma_start3A_6] : memref<6400x125xi32, #tpu.memory_space<hbm>> -> memref<200x125xi32, #tpu.memory_space<hbm>>
    tpu.enqueue_dma source(%dma_start3A_7 : memref<200x125xi32, #tpu.memory_space<hbm>>) target(%arg6 : memref<200x125xi32, #tpu.memory_space<vmem>>) target_semaphore(%arg9 : memref<!tpu.dma_semaphore, #tpu.memory_space<semaphore_mem>>)
    "tpu.region"() ({
      %run_scoped3A = tpu.sem_alloc : memref<!tpu.dma_semaphore, #tpu.memory_space<semaphore_mem>>
      tpu.enqueue_dma source(%arg3 : memref<125x1xf32, #tpu.memory_space<hbm>>) target(%arg7 : memref<125x1xf32, #tpu.memory_space<vmem>>) target_semaphore(%run_scoped3A : memref<!tpu.dma_semaphore, #tpu.memory_space<semaphore_mem>>)
      tpu.wait_dma2 semaphore(%run_scoped3A : memref<!tpu.dma_semaphore, #tpu.memory_space<semaphore_mem>>) src(%arg3 : memref<125x1xf32, #tpu.memory_space<hbm>>) dst(%arg7 : memref<125x1xf32, #tpu.memory_space<vmem>>)
      tpu.yield
    }) : () -> ()
    "tpu.region"() ({
      %run_scoped3A = tpu.sem_alloc : memref<!tpu.dma_semaphore, #tpu.memory_space<semaphore_mem>>
      %dma_start3A_20 = arith.constant 0 : i32
      %dma_start3A_21 = tpu.memref_slice %arg8[%mul3A_2, %dma_start3A_20] : memref<50048x1xf32, #tpu.memory_space<vmem_shared>> -> memref<3128x1xf32, #tpu.memory_space<vmem_shared>>
      tpu.enqueue_dma source(%arg4 : memref<3128x1xf32, #tpu.memory_space<hbm>>) target(%dma_start3A_21 : memref<3128x1xf32, #tpu.memory_space<vmem_shared>>) target_semaphore(%run_scoped3A : memref<!tpu.dma_semaphore, #tpu.memory_space<semaphore_mem>>)
      %dma_wait3A_22 = arith.constant 0 : i32
      %dma_wait3A_23 = tpu.memref_slice %arg8[%mul3A_2, %dma_wait3A_22] : memref<50048x1xf32, #tpu.memory_space<vmem_shared>> -> memref<3128x1xf32, #tpu.memory_space<vmem_shared>>
      tpu.wait_dma2 semaphore(%run_scoped3A : memref<!tpu.dma_semaphore, #tpu.memory_space<semaphore_mem>>) src(%arg4 : memref<3128x1xf32, #tpu.memory_space<hbm>>) dst(%dma_wait3A_23 : memref<3128x1xf32, #tpu.memory_space<vmem_shared>>)
      tpu.yield
    }) : () -> ()
    %mul3A_8 = arith.constant 200 : i32
    %mul3A_9 = arith.muli %add3A, %mul3A_8 : i32
    %dma_wait3A = arith.constant 0 : i32
    %dma_wait3A_10 = tpu.memref_slice %arg2[%mul3A_9, %dma_wait3A] : memref<6400x125xi32, #tpu.memory_space<hbm>> -> memref<200x125xi32, #tpu.memory_space<hbm>>
    %dma_wait3A_11 = arith.constant 0 : i32
    %dma_wait3A_12 = tpu.memref_slice %arg2[%mul3A_9, %dma_wait3A_11] : memref<6400x125xi32, #tpu.memory_space<hbm>> -> memref<200x125xi32, #tpu.memory_space<hbm>>
    tpu.wait_dma2 semaphore(%arg9 : memref<!tpu.dma_semaphore, #tpu.memory_space<semaphore_mem>>) src(%dma_wait3A_12 : memref<200x125xi32, #tpu.memory_space<hbm>>) dst(%arg6 : memref<200x125xi32, #tpu.memory_space<vmem>>)
    %barrier3A = arith.constant 0 : index
    tpu.barrier barrier_id(%barrier3A)
    %scan3A = arith.constant 0 : i32
    %scan3A_13 = arith.constant 0 : i32
    %scan3A_14 = arith.constant 25 : i32
    %scan3A_15 = arith.addi %scan3A_13, %scan3A_14 : i32
    %scan3A_16 = arith.constant 1 : i32
    %scan3A_17 = scf.for %scan3A_20 = %scan3A_13 to %scan3A_15 step %scan3A_16 iter_args(%scan3A_21 = %scan3A) -> (i32)  : i32 {
      %mul3A_22 = arith.constant 8 : i32
      %mul3A_23 = arith.muli %scan3A_20, %mul3A_22 : i32
      %add3A_24 = arith.constant 0 : i32
      %add3A_25 = arith.addi %mul3A_23, %add3A_24 : i32
      %dma_start3A_26 = arith.constant 0 : i32
      %dma_start3A_27 = tpu.memref_slice %arg6[%add3A_25, %dma_start3A_26] : memref<200x125xi32, #tpu.memory_space<vmem>> -> memref<1x125xi32, #tpu.memory_space<vmem>>
      %dma_start3A_28 = tpu.memref_squeeze %dma_start3A_27 : memref<1x125xi32, #tpu.memory_space<vmem>> -> memref<125xi32, #tpu.memory_space<vmem>>
      %dma_start3A_29 = arith.constant 0 : i32
      %dma_start3A_30 = arith.constant 0 : i32
      %dma_start3A_31 = tpu.memref_slice %arg8[%dma_start3A_29, %dma_start3A_30] : memref<50048x1xf32, #tpu.memory_space<vmem_shared>> -> memref<50048x1xf32, #tpu.memory_space<vmem_shared>>
      tpu.enqueue_indirect_dma source(%arg7 : memref<125x1xf32, #tpu.memory_space<vmem>>) target(%dma_start3A_31 : memref<50048x1xf32, #tpu.memory_space<vmem_shared>>) offsets(%dma_start3A_28 : memref<125xi32, #tpu.memory_space<vmem>>) semaphore(%arg10 : memref<!tpu.dma_semaphore, #tpu.memory_space<semaphore_mem>>) {add = true}
      %mul3A_32 = arith.constant 8 : i32
      %mul3A_33 = arith.muli %scan3A_20, %mul3A_32 : i32
      %add3A_34 = arith.constant 1 : i32
      %add3A_35 = arith.addi %mul3A_33, %add3A_34 : i32
      %dma_start3A_36 = arith.constant 0 : i32
      %dma_start3A_37 = tpu.memref_slice %arg6[%add3A_35, %dma_start3A_36] : memref<200x125xi32, #tpu.memory_space<vmem>> -> memref<1x125xi32, #tpu.memory_space<vmem>>
      %dma_start3A_38 = tpu.memref_squeeze %dma_start3A_37 : memref<1x125xi32, #tpu.memory_space<vmem>> -> memref<125xi32, #tpu.memory_space<vmem>>
      %dma_start3A_39 = arith.constant 0 : i32
      %dma_start3A_40 = arith.constant 0 : i32
      %dma_start3A_41 = tpu.memref_slice %arg8[%dma_start3A_39, %dma_start3A_40] : memref<50048x1xf32, #tpu.memory_space<vmem_shared>> -> memref<50048x1xf32, #tpu.memory_space<vmem_shared>>
      tpu.enqueue_indirect_dma source(%arg7 : memref<125x1xf32, #tpu.memory_space<vmem>>) target(%dma_start3A_41 : memref<50048x1xf32, #tpu.memory_space<vmem_shared>>) offsets(%dma_start3A_38 : memref<125xi32, #tpu.memory_space<vmem>>) semaphore(%arg10 : memref<!tpu.dma_semaphore, #tpu.memory_space<semaphore_mem>>) {add = true}
      %mul3A_42 = arith.constant 8 : i32
      %mul3A_43 = arith.muli %scan3A_20, %mul3A_42 : i32
      %add3A_44 = arith.constant 2 : i32
      %add3A_45 = arith.addi %mul3A_43, %add3A_44 : i32
      %dma_start3A_46 = arith.constant 0 : i32
      %dma_start3A_47 = tpu.memref_slice %arg6[%add3A_45, %dma_start3A_46] : memref<200x125xi32, #tpu.memory_space<vmem>> -> memref<1x125xi32, #tpu.memory_space<vmem>>
      %dma_start3A_48 = tpu.memref_squeeze %dma_start3A_47 : memref<1x125xi32, #tpu.memory_space<vmem>> -> memref<125xi32, #tpu.memory_space<vmem>>
      %dma_start3A_49 = arith.constant 0 : i32
      %dma_start3A_50 = arith.constant 0 : i32
      %dma_start3A_51 = tpu.memref_slice %arg8[%dma_start3A_49, %dma_start3A_50] : memref<50048x1xf32, #tpu.memory_space<vmem_shared>> -> memref<50048x1xf32, #tpu.memory_space<vmem_shared>>
      tpu.enqueue_indirect_dma source(%arg7 : memref<125x1xf32, #tpu.memory_space<vmem>>) target(%dma_start3A_51 : memref<50048x1xf32, #tpu.memory_space<vmem_shared>>) offsets(%dma_start3A_48 : memref<125xi32, #tpu.memory_space<vmem>>) semaphore(%arg10 : memref<!tpu.dma_semaphore, #tpu.memory_space<semaphore_mem>>) {add = true}
      %mul3A_52 = arith.constant 8 : i32
      %mul3A_53 = arith.muli %scan3A_20, %mul3A_52 : i32
      %add3A_54 = arith.constant 3 : i32
      %add3A_55 = arith.addi %mul3A_53, %add3A_54 : i32
      %dma_start3A_56 = arith.constant 0 : i32
      %dma_start3A_57 = tpu.memref_slice %arg6[%add3A_55, %dma_start3A_56] : memref<200x125xi32, #tpu.memory_space<vmem>> -> memref<1x125xi32, #tpu.memory_space<vmem>>
      %dma_start3A_58 = tpu.memref_squeeze %dma_start3A_57 : memref<1x125xi32, #tpu.memory_space<vmem>> -> memref<125xi32, #tpu.memory_space<vmem>>
      %dma_start3A_59 = arith.constant 0 : i32
      %dma_start3A_60 = arith.constant 0 : i32
      %dma_start3A_61 = tpu.memref_slice %arg8[%dma_start3A_59, %dma_start3A_60] : memref<50048x1xf32, #tpu.memory_space<vmem_shared>> -> memref<50048x1xf32, #tpu.memory_space<vmem_shared>>
      tpu.enqueue_indirect_dma source(%arg7 : memref<125x1xf32, #tpu.memory_space<vmem>>) target(%dma_start3A_61 : memref<50048x1xf32, #tpu.memory_space<vmem_shared>>) offsets(%dma_start3A_58 : memref<125xi32, #tpu.memory_space<vmem>>) semaphore(%arg10 : memref<!tpu.dma_semaphore, #tpu.memory_space<semaphore_mem>>) {add = true}
      %mul3A_62 = arith.constant 8 : i32
      %mul3A_63 = arith.muli %scan3A_20, %mul3A_62 : i32
      %add3A_64 = arith.constant 4 : i32
      %add3A_65 = arith.addi %mul3A_63, %add3A_64 : i32
      %dma_start3A_66 = arith.constant 0 : i32
      %dma_start3A_67 = tpu.memref_slice %arg6[%add3A_65, %dma_start3A_66] : memref<200x125xi32, #tpu.memory_space<vmem>> -> memref<1x125xi32, #tpu.memory_space<vmem>>
      %dma_start3A_68 = tpu.memref_squeeze %dma_start3A_67 : memref<1x125xi32, #tpu.memory_space<vmem>> -> memref<125xi32, #tpu.memory_space<vmem>>
      %dma_start3A_69 = arith.constant 0 : i32
      %dma_start3A_70 = arith.constant 0 : i32
      %dma_start3A_71 = tpu.memref_slice %arg8[%dma_start3A_69, %dma_start3A_70] : memref<50048x1xf32, #tpu.memory_space<vmem_shared>> -> memref<50048x1xf32, #tpu.memory_space<vmem_shared>>
      tpu.enqueue_indirect_dma source(%arg7 : memref<125x1xf32, #tpu.memory_space<vmem>>) target(%dma_start3A_71 : memref<50048x1xf32, #tpu.memory_space<vmem_shared>>) offsets(%dma_start3A_68 : memref<125xi32, #tpu.memory_space<vmem>>) semaphore(%arg10 : memref<!tpu.dma_semaphore, #tpu.memory_space<semaphore_mem>>) {add = true}
      %mul3A_72 = arith.constant 8 : i32
      %mul3A_73 = arith.muli %scan3A_20, %mul3A_72 : i32
      %add3A_74 = arith.constant 5 : i32
      %add3A_75 = arith.addi %mul3A_73, %add3A_74 : i32
      %dma_start3A_76 = arith.constant 0 : i32
      %dma_start3A_77 = tpu.memref_slice %arg6[%add3A_75, %dma_start3A_76] : memref<200x125xi32, #tpu.memory_space<vmem>> -> memref<1x125xi32, #tpu.memory_space<vmem>>
      %dma_start3A_78 = tpu.memref_squeeze %dma_start3A_77 : memref<1x125xi32, #tpu.memory_space<vmem>> -> memref<125xi32, #tpu.memory_space<vmem>>
      %dma_start3A_79 = arith.constant 0 : i32
      %dma_start3A_80 = arith.constant 0 : i32
      %dma_start3A_81 = tpu.memref_slice %arg8[%dma_start3A_79, %dma_start3A_80] : memref<50048x1xf32, #tpu.memory_space<vmem_shared>> -> memref<50048x1xf32, #tpu.memory_space<vmem_shared>>
      tpu.enqueue_indirect_dma source(%arg7 : memref<125x1xf32, #tpu.memory_space<vmem>>) target(%dma_start3A_81 : memref<50048x1xf32, #tpu.memory_space<vmem_shared>>) offsets(%dma_start3A_78 : memref<125xi32, #tpu.memory_space<vmem>>) semaphore(%arg10 : memref<!tpu.dma_semaphore, #tpu.memory_space<semaphore_mem>>) {add = true}
      %mul3A_82 = arith.constant 8 : i32
      %mul3A_83 = arith.muli %scan3A_20, %mul3A_82 : i32
      %add3A_84 = arith.constant 6 : i32
      %add3A_85 = arith.addi %mul3A_83, %add3A_84 : i32
      %dma_start3A_86 = arith.constant 0 : i32
      %dma_start3A_87 = tpu.memref_slice %arg6[%add3A_85, %dma_start3A_86] : memref<200x125xi32, #tpu.memory_space<vmem>> -> memref<1x125xi32, #tpu.memory_space<vmem>>
      %dma_start3A_88 = tpu.memref_squeeze %dma_start3A_87 : memref<1x125xi32, #tpu.memory_space<vmem>> -> memref<125xi32, #tpu.memory_space<vmem>>
      %dma_start3A_89 = arith.constant 0 : i32
      %dma_start3A_90 = arith.constant 0 : i32
      %dma_start3A_91 = tpu.memref_slice %arg8[%dma_start3A_89, %dma_start3A_90] : memref<50048x1xf32, #tpu.memory_space<vmem_shared>> -> memref<50048x1xf32, #tpu.memory_space<vmem_shared>>
      tpu.enqueue_indirect_dma source(%arg7 : memref<125x1xf32, #tpu.memory_space<vmem>>) target(%dma_start3A_91 : memref<50048x1xf32, #tpu.memory_space<vmem_shared>>) offsets(%dma_start3A_88 : memref<125xi32, #tpu.memory_space<vmem>>) semaphore(%arg10 : memref<!tpu.dma_semaphore, #tpu.memory_space<semaphore_mem>>) {add = true}
      %mul3A_92 = arith.constant 8 : i32
      %mul3A_93 = arith.muli %scan3A_20, %mul3A_92 : i32
      %add3A_94 = arith.constant 7 : i32
      %add3A_95 = arith.addi %mul3A_93, %add3A_94 : i32
      %dma_start3A_96 = arith.constant 0 : i32
      %dma_start3A_97 = tpu.memref_slice %arg6[%add3A_95, %dma_start3A_96] : memref<200x125xi32, #tpu.memory_space<vmem>> -> memref<1x125xi32, #tpu.memory_space<vmem>>
      %dma_start3A_98 = tpu.memref_squeeze %dma_start3A_97 : memref<1x125xi32, #tpu.memory_space<vmem>> -> memref<125xi32, #tpu.memory_space<vmem>>
      %dma_start3A_99 = arith.constant 0 : i32
      %dma_start3A_100 = arith.constant 0 : i32
      %dma_start3A_101 = tpu.memref_slice %arg8[%dma_start3A_99, %dma_start3A_100] : memref<50048x1xf32, #tpu.memory_space<vmem_shared>> -> memref<50048x1xf32, #tpu.memory_space<vmem_shared>>
      tpu.enqueue_indirect_dma source(%arg7 : memref<125x1xf32, #tpu.memory_space<vmem>>) target(%dma_start3A_101 : memref<50048x1xf32, #tpu.memory_space<vmem_shared>>) offsets(%dma_start3A_98 : memref<125xi32, #tpu.memory_space<vmem>>) semaphore(%arg10 : memref<!tpu.dma_semaphore, #tpu.memory_space<semaphore_mem>>) {add = true}
      %mul3A_102 = arith.constant 8 : i32
      %mul3A_103 = arith.muli %scan3A_20, %mul3A_102 : i32
      %add3A_104 = arith.constant 0 : i32
      %add3A_105 = arith.addi %mul3A_103, %add3A_104 : i32
      %dma_wait3A_106 = arith.constant 0 : i32
      %dma_wait3A_107 = tpu.memref_slice %arg6[%add3A_105, %dma_wait3A_106] : memref<200x125xi32, #tpu.memory_space<vmem>> -> memref<1x125xi32, #tpu.memory_space<vmem>>
      %dma_wait3A_108 = tpu.memref_squeeze %dma_wait3A_107 : memref<1x125xi32, #tpu.memory_space<vmem>> -> memref<125xi32, #tpu.memory_space<vmem>>
      %dma_wait3A_109 = arith.constant 0 : i32
      %dma_wait3A_110 = arith.constant 0 : i32
      %dma_wait3A_111 = tpu.memref_slice %arg8[%dma_wait3A_109, %dma_wait3A_110] : memref<50048x1xf32, #tpu.memory_space<vmem_shared>> -> memref<50048x1xf32, #tpu.memory_space<vmem_shared>>
      tpu.wait_indirect_dma semaphore(%arg10 : memref<!tpu.dma_semaphore, #tpu.memory_space<semaphore_mem>>) src(%arg7 : memref<125x1xf32, #tpu.memory_space<vmem>>) dst(%dma_wait3A_111 : memref<50048x1xf32, #tpu.memory_space<vmem_shared>>)
      %mul3A_112 = arith.constant 8 : i32
      %mul3A_113 = arith.muli %scan3A_20, %mul3A_112 : i32
      %add3A_114 = arith.constant 1 : i32
      %add3A_115 = arith.addi %mul3A_113, %add3A_114 : i32
      %dma_wait3A_116 = arith.constant 0 : i32
      %dma_wait3A_117 = tpu.memref_slice %arg6[%add3A_115, %dma_wait3A_116] : memref<200x125xi32, #tpu.memory_space<vmem>> -> memref<1x125xi32, #tpu.memory_space<vmem>>
      %dma_wait3A_118 = tpu.memref_squeeze %dma_wait3A_117 : memref<1x125xi32, #tpu.memory_space<vmem>> -> memref<125xi32, #tpu.memory_space<vmem>>
      %dma_wait3A_119 = arith.constant 0 : i32
      %dma_wait3A_120 = arith.constant 0 : i32
      %dma_wait3A_121 = tpu.memref_slice %arg8[%dma_wait3A_119, %dma_wait3A_120] : memref<50048x1xf32, #tpu.memory_space<vmem_shared>> -> memref<50048x1xf32, #tpu.memory_space<vmem_shared>>
      tpu.wait_indirect_dma semaphore(%arg10 : memref<!tpu.dma_semaphore, #tpu.memory_space<semaphore_mem>>) src(%arg7 : memref<125x1xf32, #tpu.memory_space<vmem>>) dst(%dma_wait3A_121 : memref<50048x1xf32, #tpu.memory_space<vmem_shared>>)
      %mul3A_122 = arith.constant 8 : i32
      %mul3A_123 = arith.muli %scan3A_20, %mul3A_122 : i32
      %add3A_124 = arith.constant 2 : i32
      %add3A_125 = arith.addi %mul3A_123, %add3A_124 : i32
      %dma_wait3A_126 = arith.constant 0 : i32
      %dma_wait3A_127 = tpu.memref_slice %arg6[%add3A_125, %dma_wait3A_126] : memref<200x125xi32, #tpu.memory_space<vmem>> -> memref<1x125xi32, #tpu.memory_space<vmem>>
      %dma_wait3A_128 = tpu.memref_squeeze %dma_wait3A_127 : memref<1x125xi32, #tpu.memory_space<vmem>> -> memref<125xi32, #tpu.memory_space<vmem>>
      %dma_wait3A_129 = arith.constant 0 : i32
      %dma_wait3A_130 = arith.constant 0 : i32
      %dma_wait3A_131 = tpu.memref_slice %arg8[%dma_wait3A_129, %dma_wait3A_130] : memref<50048x1xf32, #tpu.memory_space<vmem_shared>> -> memref<50048x1xf32, #tpu.memory_space<vmem_shared>>
      tpu.wait_indirect_dma semaphore(%arg10 : memref<!tpu.dma_semaphore, #tpu.memory_space<semaphore_mem>>) src(%arg7 : memref<125x1xf32, #tpu.memory_space<vmem>>) dst(%dma_wait3A_131 : memref<50048x1xf32, #tpu.memory_space<vmem_shared>>)
      %mul3A_132 = arith.constant 8 : i32
      %mul3A_133 = arith.muli %scan3A_20, %mul3A_132 : i32
      %add3A_134 = arith.constant 3 : i32
      %add3A_135 = arith.addi %mul3A_133, %add3A_134 : i32
      %dma_wait3A_136 = arith.constant 0 : i32
      %dma_wait3A_137 = tpu.memref_slice %arg6[%add3A_135, %dma_wait3A_136] : memref<200x125xi32, #tpu.memory_space<vmem>> -> memref<1x125xi32, #tpu.memory_space<vmem>>
      %dma_wait3A_138 = tpu.memref_squeeze %dma_wait3A_137 : memref<1x125xi32, #tpu.memory_space<vmem>> -> memref<125xi32, #tpu.memory_space<vmem>>
      %dma_wait3A_139 = arith.constant 0 : i32
      %dma_wait3A_140 = arith.constant 0 : i32
      %dma_wait3A_141 = tpu.memref_slice %arg8[%dma_wait3A_139, %dma_wait3A_140] : memref<50048x1xf32, #tpu.memory_space<vmem_shared>> -> memref<50048x1xf32, #tpu.memory_space<vmem_shared>>
      tpu.wait_indirect_dma semaphore(%arg10 : memref<!tpu.dma_semaphore, #tpu.memory_space<semaphore_mem>>) src(%arg7 : memref<125x1xf32, #tpu.memory_space<vmem>>) dst(%dma_wait3A_141 : memref<50048x1xf32, #tpu.memory_space<vmem_shared>>)
      %mul3A_142 = arith.constant 8 : i32
      %mul3A_143 = arith.muli %scan3A_20, %mul3A_142 : i32
      %add3A_144 = arith.constant 4 : i32
      %add3A_145 = arith.addi %mul3A_143, %add3A_144 : i32
      %dma_wait3A_146 = arith.constant 0 : i32
      %dma_wait3A_147 = tpu.memref_slice %arg6[%add3A_145, %dma_wait3A_146] : memref<200x125xi32, #tpu.memory_space<vmem>> -> memref<1x125xi32, #tpu.memory_space<vmem>>
      %dma_wait3A_148 = tpu.memref_squeeze %dma_wait3A_147 : memref<1x125xi32, #tpu.memory_space<vmem>> -> memref<125xi32, #tpu.memory_space<vmem>>
      %dma_wait3A_149 = arith.constant 0 : i32
      %dma_wait3A_150 = arith.constant 0 : i32
      %dma_wait3A_151 = tpu.memref_slice %arg8[%dma_wait3A_149, %dma_wait3A_150] : memref<50048x1xf32, #tpu.memory_space<vmem_shared>> -> memref<50048x1xf32, #tpu.memory_space<vmem_shared>>
      tpu.wait_indirect_dma semaphore(%arg10 : memref<!tpu.dma_semaphore, #tpu.memory_space<semaphore_mem>>) src(%arg7 : memref<125x1xf32, #tpu.memory_space<vmem>>) dst(%dma_wait3A_151 : memref<50048x1xf32, #tpu.memory_space<vmem_shared>>)
      %mul3A_152 = arith.constant 8 : i32
      %mul3A_153 = arith.muli %scan3A_20, %mul3A_152 : i32
      %add3A_154 = arith.constant 5 : i32
      %add3A_155 = arith.addi %mul3A_153, %add3A_154 : i32
      %dma_wait3A_156 = arith.constant 0 : i32
      %dma_wait3A_157 = tpu.memref_slice %arg6[%add3A_155, %dma_wait3A_156] : memref<200x125xi32, #tpu.memory_space<vmem>> -> memref<1x125xi32, #tpu.memory_space<vmem>>
      %dma_wait3A_158 = tpu.memref_squeeze %dma_wait3A_157 : memref<1x125xi32, #tpu.memory_space<vmem>> -> memref<125xi32, #tpu.memory_space<vmem>>
      %dma_wait3A_159 = arith.constant 0 : i32
      %dma_wait3A_160 = arith.constant 0 : i32
      %dma_wait3A_161 = tpu.memref_slice %arg8[%dma_wait3A_159, %dma_wait3A_160] : memref<50048x1xf32, #tpu.memory_space<vmem_shared>> -> memref<50048x1xf32, #tpu.memory_space<vmem_shared>>
      tpu.wait_indirect_dma semaphore(%arg10 : memref<!tpu.dma_semaphore, #tpu.memory_space<semaphore_mem>>) src(%arg7 : memref<125x1xf32, #tpu.memory_space<vmem>>) dst(%dma_wait3A_161 : memref<50048x1xf32, #tpu.memory_space<vmem_shared>>)
      %mul3A_162 = arith.constant 8 : i32
      %mul3A_163 = arith.muli %scan3A_20, %mul3A_162 : i32
      %add3A_164 = arith.constant 6 : i32
      %add3A_165 = arith.addi %mul3A_163, %add3A_164 : i32
      %dma_wait3A_166 = arith.constant 0 : i32
      %dma_wait3A_167 = tpu.memref_slice %arg6[%add3A_165, %dma_wait3A_166] : memref<200x125xi32, #tpu.memory_space<vmem>> -> memref<1x125xi32, #tpu.memory_space<vmem>>
      %dma_wait3A_168 = tpu.memref_squeeze %dma_wait3A_167 : memref<1x125xi32, #tpu.memory_space<vmem>> -> memref<125xi32, #tpu.memory_space<vmem>>
      %dma_wait3A_169 = arith.constant 0 : i32
      %dma_wait3A_170 = arith.constant 0 : i32
      %dma_wait3A_171 = tpu.memref_slice %arg8[%dma_wait3A_169, %dma_wait3A_170] : memref<50048x1xf32, #tpu.memory_space<vmem_shared>> -> memref<50048x1xf32, #tpu.memory_space<vmem_shared>>
      tpu.wait_indirect_dma semaphore(%arg10 : memref<!tpu.dma_semaphore, #tpu.memory_space<semaphore_mem>>) src(%arg7 : memref<125x1xf32, #tpu.memory_space<vmem>>) dst(%dma_wait3A_171 : memref<50048x1xf32, #tpu.memory_space<vmem_shared>>)
      %mul3A_172 = arith.constant 8 : i32
      %mul3A_173 = arith.muli %scan3A_20, %mul3A_172 : i32
      %add3A_174 = arith.constant 7 : i32
      %add3A_175 = arith.addi %mul3A_173, %add3A_174 : i32
      %dma_wait3A_176 = arith.constant 0 : i32
      %dma_wait3A_177 = tpu.memref_slice %arg6[%add3A_175, %dma_wait3A_176] : memref<200x125xi32, #tpu.memory_space<vmem>> -> memref<1x125xi32, #tpu.memory_space<vmem>>
      %dma_wait3A_178 = tpu.memref_squeeze %dma_wait3A_177 : memref<1x125xi32, #tpu.memory_space<vmem>> -> memref<125xi32, #tpu.memory_space<vmem>>
      %dma_wait3A_179 = arith.constant 0 : i32
      %dma_wait3A_180 = arith.constant 0 : i32
      %dma_wait3A_181 = tpu.memref_slice %arg8[%dma_wait3A_179, %dma_wait3A_180] : memref<50048x1xf32, #tpu.memory_space<vmem_shared>> -> memref<50048x1xf32, #tpu.memory_space<vmem_shared>>
      tpu.wait_indirect_dma semaphore(%arg10 : memref<!tpu.dma_semaphore, #tpu.memory_space<semaphore_mem>>) src(%arg7 : memref<125x1xf32, #tpu.memory_space<vmem>>) dst(%dma_wait3A_181 : memref<50048x1xf32, #tpu.memory_space<vmem_shared>>)
      %scan3A_182 = arith.constant 0 : i32
      scf.yield %scan3A_182 : i32
    }
    %scan3A_18 = arith.constant 25 : i32
    %barrier3A_19 = arith.constant 0 : index
    tpu.barrier barrier_id(%barrier3A_19)
    "tpu.region"() ({
      %run_scoped3A = tpu.sem_alloc : memref<!tpu.dma_semaphore, #tpu.memory_space<semaphore_mem>>
      %dma_start3A_20 = arith.constant 0 : i32
      %dma_start3A_21 = tpu.memref_slice %arg5[%arg0, %mul3A_2, %dma_start3A_20] : memref<2x50048x1xf32, #tpu.memory_space<hbm>> -> memref<1x3128x1xf32, #tpu.memory_space<hbm>>
      %dma_start3A_22 = tpu.memref_squeeze %dma_start3A_21 : memref<1x3128x1xf32, #tpu.memory_space<hbm>> -> memref<3128x1xf32, #tpu.memory_space<hbm>>
      %dma_start3A_23 = arith.constant 0 : i32
      %dma_start3A_24 = tpu.memref_slice %arg8[%mul3A_2, %dma_start3A_23] : memref<50048x1xf32, #tpu.memory_space<vmem_shared>> -> memref<3128x1xf32, #tpu.memory_space<vmem_shared>>
      tpu.enqueue_dma source(%dma_start3A_24 : memref<3128x1xf32, #tpu.memory_space<vmem_shared>>) target(%dma_start3A_22 : memref<3128x1xf32, #tpu.memory_space<hbm>>) target_semaphore(%run_scoped3A : memref<!tpu.dma_semaphore, #tpu.memory_space<semaphore_mem>>)
      %dma_wait3A_25 = arith.constant 0 : i32
      %dma_wait3A_26 = tpu.memref_slice %arg5[%arg0, %mul3A_2, %dma_wait3A_25] : memref<2x50048x1xf32, #tpu.memory_space<hbm>> -> memref<1x3128x1xf32, #tpu.memory_space<hbm>>
      %dma_wait3A_27 = tpu.memref_squeeze %dma_wait3A_26 : memref<1x3128x1xf32, #tpu.memory_space<hbm>> -> memref<3128x1xf32, #tpu.memory_space<hbm>>
      %dma_wait3A_28 = arith.constant 0 : i32
      %dma_wait3A_29 = tpu.memref_slice %arg8[%mul3A_2, %dma_wait3A_28] : memref<50048x1xf32, #tpu.memory_space<vmem_shared>> -> memref<3128x1xf32, #tpu.memory_space<vmem_shared>>
      tpu.wait_dma2 semaphore(%run_scoped3A : memref<!tpu.dma_semaphore, #tpu.memory_space<semaphore_mem>>) src(%dma_wait3A_29 : memref<3128x1xf32, #tpu.memory_space<vmem_shared>>) dst(%dma_wait3A_27 : memref<3128x1xf32, #tpu.memory_space<hbm>>)
      tpu.yield
    }) : () -> ()
    return
  }
}

#map = affine_map<(d0, d1) -> (0, 0)>
#map1 = affine_map<(d0, d1) -> (0, 0, 0)>
module attributes {stable_mosaic.version = 14 : i64} {
  func.func @_sc_propagate(%arg0: i32, %arg1: i32, %arg2: memref<50000x16xf32, #tpu.memory_space<hbm>>, %arg3: memref<6400x125xi32, #tpu.memory_space<hbm>>, %arg4: memref<6400x125xi32, #tpu.memory_space<hbm>>, %arg5: memref<3128x16xf32, #tpu.memory_space<hbm>>, %arg6: memref<2x50048x16xf32, #tpu.memory_space<hbm>>, %arg7: memref<200x125xi32, #tpu.memory_space<vmem>>, %arg8: memref<200x125xi32, #tpu.memory_space<vmem>>, %arg9: memref<8x125x16xf32, #tpu.memory_space<vmem>>, %arg10: memref<50048x16xf32, #tpu.memory_space<vmem_shared>>, %arg11: memref<!tpu.dma_semaphore, #tpu.memory_space<semaphore_mem>>, %arg12: memref<!tpu.dma_semaphore, #tpu.memory_space<semaphore_mem>>, %arg13: memref<!tpu.dma_semaphore, #tpu.memory_space<semaphore_mem>>) attributes {dimension_semantics = [#tpu.dimension_semantics<core_parallel>, #tpu.dimension_semantics<subcore_parallel>], iteration_bounds = array<i64: 2, 16>, scalar_prefetch = 0 : i64, scratch_operands = 7 : i64, tpu.core_type = #tpu.core_type<sc_vector_subcore>, window_params = [{transform_indices = #map}, {transform_indices = #map}, {transform_indices = #map}, {transform_indices = #map}, {transform_indices = #map1}]} {
    %mul3A = arith.constant 2 : i32
    %mul3A_0 = arith.muli %arg1, %mul3A : i32
    %add3A = arith.addi %mul3A_0, %arg0 : i32
    %mul3A_1 = arith.constant 3128 : i32
    %mul3A_2 = arith.muli %arg1, %mul3A_1 : i32
    %mul3A_3 = arith.constant 200 : i32
    %mul3A_4 = arith.muli %add3A, %mul3A_3 : i32
    %dma_start3A = arith.constant 0 : i32
    %dma_start3A_5 = tpu.memref_slice %arg3[%mul3A_4, %dma_start3A] : memref<6400x125xi32, #tpu.memory_space<hbm>> -> memref<200x125xi32, #tpu.memory_space<hbm>>
    %dma_start3A_6 = arith.constant 0 : i32
    %dma_start3A_7 = tpu.memref_slice %arg3[%mul3A_4, %dma_start3A_6] : memref<6400x125xi32, #tpu.memory_space<hbm>> -> memref<200x125xi32, #tpu.memory_space<hbm>>
    tpu.enqueue_dma source(%dma_start3A_7 : memref<200x125xi32, #tpu.memory_space<hbm>>) target(%arg7 : memref<200x125xi32, #tpu.memory_space<vmem>>) target_semaphore(%arg11 : memref<!tpu.dma_semaphore, #tpu.memory_space<semaphore_mem>>)
    %mul3A_8 = arith.constant 200 : i32
    %mul3A_9 = arith.muli %add3A, %mul3A_8 : i32
    %dma_start3A_10 = arith.constant 0 : i32
    %dma_start3A_11 = tpu.memref_slice %arg4[%mul3A_9, %dma_start3A_10] : memref<6400x125xi32, #tpu.memory_space<hbm>> -> memref<200x125xi32, #tpu.memory_space<hbm>>
    %dma_start3A_12 = arith.constant 0 : i32
    %dma_start3A_13 = tpu.memref_slice %arg4[%mul3A_9, %dma_start3A_12] : memref<6400x125xi32, #tpu.memory_space<hbm>> -> memref<200x125xi32, #tpu.memory_space<hbm>>
    tpu.enqueue_dma source(%dma_start3A_13 : memref<200x125xi32, #tpu.memory_space<hbm>>) target(%arg8 : memref<200x125xi32, #tpu.memory_space<vmem>>) target_semaphore(%arg11 : memref<!tpu.dma_semaphore, #tpu.memory_space<semaphore_mem>>)
    "tpu.region"() ({
      %run_scoped3A = tpu.sem_alloc : memref<!tpu.dma_semaphore, #tpu.memory_space<semaphore_mem>>
      %dma_start3A_32 = arith.constant 0 : i32
      %dma_start3A_33 = tpu.memref_slice %arg10[%mul3A_2, %dma_start3A_32] : memref<50048x16xf32, #tpu.memory_space<vmem_shared>> -> memref<3128x16xf32, #tpu.memory_space<vmem_shared>>
      tpu.enqueue_dma source(%arg5 : memref<3128x16xf32, #tpu.memory_space<hbm>>) target(%dma_start3A_33 : memref<3128x16xf32, #tpu.memory_space<vmem_shared>>) target_semaphore(%run_scoped3A : memref<!tpu.dma_semaphore, #tpu.memory_space<semaphore_mem>>)
      %dma_wait3A_34 = arith.constant 0 : i32
      %dma_wait3A_35 = tpu.memref_slice %arg10[%mul3A_2, %dma_wait3A_34] : memref<50048x16xf32, #tpu.memory_space<vmem_shared>> -> memref<3128x16xf32, #tpu.memory_space<vmem_shared>>
      tpu.wait_dma2 semaphore(%run_scoped3A : memref<!tpu.dma_semaphore, #tpu.memory_space<semaphore_mem>>) src(%arg5 : memref<3128x16xf32, #tpu.memory_space<hbm>>) dst(%dma_wait3A_35 : memref<3128x16xf32, #tpu.memory_space<vmem_shared>>)
      tpu.yield
    }) : () -> ()
    %mul3A_14 = arith.constant 200 : i32
    %mul3A_15 = arith.muli %add3A, %mul3A_14 : i32
    %dma_wait3A = arith.constant 0 : i32
    %dma_wait3A_16 = tpu.memref_slice %arg3[%mul3A_15, %dma_wait3A] : memref<6400x125xi32, #tpu.memory_space<hbm>> -> memref<200x125xi32, #tpu.memory_space<hbm>>
    %dma_wait3A_17 = arith.constant 0 : i32
    %dma_wait3A_18 = tpu.memref_slice %arg3[%mul3A_15, %dma_wait3A_17] : memref<6400x125xi32, #tpu.memory_space<hbm>> -> memref<200x125xi32, #tpu.memory_space<hbm>>
    tpu.wait_dma2 semaphore(%arg11 : memref<!tpu.dma_semaphore, #tpu.memory_space<semaphore_mem>>) src(%dma_wait3A_18 : memref<200x125xi32, #tpu.memory_space<hbm>>) dst(%arg7 : memref<200x125xi32, #tpu.memory_space<vmem>>)
    %mul3A_19 = arith.constant 200 : i32
    %mul3A_20 = arith.muli %add3A, %mul3A_19 : i32
    %dma_wait3A_21 = arith.constant 0 : i32
    %dma_wait3A_22 = tpu.memref_slice %arg4[%mul3A_20, %dma_wait3A_21] : memref<6400x125xi32, #tpu.memory_space<hbm>> -> memref<200x125xi32, #tpu.memory_space<hbm>>
    %dma_wait3A_23 = arith.constant 0 : i32
    %dma_wait3A_24 = tpu.memref_slice %arg4[%mul3A_20, %dma_wait3A_23] : memref<6400x125xi32, #tpu.memory_space<hbm>> -> memref<200x125xi32, #tpu.memory_space<hbm>>
    tpu.wait_dma2 semaphore(%arg11 : memref<!tpu.dma_semaphore, #tpu.memory_space<semaphore_mem>>) src(%dma_wait3A_24 : memref<200x125xi32, #tpu.memory_space<hbm>>) dst(%arg8 : memref<200x125xi32, #tpu.memory_space<vmem>>)
    %barrier3A = arith.constant 0 : index
    tpu.barrier barrier_id(%barrier3A)
    %scan3A = arith.constant 0 : i32
    %scan3A_25 = arith.constant 0 : i32
    %scan3A_26 = arith.constant 25 : i32
    %scan3A_27 = arith.addi %scan3A_25, %scan3A_26 : i32
    %scan3A_28 = arith.constant 1 : i32
    %scan3A_29 = scf.for %scan3A_32 = %scan3A_25 to %scan3A_27 step %scan3A_28 iter_args(%scan3A_33 = %scan3A) -> (i32)  : i32 {
      %mul3A_34 = arith.constant 8 : i32
      %mul3A_35 = arith.muli %scan3A_32, %mul3A_34 : i32
      %add3A_36 = arith.constant 0 : i32
      %add3A_37 = arith.addi %mul3A_35, %add3A_36 : i32
      %dma_start3A_38 = arith.constant 0 : i32
      %dma_start3A_39 = arith.constant 0 : i32
      %dma_start3A_40 = arith.constant 0 : i32
      %dma_start3A_41 = tpu.memref_slice %arg9[%dma_start3A_38, %dma_start3A_39, %dma_start3A_40] : memref<8x125x16xf32, #tpu.memory_space<vmem>> -> memref<1x125x16xf32, #tpu.memory_space<vmem>>
      %dma_start3A_42 = tpu.memref_squeeze %dma_start3A_41 : memref<1x125x16xf32, #tpu.memory_space<vmem>> -> memref<125x16xf32, #tpu.memory_space<vmem>>
      %dma_start3A_43 = arith.constant 0 : i32
      %dma_start3A_44 = tpu.memref_slice %arg7[%add3A_37, %dma_start3A_43] : memref<200x125xi32, #tpu.memory_space<vmem>> -> memref<1x125xi32, #tpu.memory_space<vmem>>
      %dma_start3A_45 = tpu.memref_squeeze %dma_start3A_44 : memref<1x125xi32, #tpu.memory_space<vmem>> -> memref<125xi32, #tpu.memory_space<vmem>>
      %dma_start3A_46 = arith.constant 0 : i32
      %dma_start3A_47 = arith.constant 0 : i32
      %dma_start3A_48 = tpu.memref_slice %arg2[%dma_start3A_46, %dma_start3A_47] : memref<50000x16xf32, #tpu.memory_space<hbm>> -> memref<50000x16xf32, #tpu.memory_space<hbm>>
      tpu.enqueue_indirect_dma source(%dma_start3A_48 : memref<50000x16xf32, #tpu.memory_space<hbm>>) target(%dma_start3A_42 : memref<125x16xf32, #tpu.memory_space<vmem>>) offsets(%dma_start3A_45 : memref<125xi32, #tpu.memory_space<vmem>>) semaphore(%arg12 : memref<!tpu.dma_semaphore, #tpu.memory_space<semaphore_mem>>)
      %mul3A_49 = arith.constant 8 : i32
      %mul3A_50 = arith.muli %scan3A_32, %mul3A_49 : i32
      %add3A_51 = arith.constant 1 : i32
      %add3A_52 = arith.addi %mul3A_50, %add3A_51 : i32
      %dma_start3A_53 = arith.constant 1 : i32
      %dma_start3A_54 = arith.constant 0 : i32
      %dma_start3A_55 = arith.constant 0 : i32
      %dma_start3A_56 = tpu.memref_slice %arg9[%dma_start3A_53, %dma_start3A_54, %dma_start3A_55] : memref<8x125x16xf32, #tpu.memory_space<vmem>> -> memref<1x125x16xf32, #tpu.memory_space<vmem>>
      %dma_start3A_57 = tpu.memref_squeeze %dma_start3A_56 : memref<1x125x16xf32, #tpu.memory_space<vmem>> -> memref<125x16xf32, #tpu.memory_space<vmem>>
      %dma_start3A_58 = arith.constant 0 : i32
      %dma_start3A_59 = tpu.memref_slice %arg7[%add3A_52, %dma_start3A_58] : memref<200x125xi32, #tpu.memory_space<vmem>> -> memref<1x125xi32, #tpu.memory_space<vmem>>
      %dma_start3A_60 = tpu.memref_squeeze %dma_start3A_59 : memref<1x125xi32, #tpu.memory_space<vmem>> -> memref<125xi32, #tpu.memory_space<vmem>>
      %dma_start3A_61 = arith.constant 0 : i32
      %dma_start3A_62 = arith.constant 0 : i32
      %dma_start3A_63 = tpu.memref_slice %arg2[%dma_start3A_61, %dma_start3A_62] : memref<50000x16xf32, #tpu.memory_space<hbm>> -> memref<50000x16xf32, #tpu.memory_space<hbm>>
      tpu.enqueue_indirect_dma source(%dma_start3A_63 : memref<50000x16xf32, #tpu.memory_space<hbm>>) target(%dma_start3A_57 : memref<125x16xf32, #tpu.memory_space<vmem>>) offsets(%dma_start3A_60 : memref<125xi32, #tpu.memory_space<vmem>>) semaphore(%arg12 : memref<!tpu.dma_semaphore, #tpu.memory_space<semaphore_mem>>)
      %mul3A_64 = arith.constant 8 : i32
      %mul3A_65 = arith.muli %scan3A_32, %mul3A_64 : i32
      %add3A_66 = arith.constant 2 : i32
      %add3A_67 = arith.addi %mul3A_65, %add3A_66 : i32
      %dma_start3A_68 = arith.constant 2 : i32
      %dma_start3A_69 = arith.constant 0 : i32
      %dma_start3A_70 = arith.constant 0 : i32
      %dma_start3A_71 = tpu.memref_slice %arg9[%dma_start3A_68, %dma_start3A_69, %dma_start3A_70] : memref<8x125x16xf32, #tpu.memory_space<vmem>> -> memref<1x125x16xf32, #tpu.memory_space<vmem>>
      %dma_start3A_72 = tpu.memref_squeeze %dma_start3A_71 : memref<1x125x16xf32, #tpu.memory_space<vmem>> -> memref<125x16xf32, #tpu.memory_space<vmem>>
      %dma_start3A_73 = arith.constant 0 : i32
      %dma_start3A_74 = tpu.memref_slice %arg7[%add3A_67, %dma_start3A_73] : memref<200x125xi32, #tpu.memory_space<vmem>> -> memref<1x125xi32, #tpu.memory_space<vmem>>
      %dma_start3A_75 = tpu.memref_squeeze %dma_start3A_74 : memref<1x125xi32, #tpu.memory_space<vmem>> -> memref<125xi32, #tpu.memory_space<vmem>>
      %dma_start3A_76 = arith.constant 0 : i32
      %dma_start3A_77 = arith.constant 0 : i32
      %dma_start3A_78 = tpu.memref_slice %arg2[%dma_start3A_76, %dma_start3A_77] : memref<50000x16xf32, #tpu.memory_space<hbm>> -> memref<50000x16xf32, #tpu.memory_space<hbm>>
      tpu.enqueue_indirect_dma source(%dma_start3A_78 : memref<50000x16xf32, #tpu.memory_space<hbm>>) target(%dma_start3A_72 : memref<125x16xf32, #tpu.memory_space<vmem>>) offsets(%dma_start3A_75 : memref<125xi32, #tpu.memory_space<vmem>>) semaphore(%arg12 : memref<!tpu.dma_semaphore, #tpu.memory_space<semaphore_mem>>)
      %mul3A_79 = arith.constant 8 : i32
      %mul3A_80 = arith.muli %scan3A_32, %mul3A_79 : i32
      %add3A_81 = arith.constant 3 : i32
      %add3A_82 = arith.addi %mul3A_80, %add3A_81 : i32
      %dma_start3A_83 = arith.constant 3 : i32
      %dma_start3A_84 = arith.constant 0 : i32
      %dma_start3A_85 = arith.constant 0 : i32
      %dma_start3A_86 = tpu.memref_slice %arg9[%dma_start3A_83, %dma_start3A_84, %dma_start3A_85] : memref<8x125x16xf32, #tpu.memory_space<vmem>> -> memref<1x125x16xf32, #tpu.memory_space<vmem>>
      %dma_start3A_87 = tpu.memref_squeeze %dma_start3A_86 : memref<1x125x16xf32, #tpu.memory_space<vmem>> -> memref<125x16xf32, #tpu.memory_space<vmem>>
      %dma_start3A_88 = arith.constant 0 : i32
      %dma_start3A_89 = tpu.memref_slice %arg7[%add3A_82, %dma_start3A_88] : memref<200x125xi32, #tpu.memory_space<vmem>> -> memref<1x125xi32, #tpu.memory_space<vmem>>
      %dma_start3A_90 = tpu.memref_squeeze %dma_start3A_89 : memref<1x125xi32, #tpu.memory_space<vmem>> -> memref<125xi32, #tpu.memory_space<vmem>>
      %dma_start3A_91 = arith.constant 0 : i32
      %dma_start3A_92 = arith.constant 0 : i32
      %dma_start3A_93 = tpu.memref_slice %arg2[%dma_start3A_91, %dma_start3A_92] : memref<50000x16xf32, #tpu.memory_space<hbm>> -> memref<50000x16xf32, #tpu.memory_space<hbm>>
      tpu.enqueue_indirect_dma source(%dma_start3A_93 : memref<50000x16xf32, #tpu.memory_space<hbm>>) target(%dma_start3A_87 : memref<125x16xf32, #tpu.memory_space<vmem>>) offsets(%dma_start3A_90 : memref<125xi32, #tpu.memory_space<vmem>>) semaphore(%arg12 : memref<!tpu.dma_semaphore, #tpu.memory_space<semaphore_mem>>)
      %mul3A_94 = arith.constant 8 : i32
      %mul3A_95 = arith.muli %scan3A_32, %mul3A_94 : i32
      %add3A_96 = arith.constant 4 : i32
      %add3A_97 = arith.addi %mul3A_95, %add3A_96 : i32
      %dma_start3A_98 = arith.constant 4 : i32
      %dma_start3A_99 = arith.constant 0 : i32
      %dma_start3A_100 = arith.constant 0 : i32
      %dma_start3A_101 = tpu.memref_slice %arg9[%dma_start3A_98, %dma_start3A_99, %dma_start3A_100] : memref<8x125x16xf32, #tpu.memory_space<vmem>> -> memref<1x125x16xf32, #tpu.memory_space<vmem>>
      %dma_start3A_102 = tpu.memref_squeeze %dma_start3A_101 : memref<1x125x16xf32, #tpu.memory_space<vmem>> -> memref<125x16xf32, #tpu.memory_space<vmem>>
      %dma_start3A_103 = arith.constant 0 : i32
      %dma_start3A_104 = tpu.memref_slice %arg7[%add3A_97, %dma_start3A_103] : memref<200x125xi32, #tpu.memory_space<vmem>> -> memref<1x125xi32, #tpu.memory_space<vmem>>
      %dma_start3A_105 = tpu.memref_squeeze %dma_start3A_104 : memref<1x125xi32, #tpu.memory_space<vmem>> -> memref<125xi32, #tpu.memory_space<vmem>>
      %dma_start3A_106 = arith.constant 0 : i32
      %dma_start3A_107 = arith.constant 0 : i32
      %dma_start3A_108 = tpu.memref_slice %arg2[%dma_start3A_106, %dma_start3A_107] : memref<50000x16xf32, #tpu.memory_space<hbm>> -> memref<50000x16xf32, #tpu.memory_space<hbm>>
      tpu.enqueue_indirect_dma source(%dma_start3A_108 : memref<50000x16xf32, #tpu.memory_space<hbm>>) target(%dma_start3A_102 : memref<125x16xf32, #tpu.memory_space<vmem>>) offsets(%dma_start3A_105 : memref<125xi32, #tpu.memory_space<vmem>>) semaphore(%arg12 : memref<!tpu.dma_semaphore, #tpu.memory_space<semaphore_mem>>)
      %mul3A_109 = arith.constant 8 : i32
      %mul3A_110 = arith.muli %scan3A_32, %mul3A_109 : i32
      %add3A_111 = arith.constant 5 : i32
      %add3A_112 = arith.addi %mul3A_110, %add3A_111 : i32
      %dma_start3A_113 = arith.constant 5 : i32
      %dma_start3A_114 = arith.constant 0 : i32
      %dma_start3A_115 = arith.constant 0 : i32
      %dma_start3A_116 = tpu.memref_slice %arg9[%dma_start3A_113, %dma_start3A_114, %dma_start3A_115] : memref<8x125x16xf32, #tpu.memory_space<vmem>> -> memref<1x125x16xf32, #tpu.memory_space<vmem>>
      %dma_start3A_117 = tpu.memref_squeeze %dma_start3A_116 : memref<1x125x16xf32, #tpu.memory_space<vmem>> -> memref<125x16xf32, #tpu.memory_space<vmem>>
      %dma_start3A_118 = arith.constant 0 : i32
      %dma_start3A_119 = tpu.memref_slice %arg7[%add3A_112, %dma_start3A_118] : memref<200x125xi32, #tpu.memory_space<vmem>> -> memref<1x125xi32, #tpu.memory_space<vmem>>
      %dma_start3A_120 = tpu.memref_squeeze %dma_start3A_119 : memref<1x125xi32, #tpu.memory_space<vmem>> -> memref<125xi32, #tpu.memory_space<vmem>>
      %dma_start3A_121 = arith.constant 0 : i32
      %dma_start3A_122 = arith.constant 0 : i32
      %dma_start3A_123 = tpu.memref_slice %arg2[%dma_start3A_121, %dma_start3A_122] : memref<50000x16xf32, #tpu.memory_space<hbm>> -> memref<50000x16xf32, #tpu.memory_space<hbm>>
      tpu.enqueue_indirect_dma source(%dma_start3A_123 : memref<50000x16xf32, #tpu.memory_space<hbm>>) target(%dma_start3A_117 : memref<125x16xf32, #tpu.memory_space<vmem>>) offsets(%dma_start3A_120 : memref<125xi32, #tpu.memory_space<vmem>>) semaphore(%arg12 : memref<!tpu.dma_semaphore, #tpu.memory_space<semaphore_mem>>)
      %mul3A_124 = arith.constant 8 : i32
      %mul3A_125 = arith.muli %scan3A_32, %mul3A_124 : i32
      %add3A_126 = arith.constant 6 : i32
      %add3A_127 = arith.addi %mul3A_125, %add3A_126 : i32
      %dma_start3A_128 = arith.constant 6 : i32
      %dma_start3A_129 = arith.constant 0 : i32
      %dma_start3A_130 = arith.constant 0 : i32
      %dma_start3A_131 = tpu.memref_slice %arg9[%dma_start3A_128, %dma_start3A_129, %dma_start3A_130] : memref<8x125x16xf32, #tpu.memory_space<vmem>> -> memref<1x125x16xf32, #tpu.memory_space<vmem>>
      %dma_start3A_132 = tpu.memref_squeeze %dma_start3A_131 : memref<1x125x16xf32, #tpu.memory_space<vmem>> -> memref<125x16xf32, #tpu.memory_space<vmem>>
      %dma_start3A_133 = arith.constant 0 : i32
      %dma_start3A_134 = tpu.memref_slice %arg7[%add3A_127, %dma_start3A_133] : memref<200x125xi32, #tpu.memory_space<vmem>> -> memref<1x125xi32, #tpu.memory_space<vmem>>
      %dma_start3A_135 = tpu.memref_squeeze %dma_start3A_134 : memref<1x125xi32, #tpu.memory_space<vmem>> -> memref<125xi32, #tpu.memory_space<vmem>>
      %dma_start3A_136 = arith.constant 0 : i32
      %dma_start3A_137 = arith.constant 0 : i32
      %dma_start3A_138 = tpu.memref_slice %arg2[%dma_start3A_136, %dma_start3A_137] : memref<50000x16xf32, #tpu.memory_space<hbm>> -> memref<50000x16xf32, #tpu.memory_space<hbm>>
      tpu.enqueue_indirect_dma source(%dma_start3A_138 : memref<50000x16xf32, #tpu.memory_space<hbm>>) target(%dma_start3A_132 : memref<125x16xf32, #tpu.memory_space<vmem>>) offsets(%dma_start3A_135 : memref<125xi32, #tpu.memory_space<vmem>>) semaphore(%arg12 : memref<!tpu.dma_semaphore, #tpu.memory_space<semaphore_mem>>)
      %mul3A_139 = arith.constant 8 : i32
      %mul3A_140 = arith.muli %scan3A_32, %mul3A_139 : i32
      %add3A_141 = arith.constant 7 : i32
      %add3A_142 = arith.addi %mul3A_140, %add3A_141 : i32
      %dma_start3A_143 = arith.constant 7 : i32
      %dma_start3A_144 = arith.constant 0 : i32
      %dma_start3A_145 = arith.constant 0 : i32
      %dma_start3A_146 = tpu.memref_slice %arg9[%dma_start3A_143, %dma_start3A_144, %dma_start3A_145] : memref<8x125x16xf32, #tpu.memory_space<vmem>> -> memref<1x125x16xf32, #tpu.memory_space<vmem>>
      %dma_start3A_147 = tpu.memref_squeeze %dma_start3A_146 : memref<1x125x16xf32, #tpu.memory_space<vmem>> -> memref<125x16xf32, #tpu.memory_space<vmem>>
      %dma_start3A_148 = arith.constant 0 : i32
      %dma_start3A_149 = tpu.memref_slice %arg7[%add3A_142, %dma_start3A_148] : memref<200x125xi32, #tpu.memory_space<vmem>> -> memref<1x125xi32, #tpu.memory_space<vmem>>
      %dma_start3A_150 = tpu.memref_squeeze %dma_start3A_149 : memref<1x125xi32, #tpu.memory_space<vmem>> -> memref<125xi32, #tpu.memory_space<vmem>>
      %dma_start3A_151 = arith.constant 0 : i32
      %dma_start3A_152 = arith.constant 0 : i32
      %dma_start3A_153 = tpu.memref_slice %arg2[%dma_start3A_151, %dma_start3A_152] : memref<50000x16xf32, #tpu.memory_space<hbm>> -> memref<50000x16xf32, #tpu.memory_space<hbm>>
      tpu.enqueue_indirect_dma source(%dma_start3A_153 : memref<50000x16xf32, #tpu.memory_space<hbm>>) target(%dma_start3A_147 : memref<125x16xf32, #tpu.memory_space<vmem>>) offsets(%dma_start3A_150 : memref<125xi32, #tpu.memory_space<vmem>>) semaphore(%arg12 : memref<!tpu.dma_semaphore, #tpu.memory_space<semaphore_mem>>)
      %mul3A_154 = arith.constant 8 : i32
      %mul3A_155 = arith.muli %scan3A_32, %mul3A_154 : i32
      %add3A_156 = arith.constant 0 : i32
      %add3A_157 = arith.addi %mul3A_155, %add3A_156 : i32
      %dma_wait3A_158 = arith.constant 0 : i32
      %dma_wait3A_159 = arith.constant 0 : i32
      %dma_wait3A_160 = arith.constant 0 : i32
      %dma_wait3A_161 = tpu.memref_slice %arg9[%dma_wait3A_158, %dma_wait3A_159, %dma_wait3A_160] : memref<8x125x16xf32, #tpu.memory_space<vmem>> -> memref<1x125x16xf32, #tpu.memory_space<vmem>>
      %dma_wait3A_162 = tpu.memref_squeeze %dma_wait3A_161 : memref<1x125x16xf32, #tpu.memory_space<vmem>> -> memref<125x16xf32, #tpu.memory_space<vmem>>
      %dma_wait3A_163 = arith.constant 0 : i32
      %dma_wait3A_164 = tpu.memref_slice %arg7[%add3A_157, %dma_wait3A_163] : memref<200x125xi32, #tpu.memory_space<vmem>> -> memref<1x125xi32, #tpu.memory_space<vmem>>
      %dma_wait3A_165 = tpu.memref_squeeze %dma_wait3A_164 : memref<1x125xi32, #tpu.memory_space<vmem>> -> memref<125xi32, #tpu.memory_space<vmem>>
      %dma_wait3A_166 = arith.constant 0 : i32
      %dma_wait3A_167 = arith.constant 0 : i32
      %dma_wait3A_168 = tpu.memref_slice %arg2[%dma_wait3A_166, %dma_wait3A_167] : memref<50000x16xf32, #tpu.memory_space<hbm>> -> memref<50000x16xf32, #tpu.memory_space<hbm>>
      tpu.wait_indirect_dma semaphore(%arg12 : memref<!tpu.dma_semaphore, #tpu.memory_space<semaphore_mem>>) src(%dma_wait3A_168 : memref<50000x16xf32, #tpu.memory_space<hbm>>) dst(%dma_wait3A_162 : memref<125x16xf32, #tpu.memory_space<vmem>>)
      %dma_start3A_169 = arith.constant 0 : i32
      %dma_start3A_170 = arith.constant 0 : i32
      %dma_start3A_171 = arith.constant 0 : i32
      %dma_start3A_172 = tpu.memref_slice %arg9[%dma_start3A_169, %dma_start3A_170, %dma_start3A_171] : memref<8x125x16xf32, #tpu.memory_space<vmem>> -> memref<1x125x16xf32, #tpu.memory_space<vmem>>
      %dma_start3A_173 = tpu.memref_squeeze %dma_start3A_172 : memref<1x125x16xf32, #tpu.memory_space<vmem>> -> memref<125x16xf32, #tpu.memory_space<vmem>>
      %dma_start3A_174 = arith.constant 0 : i32
      %dma_start3A_175 = tpu.memref_slice %arg8[%add3A_157, %dma_start3A_174] : memref<200x125xi32, #tpu.memory_space<vmem>> -> memref<1x125xi32, #tpu.memory_space<vmem>>
      %dma_start3A_176 = tpu.memref_squeeze %dma_start3A_175 : memref<1x125xi32, #tpu.memory_space<vmem>> -> memref<125xi32, #tpu.memory_space<vmem>>
      %dma_start3A_177 = arith.constant 0 : i32
      %dma_start3A_178 = arith.constant 0 : i32
      %dma_start3A_179 = tpu.memref_slice %arg10[%dma_start3A_177, %dma_start3A_178] : memref<50048x16xf32, #tpu.memory_space<vmem_shared>> -> memref<50048x16xf32, #tpu.memory_space<vmem_shared>>
      tpu.enqueue_indirect_dma source(%dma_start3A_173 : memref<125x16xf32, #tpu.memory_space<vmem>>) target(%dma_start3A_179 : memref<50048x16xf32, #tpu.memory_space<vmem_shared>>) offsets(%dma_start3A_176 : memref<125xi32, #tpu.memory_space<vmem>>) semaphore(%arg13 : memref<!tpu.dma_semaphore, #tpu.memory_space<semaphore_mem>>) {add = true}
      %mul3A_180 = arith.constant 8 : i32
      %mul3A_181 = arith.muli %scan3A_32, %mul3A_180 : i32
      %add3A_182 = arith.constant 1 : i32
      %add3A_183 = arith.addi %mul3A_181, %add3A_182 : i32
      %dma_wait3A_184 = arith.constant 1 : i32
      %dma_wait3A_185 = arith.constant 0 : i32
      %dma_wait3A_186 = arith.constant 0 : i32
      %dma_wait3A_187 = tpu.memref_slice %arg9[%dma_wait3A_184, %dma_wait3A_185, %dma_wait3A_186] : memref<8x125x16xf32, #tpu.memory_space<vmem>> -> memref<1x125x16xf32, #tpu.memory_space<vmem>>
      %dma_wait3A_188 = tpu.memref_squeeze %dma_wait3A_187 : memref<1x125x16xf32, #tpu.memory_space<vmem>> -> memref<125x16xf32, #tpu.memory_space<vmem>>
      %dma_wait3A_189 = arith.constant 0 : i32
      %dma_wait3A_190 = tpu.memref_slice %arg7[%add3A_183, %dma_wait3A_189] : memref<200x125xi32, #tpu.memory_space<vmem>> -> memref<1x125xi32, #tpu.memory_space<vmem>>
      %dma_wait3A_191 = tpu.memref_squeeze %dma_wait3A_190 : memref<1x125xi32, #tpu.memory_space<vmem>> -> memref<125xi32, #tpu.memory_space<vmem>>
      %dma_wait3A_192 = arith.constant 0 : i32
      %dma_wait3A_193 = arith.constant 0 : i32
      %dma_wait3A_194 = tpu.memref_slice %arg2[%dma_wait3A_192, %dma_wait3A_193] : memref<50000x16xf32, #tpu.memory_space<hbm>> -> memref<50000x16xf32, #tpu.memory_space<hbm>>
      tpu.wait_indirect_dma semaphore(%arg12 : memref<!tpu.dma_semaphore, #tpu.memory_space<semaphore_mem>>) src(%dma_wait3A_194 : memref<50000x16xf32, #tpu.memory_space<hbm>>) dst(%dma_wait3A_188 : memref<125x16xf32, #tpu.memory_space<vmem>>)
      %dma_start3A_195 = arith.constant 1 : i32
      %dma_start3A_196 = arith.constant 0 : i32
      %dma_start3A_197 = arith.constant 0 : i32
      %dma_start3A_198 = tpu.memref_slice %arg9[%dma_start3A_195, %dma_start3A_196, %dma_start3A_197] : memref<8x125x16xf32, #tpu.memory_space<vmem>> -> memref<1x125x16xf32, #tpu.memory_space<vmem>>
      %dma_start3A_199 = tpu.memref_squeeze %dma_start3A_198 : memref<1x125x16xf32, #tpu.memory_space<vmem>> -> memref<125x16xf32, #tpu.memory_space<vmem>>
      %dma_start3A_200 = arith.constant 0 : i32
      %dma_start3A_201 = tpu.memref_slice %arg8[%add3A_183, %dma_start3A_200] : memref<200x125xi32, #tpu.memory_space<vmem>> -> memref<1x125xi32, #tpu.memory_space<vmem>>
      %dma_start3A_202 = tpu.memref_squeeze %dma_start3A_201 : memref<1x125xi32, #tpu.memory_space<vmem>> -> memref<125xi32, #tpu.memory_space<vmem>>
      %dma_start3A_203 = arith.constant 0 : i32
      %dma_start3A_204 = arith.constant 0 : i32
      %dma_start3A_205 = tpu.memref_slice %arg10[%dma_start3A_203, %dma_start3A_204] : memref<50048x16xf32, #tpu.memory_space<vmem_shared>> -> memref<50048x16xf32, #tpu.memory_space<vmem_shared>>
      tpu.enqueue_indirect_dma source(%dma_start3A_199 : memref<125x16xf32, #tpu.memory_space<vmem>>) target(%dma_start3A_205 : memref<50048x16xf32, #tpu.memory_space<vmem_shared>>) offsets(%dma_start3A_202 : memref<125xi32, #tpu.memory_space<vmem>>) semaphore(%arg13 : memref<!tpu.dma_semaphore, #tpu.memory_space<semaphore_mem>>) {add = true}
      %mul3A_206 = arith.constant 8 : i32
      %mul3A_207 = arith.muli %scan3A_32, %mul3A_206 : i32
      %add3A_208 = arith.constant 2 : i32
      %add3A_209 = arith.addi %mul3A_207, %add3A_208 : i32
      %dma_wait3A_210 = arith.constant 2 : i32
      %dma_wait3A_211 = arith.constant 0 : i32
      %dma_wait3A_212 = arith.constant 0 : i32
      %dma_wait3A_213 = tpu.memref_slice %arg9[%dma_wait3A_210, %dma_wait3A_211, %dma_wait3A_212] : memref<8x125x16xf32, #tpu.memory_space<vmem>> -> memref<1x125x16xf32, #tpu.memory_space<vmem>>
      %dma_wait3A_214 = tpu.memref_squeeze %dma_wait3A_213 : memref<1x125x16xf32, #tpu.memory_space<vmem>> -> memref<125x16xf32, #tpu.memory_space<vmem>>
      %dma_wait3A_215 = arith.constant 0 : i32
      %dma_wait3A_216 = tpu.memref_slice %arg7[%add3A_209, %dma_wait3A_215] : memref<200x125xi32, #tpu.memory_space<vmem>> -> memref<1x125xi32, #tpu.memory_space<vmem>>
      %dma_wait3A_217 = tpu.memref_squeeze %dma_wait3A_216 : memref<1x125xi32, #tpu.memory_space<vmem>> -> memref<125xi32, #tpu.memory_space<vmem>>
      %dma_wait3A_218 = arith.constant 0 : i32
      %dma_wait3A_219 = arith.constant 0 : i32
      %dma_wait3A_220 = tpu.memref_slice %arg2[%dma_wait3A_218, %dma_wait3A_219] : memref<50000x16xf32, #tpu.memory_space<hbm>> -> memref<50000x16xf32, #tpu.memory_space<hbm>>
      tpu.wait_indirect_dma semaphore(%arg12 : memref<!tpu.dma_semaphore, #tpu.memory_space<semaphore_mem>>) src(%dma_wait3A_220 : memref<50000x16xf32, #tpu.memory_space<hbm>>) dst(%dma_wait3A_214 : memref<125x16xf32, #tpu.memory_space<vmem>>)
      %dma_start3A_221 = arith.constant 2 : i32
      %dma_start3A_222 = arith.constant 0 : i32
      %dma_start3A_223 = arith.constant 0 : i32
      %dma_start3A_224 = tpu.memref_slice %arg9[%dma_start3A_221, %dma_start3A_222, %dma_start3A_223] : memref<8x125x16xf32, #tpu.memory_space<vmem>> -> memref<1x125x16xf32, #tpu.memory_space<vmem>>
      %dma_start3A_225 = tpu.memref_squeeze %dma_start3A_224 : memref<1x125x16xf32, #tpu.memory_space<vmem>> -> memref<125x16xf32, #tpu.memory_space<vmem>>
      %dma_start3A_226 = arith.constant 0 : i32
      %dma_start3A_227 = tpu.memref_slice %arg8[%add3A_209, %dma_start3A_226] : memref<200x125xi32, #tpu.memory_space<vmem>> -> memref<1x125xi32, #tpu.memory_space<vmem>>
      %dma_start3A_228 = tpu.memref_squeeze %dma_start3A_227 : memref<1x125xi32, #tpu.memory_space<vmem>> -> memref<125xi32, #tpu.memory_space<vmem>>
      %dma_start3A_229 = arith.constant 0 : i32
      %dma_start3A_230 = arith.constant 0 : i32
      %dma_start3A_231 = tpu.memref_slice %arg10[%dma_start3A_229, %dma_start3A_230] : memref<50048x16xf32, #tpu.memory_space<vmem_shared>> -> memref<50048x16xf32, #tpu.memory_space<vmem_shared>>
      tpu.enqueue_indirect_dma source(%dma_start3A_225 : memref<125x16xf32, #tpu.memory_space<vmem>>) target(%dma_start3A_231 : memref<50048x16xf32, #tpu.memory_space<vmem_shared>>) offsets(%dma_start3A_228 : memref<125xi32, #tpu.memory_space<vmem>>) semaphore(%arg13 : memref<!tpu.dma_semaphore, #tpu.memory_space<semaphore_mem>>) {add = true}
      %mul3A_232 = arith.constant 8 : i32
      %mul3A_233 = arith.muli %scan3A_32, %mul3A_232 : i32
      %add3A_234 = arith.constant 3 : i32
      %add3A_235 = arith.addi %mul3A_233, %add3A_234 : i32
      %dma_wait3A_236 = arith.constant 3 : i32
      %dma_wait3A_237 = arith.constant 0 : i32
      %dma_wait3A_238 = arith.constant 0 : i32
      %dma_wait3A_239 = tpu.memref_slice %arg9[%dma_wait3A_236, %dma_wait3A_237, %dma_wait3A_238] : memref<8x125x16xf32, #tpu.memory_space<vmem>> -> memref<1x125x16xf32, #tpu.memory_space<vmem>>
      %dma_wait3A_240 = tpu.memref_squeeze %dma_wait3A_239 : memref<1x125x16xf32, #tpu.memory_space<vmem>> -> memref<125x16xf32, #tpu.memory_space<vmem>>
      %dma_wait3A_241 = arith.constant 0 : i32
      %dma_wait3A_242 = tpu.memref_slice %arg7[%add3A_235, %dma_wait3A_241] : memref<200x125xi32, #tpu.memory_space<vmem>> -> memref<1x125xi32, #tpu.memory_space<vmem>>
      %dma_wait3A_243 = tpu.memref_squeeze %dma_wait3A_242 : memref<1x125xi32, #tpu.memory_space<vmem>> -> memref<125xi32, #tpu.memory_space<vmem>>
      %dma_wait3A_244 = arith.constant 0 : i32
      %dma_wait3A_245 = arith.constant 0 : i32
      %dma_wait3A_246 = tpu.memref_slice %arg2[%dma_wait3A_244, %dma_wait3A_245] : memref<50000x16xf32, #tpu.memory_space<hbm>> -> memref<50000x16xf32, #tpu.memory_space<hbm>>
      tpu.wait_indirect_dma semaphore(%arg12 : memref<!tpu.dma_semaphore, #tpu.memory_space<semaphore_mem>>) src(%dma_wait3A_246 : memref<50000x16xf32, #tpu.memory_space<hbm>>) dst(%dma_wait3A_240 : memref<125x16xf32, #tpu.memory_space<vmem>>)
      %dma_start3A_247 = arith.constant 3 : i32
      %dma_start3A_248 = arith.constant 0 : i32
      %dma_start3A_249 = arith.constant 0 : i32
      %dma_start3A_250 = tpu.memref_slice %arg9[%dma_start3A_247, %dma_start3A_248, %dma_start3A_249] : memref<8x125x16xf32, #tpu.memory_space<vmem>> -> memref<1x125x16xf32, #tpu.memory_space<vmem>>
      %dma_start3A_251 = tpu.memref_squeeze %dma_start3A_250 : memref<1x125x16xf32, #tpu.memory_space<vmem>> -> memref<125x16xf32, #tpu.memory_space<vmem>>
      %dma_start3A_252 = arith.constant 0 : i32
      %dma_start3A_253 = tpu.memref_slice %arg8[%add3A_235, %dma_start3A_252] : memref<200x125xi32, #tpu.memory_space<vmem>> -> memref<1x125xi32, #tpu.memory_space<vmem>>
      %dma_start3A_254 = tpu.memref_squeeze %dma_start3A_253 : memref<1x125xi32, #tpu.memory_space<vmem>> -> memref<125xi32, #tpu.memory_space<vmem>>
      %dma_start3A_255 = arith.constant 0 : i32
      %dma_start3A_256 = arith.constant 0 : i32
      %dma_start3A_257 = tpu.memref_slice %arg10[%dma_start3A_255, %dma_start3A_256] : memref<50048x16xf32, #tpu.memory_space<vmem_shared>> -> memref<50048x16xf32, #tpu.memory_space<vmem_shared>>
      tpu.enqueue_indirect_dma source(%dma_start3A_251 : memref<125x16xf32, #tpu.memory_space<vmem>>) target(%dma_start3A_257 : memref<50048x16xf32, #tpu.memory_space<vmem_shared>>) offsets(%dma_start3A_254 : memref<125xi32, #tpu.memory_space<vmem>>) semaphore(%arg13 : memref<!tpu.dma_semaphore, #tpu.memory_space<semaphore_mem>>) {add = true}
      %mul3A_258 = arith.constant 8 : i32
      %mul3A_259 = arith.muli %scan3A_32, %mul3A_258 : i32
      %add3A_260 = arith.constant 4 : i32
      %add3A_261 = arith.addi %mul3A_259, %add3A_260 : i32
      %dma_wait3A_262 = arith.constant 4 : i32
      %dma_wait3A_263 = arith.constant 0 : i32
      %dma_wait3A_264 = arith.constant 0 : i32
      %dma_wait3A_265 = tpu.memref_slice %arg9[%dma_wait3A_262, %dma_wait3A_263, %dma_wait3A_264] : memref<8x125x16xf32, #tpu.memory_space<vmem>> -> memref<1x125x16xf32, #tpu.memory_space<vmem>>
      %dma_wait3A_266 = tpu.memref_squeeze %dma_wait3A_265 : memref<1x125x16xf32, #tpu.memory_space<vmem>> -> memref<125x16xf32, #tpu.memory_space<vmem>>
      %dma_wait3A_267 = arith.constant 0 : i32
      %dma_wait3A_268 = tpu.memref_slice %arg7[%add3A_261, %dma_wait3A_267] : memref<200x125xi32, #tpu.memory_space<vmem>> -> memref<1x125xi32, #tpu.memory_space<vmem>>
      %dma_wait3A_269 = tpu.memref_squeeze %dma_wait3A_268 : memref<1x125xi32, #tpu.memory_space<vmem>> -> memref<125xi32, #tpu.memory_space<vmem>>
      %dma_wait3A_270 = arith.constant 0 : i32
      %dma_wait3A_271 = arith.constant 0 : i32
      %dma_wait3A_272 = tpu.memref_slice %arg2[%dma_wait3A_270, %dma_wait3A_271] : memref<50000x16xf32, #tpu.memory_space<hbm>> -> memref<50000x16xf32, #tpu.memory_space<hbm>>
      tpu.wait_indirect_dma semaphore(%arg12 : memref<!tpu.dma_semaphore, #tpu.memory_space<semaphore_mem>>) src(%dma_wait3A_272 : memref<50000x16xf32, #tpu.memory_space<hbm>>) dst(%dma_wait3A_266 : memref<125x16xf32, #tpu.memory_space<vmem>>)
      %dma_start3A_273 = arith.constant 4 : i32
      %dma_start3A_274 = arith.constant 0 : i32
      %dma_start3A_275 = arith.constant 0 : i32
      %dma_start3A_276 = tpu.memref_slice %arg9[%dma_start3A_273, %dma_start3A_274, %dma_start3A_275] : memref<8x125x16xf32, #tpu.memory_space<vmem>> -> memref<1x125x16xf32, #tpu.memory_space<vmem>>
      %dma_start3A_277 = tpu.memref_squeeze %dma_start3A_276 : memref<1x125x16xf32, #tpu.memory_space<vmem>> -> memref<125x16xf32, #tpu.memory_space<vmem>>
      %dma_start3A_278 = arith.constant 0 : i32
      %dma_start3A_279 = tpu.memref_slice %arg8[%add3A_261, %dma_start3A_278] : memref<200x125xi32, #tpu.memory_space<vmem>> -> memref<1x125xi32, #tpu.memory_space<vmem>>
      %dma_start3A_280 = tpu.memref_squeeze %dma_start3A_279 : memref<1x125xi32, #tpu.memory_space<vmem>> -> memref<125xi32, #tpu.memory_space<vmem>>
      %dma_start3A_281 = arith.constant 0 : i32
      %dma_start3A_282 = arith.constant 0 : i32
      %dma_start3A_283 = tpu.memref_slice %arg10[%dma_start3A_281, %dma_start3A_282] : memref<50048x16xf32, #tpu.memory_space<vmem_shared>> -> memref<50048x16xf32, #tpu.memory_space<vmem_shared>>
      tpu.enqueue_indirect_dma source(%dma_start3A_277 : memref<125x16xf32, #tpu.memory_space<vmem>>) target(%dma_start3A_283 : memref<50048x16xf32, #tpu.memory_space<vmem_shared>>) offsets(%dma_start3A_280 : memref<125xi32, #tpu.memory_space<vmem>>) semaphore(%arg13 : memref<!tpu.dma_semaphore, #tpu.memory_space<semaphore_mem>>) {add = true}
      %mul3A_284 = arith.constant 8 : i32
      %mul3A_285 = arith.muli %scan3A_32, %mul3A_284 : i32
      %add3A_286 = arith.constant 5 : i32
      %add3A_287 = arith.addi %mul3A_285, %add3A_286 : i32
      %dma_wait3A_288 = arith.constant 5 : i32
      %dma_wait3A_289 = arith.constant 0 : i32
      %dma_wait3A_290 = arith.constant 0 : i32
      %dma_wait3A_291 = tpu.memref_slice %arg9[%dma_wait3A_288, %dma_wait3A_289, %dma_wait3A_290] : memref<8x125x16xf32, #tpu.memory_space<vmem>> -> memref<1x125x16xf32, #tpu.memory_space<vmem>>
      %dma_wait3A_292 = tpu.memref_squeeze %dma_wait3A_291 : memref<1x125x16xf32, #tpu.memory_space<vmem>> -> memref<125x16xf32, #tpu.memory_space<vmem>>
      %dma_wait3A_293 = arith.constant 0 : i32
      %dma_wait3A_294 = tpu.memref_slice %arg7[%add3A_287, %dma_wait3A_293] : memref<200x125xi32, #tpu.memory_space<vmem>> -> memref<1x125xi32, #tpu.memory_space<vmem>>
      %dma_wait3A_295 = tpu.memref_squeeze %dma_wait3A_294 : memref<1x125xi32, #tpu.memory_space<vmem>> -> memref<125xi32, #tpu.memory_space<vmem>>
      %dma_wait3A_296 = arith.constant 0 : i32
      %dma_wait3A_297 = arith.constant 0 : i32
      %dma_wait3A_298 = tpu.memref_slice %arg2[%dma_wait3A_296, %dma_wait3A_297] : memref<50000x16xf32, #tpu.memory_space<hbm>> -> memref<50000x16xf32, #tpu.memory_space<hbm>>
      tpu.wait_indirect_dma semaphore(%arg12 : memref<!tpu.dma_semaphore, #tpu.memory_space<semaphore_mem>>) src(%dma_wait3A_298 : memref<50000x16xf32, #tpu.memory_space<hbm>>) dst(%dma_wait3A_292 : memref<125x16xf32, #tpu.memory_space<vmem>>)
      %dma_start3A_299 = arith.constant 5 : i32
      %dma_start3A_300 = arith.constant 0 : i32
      %dma_start3A_301 = arith.constant 0 : i32
      %dma_start3A_302 = tpu.memref_slice %arg9[%dma_start3A_299, %dma_start3A_300, %dma_start3A_301] : memref<8x125x16xf32, #tpu.memory_space<vmem>> -> memref<1x125x16xf32, #tpu.memory_space<vmem>>
      %dma_start3A_303 = tpu.memref_squeeze %dma_start3A_302 : memref<1x125x16xf32, #tpu.memory_space<vmem>> -> memref<125x16xf32, #tpu.memory_space<vmem>>
      %dma_start3A_304 = arith.constant 0 : i32
      %dma_start3A_305 = tpu.memref_slice %arg8[%add3A_287, %dma_start3A_304] : memref<200x125xi32, #tpu.memory_space<vmem>> -> memref<1x125xi32, #tpu.memory_space<vmem>>
      %dma_start3A_306 = tpu.memref_squeeze %dma_start3A_305 : memref<1x125xi32, #tpu.memory_space<vmem>> -> memref<125xi32, #tpu.memory_space<vmem>>
      %dma_start3A_307 = arith.constant 0 : i32
      %dma_start3A_308 = arith.constant 0 : i32
      %dma_start3A_309 = tpu.memref_slice %arg10[%dma_start3A_307, %dma_start3A_308] : memref<50048x16xf32, #tpu.memory_space<vmem_shared>> -> memref<50048x16xf32, #tpu.memory_space<vmem_shared>>
      tpu.enqueue_indirect_dma source(%dma_start3A_303 : memref<125x16xf32, #tpu.memory_space<vmem>>) target(%dma_start3A_309 : memref<50048x16xf32, #tpu.memory_space<vmem_shared>>) offsets(%dma_start3A_306 : memref<125xi32, #tpu.memory_space<vmem>>) semaphore(%arg13 : memref<!tpu.dma_semaphore, #tpu.memory_space<semaphore_mem>>) {add = true}
      %mul3A_310 = arith.constant 8 : i32
      %mul3A_311 = arith.muli %scan3A_32, %mul3A_310 : i32
      %add3A_312 = arith.constant 6 : i32
      %add3A_313 = arith.addi %mul3A_311, %add3A_312 : i32
      %dma_wait3A_314 = arith.constant 6 : i32
      %dma_wait3A_315 = arith.constant 0 : i32
      %dma_wait3A_316 = arith.constant 0 : i32
      %dma_wait3A_317 = tpu.memref_slice %arg9[%dma_wait3A_314, %dma_wait3A_315, %dma_wait3A_316] : memref<8x125x16xf32, #tpu.memory_space<vmem>> -> memref<1x125x16xf32, #tpu.memory_space<vmem>>
      %dma_wait3A_318 = tpu.memref_squeeze %dma_wait3A_317 : memref<1x125x16xf32, #tpu.memory_space<vmem>> -> memref<125x16xf32, #tpu.memory_space<vmem>>
      %dma_wait3A_319 = arith.constant 0 : i32
      %dma_wait3A_320 = tpu.memref_slice %arg7[%add3A_313, %dma_wait3A_319] : memref<200x125xi32, #tpu.memory_space<vmem>> -> memref<1x125xi32, #tpu.memory_space<vmem>>
      %dma_wait3A_321 = tpu.memref_squeeze %dma_wait3A_320 : memref<1x125xi32, #tpu.memory_space<vmem>> -> memref<125xi32, #tpu.memory_space<vmem>>
      %dma_wait3A_322 = arith.constant 0 : i32
      %dma_wait3A_323 = arith.constant 0 : i32
      %dma_wait3A_324 = tpu.memref_slice %arg2[%dma_wait3A_322, %dma_wait3A_323] : memref<50000x16xf32, #tpu.memory_space<hbm>> -> memref<50000x16xf32, #tpu.memory_space<hbm>>
      tpu.wait_indirect_dma semaphore(%arg12 : memref<!tpu.dma_semaphore, #tpu.memory_space<semaphore_mem>>) src(%dma_wait3A_324 : memref<50000x16xf32, #tpu.memory_space<hbm>>) dst(%dma_wait3A_318 : memref<125x16xf32, #tpu.memory_space<vmem>>)
      %dma_start3A_325 = arith.constant 6 : i32
      %dma_start3A_326 = arith.constant 0 : i32
      %dma_start3A_327 = arith.constant 0 : i32
      %dma_start3A_328 = tpu.memref_slice %arg9[%dma_start3A_325, %dma_start3A_326, %dma_start3A_327] : memref<8x125x16xf32, #tpu.memory_space<vmem>> -> memref<1x125x16xf32, #tpu.memory_space<vmem>>
      %dma_start3A_329 = tpu.memref_squeeze %dma_start3A_328 : memref<1x125x16xf32, #tpu.memory_space<vmem>> -> memref<125x16xf32, #tpu.memory_space<vmem>>
      %dma_start3A_330 = arith.constant 0 : i32
      %dma_start3A_331 = tpu.memref_slice %arg8[%add3A_313, %dma_start3A_330] : memref<200x125xi32, #tpu.memory_space<vmem>> -> memref<1x125xi32, #tpu.memory_space<vmem>>
      %dma_start3A_332 = tpu.memref_squeeze %dma_start3A_331 : memref<1x125xi32, #tpu.memory_space<vmem>> -> memref<125xi32, #tpu.memory_space<vmem>>
      %dma_start3A_333 = arith.constant 0 : i32
      %dma_start3A_334 = arith.constant 0 : i32
      %dma_start3A_335 = tpu.memref_slice %arg10[%dma_start3A_333, %dma_start3A_334] : memref<50048x16xf32, #tpu.memory_space<vmem_shared>> -> memref<50048x16xf32, #tpu.memory_space<vmem_shared>>
      tpu.enqueue_indirect_dma source(%dma_start3A_329 : memref<125x16xf32, #tpu.memory_space<vmem>>) target(%dma_start3A_335 : memref<50048x16xf32, #tpu.memory_space<vmem_shared>>) offsets(%dma_start3A_332 : memref<125xi32, #tpu.memory_space<vmem>>) semaphore(%arg13 : memref<!tpu.dma_semaphore, #tpu.memory_space<semaphore_mem>>) {add = true}
      %mul3A_336 = arith.constant 8 : i32
      %mul3A_337 = arith.muli %scan3A_32, %mul3A_336 : i32
      %add3A_338 = arith.constant 7 : i32
      %add3A_339 = arith.addi %mul3A_337, %add3A_338 : i32
      %dma_wait3A_340 = arith.constant 7 : i32
      %dma_wait3A_341 = arith.constant 0 : i32
      %dma_wait3A_342 = arith.constant 0 : i32
      %dma_wait3A_343 = tpu.memref_slice %arg9[%dma_wait3A_340, %dma_wait3A_341, %dma_wait3A_342] : memref<8x125x16xf32, #tpu.memory_space<vmem>> -> memref<1x125x16xf32, #tpu.memory_space<vmem>>
      %dma_wait3A_344 = tpu.memref_squeeze %dma_wait3A_343 : memref<1x125x16xf32, #tpu.memory_space<vmem>> -> memref<125x16xf32, #tpu.memory_space<vmem>>
      %dma_wait3A_345 = arith.constant 0 : i32
      %dma_wait3A_346 = tpu.memref_slice %arg7[%add3A_339, %dma_wait3A_345] : memref<200x125xi32, #tpu.memory_space<vmem>> -> memref<1x125xi32, #tpu.memory_space<vmem>>
      %dma_wait3A_347 = tpu.memref_squeeze %dma_wait3A_346 : memref<1x125xi32, #tpu.memory_space<vmem>> -> memref<125xi32, #tpu.memory_space<vmem>>
      %dma_wait3A_348 = arith.constant 0 : i32
      %dma_wait3A_349 = arith.constant 0 : i32
      %dma_wait3A_350 = tpu.memref_slice %arg2[%dma_wait3A_348, %dma_wait3A_349] : memref<50000x16xf32, #tpu.memory_space<hbm>> -> memref<50000x16xf32, #tpu.memory_space<hbm>>
      tpu.wait_indirect_dma semaphore(%arg12 : memref<!tpu.dma_semaphore, #tpu.memory_space<semaphore_mem>>) src(%dma_wait3A_350 : memref<50000x16xf32, #tpu.memory_space<hbm>>) dst(%dma_wait3A_344 : memref<125x16xf32, #tpu.memory_space<vmem>>)
      %dma_start3A_351 = arith.constant 7 : i32
      %dma_start3A_352 = arith.constant 0 : i32
      %dma_start3A_353 = arith.constant 0 : i32
      %dma_start3A_354 = tpu.memref_slice %arg9[%dma_start3A_351, %dma_start3A_352, %dma_start3A_353] : memref<8x125x16xf32, #tpu.memory_space<vmem>> -> memref<1x125x16xf32, #tpu.memory_space<vmem>>
      %dma_start3A_355 = tpu.memref_squeeze %dma_start3A_354 : memref<1x125x16xf32, #tpu.memory_space<vmem>> -> memref<125x16xf32, #tpu.memory_space<vmem>>
      %dma_start3A_356 = arith.constant 0 : i32
      %dma_start3A_357 = tpu.memref_slice %arg8[%add3A_339, %dma_start3A_356] : memref<200x125xi32, #tpu.memory_space<vmem>> -> memref<1x125xi32, #tpu.memory_space<vmem>>
      %dma_start3A_358 = tpu.memref_squeeze %dma_start3A_357 : memref<1x125xi32, #tpu.memory_space<vmem>> -> memref<125xi32, #tpu.memory_space<vmem>>
      %dma_start3A_359 = arith.constant 0 : i32
      %dma_start3A_360 = arith.constant 0 : i32
      %dma_start3A_361 = tpu.memref_slice %arg10[%dma_start3A_359, %dma_start3A_360] : memref<50048x16xf32, #tpu.memory_space<vmem_shared>> -> memref<50048x16xf32, #tpu.memory_space<vmem_shared>>
      tpu.enqueue_indirect_dma source(%dma_start3A_355 : memref<125x16xf32, #tpu.memory_space<vmem>>) target(%dma_start3A_361 : memref<50048x16xf32, #tpu.memory_space<vmem_shared>>) offsets(%dma_start3A_358 : memref<125xi32, #tpu.memory_space<vmem>>) semaphore(%arg13 : memref<!tpu.dma_semaphore, #tpu.memory_space<semaphore_mem>>) {add = true}
      %mul3A_362 = arith.constant 8 : i32
      %mul3A_363 = arith.muli %scan3A_32, %mul3A_362 : i32
      %add3A_364 = arith.constant 0 : i32
      %add3A_365 = arith.addi %mul3A_363, %add3A_364 : i32
      %dma_wait3A_366 = arith.constant 0 : i32
      %dma_wait3A_367 = arith.constant 0 : i32
      %dma_wait3A_368 = arith.constant 0 : i32
      %dma_wait3A_369 = tpu.memref_slice %arg9[%dma_wait3A_366, %dma_wait3A_367, %dma_wait3A_368] : memref<8x125x16xf32, #tpu.memory_space<vmem>> -> memref<1x125x16xf32, #tpu.memory_space<vmem>>
      %dma_wait3A_370 = tpu.memref_squeeze %dma_wait3A_369 : memref<1x125x16xf32, #tpu.memory_space<vmem>> -> memref<125x16xf32, #tpu.memory_space<vmem>>
      %dma_wait3A_371 = arith.constant 0 : i32
      %dma_wait3A_372 = tpu.memref_slice %arg8[%add3A_365, %dma_wait3A_371] : memref<200x125xi32, #tpu.memory_space<vmem>> -> memref<1x125xi32, #tpu.memory_space<vmem>>
      %dma_wait3A_373 = tpu.memref_squeeze %dma_wait3A_372 : memref<1x125xi32, #tpu.memory_space<vmem>> -> memref<125xi32, #tpu.memory_space<vmem>>
      %dma_wait3A_374 = arith.constant 0 : i32
      %dma_wait3A_375 = arith.constant 0 : i32
      %dma_wait3A_376 = tpu.memref_slice %arg10[%dma_wait3A_374, %dma_wait3A_375] : memref<50048x16xf32, #tpu.memory_space<vmem_shared>> -> memref<50048x16xf32, #tpu.memory_space<vmem_shared>>
      tpu.wait_indirect_dma semaphore(%arg13 : memref<!tpu.dma_semaphore, #tpu.memory_space<semaphore_mem>>) src(%dma_wait3A_370 : memref<125x16xf32, #tpu.memory_space<vmem>>) dst(%dma_wait3A_376 : memref<50048x16xf32, #tpu.memory_space<vmem_shared>>)
      %mul3A_377 = arith.constant 8 : i32
      %mul3A_378 = arith.muli %scan3A_32, %mul3A_377 : i32
      %add3A_379 = arith.constant 1 : i32
      %add3A_380 = arith.addi %mul3A_378, %add3A_379 : i32
      %dma_wait3A_381 = arith.constant 1 : i32
      %dma_wait3A_382 = arith.constant 0 : i32
      %dma_wait3A_383 = arith.constant 0 : i32
      %dma_wait3A_384 = tpu.memref_slice %arg9[%dma_wait3A_381, %dma_wait3A_382, %dma_wait3A_383] : memref<8x125x16xf32, #tpu.memory_space<vmem>> -> memref<1x125x16xf32, #tpu.memory_space<vmem>>
      %dma_wait3A_385 = tpu.memref_squeeze %dma_wait3A_384 : memref<1x125x16xf32, #tpu.memory_space<vmem>> -> memref<125x16xf32, #tpu.memory_space<vmem>>
      %dma_wait3A_386 = arith.constant 0 : i32
      %dma_wait3A_387 = tpu.memref_slice %arg8[%add3A_380, %dma_wait3A_386] : memref<200x125xi32, #tpu.memory_space<vmem>> -> memref<1x125xi32, #tpu.memory_space<vmem>>
      %dma_wait3A_388 = tpu.memref_squeeze %dma_wait3A_387 : memref<1x125xi32, #tpu.memory_space<vmem>> -> memref<125xi32, #tpu.memory_space<vmem>>
      %dma_wait3A_389 = arith.constant 0 : i32
      %dma_wait3A_390 = arith.constant 0 : i32
      %dma_wait3A_391 = tpu.memref_slice %arg10[%dma_wait3A_389, %dma_wait3A_390] : memref<50048x16xf32, #tpu.memory_space<vmem_shared>> -> memref<50048x16xf32, #tpu.memory_space<vmem_shared>>
      tpu.wait_indirect_dma semaphore(%arg13 : memref<!tpu.dma_semaphore, #tpu.memory_space<semaphore_mem>>) src(%dma_wait3A_385 : memref<125x16xf32, #tpu.memory_space<vmem>>) dst(%dma_wait3A_391 : memref<50048x16xf32, #tpu.memory_space<vmem_shared>>)
      %mul3A_392 = arith.constant 8 : i32
      %mul3A_393 = arith.muli %scan3A_32, %mul3A_392 : i32
      %add3A_394 = arith.constant 2 : i32
      %add3A_395 = arith.addi %mul3A_393, %add3A_394 : i32
      %dma_wait3A_396 = arith.constant 2 : i32
      %dma_wait3A_397 = arith.constant 0 : i32
      %dma_wait3A_398 = arith.constant 0 : i32
      %dma_wait3A_399 = tpu.memref_slice %arg9[%dma_wait3A_396, %dma_wait3A_397, %dma_wait3A_398] : memref<8x125x16xf32, #tpu.memory_space<vmem>> -> memref<1x125x16xf32, #tpu.memory_space<vmem>>
      %dma_wait3A_400 = tpu.memref_squeeze %dma_wait3A_399 : memref<1x125x16xf32, #tpu.memory_space<vmem>> -> memref<125x16xf32, #tpu.memory_space<vmem>>
      %dma_wait3A_401 = arith.constant 0 : i32
      %dma_wait3A_402 = tpu.memref_slice %arg8[%add3A_395, %dma_wait3A_401] : memref<200x125xi32, #tpu.memory_space<vmem>> -> memref<1x125xi32, #tpu.memory_space<vmem>>
      %dma_wait3A_403 = tpu.memref_squeeze %dma_wait3A_402 : memref<1x125xi32, #tpu.memory_space<vmem>> -> memref<125xi32, #tpu.memory_space<vmem>>
      %dma_wait3A_404 = arith.constant 0 : i32
      %dma_wait3A_405 = arith.constant 0 : i32
      %dma_wait3A_406 = tpu.memref_slice %arg10[%dma_wait3A_404, %dma_wait3A_405] : memref<50048x16xf32, #tpu.memory_space<vmem_shared>> -> memref<50048x16xf32, #tpu.memory_space<vmem_shared>>
      tpu.wait_indirect_dma semaphore(%arg13 : memref<!tpu.dma_semaphore, #tpu.memory_space<semaphore_mem>>) src(%dma_wait3A_400 : memref<125x16xf32, #tpu.memory_space<vmem>>) dst(%dma_wait3A_406 : memref<50048x16xf32, #tpu.memory_space<vmem_shared>>)
      %mul3A_407 = arith.constant 8 : i32
      %mul3A_408 = arith.muli %scan3A_32, %mul3A_407 : i32
      %add3A_409 = arith.constant 3 : i32
      %add3A_410 = arith.addi %mul3A_408, %add3A_409 : i32
      %dma_wait3A_411 = arith.constant 3 : i32
      %dma_wait3A_412 = arith.constant 0 : i32
      %dma_wait3A_413 = arith.constant 0 : i32
      %dma_wait3A_414 = tpu.memref_slice %arg9[%dma_wait3A_411, %dma_wait3A_412, %dma_wait3A_413] : memref<8x125x16xf32, #tpu.memory_space<vmem>> -> memref<1x125x16xf32, #tpu.memory_space<vmem>>
      %dma_wait3A_415 = tpu.memref_squeeze %dma_wait3A_414 : memref<1x125x16xf32, #tpu.memory_space<vmem>> -> memref<125x16xf32, #tpu.memory_space<vmem>>
      %dma_wait3A_416 = arith.constant 0 : i32
      %dma_wait3A_417 = tpu.memref_slice %arg8[%add3A_410, %dma_wait3A_416] : memref<200x125xi32, #tpu.memory_space<vmem>> -> memref<1x125xi32, #tpu.memory_space<vmem>>
      %dma_wait3A_418 = tpu.memref_squeeze %dma_wait3A_417 : memref<1x125xi32, #tpu.memory_space<vmem>> -> memref<125xi32, #tpu.memory_space<vmem>>
      %dma_wait3A_419 = arith.constant 0 : i32
      %dma_wait3A_420 = arith.constant 0 : i32
      %dma_wait3A_421 = tpu.memref_slice %arg10[%dma_wait3A_419, %dma_wait3A_420] : memref<50048x16xf32, #tpu.memory_space<vmem_shared>> -> memref<50048x16xf32, #tpu.memory_space<vmem_shared>>
      tpu.wait_indirect_dma semaphore(%arg13 : memref<!tpu.dma_semaphore, #tpu.memory_space<semaphore_mem>>) src(%dma_wait3A_415 : memref<125x16xf32, #tpu.memory_space<vmem>>) dst(%dma_wait3A_421 : memref<50048x16xf32, #tpu.memory_space<vmem_shared>>)
      %mul3A_422 = arith.constant 8 : i32
      %mul3A_423 = arith.muli %scan3A_32, %mul3A_422 : i32
      %add3A_424 = arith.constant 4 : i32
      %add3A_425 = arith.addi %mul3A_423, %add3A_424 : i32
      %dma_wait3A_426 = arith.constant 4 : i32
      %dma_wait3A_427 = arith.constant 0 : i32
      %dma_wait3A_428 = arith.constant 0 : i32
      %dma_wait3A_429 = tpu.memref_slice %arg9[%dma_wait3A_426, %dma_wait3A_427, %dma_wait3A_428] : memref<8x125x16xf32, #tpu.memory_space<vmem>> -> memref<1x125x16xf32, #tpu.memory_space<vmem>>
      %dma_wait3A_430 = tpu.memref_squeeze %dma_wait3A_429 : memref<1x125x16xf32, #tpu.memory_space<vmem>> -> memref<125x16xf32, #tpu.memory_space<vmem>>
      %dma_wait3A_431 = arith.constant 0 : i32
      %dma_wait3A_432 = tpu.memref_slice %arg8[%add3A_425, %dma_wait3A_431] : memref<200x125xi32, #tpu.memory_space<vmem>> -> memref<1x125xi32, #tpu.memory_space<vmem>>
      %dma_wait3A_433 = tpu.memref_squeeze %dma_wait3A_432 : memref<1x125xi32, #tpu.memory_space<vmem>> -> memref<125xi32, #tpu.memory_space<vmem>>
      %dma_wait3A_434 = arith.constant 0 : i32
      %dma_wait3A_435 = arith.constant 0 : i32
      %dma_wait3A_436 = tpu.memref_slice %arg10[%dma_wait3A_434, %dma_wait3A_435] : memref<50048x16xf32, #tpu.memory_space<vmem_shared>> -> memref<50048x16xf32, #tpu.memory_space<vmem_shared>>
      tpu.wait_indirect_dma semaphore(%arg13 : memref<!tpu.dma_semaphore, #tpu.memory_space<semaphore_mem>>) src(%dma_wait3A_430 : memref<125x16xf32, #tpu.memory_space<vmem>>) dst(%dma_wait3A_436 : memref<50048x16xf32, #tpu.memory_space<vmem_shared>>)
      %mul3A_437 = arith.constant 8 : i32
      %mul3A_438 = arith.muli %scan3A_32, %mul3A_437 : i32
      %add3A_439 = arith.constant 5 : i32
      %add3A_440 = arith.addi %mul3A_438, %add3A_439 : i32
      %dma_wait3A_441 = arith.constant 5 : i32
      %dma_wait3A_442 = arith.constant 0 : i32
      %dma_wait3A_443 = arith.constant 0 : i32
      %dma_wait3A_444 = tpu.memref_slice %arg9[%dma_wait3A_441, %dma_wait3A_442, %dma_wait3A_443] : memref<8x125x16xf32, #tpu.memory_space<vmem>> -> memref<1x125x16xf32, #tpu.memory_space<vmem>>
      %dma_wait3A_445 = tpu.memref_squeeze %dma_wait3A_444 : memref<1x125x16xf32, #tpu.memory_space<vmem>> -> memref<125x16xf32, #tpu.memory_space<vmem>>
      %dma_wait3A_446 = arith.constant 0 : i32
      %dma_wait3A_447 = tpu.memref_slice %arg8[%add3A_440, %dma_wait3A_446] : memref<200x125xi32, #tpu.memory_space<vmem>> -> memref<1x125xi32, #tpu.memory_space<vmem>>
      %dma_wait3A_448 = tpu.memref_squeeze %dma_wait3A_447 : memref<1x125xi32, #tpu.memory_space<vmem>> -> memref<125xi32, #tpu.memory_space<vmem>>
      %dma_wait3A_449 = arith.constant 0 : i32
      %dma_wait3A_450 = arith.constant 0 : i32
      %dma_wait3A_451 = tpu.memref_slice %arg10[%dma_wait3A_449, %dma_wait3A_450] : memref<50048x16xf32, #tpu.memory_space<vmem_shared>> -> memref<50048x16xf32, #tpu.memory_space<vmem_shared>>
      tpu.wait_indirect_dma semaphore(%arg13 : memref<!tpu.dma_semaphore, #tpu.memory_space<semaphore_mem>>) src(%dma_wait3A_445 : memref<125x16xf32, #tpu.memory_space<vmem>>) dst(%dma_wait3A_451 : memref<50048x16xf32, #tpu.memory_space<vmem_shared>>)
      %mul3A_452 = arith.constant 8 : i32
      %mul3A_453 = arith.muli %scan3A_32, %mul3A_452 : i32
      %add3A_454 = arith.constant 6 : i32
      %add3A_455 = arith.addi %mul3A_453, %add3A_454 : i32
      %dma_wait3A_456 = arith.constant 6 : i32
      %dma_wait3A_457 = arith.constant 0 : i32
      %dma_wait3A_458 = arith.constant 0 : i32
      %dma_wait3A_459 = tpu.memref_slice %arg9[%dma_wait3A_456, %dma_wait3A_457, %dma_wait3A_458] : memref<8x125x16xf32, #tpu.memory_space<vmem>> -> memref<1x125x16xf32, #tpu.memory_space<vmem>>
      %dma_wait3A_460 = tpu.memref_squeeze %dma_wait3A_459 : memref<1x125x16xf32, #tpu.memory_space<vmem>> -> memref<125x16xf32, #tpu.memory_space<vmem>>
      %dma_wait3A_461 = arith.constant 0 : i32
      %dma_wait3A_462 = tpu.memref_slice %arg8[%add3A_455, %dma_wait3A_461] : memref<200x125xi32, #tpu.memory_space<vmem>> -> memref<1x125xi32, #tpu.memory_space<vmem>>
      %dma_wait3A_463 = tpu.memref_squeeze %dma_wait3A_462 : memref<1x125xi32, #tpu.memory_space<vmem>> -> memref<125xi32, #tpu.memory_space<vmem>>
      %dma_wait3A_464 = arith.constant 0 : i32
      %dma_wait3A_465 = arith.constant 0 : i32
      %dma_wait3A_466 = tpu.memref_slice %arg10[%dma_wait3A_464, %dma_wait3A_465] : memref<50048x16xf32, #tpu.memory_space<vmem_shared>> -> memref<50048x16xf32, #tpu.memory_space<vmem_shared>>
      tpu.wait_indirect_dma semaphore(%arg13 : memref<!tpu.dma_semaphore, #tpu.memory_space<semaphore_mem>>) src(%dma_wait3A_460 : memref<125x16xf32, #tpu.memory_space<vmem>>) dst(%dma_wait3A_466 : memref<50048x16xf32, #tpu.memory_space<vmem_shared>>)
      %mul3A_467 = arith.constant 8 : i32
      %mul3A_468 = arith.muli %scan3A_32, %mul3A_467 : i32
      %add3A_469 = arith.constant 7 : i32
      %add3A_470 = arith.addi %mul3A_468, %add3A_469 : i32
      %dma_wait3A_471 = arith.constant 7 : i32
      %dma_wait3A_472 = arith.constant 0 : i32
      %dma_wait3A_473 = arith.constant 0 : i32
      %dma_wait3A_474 = tpu.memref_slice %arg9[%dma_wait3A_471, %dma_wait3A_472, %dma_wait3A_473] : memref<8x125x16xf32, #tpu.memory_space<vmem>> -> memref<1x125x16xf32, #tpu.memory_space<vmem>>
      %dma_wait3A_475 = tpu.memref_squeeze %dma_wait3A_474 : memref<1x125x16xf32, #tpu.memory_space<vmem>> -> memref<125x16xf32, #tpu.memory_space<vmem>>
      %dma_wait3A_476 = arith.constant 0 : i32
      %dma_wait3A_477 = tpu.memref_slice %arg8[%add3A_470, %dma_wait3A_476] : memref<200x125xi32, #tpu.memory_space<vmem>> -> memref<1x125xi32, #tpu.memory_space<vmem>>
      %dma_wait3A_478 = tpu.memref_squeeze %dma_wait3A_477 : memref<1x125xi32, #tpu.memory_space<vmem>> -> memref<125xi32, #tpu.memory_space<vmem>>
      %dma_wait3A_479 = arith.constant 0 : i32
      %dma_wait3A_480 = arith.constant 0 : i32
      %dma_wait3A_481 = tpu.memref_slice %arg10[%dma_wait3A_479, %dma_wait3A_480] : memref<50048x16xf32, #tpu.memory_space<vmem_shared>> -> memref<50048x16xf32, #tpu.memory_space<vmem_shared>>
      tpu.wait_indirect_dma semaphore(%arg13 : memref<!tpu.dma_semaphore, #tpu.memory_space<semaphore_mem>>) src(%dma_wait3A_475 : memref<125x16xf32, #tpu.memory_space<vmem>>) dst(%dma_wait3A_481 : memref<50048x16xf32, #tpu.memory_space<vmem_shared>>)
      %scan3A_482 = arith.constant 0 : i32
      scf.yield %scan3A_482 : i32
    }
    %scan3A_30 = arith.constant 25 : i32
    %barrier3A_31 = arith.constant 0 : index
    tpu.barrier barrier_id(%barrier3A_31)
    "tpu.region"() ({
      %run_scoped3A = tpu.sem_alloc : memref<!tpu.dma_semaphore, #tpu.memory_space<semaphore_mem>>
      %dma_start3A_32 = arith.constant 0 : i32
      %dma_start3A_33 = tpu.memref_slice %arg6[%arg0, %mul3A_2, %dma_start3A_32] : memref<2x50048x16xf32, #tpu.memory_space<hbm>> -> memref<1x3128x16xf32, #tpu.memory_space<hbm>>
      %dma_start3A_34 = tpu.memref_squeeze %dma_start3A_33 : memref<1x3128x16xf32, #tpu.memory_space<hbm>> -> memref<3128x16xf32, #tpu.memory_space<hbm>>
      %dma_start3A_35 = arith.constant 0 : i32
      %dma_start3A_36 = tpu.memref_slice %arg10[%mul3A_2, %dma_start3A_35] : memref<50048x16xf32, #tpu.memory_space<vmem_shared>> -> memref<3128x16xf32, #tpu.memory_space<vmem_shared>>
      tpu.enqueue_dma source(%dma_start3A_36 : memref<3128x16xf32, #tpu.memory_space<vmem_shared>>) target(%dma_start3A_34 : memref<3128x16xf32, #tpu.memory_space<hbm>>) target_semaphore(%run_scoped3A : memref<!tpu.dma_semaphore, #tpu.memory_space<semaphore_mem>>)
      %dma_wait3A_37 = arith.constant 0 : i32
      %dma_wait3A_38 = tpu.memref_slice %arg6[%arg0, %mul3A_2, %dma_wait3A_37] : memref<2x50048x16xf32, #tpu.memory_space<hbm>> -> memref<1x3128x16xf32, #tpu.memory_space<hbm>>
      %dma_wait3A_39 = tpu.memref_squeeze %dma_wait3A_38 : memref<1x3128x16xf32, #tpu.memory_space<hbm>> -> memref<3128x16xf32, #tpu.memory_space<hbm>>
      %dma_wait3A_40 = arith.constant 0 : i32
      %dma_wait3A_41 = tpu.memref_slice %arg10[%mul3A_2, %dma_wait3A_40] : memref<50048x16xf32, #tpu.memory_space<vmem_shared>> -> memref<3128x16xf32, #tpu.memory_space<vmem_shared>>
      tpu.wait_dma2 semaphore(%run_scoped3A : memref<!tpu.dma_semaphore, #tpu.memory_space<semaphore_mem>>) src(%dma_wait3A_41 : memref<3128x16xf32, #tpu.memory_space<vmem_shared>>) dst(%dma_wait3A_39 : memref<3128x16xf32, #tpu.memory_space<hbm>>)
      tpu.yield
    }) : () -> ()
    return
  }
}

module attributes {stable_mosaic.version = 14 : i64} {
  func.func @_lstm_body(%arg0: i32, %arg1: memref<2000x100xf32, #tpu.memory_space<vmem>>, %arg2: memref<5x512xf32, #tpu.memory_space<vmem>>, %arg3: memref<128x512xf32, #tpu.memory_space<vmem>>, %arg4: memref<1x512xf32, #tpu.memory_space<vmem>>, %arg5: memref<128x16xf32, #tpu.memory_space<vmem>>, %arg6: memref<2x2000x1xf32, #tpu.memory_space<vmem>>, %arg7: memref<2000x16xf32, #tpu.memory_space<vmem>>, %arg8: memref<2000x1xf32, #tpu.memory_space<vmem>>, %arg9: memref<2000x16xf32, #tpu.memory_space<vmem>>) attributes {dimension_semantics = [#tpu.dimension_semantics<arbitrary>], iteration_bounds = array<i64: 25>, scalar_prefetch = 0 : i64, scratch_operands = 0 : i64, tpu.core_type = #tpu.core_type<tc>, window_params = [{transform_indices = @transform_0, window_bounds = array<i64: 2000, 100>}, {pipeline_mode = #tpu.pipeline_mode<synchronous>, transform_indices = @transform_1, window_bounds = array<i64: 5, 512>}, {pipeline_mode = #tpu.pipeline_mode<synchronous>, transform_indices = @transform_2, window_bounds = array<i64: 128, 512>}, {pipeline_mode = #tpu.pipeline_mode<synchronous>, transform_indices = @transform_3, window_bounds = array<i64: 1, 512>}, {pipeline_mode = #tpu.pipeline_mode<synchronous>, transform_indices = @transform_4, window_bounds = array<i64: 128, 16>}, {transform_indices = @transform_5, window_bounds = array<i64: 2, 2000, 1>}, {transform_indices = @transform_6, window_bounds = array<i64: 2000, 16>}, {transform_indices = @transform_7, window_bounds = array<i64: 2000, 1>}, {transform_indices = @transform_8, window_bounds = array<i64: 2000, 16>}]} {
    %get3A = arith.constant 0 : index
    %get3A_0 = arith.constant 0 : index
    %get3A_1 = vector.load %arg1[%get3A, %get3A_0] : memref<2000x100xf32, #tpu.memory_space<vmem>>, vector<2000x100xf32>
    %broadcast_in_dim3A = arith.constant 0.000000e+00 : f32
    %broadcast_in_dim3A_2 = vector.broadcast %broadcast_in_dim3A : f32 to vector<2000x128xf32>
    %broadcast_in_dim3A_3 = arith.constant 0.000000e+00 : f32
    %broadcast_in_dim3A_4 = vector.broadcast %broadcast_in_dim3A_3 : f32 to vector<2000x128xf32>
    %get3A_5 = arith.constant 0 : index
    %get3A_6 = arith.constant 0 : index
    %get3A_7 = vector.load %arg2[%get3A_5, %get3A_6] : memref<5x512xf32, #tpu.memory_space<vmem>>, vector<5x512xf32>
    %convert_element_type3A = arith.truncf %get3A_7 : vector<5x512xf32> to vector<5x512xbf16>
    %get3A_8 = arith.constant 0 : index
    %get3A_9 = arith.constant 0 : index
    %get3A_10 = vector.load %arg3[%get3A_8, %get3A_9] : memref<128x512xf32, #tpu.memory_space<vmem>>, vector<128x512xf32>
    %convert_element_type3A_11 = arith.truncf %get3A_10 : vector<128x512xf32> to vector<128x512xbf16>
    %get3A_12 = arith.constant 0 : index
    %get3A_13 = arith.constant 0 : index
    %get3A_14 = vector.load %arg4[%get3A_12, %get3A_13] : memref<1x512xf32, #tpu.memory_space<vmem>>, vector<1x512xf32>
    %slice3A = vector.extract_strided_slice %get3A_1 {offsets = [0, 0], sizes = [2000, 5], strides = [1, 1]} : vector<2000x100xf32> to vector<2000x5xf32>
    %convert_element_type3A_15 = arith.truncf %slice3A : vector<2000x5xf32> to vector<2000x5xbf16>
    %dot_general3A = arith.constant dense<0.000000e+00> : vector<2000x512xf32>
    %dot_general3A_16 = tpu.matmul %convert_element_type3A_15, %convert_element_type3A, %dot_general3A {dimension_numbers = #tpu.dot_dimension_numbers<[1], [0], [0], [1], [0, 0, 1, 1], [], []>, transpose_lhs_hint = false} : vector<2000x5xbf16>, vector<5x512xbf16>, vector<2000x512xf32> -> vector<2000x512xf32>
    %convert_element_type3A_17 = arith.truncf %broadcast_in_dim3A_2 : vector<2000x128xf32> to vector<2000x128xbf16>
    %dot_general3A_18 = arith.constant dense<0.000000e+00> : vector<2000x512xf32>
    %dot_general3A_19 = tpu.matmul %convert_element_type3A_17, %convert_element_type3A_11, %dot_general3A_18 {dimension_numbers = #tpu.dot_dimension_numbers<[1], [0], [0], [1], [0, 0, 1, 1], [], []>, transpose_lhs_hint = false} : vector<2000x128xbf16>, vector<128x512xbf16>, vector<2000x512xf32> -> vector<2000x512xf32>
    %add3A = arith.addf %dot_general3A_16, %dot_general3A_19 : vector<2000x512xf32>
    %add3A_20 = vector.broadcast %get3A_14 : vector<1x512xf32> to vector<2000x512xf32>
    %add3A_21 = arith.addf %add3A, %add3A_20 : vector<2000x512xf32>
    %slice3A_22 = vector.extract_strided_slice %add3A_21 {offsets = [0, 0], sizes = [2000, 128], strides = [1, 1]} : vector<2000x512xf32> to vector<2000x128xf32>
    %logistic3A = arith.negf %slice3A_22 : vector<2000x128xf32>
    %logistic3A_23 = math.exp %logistic3A : vector<2000x128xf32>
    %logistic3A_24 = arith.constant 1.000000e+00 : f32
    %logistic3A_25 = vector.broadcast %logistic3A_24 : f32 to vector<2000x128xf32>
    %logistic3A_26 = arith.addf %logistic3A_25, %logistic3A_23 : vector<2000x128xf32>
    %logistic3A_27 = arith.divf %logistic3A_25, %logistic3A_26 : vector<2000x128xf32>
    %slice3A_28 = vector.extract_strided_slice %add3A_21 {offsets = [0, 128], sizes = [2000, 128], strides = [1, 1]} : vector<2000x512xf32> to vector<2000x128xf32>
    %logistic3A_29 = arith.negf %slice3A_28 : vector<2000x128xf32>
    %logistic3A_30 = math.exp %logistic3A_29 : vector<2000x128xf32>
    %logistic3A_31 = arith.constant 1.000000e+00 : f32
    %logistic3A_32 = vector.broadcast %logistic3A_31 : f32 to vector<2000x128xf32>
    %logistic3A_33 = arith.addf %logistic3A_32, %logistic3A_30 : vector<2000x128xf32>
    %logistic3A_34 = arith.divf %logistic3A_32, %logistic3A_33 : vector<2000x128xf32>
    %slice3A_35 = vector.extract_strided_slice %add3A_21 {offsets = [0, 256], sizes = [2000, 128], strides = [1, 1]} : vector<2000x512xf32> to vector<2000x128xf32>
    %tanh3A = math.tanh %slice3A_35 : vector<2000x128xf32>
    %slice3A_36 = vector.extract_strided_slice %add3A_21 {offsets = [0, 384], sizes = [2000, 128], strides = [1, 1]} : vector<2000x512xf32> to vector<2000x128xf32>
    %logistic3A_37 = arith.negf %slice3A_36 : vector<2000x128xf32>
    %logistic3A_38 = math.exp %logistic3A_37 : vector<2000x128xf32>
    %logistic3A_39 = arith.constant 1.000000e+00 : f32
    %logistic3A_40 = vector.broadcast %logistic3A_39 : f32 to vector<2000x128xf32>
    %logistic3A_41 = arith.addf %logistic3A_40, %logistic3A_38 : vector<2000x128xf32>
    %logistic3A_42 = arith.divf %logistic3A_40, %logistic3A_41 : vector<2000x128xf32>
    %mul3A = arith.mulf %logistic3A_34, %broadcast_in_dim3A_4 : vector<2000x128xf32>
    %mul3A_43 = arith.mulf %logistic3A_27, %tanh3A : vector<2000x128xf32>
    %add3A_44 = arith.addf %mul3A, %mul3A_43 : vector<2000x128xf32>
    %tanh3A_45 = math.tanh %add3A_44 : vector<2000x128xf32>
    %mul3A_46 = arith.mulf %logistic3A_42, %tanh3A_45 : vector<2000x128xf32>
    %slice3A_47 = vector.extract_strided_slice %get3A_1 {offsets = [0, 5], sizes = [2000, 5], strides = [1, 1]} : vector<2000x100xf32> to vector<2000x5xf32>
    %convert_element_type3A_48 = arith.truncf %slice3A_47 : vector<2000x5xf32> to vector<2000x5xbf16>
    %dot_general3A_49 = arith.constant dense<0.000000e+00> : vector<2000x512xf32>
    %dot_general3A_50 = tpu.matmul %convert_element_type3A_48, %convert_element_type3A, %dot_general3A_49 {dimension_numbers = #tpu.dot_dimension_numbers<[1], [0], [0], [1], [0, 0, 1, 1], [], []>, transpose_lhs_hint = false} : vector<2000x5xbf16>, vector<5x512xbf16>, vector<2000x512xf32> -> vector<2000x512xf32>
    %convert_element_type3A_51 = arith.truncf %mul3A_46 : vector<2000x128xf32> to vector<2000x128xbf16>
    %dot_general3A_52 = arith.constant dense<0.000000e+00> : vector<2000x512xf32>
    %dot_general3A_53 = tpu.matmul %convert_element_type3A_51, %convert_element_type3A_11, %dot_general3A_52 {dimension_numbers = #tpu.dot_dimension_numbers<[1], [0], [0], [1], [0, 0, 1, 1], [], []>, transpose_lhs_hint = false} : vector<2000x128xbf16>, vector<128x512xbf16>, vector<2000x512xf32> -> vector<2000x512xf32>
    %add3A_54 = arith.addf %dot_general3A_50, %dot_general3A_53 : vector<2000x512xf32>
    %add3A_55 = vector.broadcast %get3A_14 : vector<1x512xf32> to vector<2000x512xf32>
    %add3A_56 = arith.addf %add3A_54, %add3A_55 : vector<2000x512xf32>
    %slice3A_57 = vector.extract_strided_slice %add3A_56 {offsets = [0, 0], sizes = [2000, 128], strides = [1, 1]} : vector<2000x512xf32> to vector<2000x128xf32>
    %logistic3A_58 = arith.negf %slice3A_57 : vector<2000x128xf32>
    %logistic3A_59 = math.exp %logistic3A_58 : vector<2000x128xf32>
    %logistic3A_60 = arith.constant 1.000000e+00 : f32
    %logistic3A_61 = vector.broadcast %logistic3A_60 : f32 to vector<2000x128xf32>
    %logistic3A_62 = arith.addf %logistic3A_61, %logistic3A_59 : vector<2000x128xf32>
    %logistic3A_63 = arith.divf %logistic3A_61, %logistic3A_62 : vector<2000x128xf32>
    %slice3A_64 = vector.extract_strided_slice %add3A_56 {offsets = [0, 128], sizes = [2000, 128], strides = [1, 1]} : vector<2000x512xf32> to vector<2000x128xf32>
    %logistic3A_65 = arith.negf %slice3A_64 : vector<2000x128xf32>
    %logistic3A_66 = math.exp %logistic3A_65 : vector<2000x128xf32>
    %logistic3A_67 = arith.constant 1.000000e+00 : f32
    %logistic3A_68 = vector.broadcast %logistic3A_67 : f32 to vector<2000x128xf32>
    %logistic3A_69 = arith.addf %logistic3A_68, %logistic3A_66 : vector<2000x128xf32>
    %logistic3A_70 = arith.divf %logistic3A_68, %logistic3A_69 : vector<2000x128xf32>
    %slice3A_71 = vector.extract_strided_slice %add3A_56 {offsets = [0, 256], sizes = [2000, 128], strides = [1, 1]} : vector<2000x512xf32> to vector<2000x128xf32>
    %tanh3A_72 = math.tanh %slice3A_71 : vector<2000x128xf32>
    %slice3A_73 = vector.extract_strided_slice %add3A_56 {offsets = [0, 384], sizes = [2000, 128], strides = [1, 1]} : vector<2000x512xf32> to vector<2000x128xf32>
    %logistic3A_74 = arith.negf %slice3A_73 : vector<2000x128xf32>
    %logistic3A_75 = math.exp %logistic3A_74 : vector<2000x128xf32>
    %logistic3A_76 = arith.constant 1.000000e+00 : f32
    %logistic3A_77 = vector.broadcast %logistic3A_76 : f32 to vector<2000x128xf32>
    %logistic3A_78 = arith.addf %logistic3A_77, %logistic3A_75 : vector<2000x128xf32>
    %logistic3A_79 = arith.divf %logistic3A_77, %logistic3A_78 : vector<2000x128xf32>
    %mul3A_80 = arith.mulf %logistic3A_70, %add3A_44 : vector<2000x128xf32>
    %mul3A_81 = arith.mulf %logistic3A_63, %tanh3A_72 : vector<2000x128xf32>
    %add3A_82 = arith.addf %mul3A_80, %mul3A_81 : vector<2000x128xf32>
    %tanh3A_83 = math.tanh %add3A_82 : vector<2000x128xf32>
    %mul3A_84 = arith.mulf %logistic3A_79, %tanh3A_83 : vector<2000x128xf32>
    %slice3A_85 = vector.extract_strided_slice %get3A_1 {offsets = [0, 10], sizes = [2000, 5], strides = [1, 1]} : vector<2000x100xf32> to vector<2000x5xf32>
    %convert_element_type3A_86 = arith.truncf %slice3A_85 : vector<2000x5xf32> to vector<2000x5xbf16>
    %dot_general3A_87 = arith.constant dense<0.000000e+00> : vector<2000x512xf32>
    %dot_general3A_88 = tpu.matmul %convert_element_type3A_86, %convert_element_type3A, %dot_general3A_87 {dimension_numbers = #tpu.dot_dimension_numbers<[1], [0], [0], [1], [0, 0, 1, 1], [], []>, transpose_lhs_hint = false} : vector<2000x5xbf16>, vector<5x512xbf16>, vector<2000x512xf32> -> vector<2000x512xf32>
    %convert_element_type3A_89 = arith.truncf %mul3A_84 : vector<2000x128xf32> to vector<2000x128xbf16>
    %dot_general3A_90 = arith.constant dense<0.000000e+00> : vector<2000x512xf32>
    %dot_general3A_91 = tpu.matmul %convert_element_type3A_89, %convert_element_type3A_11, %dot_general3A_90 {dimension_numbers = #tpu.dot_dimension_numbers<[1], [0], [0], [1], [0, 0, 1, 1], [], []>, transpose_lhs_hint = false} : vector<2000x128xbf16>, vector<128x512xbf16>, vector<2000x512xf32> -> vector<2000x512xf32>
    %add3A_92 = arith.addf %dot_general3A_88, %dot_general3A_91 : vector<2000x512xf32>
    %add3A_93 = vector.broadcast %get3A_14 : vector<1x512xf32> to vector<2000x512xf32>
    %add3A_94 = arith.addf %add3A_92, %add3A_93 : vector<2000x512xf32>
    %slice3A_95 = vector.extract_strided_slice %add3A_94 {offsets = [0, 0], sizes = [2000, 128], strides = [1, 1]} : vector<2000x512xf32> to vector<2000x128xf32>
    %logistic3A_96 = arith.negf %slice3A_95 : vector<2000x128xf32>
    %logistic3A_97 = math.exp %logistic3A_96 : vector<2000x128xf32>
    %logistic3A_98 = arith.constant 1.000000e+00 : f32
    %logistic3A_99 = vector.broadcast %logistic3A_98 : f32 to vector<2000x128xf32>
    %logistic3A_100 = arith.addf %logistic3A_99, %logistic3A_97 : vector<2000x128xf32>
    %logistic3A_101 = arith.divf %logistic3A_99, %logistic3A_100 : vector<2000x128xf32>
    %slice3A_102 = vector.extract_strided_slice %add3A_94 {offsets = [0, 128], sizes = [2000, 128], strides = [1, 1]} : vector<2000x512xf32> to vector<2000x128xf32>
    %logistic3A_103 = arith.negf %slice3A_102 : vector<2000x128xf32>
    %logistic3A_104 = math.exp %logistic3A_103 : vector<2000x128xf32>
    %logistic3A_105 = arith.constant 1.000000e+00 : f32
    %logistic3A_106 = vector.broadcast %logistic3A_105 : f32 to vector<2000x128xf32>
    %logistic3A_107 = arith.addf %logistic3A_106, %logistic3A_104 : vector<2000x128xf32>
    %logistic3A_108 = arith.divf %logistic3A_106, %logistic3A_107 : vector<2000x128xf32>
    %slice3A_109 = vector.extract_strided_slice %add3A_94 {offsets = [0, 256], sizes = [2000, 128], strides = [1, 1]} : vector<2000x512xf32> to vector<2000x128xf32>
    %tanh3A_110 = math.tanh %slice3A_109 : vector<2000x128xf32>
    %slice3A_111 = vector.extract_strided_slice %add3A_94 {offsets = [0, 384], sizes = [2000, 128], strides = [1, 1]} : vector<2000x512xf32> to vector<2000x128xf32>
    %logistic3A_112 = arith.negf %slice3A_111 : vector<2000x128xf32>
    %logistic3A_113 = math.exp %logistic3A_112 : vector<2000x128xf32>
    %logistic3A_114 = arith.constant 1.000000e+00 : f32
    %logistic3A_115 = vector.broadcast %logistic3A_114 : f32 to vector<2000x128xf32>
    %logistic3A_116 = arith.addf %logistic3A_115, %logistic3A_113 : vector<2000x128xf32>
    %logistic3A_117 = arith.divf %logistic3A_115, %logistic3A_116 : vector<2000x128xf32>
    %mul3A_118 = arith.mulf %logistic3A_108, %add3A_82 : vector<2000x128xf32>
    %mul3A_119 = arith.mulf %logistic3A_101, %tanh3A_110 : vector<2000x128xf32>
    %add3A_120 = arith.addf %mul3A_118, %mul3A_119 : vector<2000x128xf32>
    %tanh3A_121 = math.tanh %add3A_120 : vector<2000x128xf32>
    %mul3A_122 = arith.mulf %logistic3A_117, %tanh3A_121 : vector<2000x128xf32>
    %slice3A_123 = vector.extract_strided_slice %get3A_1 {offsets = [0, 15], sizes = [2000, 5], strides = [1, 1]} : vector<2000x100xf32> to vector<2000x5xf32>
    %convert_element_type3A_124 = arith.truncf %slice3A_123 : vector<2000x5xf32> to vector<2000x5xbf16>
    %dot_general3A_125 = arith.constant dense<0.000000e+00> : vector<2000x512xf32>
    %dot_general3A_126 = tpu.matmul %convert_element_type3A_124, %convert_element_type3A, %dot_general3A_125 {dimension_numbers = #tpu.dot_dimension_numbers<[1], [0], [0], [1], [0, 0, 1, 1], [], []>, transpose_lhs_hint = false} : vector<2000x5xbf16>, vector<5x512xbf16>, vector<2000x512xf32> -> vector<2000x512xf32>
    %convert_element_type3A_127 = arith.truncf %mul3A_122 : vector<2000x128xf32> to vector<2000x128xbf16>
    %dot_general3A_128 = arith.constant dense<0.000000e+00> : vector<2000x512xf32>
    %dot_general3A_129 = tpu.matmul %convert_element_type3A_127, %convert_element_type3A_11, %dot_general3A_128 {dimension_numbers = #tpu.dot_dimension_numbers<[1], [0], [0], [1], [0, 0, 1, 1], [], []>, transpose_lhs_hint = false} : vector<2000x128xbf16>, vector<128x512xbf16>, vector<2000x512xf32> -> vector<2000x512xf32>
    %add3A_130 = arith.addf %dot_general3A_126, %dot_general3A_129 : vector<2000x512xf32>
    %add3A_131 = vector.broadcast %get3A_14 : vector<1x512xf32> to vector<2000x512xf32>
    %add3A_132 = arith.addf %add3A_130, %add3A_131 : vector<2000x512xf32>
    %slice3A_133 = vector.extract_strided_slice %add3A_132 {offsets = [0, 0], sizes = [2000, 128], strides = [1, 1]} : vector<2000x512xf32> to vector<2000x128xf32>
    %logistic3A_134 = arith.negf %slice3A_133 : vector<2000x128xf32>
    %logistic3A_135 = math.exp %logistic3A_134 : vector<2000x128xf32>
    %logistic3A_136 = arith.constant 1.000000e+00 : f32
    %logistic3A_137 = vector.broadcast %logistic3A_136 : f32 to vector<2000x128xf32>
    %logistic3A_138 = arith.addf %logistic3A_137, %logistic3A_135 : vector<2000x128xf32>
    %logistic3A_139 = arith.divf %logistic3A_137, %logistic3A_138 : vector<2000x128xf32>
    %slice3A_140 = vector.extract_strided_slice %add3A_132 {offsets = [0, 128], sizes = [2000, 128], strides = [1, 1]} : vector<2000x512xf32> to vector<2000x128xf32>
    %logistic3A_141 = arith.negf %slice3A_140 : vector<2000x128xf32>
    %logistic3A_142 = math.exp %logistic3A_141 : vector<2000x128xf32>
    %logistic3A_143 = arith.constant 1.000000e+00 : f32
    %logistic3A_144 = vector.broadcast %logistic3A_143 : f32 to vector<2000x128xf32>
    %logistic3A_145 = arith.addf %logistic3A_144, %logistic3A_142 : vector<2000x128xf32>
    %logistic3A_146 = arith.divf %logistic3A_144, %logistic3A_145 : vector<2000x128xf32>
    %slice3A_147 = vector.extract_strided_slice %add3A_132 {offsets = [0, 256], sizes = [2000, 128], strides = [1, 1]} : vector<2000x512xf32> to vector<2000x128xf32>
    %tanh3A_148 = math.tanh %slice3A_147 : vector<2000x128xf32>
    %slice3A_149 = vector.extract_strided_slice %add3A_132 {offsets = [0, 384], sizes = [2000, 128], strides = [1, 1]} : vector<2000x512xf32> to vector<2000x128xf32>
    %logistic3A_150 = arith.negf %slice3A_149 : vector<2000x128xf32>
    %logistic3A_151 = math.exp %logistic3A_150 : vector<2000x128xf32>
    %logistic3A_152 = arith.constant 1.000000e+00 : f32
    %logistic3A_153 = vector.broadcast %logistic3A_152 : f32 to vector<2000x128xf32>
    %logistic3A_154 = arith.addf %logistic3A_153, %logistic3A_151 : vector<2000x128xf32>
    %logistic3A_155 = arith.divf %logistic3A_153, %logistic3A_154 : vector<2000x128xf32>
    %mul3A_156 = arith.mulf %logistic3A_146, %add3A_120 : vector<2000x128xf32>
    %mul3A_157 = arith.mulf %logistic3A_139, %tanh3A_148 : vector<2000x128xf32>
    %add3A_158 = arith.addf %mul3A_156, %mul3A_157 : vector<2000x128xf32>
    %tanh3A_159 = math.tanh %add3A_158 : vector<2000x128xf32>
    %mul3A_160 = arith.mulf %logistic3A_155, %tanh3A_159 : vector<2000x128xf32>
    %slice3A_161 = vector.extract_strided_slice %get3A_1 {offsets = [0, 20], sizes = [2000, 5], strides = [1, 1]} : vector<2000x100xf32> to vector<2000x5xf32>
    %convert_element_type3A_162 = arith.truncf %slice3A_161 : vector<2000x5xf32> to vector<2000x5xbf16>
    %dot_general3A_163 = arith.constant dense<0.000000e+00> : vector<2000x512xf32>
    %dot_general3A_164 = tpu.matmul %convert_element_type3A_162, %convert_element_type3A, %dot_general3A_163 {dimension_numbers = #tpu.dot_dimension_numbers<[1], [0], [0], [1], [0, 0, 1, 1], [], []>, transpose_lhs_hint = false} : vector<2000x5xbf16>, vector<5x512xbf16>, vector<2000x512xf32> -> vector<2000x512xf32>
    %convert_element_type3A_165 = arith.truncf %mul3A_160 : vector<2000x128xf32> to vector<2000x128xbf16>
    %dot_general3A_166 = arith.constant dense<0.000000e+00> : vector<2000x512xf32>
    %dot_general3A_167 = tpu.matmul %convert_element_type3A_165, %convert_element_type3A_11, %dot_general3A_166 {dimension_numbers = #tpu.dot_dimension_numbers<[1], [0], [0], [1], [0, 0, 1, 1], [], []>, transpose_lhs_hint = false} : vector<2000x128xbf16>, vector<128x512xbf16>, vector<2000x512xf32> -> vector<2000x512xf32>
    %add3A_168 = arith.addf %dot_general3A_164, %dot_general3A_167 : vector<2000x512xf32>
    %add3A_169 = vector.broadcast %get3A_14 : vector<1x512xf32> to vector<2000x512xf32>
    %add3A_170 = arith.addf %add3A_168, %add3A_169 : vector<2000x512xf32>
    %slice3A_171 = vector.extract_strided_slice %add3A_170 {offsets = [0, 0], sizes = [2000, 128], strides = [1, 1]} : vector<2000x512xf32> to vector<2000x128xf32>
    %logistic3A_172 = arith.negf %slice3A_171 : vector<2000x128xf32>
    %logistic3A_173 = math.exp %logistic3A_172 : vector<2000x128xf32>
    %logistic3A_174 = arith.constant 1.000000e+00 : f32
    %logistic3A_175 = vector.broadcast %logistic3A_174 : f32 to vector<2000x128xf32>
    %logistic3A_176 = arith.addf %logistic3A_175, %logistic3A_173 : vector<2000x128xf32>
    %logistic3A_177 = arith.divf %logistic3A_175, %logistic3A_176 : vector<2000x128xf32>
    %slice3A_178 = vector.extract_strided_slice %add3A_170 {offsets = [0, 128], sizes = [2000, 128], strides = [1, 1]} : vector<2000x512xf32> to vector<2000x128xf32>
    %logistic3A_179 = arith.negf %slice3A_178 : vector<2000x128xf32>
    %logistic3A_180 = math.exp %logistic3A_179 : vector<2000x128xf32>
    %logistic3A_181 = arith.constant 1.000000e+00 : f32
    %logistic3A_182 = vector.broadcast %logistic3A_181 : f32 to vector<2000x128xf32>
    %logistic3A_183 = arith.addf %logistic3A_182, %logistic3A_180 : vector<2000x128xf32>
    %logistic3A_184 = arith.divf %logistic3A_182, %logistic3A_183 : vector<2000x128xf32>
    %slice3A_185 = vector.extract_strided_slice %add3A_170 {offsets = [0, 256], sizes = [2000, 128], strides = [1, 1]} : vector<2000x512xf32> to vector<2000x128xf32>
    %tanh3A_186 = math.tanh %slice3A_185 : vector<2000x128xf32>
    %slice3A_187 = vector.extract_strided_slice %add3A_170 {offsets = [0, 384], sizes = [2000, 128], strides = [1, 1]} : vector<2000x512xf32> to vector<2000x128xf32>
    %logistic3A_188 = arith.negf %slice3A_187 : vector<2000x128xf32>
    %logistic3A_189 = math.exp %logistic3A_188 : vector<2000x128xf32>
    %logistic3A_190 = arith.constant 1.000000e+00 : f32
    %logistic3A_191 = vector.broadcast %logistic3A_190 : f32 to vector<2000x128xf32>
    %logistic3A_192 = arith.addf %logistic3A_191, %logistic3A_189 : vector<2000x128xf32>
    %logistic3A_193 = arith.divf %logistic3A_191, %logistic3A_192 : vector<2000x128xf32>
    %mul3A_194 = arith.mulf %logistic3A_184, %add3A_158 : vector<2000x128xf32>
    %mul3A_195 = arith.mulf %logistic3A_177, %tanh3A_186 : vector<2000x128xf32>
    %add3A_196 = arith.addf %mul3A_194, %mul3A_195 : vector<2000x128xf32>
    %tanh3A_197 = math.tanh %add3A_196 : vector<2000x128xf32>
    %mul3A_198 = arith.mulf %logistic3A_193, %tanh3A_197 : vector<2000x128xf32>
    %slice3A_199 = vector.extract_strided_slice %get3A_1 {offsets = [0, 25], sizes = [2000, 5], strides = [1, 1]} : vector<2000x100xf32> to vector<2000x5xf32>
    %convert_element_type3A_200 = arith.truncf %slice3A_199 : vector<2000x5xf32> to vector<2000x5xbf16>
    %dot_general3A_201 = arith.constant dense<0.000000e+00> : vector<2000x512xf32>
    %dot_general3A_202 = tpu.matmul %convert_element_type3A_200, %convert_element_type3A, %dot_general3A_201 {dimension_numbers = #tpu.dot_dimension_numbers<[1], [0], [0], [1], [0, 0, 1, 1], [], []>, transpose_lhs_hint = false} : vector<2000x5xbf16>, vector<5x512xbf16>, vector<2000x512xf32> -> vector<2000x512xf32>
    %convert_element_type3A_203 = arith.truncf %mul3A_198 : vector<2000x128xf32> to vector<2000x128xbf16>
    %dot_general3A_204 = arith.constant dense<0.000000e+00> : vector<2000x512xf32>
    %dot_general3A_205 = tpu.matmul %convert_element_type3A_203, %convert_element_type3A_11, %dot_general3A_204 {dimension_numbers = #tpu.dot_dimension_numbers<[1], [0], [0], [1], [0, 0, 1, 1], [], []>, transpose_lhs_hint = false} : vector<2000x128xbf16>, vector<128x512xbf16>, vector<2000x512xf32> -> vector<2000x512xf32>
    %add3A_206 = arith.addf %dot_general3A_202, %dot_general3A_205 : vector<2000x512xf32>
    %add3A_207 = vector.broadcast %get3A_14 : vector<1x512xf32> to vector<2000x512xf32>
    %add3A_208 = arith.addf %add3A_206, %add3A_207 : vector<2000x512xf32>
    %slice3A_209 = vector.extract_strided_slice %add3A_208 {offsets = [0, 0], sizes = [2000, 128], strides = [1, 1]} : vector<2000x512xf32> to vector<2000x128xf32>
    %logistic3A_210 = arith.negf %slice3A_209 : vector<2000x128xf32>
    %logistic3A_211 = math.exp %logistic3A_210 : vector<2000x128xf32>
    %logistic3A_212 = arith.constant 1.000000e+00 : f32
    %logistic3A_213 = vector.broadcast %logistic3A_212 : f32 to vector<2000x128xf32>
    %logistic3A_214 = arith.addf %logistic3A_213, %logistic3A_211 : vector<2000x128xf32>
    %logistic3A_215 = arith.divf %logistic3A_213, %logistic3A_214 : vector<2000x128xf32>
    %slice3A_216 = vector.extract_strided_slice %add3A_208 {offsets = [0, 128], sizes = [2000, 128], strides = [1, 1]} : vector<2000x512xf32> to vector<2000x128xf32>
    %logistic3A_217 = arith.negf %slice3A_216 : vector<2000x128xf32>
    %logistic3A_218 = math.exp %logistic3A_217 : vector<2000x128xf32>
    %logistic3A_219 = arith.constant 1.000000e+00 : f32
    %logistic3A_220 = vector.broadcast %logistic3A_219 : f32 to vector<2000x128xf32>
    %logistic3A_221 = arith.addf %logistic3A_220, %logistic3A_218 : vector<2000x128xf32>
    %logistic3A_222 = arith.divf %logistic3A_220, %logistic3A_221 : vector<2000x128xf32>
    %slice3A_223 = vector.extract_strided_slice %add3A_208 {offsets = [0, 256], sizes = [2000, 128], strides = [1, 1]} : vector<2000x512xf32> to vector<2000x128xf32>
    %tanh3A_224 = math.tanh %slice3A_223 : vector<2000x128xf32>
    %slice3A_225 = vector.extract_strided_slice %add3A_208 {offsets = [0, 384], sizes = [2000, 128], strides = [1, 1]} : vector<2000x512xf32> to vector<2000x128xf32>
    %logistic3A_226 = arith.negf %slice3A_225 : vector<2000x128xf32>
    %logistic3A_227 = math.exp %logistic3A_226 : vector<2000x128xf32>
    %logistic3A_228 = arith.constant 1.000000e+00 : f32
    %logistic3A_229 = vector.broadcast %logistic3A_228 : f32 to vector<2000x128xf32>
    %logistic3A_230 = arith.addf %logistic3A_229, %logistic3A_227 : vector<2000x128xf32>
    %logistic3A_231 = arith.divf %logistic3A_229, %logistic3A_230 : vector<2000x128xf32>
    %mul3A_232 = arith.mulf %logistic3A_222, %add3A_196 : vector<2000x128xf32>
    %mul3A_233 = arith.mulf %logistic3A_215, %tanh3A_224 : vector<2000x128xf32>
    %add3A_234 = arith.addf %mul3A_232, %mul3A_233 : vector<2000x128xf32>
    %tanh3A_235 = math.tanh %add3A_234 : vector<2000x128xf32>
    %mul3A_236 = arith.mulf %logistic3A_231, %tanh3A_235 : vector<2000x128xf32>
    %slice3A_237 = vector.extract_strided_slice %get3A_1 {offsets = [0, 30], sizes = [2000, 5], strides = [1, 1]} : vector<2000x100xf32> to vector<2000x5xf32>
    %convert_element_type3A_238 = arith.truncf %slice3A_237 : vector<2000x5xf32> to vector<2000x5xbf16>
    %dot_general3A_239 = arith.constant dense<0.000000e+00> : vector<2000x512xf32>
    %dot_general3A_240 = tpu.matmul %convert_element_type3A_238, %convert_element_type3A, %dot_general3A_239 {dimension_numbers = #tpu.dot_dimension_numbers<[1], [0], [0], [1], [0, 0, 1, 1], [], []>, transpose_lhs_hint = false} : vector<2000x5xbf16>, vector<5x512xbf16>, vector<2000x512xf32> -> vector<2000x512xf32>
    %convert_element_type3A_241 = arith.truncf %mul3A_236 : vector<2000x128xf32> to vector<2000x128xbf16>
    %dot_general3A_242 = arith.constant dense<0.000000e+00> : vector<2000x512xf32>
    %dot_general3A_243 = tpu.matmul %convert_element_type3A_241, %convert_element_type3A_11, %dot_general3A_242 {dimension_numbers = #tpu.dot_dimension_numbers<[1], [0], [0], [1], [0, 0, 1, 1], [], []>, transpose_lhs_hint = false} : vector<2000x128xbf16>, vector<128x512xbf16>, vector<2000x512xf32> -> vector<2000x512xf32>
    %add3A_244 = arith.addf %dot_general3A_240, %dot_general3A_243 : vector<2000x512xf32>
    %add3A_245 = vector.broadcast %get3A_14 : vector<1x512xf32> to vector<2000x512xf32>
    %add3A_246 = arith.addf %add3A_244, %add3A_245 : vector<2000x512xf32>
    %slice3A_247 = vector.extract_strided_slice %add3A_246 {offsets = [0, 0], sizes = [2000, 128], strides = [1, 1]} : vector<2000x512xf32> to vector<2000x128xf32>
    %logistic3A_248 = arith.negf %slice3A_247 : vector<2000x128xf32>
    %logistic3A_249 = math.exp %logistic3A_248 : vector<2000x128xf32>
    %logistic3A_250 = arith.constant 1.000000e+00 : f32
    %logistic3A_251 = vector.broadcast %logistic3A_250 : f32 to vector<2000x128xf32>
    %logistic3A_252 = arith.addf %logistic3A_251, %logistic3A_249 : vector<2000x128xf32>
    %logistic3A_253 = arith.divf %logistic3A_251, %logistic3A_252 : vector<2000x128xf32>
    %slice3A_254 = vector.extract_strided_slice %add3A_246 {offsets = [0, 128], sizes = [2000, 128], strides = [1, 1]} : vector<2000x512xf32> to vector<2000x128xf32>
    %logistic3A_255 = arith.negf %slice3A_254 : vector<2000x128xf32>
    %logistic3A_256 = math.exp %logistic3A_255 : vector<2000x128xf32>
    %logistic3A_257 = arith.constant 1.000000e+00 : f32
    %logistic3A_258 = vector.broadcast %logistic3A_257 : f32 to vector<2000x128xf32>
    %logistic3A_259 = arith.addf %logistic3A_258, %logistic3A_256 : vector<2000x128xf32>
    %logistic3A_260 = arith.divf %logistic3A_258, %logistic3A_259 : vector<2000x128xf32>
    %slice3A_261 = vector.extract_strided_slice %add3A_246 {offsets = [0, 256], sizes = [2000, 128], strides = [1, 1]} : vector<2000x512xf32> to vector<2000x128xf32>
    %tanh3A_262 = math.tanh %slice3A_261 : vector<2000x128xf32>
    %slice3A_263 = vector.extract_strided_slice %add3A_246 {offsets = [0, 384], sizes = [2000, 128], strides = [1, 1]} : vector<2000x512xf32> to vector<2000x128xf32>
    %logistic3A_264 = arith.negf %slice3A_263 : vector<2000x128xf32>
    %logistic3A_265 = math.exp %logistic3A_264 : vector<2000x128xf32>
    %logistic3A_266 = arith.constant 1.000000e+00 : f32
    %logistic3A_267 = vector.broadcast %logistic3A_266 : f32 to vector<2000x128xf32>
    %logistic3A_268 = arith.addf %logistic3A_267, %logistic3A_265 : vector<2000x128xf32>
    %logistic3A_269 = arith.divf %logistic3A_267, %logistic3A_268 : vector<2000x128xf32>
    %mul3A_270 = arith.mulf %logistic3A_260, %add3A_234 : vector<2000x128xf32>
    %mul3A_271 = arith.mulf %logistic3A_253, %tanh3A_262 : vector<2000x128xf32>
    %add3A_272 = arith.addf %mul3A_270, %mul3A_271 : vector<2000x128xf32>
    %tanh3A_273 = math.tanh %add3A_272 : vector<2000x128xf32>
    %mul3A_274 = arith.mulf %logistic3A_269, %tanh3A_273 : vector<2000x128xf32>
    %slice3A_275 = vector.extract_strided_slice %get3A_1 {offsets = [0, 35], sizes = [2000, 5], strides = [1, 1]} : vector<2000x100xf32> to vector<2000x5xf32>
    %convert_element_type3A_276 = arith.truncf %slice3A_275 : vector<2000x5xf32> to vector<2000x5xbf16>
    %dot_general3A_277 = arith.constant dense<0.000000e+00> : vector<2000x512xf32>
    %dot_general3A_278 = tpu.matmul %convert_element_type3A_276, %convert_element_type3A, %dot_general3A_277 {dimension_numbers = #tpu.dot_dimension_numbers<[1], [0], [0], [1], [0, 0, 1, 1], [], []>, transpose_lhs_hint = false} : vector<2000x5xbf16>, vector<5x512xbf16>, vector<2000x512xf32> -> vector<2000x512xf32>
    %convert_element_type3A_279 = arith.truncf %mul3A_274 : vector<2000x128xf32> to vector<2000x128xbf16>
    %dot_general3A_280 = arith.constant dense<0.000000e+00> : vector<2000x512xf32>
    %dot_general3A_281 = tpu.matmul %convert_element_type3A_279, %convert_element_type3A_11, %dot_general3A_280 {dimension_numbers = #tpu.dot_dimension_numbers<[1], [0], [0], [1], [0, 0, 1, 1], [], []>, transpose_lhs_hint = false} : vector<2000x128xbf16>, vector<128x512xbf16>, vector<2000x512xf32> -> vector<2000x512xf32>
    %add3A_282 = arith.addf %dot_general3A_278, %dot_general3A_281 : vector<2000x512xf32>
    %add3A_283 = vector.broadcast %get3A_14 : vector<1x512xf32> to vector<2000x512xf32>
    %add3A_284 = arith.addf %add3A_282, %add3A_283 : vector<2000x512xf32>
    %slice3A_285 = vector.extract_strided_slice %add3A_284 {offsets = [0, 0], sizes = [2000, 128], strides = [1, 1]} : vector<2000x512xf32> to vector<2000x128xf32>
    %logistic3A_286 = arith.negf %slice3A_285 : vector<2000x128xf32>
    %logistic3A_287 = math.exp %logistic3A_286 : vector<2000x128xf32>
    %logistic3A_288 = arith.constant 1.000000e+00 : f32
    %logistic3A_289 = vector.broadcast %logistic3A_288 : f32 to vector<2000x128xf32>
    %logistic3A_290 = arith.addf %logistic3A_289, %logistic3A_287 : vector<2000x128xf32>
    %logistic3A_291 = arith.divf %logistic3A_289, %logistic3A_290 : vector<2000x128xf32>
    %slice3A_292 = vector.extract_strided_slice %add3A_284 {offsets = [0, 128], sizes = [2000, 128], strides = [1, 1]} : vector<2000x512xf32> to vector<2000x128xf32>
    %logistic3A_293 = arith.negf %slice3A_292 : vector<2000x128xf32>
    %logistic3A_294 = math.exp %logistic3A_293 : vector<2000x128xf32>
    %logistic3A_295 = arith.constant 1.000000e+00 : f32
    %logistic3A_296 = vector.broadcast %logistic3A_295 : f32 to vector<2000x128xf32>
    %logistic3A_297 = arith.addf %logistic3A_296, %logistic3A_294 : vector<2000x128xf32>
    %logistic3A_298 = arith.divf %logistic3A_296, %logistic3A_297 : vector<2000x128xf32>
    %slice3A_299 = vector.extract_strided_slice %add3A_284 {offsets = [0, 256], sizes = [2000, 128], strides = [1, 1]} : vector<2000x512xf32> to vector<2000x128xf32>
    %tanh3A_300 = math.tanh %slice3A_299 : vector<2000x128xf32>
    %slice3A_301 = vector.extract_strided_slice %add3A_284 {offsets = [0, 384], sizes = [2000, 128], strides = [1, 1]} : vector<2000x512xf32> to vector<2000x128xf32>
    %logistic3A_302 = arith.negf %slice3A_301 : vector<2000x128xf32>
    %logistic3A_303 = math.exp %logistic3A_302 : vector<2000x128xf32>
    %logistic3A_304 = arith.constant 1.000000e+00 : f32
    %logistic3A_305 = vector.broadcast %logistic3A_304 : f32 to vector<2000x128xf32>
    %logistic3A_306 = arith.addf %logistic3A_305, %logistic3A_303 : vector<2000x128xf32>
    %logistic3A_307 = arith.divf %logistic3A_305, %logistic3A_306 : vector<2000x128xf32>
    %mul3A_308 = arith.mulf %logistic3A_298, %add3A_272 : vector<2000x128xf32>
    %mul3A_309 = arith.mulf %logistic3A_291, %tanh3A_300 : vector<2000x128xf32>
    %add3A_310 = arith.addf %mul3A_308, %mul3A_309 : vector<2000x128xf32>
    %tanh3A_311 = math.tanh %add3A_310 : vector<2000x128xf32>
    %mul3A_312 = arith.mulf %logistic3A_307, %tanh3A_311 : vector<2000x128xf32>
    %slice3A_313 = vector.extract_strided_slice %get3A_1 {offsets = [0, 40], sizes = [2000, 5], strides = [1, 1]} : vector<2000x100xf32> to vector<2000x5xf32>
    %convert_element_type3A_314 = arith.truncf %slice3A_313 : vector<2000x5xf32> to vector<2000x5xbf16>
    %dot_general3A_315 = arith.constant dense<0.000000e+00> : vector<2000x512xf32>
    %dot_general3A_316 = tpu.matmul %convert_element_type3A_314, %convert_element_type3A, %dot_general3A_315 {dimension_numbers = #tpu.dot_dimension_numbers<[1], [0], [0], [1], [0, 0, 1, 1], [], []>, transpose_lhs_hint = false} : vector<2000x5xbf16>, vector<5x512xbf16>, vector<2000x512xf32> -> vector<2000x512xf32>
    %convert_element_type3A_317 = arith.truncf %mul3A_312 : vector<2000x128xf32> to vector<2000x128xbf16>
    %dot_general3A_318 = arith.constant dense<0.000000e+00> : vector<2000x512xf32>
    %dot_general3A_319 = tpu.matmul %convert_element_type3A_317, %convert_element_type3A_11, %dot_general3A_318 {dimension_numbers = #tpu.dot_dimension_numbers<[1], [0], [0], [1], [0, 0, 1, 1], [], []>, transpose_lhs_hint = false} : vector<2000x128xbf16>, vector<128x512xbf16>, vector<2000x512xf32> -> vector<2000x512xf32>
    %add3A_320 = arith.addf %dot_general3A_316, %dot_general3A_319 : vector<2000x512xf32>
    %add3A_321 = vector.broadcast %get3A_14 : vector<1x512xf32> to vector<2000x512xf32>
    %add3A_322 = arith.addf %add3A_320, %add3A_321 : vector<2000x512xf32>
    %slice3A_323 = vector.extract_strided_slice %add3A_322 {offsets = [0, 0], sizes = [2000, 128], strides = [1, 1]} : vector<2000x512xf32> to vector<2000x128xf32>
    %logistic3A_324 = arith.negf %slice3A_323 : vector<2000x128xf32>
    %logistic3A_325 = math.exp %logistic3A_324 : vector<2000x128xf32>
    %logistic3A_326 = arith.constant 1.000000e+00 : f32
    %logistic3A_327 = vector.broadcast %logistic3A_326 : f32 to vector<2000x128xf32>
    %logistic3A_328 = arith.addf %logistic3A_327, %logistic3A_325 : vector<2000x128xf32>
    %logistic3A_329 = arith.divf %logistic3A_327, %logistic3A_328 : vector<2000x128xf32>
    %slice3A_330 = vector.extract_strided_slice %add3A_322 {offsets = [0, 128], sizes = [2000, 128], strides = [1, 1]} : vector<2000x512xf32> to vector<2000x128xf32>
    %logistic3A_331 = arith.negf %slice3A_330 : vector<2000x128xf32>
    %logistic3A_332 = math.exp %logistic3A_331 : vector<2000x128xf32>
    %logistic3A_333 = arith.constant 1.000000e+00 : f32
    %logistic3A_334 = vector.broadcast %logistic3A_333 : f32 to vector<2000x128xf32>
    %logistic3A_335 = arith.addf %logistic3A_334, %logistic3A_332 : vector<2000x128xf32>
    %logistic3A_336 = arith.divf %logistic3A_334, %logistic3A_335 : vector<2000x128xf32>
    %slice3A_337 = vector.extract_strided_slice %add3A_322 {offsets = [0, 256], sizes = [2000, 128], strides = [1, 1]} : vector<2000x512xf32> to vector<2000x128xf32>
    %tanh3A_338 = math.tanh %slice3A_337 : vector<2000x128xf32>
    %slice3A_339 = vector.extract_strided_slice %add3A_322 {offsets = [0, 384], sizes = [2000, 128], strides = [1, 1]} : vector<2000x512xf32> to vector<2000x128xf32>
    %logistic3A_340 = arith.negf %slice3A_339 : vector<2000x128xf32>
    %logistic3A_341 = math.exp %logistic3A_340 : vector<2000x128xf32>
    %logistic3A_342 = arith.constant 1.000000e+00 : f32
    %logistic3A_343 = vector.broadcast %logistic3A_342 : f32 to vector<2000x128xf32>
    %logistic3A_344 = arith.addf %logistic3A_343, %logistic3A_341 : vector<2000x128xf32>
    %logistic3A_345 = arith.divf %logistic3A_343, %logistic3A_344 : vector<2000x128xf32>
    %mul3A_346 = arith.mulf %logistic3A_336, %add3A_310 : vector<2000x128xf32>
    %mul3A_347 = arith.mulf %logistic3A_329, %tanh3A_338 : vector<2000x128xf32>
    %add3A_348 = arith.addf %mul3A_346, %mul3A_347 : vector<2000x128xf32>
    %tanh3A_349 = math.tanh %add3A_348 : vector<2000x128xf32>
    %mul3A_350 = arith.mulf %logistic3A_345, %tanh3A_349 : vector<2000x128xf32>
    %slice3A_351 = vector.extract_strided_slice %get3A_1 {offsets = [0, 45], sizes = [2000, 5], strides = [1, 1]} : vector<2000x100xf32> to vector<2000x5xf32>
    %convert_element_type3A_352 = arith.truncf %slice3A_351 : vector<2000x5xf32> to vector<2000x5xbf16>
    %dot_general3A_353 = arith.constant dense<0.000000e+00> : vector<2000x512xf32>
    %dot_general3A_354 = tpu.matmul %convert_element_type3A_352, %convert_element_type3A, %dot_general3A_353 {dimension_numbers = #tpu.dot_dimension_numbers<[1], [0], [0], [1], [0, 0, 1, 1], [], []>, transpose_lhs_hint = false} : vector<2000x5xbf16>, vector<5x512xbf16>, vector<2000x512xf32> -> vector<2000x512xf32>
    %convert_element_type3A_355 = arith.truncf %mul3A_350 : vector<2000x128xf32> to vector<2000x128xbf16>
    %dot_general3A_356 = arith.constant dense<0.000000e+00> : vector<2000x512xf32>
    %dot_general3A_357 = tpu.matmul %convert_element_type3A_355, %convert_element_type3A_11, %dot_general3A_356 {dimension_numbers = #tpu.dot_dimension_numbers<[1], [0], [0], [1], [0, 0, 1, 1], [], []>, transpose_lhs_hint = false} : vector<2000x128xbf16>, vector<128x512xbf16>, vector<2000x512xf32> -> vector<2000x512xf32>
    %add3A_358 = arith.addf %dot_general3A_354, %dot_general3A_357 : vector<2000x512xf32>
    %add3A_359 = vector.broadcast %get3A_14 : vector<1x512xf32> to vector<2000x512xf32>
    %add3A_360 = arith.addf %add3A_358, %add3A_359 : vector<2000x512xf32>
    %slice3A_361 = vector.extract_strided_slice %add3A_360 {offsets = [0, 0], sizes = [2000, 128], strides = [1, 1]} : vector<2000x512xf32> to vector<2000x128xf32>
    %logistic3A_362 = arith.negf %slice3A_361 : vector<2000x128xf32>
    %logistic3A_363 = math.exp %logistic3A_362 : vector<2000x128xf32>
    %logistic3A_364 = arith.constant 1.000000e+00 : f32
    %logistic3A_365 = vector.broadcast %logistic3A_364 : f32 to vector<2000x128xf32>
    %logistic3A_366 = arith.addf %logistic3A_365, %logistic3A_363 : vector<2000x128xf32>
    %logistic3A_367 = arith.divf %logistic3A_365, %logistic3A_366 : vector<2000x128xf32>
    %slice3A_368 = vector.extract_strided_slice %add3A_360 {offsets = [0, 128], sizes = [2000, 128], strides = [1, 1]} : vector<2000x512xf32> to vector<2000x128xf32>
    %logistic3A_369 = arith.negf %slice3A_368 : vector<2000x128xf32>
    %logistic3A_370 = math.exp %logistic3A_369 : vector<2000x128xf32>
    %logistic3A_371 = arith.constant 1.000000e+00 : f32
    %logistic3A_372 = vector.broadcast %logistic3A_371 : f32 to vector<2000x128xf32>
    %logistic3A_373 = arith.addf %logistic3A_372, %logistic3A_370 : vector<2000x128xf32>
    %logistic3A_374 = arith.divf %logistic3A_372, %logistic3A_373 : vector<2000x128xf32>
    %slice3A_375 = vector.extract_strided_slice %add3A_360 {offsets = [0, 256], sizes = [2000, 128], strides = [1, 1]} : vector<2000x512xf32> to vector<2000x128xf32>
    %tanh3A_376 = math.tanh %slice3A_375 : vector<2000x128xf32>
    %slice3A_377 = vector.extract_strided_slice %add3A_360 {offsets = [0, 384], sizes = [2000, 128], strides = [1, 1]} : vector<2000x512xf32> to vector<2000x128xf32>
    %logistic3A_378 = arith.negf %slice3A_377 : vector<2000x128xf32>
    %logistic3A_379 = math.exp %logistic3A_378 : vector<2000x128xf32>
    %logistic3A_380 = arith.constant 1.000000e+00 : f32
    %logistic3A_381 = vector.broadcast %logistic3A_380 : f32 to vector<2000x128xf32>
    %logistic3A_382 = arith.addf %logistic3A_381, %logistic3A_379 : vector<2000x128xf32>
    %logistic3A_383 = arith.divf %logistic3A_381, %logistic3A_382 : vector<2000x128xf32>
    %mul3A_384 = arith.mulf %logistic3A_374, %add3A_348 : vector<2000x128xf32>
    %mul3A_385 = arith.mulf %logistic3A_367, %tanh3A_376 : vector<2000x128xf32>
    %add3A_386 = arith.addf %mul3A_384, %mul3A_385 : vector<2000x128xf32>
    %tanh3A_387 = math.tanh %add3A_386 : vector<2000x128xf32>
    %mul3A_388 = arith.mulf %logistic3A_383, %tanh3A_387 : vector<2000x128xf32>
    %slice3A_389 = vector.extract_strided_slice %get3A_1 {offsets = [0, 50], sizes = [2000, 5], strides = [1, 1]} : vector<2000x100xf32> to vector<2000x5xf32>
    %convert_element_type3A_390 = arith.truncf %slice3A_389 : vector<2000x5xf32> to vector<2000x5xbf16>
    %dot_general3A_391 = arith.constant dense<0.000000e+00> : vector<2000x512xf32>
    %dot_general3A_392 = tpu.matmul %convert_element_type3A_390, %convert_element_type3A, %dot_general3A_391 {dimension_numbers = #tpu.dot_dimension_numbers<[1], [0], [0], [1], [0, 0, 1, 1], [], []>, transpose_lhs_hint = false} : vector<2000x5xbf16>, vector<5x512xbf16>, vector<2000x512xf32> -> vector<2000x512xf32>
    %convert_element_type3A_393 = arith.truncf %mul3A_388 : vector<2000x128xf32> to vector<2000x128xbf16>
    %dot_general3A_394 = arith.constant dense<0.000000e+00> : vector<2000x512xf32>
    %dot_general3A_395 = tpu.matmul %convert_element_type3A_393, %convert_element_type3A_11, %dot_general3A_394 {dimension_numbers = #tpu.dot_dimension_numbers<[1], [0], [0], [1], [0, 0, 1, 1], [], []>, transpose_lhs_hint = false} : vector<2000x128xbf16>, vector<128x512xbf16>, vector<2000x512xf32> -> vector<2000x512xf32>
    %add3A_396 = arith.addf %dot_general3A_392, %dot_general3A_395 : vector<2000x512xf32>
    %add3A_397 = vector.broadcast %get3A_14 : vector<1x512xf32> to vector<2000x512xf32>
    %add3A_398 = arith.addf %add3A_396, %add3A_397 : vector<2000x512xf32>
    %slice3A_399 = vector.extract_strided_slice %add3A_398 {offsets = [0, 0], sizes = [2000, 128], strides = [1, 1]} : vector<2000x512xf32> to vector<2000x128xf32>
    %logistic3A_400 = arith.negf %slice3A_399 : vector<2000x128xf32>
    %logistic3A_401 = math.exp %logistic3A_400 : vector<2000x128xf32>
    %logistic3A_402 = arith.constant 1.000000e+00 : f32
    %logistic3A_403 = vector.broadcast %logistic3A_402 : f32 to vector<2000x128xf32>
    %logistic3A_404 = arith.addf %logistic3A_403, %logistic3A_401 : vector<2000x128xf32>
    %logistic3A_405 = arith.divf %logistic3A_403, %logistic3A_404 : vector<2000x128xf32>
    %slice3A_406 = vector.extract_strided_slice %add3A_398 {offsets = [0, 128], sizes = [2000, 128], strides = [1, 1]} : vector<2000x512xf32> to vector<2000x128xf32>
    %logistic3A_407 = arith.negf %slice3A_406 : vector<2000x128xf32>
    %logistic3A_408 = math.exp %logistic3A_407 : vector<2000x128xf32>
    %logistic3A_409 = arith.constant 1.000000e+00 : f32
    %logistic3A_410 = vector.broadcast %logistic3A_409 : f32 to vector<2000x128xf32>
    %logistic3A_411 = arith.addf %logistic3A_410, %logistic3A_408 : vector<2000x128xf32>
    %logistic3A_412 = arith.divf %logistic3A_410, %logistic3A_411 : vector<2000x128xf32>
    %slice3A_413 = vector.extract_strided_slice %add3A_398 {offsets = [0, 256], sizes = [2000, 128], strides = [1, 1]} : vector<2000x512xf32> to vector<2000x128xf32>
    %tanh3A_414 = math.tanh %slice3A_413 : vector<2000x128xf32>
    %slice3A_415 = vector.extract_strided_slice %add3A_398 {offsets = [0, 384], sizes = [2000, 128], strides = [1, 1]} : vector<2000x512xf32> to vector<2000x128xf32>
    %logistic3A_416 = arith.negf %slice3A_415 : vector<2000x128xf32>
    %logistic3A_417 = math.exp %logistic3A_416 : vector<2000x128xf32>
    %logistic3A_418 = arith.constant 1.000000e+00 : f32
    %logistic3A_419 = vector.broadcast %logistic3A_418 : f32 to vector<2000x128xf32>
    %logistic3A_420 = arith.addf %logistic3A_419, %logistic3A_417 : vector<2000x128xf32>
    %logistic3A_421 = arith.divf %logistic3A_419, %logistic3A_420 : vector<2000x128xf32>
    %mul3A_422 = arith.mulf %logistic3A_412, %add3A_386 : vector<2000x128xf32>
    %mul3A_423 = arith.mulf %logistic3A_405, %tanh3A_414 : vector<2000x128xf32>
    %add3A_424 = arith.addf %mul3A_422, %mul3A_423 : vector<2000x128xf32>
    %tanh3A_425 = math.tanh %add3A_424 : vector<2000x128xf32>
    %mul3A_426 = arith.mulf %logistic3A_421, %tanh3A_425 : vector<2000x128xf32>
    %slice3A_427 = vector.extract_strided_slice %get3A_1 {offsets = [0, 55], sizes = [2000, 5], strides = [1, 1]} : vector<2000x100xf32> to vector<2000x5xf32>
    %convert_element_type3A_428 = arith.truncf %slice3A_427 : vector<2000x5xf32> to vector<2000x5xbf16>
    %dot_general3A_429 = arith.constant dense<0.000000e+00> : vector<2000x512xf32>
    %dot_general3A_430 = tpu.matmul %convert_element_type3A_428, %convert_element_type3A, %dot_general3A_429 {dimension_numbers = #tpu.dot_dimension_numbers<[1], [0], [0], [1], [0, 0, 1, 1], [], []>, transpose_lhs_hint = false} : vector<2000x5xbf16>, vector<5x512xbf16>, vector<2000x512xf32> -> vector<2000x512xf32>
    %convert_element_type3A_431 = arith.truncf %mul3A_426 : vector<2000x128xf32> to vector<2000x128xbf16>
    %dot_general3A_432 = arith.constant dense<0.000000e+00> : vector<2000x512xf32>
    %dot_general3A_433 = tpu.matmul %convert_element_type3A_431, %convert_element_type3A_11, %dot_general3A_432 {dimension_numbers = #tpu.dot_dimension_numbers<[1], [0], [0], [1], [0, 0, 1, 1], [], []>, transpose_lhs_hint = false} : vector<2000x128xbf16>, vector<128x512xbf16>, vector<2000x512xf32> -> vector<2000x512xf32>
    %add3A_434 = arith.addf %dot_general3A_430, %dot_general3A_433 : vector<2000x512xf32>
    %add3A_435 = vector.broadcast %get3A_14 : vector<1x512xf32> to vector<2000x512xf32>
    %add3A_436 = arith.addf %add3A_434, %add3A_435 : vector<2000x512xf32>
    %slice3A_437 = vector.extract_strided_slice %add3A_436 {offsets = [0, 0], sizes = [2000, 128], strides = [1, 1]} : vector<2000x512xf32> to vector<2000x128xf32>
    %logistic3A_438 = arith.negf %slice3A_437 : vector<2000x128xf32>
    %logistic3A_439 = math.exp %logistic3A_438 : vector<2000x128xf32>
    %logistic3A_440 = arith.constant 1.000000e+00 : f32
    %logistic3A_441 = vector.broadcast %logistic3A_440 : f32 to vector<2000x128xf32>
    %logistic3A_442 = arith.addf %logistic3A_441, %logistic3A_439 : vector<2000x128xf32>
    %logistic3A_443 = arith.divf %logistic3A_441, %logistic3A_442 : vector<2000x128xf32>
    %slice3A_444 = vector.extract_strided_slice %add3A_436 {offsets = [0, 128], sizes = [2000, 128], strides = [1, 1]} : vector<2000x512xf32> to vector<2000x128xf32>
    %logistic3A_445 = arith.negf %slice3A_444 : vector<2000x128xf32>
    %logistic3A_446 = math.exp %logistic3A_445 : vector<2000x128xf32>
    %logistic3A_447 = arith.constant 1.000000e+00 : f32
    %logistic3A_448 = vector.broadcast %logistic3A_447 : f32 to vector<2000x128xf32>
    %logistic3A_449 = arith.addf %logistic3A_448, %logistic3A_446 : vector<2000x128xf32>
    %logistic3A_450 = arith.divf %logistic3A_448, %logistic3A_449 : vector<2000x128xf32>
    %slice3A_451 = vector.extract_strided_slice %add3A_436 {offsets = [0, 256], sizes = [2000, 128], strides = [1, 1]} : vector<2000x512xf32> to vector<2000x128xf32>
    %tanh3A_452 = math.tanh %slice3A_451 : vector<2000x128xf32>
    %slice3A_453 = vector.extract_strided_slice %add3A_436 {offsets = [0, 384], sizes = [2000, 128], strides = [1, 1]} : vector<2000x512xf32> to vector<2000x128xf32>
    %logistic3A_454 = arith.negf %slice3A_453 : vector<2000x128xf32>
    %logistic3A_455 = math.exp %logistic3A_454 : vector<2000x128xf32>
    %logistic3A_456 = arith.constant 1.000000e+00 : f32
    %logistic3A_457 = vector.broadcast %logistic3A_456 : f32 to vector<2000x128xf32>
    %logistic3A_458 = arith.addf %logistic3A_457, %logistic3A_455 : vector<2000x128xf32>
    %logistic3A_459 = arith.divf %logistic3A_457, %logistic3A_458 : vector<2000x128xf32>
    %mul3A_460 = arith.mulf %logistic3A_450, %add3A_424 : vector<2000x128xf32>
    %mul3A_461 = arith.mulf %logistic3A_443, %tanh3A_452 : vector<2000x128xf32>
    %add3A_462 = arith.addf %mul3A_460, %mul3A_461 : vector<2000x128xf32>
    %tanh3A_463 = math.tanh %add3A_462 : vector<2000x128xf32>
    %mul3A_464 = arith.mulf %logistic3A_459, %tanh3A_463 : vector<2000x128xf32>
    %slice3A_465 = vector.extract_strided_slice %get3A_1 {offsets = [0, 60], sizes = [2000, 5], strides = [1, 1]} : vector<2000x100xf32> to vector<2000x5xf32>
    %convert_element_type3A_466 = arith.truncf %slice3A_465 : vector<2000x5xf32> to vector<2000x5xbf16>
    %dot_general3A_467 = arith.constant dense<0.000000e+00> : vector<2000x512xf32>
    %dot_general3A_468 = tpu.matmul %convert_element_type3A_466, %convert_element_type3A, %dot_general3A_467 {dimension_numbers = #tpu.dot_dimension_numbers<[1], [0], [0], [1], [0, 0, 1, 1], [], []>, transpose_lhs_hint = false} : vector<2000x5xbf16>, vector<5x512xbf16>, vector<2000x512xf32> -> vector<2000x512xf32>
    %convert_element_type3A_469 = arith.truncf %mul3A_464 : vector<2000x128xf32> to vector<2000x128xbf16>
    %dot_general3A_470 = arith.constant dense<0.000000e+00> : vector<2000x512xf32>
    %dot_general3A_471 = tpu.matmul %convert_element_type3A_469, %convert_element_type3A_11, %dot_general3A_470 {dimension_numbers = #tpu.dot_dimension_numbers<[1], [0], [0], [1], [0, 0, 1, 1], [], []>, transpose_lhs_hint = false} : vector<2000x128xbf16>, vector<128x512xbf16>, vector<2000x512xf32> -> vector<2000x512xf32>
    %add3A_472 = arith.addf %dot_general3A_468, %dot_general3A_471 : vector<2000x512xf32>
    %add3A_473 = vector.broadcast %get3A_14 : vector<1x512xf32> to vector<2000x512xf32>
    %add3A_474 = arith.addf %add3A_472, %add3A_473 : vector<2000x512xf32>
    %slice3A_475 = vector.extract_strided_slice %add3A_474 {offsets = [0, 0], sizes = [2000, 128], strides = [1, 1]} : vector<2000x512xf32> to vector<2000x128xf32>
    %logistic3A_476 = arith.negf %slice3A_475 : vector<2000x128xf32>
    %logistic3A_477 = math.exp %logistic3A_476 : vector<2000x128xf32>
    %logistic3A_478 = arith.constant 1.000000e+00 : f32
    %logistic3A_479 = vector.broadcast %logistic3A_478 : f32 to vector<2000x128xf32>
    %logistic3A_480 = arith.addf %logistic3A_479, %logistic3A_477 : vector<2000x128xf32>
    %logistic3A_481 = arith.divf %logistic3A_479, %logistic3A_480 : vector<2000x128xf32>
    %slice3A_482 = vector.extract_strided_slice %add3A_474 {offsets = [0, 128], sizes = [2000, 128], strides = [1, 1]} : vector<2000x512xf32> to vector<2000x128xf32>
    %logistic3A_483 = arith.negf %slice3A_482 : vector<2000x128xf32>
    %logistic3A_484 = math.exp %logistic3A_483 : vector<2000x128xf32>
    %logistic3A_485 = arith.constant 1.000000e+00 : f32
    %logistic3A_486 = vector.broadcast %logistic3A_485 : f32 to vector<2000x128xf32>
    %logistic3A_487 = arith.addf %logistic3A_486, %logistic3A_484 : vector<2000x128xf32>
    %logistic3A_488 = arith.divf %logistic3A_486, %logistic3A_487 : vector<2000x128xf32>
    %slice3A_489 = vector.extract_strided_slice %add3A_474 {offsets = [0, 256], sizes = [2000, 128], strides = [1, 1]} : vector<2000x512xf32> to vector<2000x128xf32>
    %tanh3A_490 = math.tanh %slice3A_489 : vector<2000x128xf32>
    %slice3A_491 = vector.extract_strided_slice %add3A_474 {offsets = [0, 384], sizes = [2000, 128], strides = [1, 1]} : vector<2000x512xf32> to vector<2000x128xf32>
    %logistic3A_492 = arith.negf %slice3A_491 : vector<2000x128xf32>
    %logistic3A_493 = math.exp %logistic3A_492 : vector<2000x128xf32>
    %logistic3A_494 = arith.constant 1.000000e+00 : f32
    %logistic3A_495 = vector.broadcast %logistic3A_494 : f32 to vector<2000x128xf32>
    %logistic3A_496 = arith.addf %logistic3A_495, %logistic3A_493 : vector<2000x128xf32>
    %logistic3A_497 = arith.divf %logistic3A_495, %logistic3A_496 : vector<2000x128xf32>
    %mul3A_498 = arith.mulf %logistic3A_488, %add3A_462 : vector<2000x128xf32>
    %mul3A_499 = arith.mulf %logistic3A_481, %tanh3A_490 : vector<2000x128xf32>
    %add3A_500 = arith.addf %mul3A_498, %mul3A_499 : vector<2000x128xf32>
    %tanh3A_501 = math.tanh %add3A_500 : vector<2000x128xf32>
    %mul3A_502 = arith.mulf %logistic3A_497, %tanh3A_501 : vector<2000x128xf32>
    %slice3A_503 = vector.extract_strided_slice %get3A_1 {offsets = [0, 65], sizes = [2000, 5], strides = [1, 1]} : vector<2000x100xf32> to vector<2000x5xf32>
    %convert_element_type3A_504 = arith.truncf %slice3A_503 : vector<2000x5xf32> to vector<2000x5xbf16>
    %dot_general3A_505 = arith.constant dense<0.000000e+00> : vector<2000x512xf32>
    %dot_general3A_506 = tpu.matmul %convert_element_type3A_504, %convert_element_type3A, %dot_general3A_505 {dimension_numbers = #tpu.dot_dimension_numbers<[1], [0], [0], [1], [0, 0, 1, 1], [], []>, transpose_lhs_hint = false} : vector<2000x5xbf16>, vector<5x512xbf16>, vector<2000x512xf32> -> vector<2000x512xf32>
    %convert_element_type3A_507 = arith.truncf %mul3A_502 : vector<2000x128xf32> to vector<2000x128xbf16>
    %dot_general3A_508 = arith.constant dense<0.000000e+00> : vector<2000x512xf32>
    %dot_general3A_509 = tpu.matmul %convert_element_type3A_507, %convert_element_type3A_11, %dot_general3A_508 {dimension_numbers = #tpu.dot_dimension_numbers<[1], [0], [0], [1], [0, 0, 1, 1], [], []>, transpose_lhs_hint = false} : vector<2000x128xbf16>, vector<128x512xbf16>, vector<2000x512xf32> -> vector<2000x512xf32>
    %add3A_510 = arith.addf %dot_general3A_506, %dot_general3A_509 : vector<2000x512xf32>
    %add3A_511 = vector.broadcast %get3A_14 : vector<1x512xf32> to vector<2000x512xf32>
    %add3A_512 = arith.addf %add3A_510, %add3A_511 : vector<2000x512xf32>
    %slice3A_513 = vector.extract_strided_slice %add3A_512 {offsets = [0, 0], sizes = [2000, 128], strides = [1, 1]} : vector<2000x512xf32> to vector<2000x128xf32>
    %logistic3A_514 = arith.negf %slice3A_513 : vector<2000x128xf32>
    %logistic3A_515 = math.exp %logistic3A_514 : vector<2000x128xf32>
    %logistic3A_516 = arith.constant 1.000000e+00 : f32
    %logistic3A_517 = vector.broadcast %logistic3A_516 : f32 to vector<2000x128xf32>
    %logistic3A_518 = arith.addf %logistic3A_517, %logistic3A_515 : vector<2000x128xf32>
    %logistic3A_519 = arith.divf %logistic3A_517, %logistic3A_518 : vector<2000x128xf32>
    %slice3A_520 = vector.extract_strided_slice %add3A_512 {offsets = [0, 128], sizes = [2000, 128], strides = [1, 1]} : vector<2000x512xf32> to vector<2000x128xf32>
    %logistic3A_521 = arith.negf %slice3A_520 : vector<2000x128xf32>
    %logistic3A_522 = math.exp %logistic3A_521 : vector<2000x128xf32>
    %logistic3A_523 = arith.constant 1.000000e+00 : f32
    %logistic3A_524 = vector.broadcast %logistic3A_523 : f32 to vector<2000x128xf32>
    %logistic3A_525 = arith.addf %logistic3A_524, %logistic3A_522 : vector<2000x128xf32>
    %logistic3A_526 = arith.divf %logistic3A_524, %logistic3A_525 : vector<2000x128xf32>
    %slice3A_527 = vector.extract_strided_slice %add3A_512 {offsets = [0, 256], sizes = [2000, 128], strides = [1, 1]} : vector<2000x512xf32> to vector<2000x128xf32>
    %tanh3A_528 = math.tanh %slice3A_527 : vector<2000x128xf32>
    %slice3A_529 = vector.extract_strided_slice %add3A_512 {offsets = [0, 384], sizes = [2000, 128], strides = [1, 1]} : vector<2000x512xf32> to vector<2000x128xf32>
    %logistic3A_530 = arith.negf %slice3A_529 : vector<2000x128xf32>
    %logistic3A_531 = math.exp %logistic3A_530 : vector<2000x128xf32>
    %logistic3A_532 = arith.constant 1.000000e+00 : f32
    %logistic3A_533 = vector.broadcast %logistic3A_532 : f32 to vector<2000x128xf32>
    %logistic3A_534 = arith.addf %logistic3A_533, %logistic3A_531 : vector<2000x128xf32>
    %logistic3A_535 = arith.divf %logistic3A_533, %logistic3A_534 : vector<2000x128xf32>
    %mul3A_536 = arith.mulf %logistic3A_526, %add3A_500 : vector<2000x128xf32>
    %mul3A_537 = arith.mulf %logistic3A_519, %tanh3A_528 : vector<2000x128xf32>
    %add3A_538 = arith.addf %mul3A_536, %mul3A_537 : vector<2000x128xf32>
    %tanh3A_539 = math.tanh %add3A_538 : vector<2000x128xf32>
    %mul3A_540 = arith.mulf %logistic3A_535, %tanh3A_539 : vector<2000x128xf32>
    %slice3A_541 = vector.extract_strided_slice %get3A_1 {offsets = [0, 70], sizes = [2000, 5], strides = [1, 1]} : vector<2000x100xf32> to vector<2000x5xf32>
    %convert_element_type3A_542 = arith.truncf %slice3A_541 : vector<2000x5xf32> to vector<2000x5xbf16>
    %dot_general3A_543 = arith.constant dense<0.000000e+00> : vector<2000x512xf32>
    %dot_general3A_544 = tpu.matmul %convert_element_type3A_542, %convert_element_type3A, %dot_general3A_543 {dimension_numbers = #tpu.dot_dimension_numbers<[1], [0], [0], [1], [0, 0, 1, 1], [], []>, transpose_lhs_hint = false} : vector<2000x5xbf16>, vector<5x512xbf16>, vector<2000x512xf32> -> vector<2000x512xf32>
    %convert_element_type3A_545 = arith.truncf %mul3A_540 : vector<2000x128xf32> to vector<2000x128xbf16>
    %dot_general3A_546 = arith.constant dense<0.000000e+00> : vector<2000x512xf32>
    %dot_general3A_547 = tpu.matmul %convert_element_type3A_545, %convert_element_type3A_11, %dot_general3A_546 {dimension_numbers = #tpu.dot_dimension_numbers<[1], [0], [0], [1], [0, 0, 1, 1], [], []>, transpose_lhs_hint = false} : vector<2000x128xbf16>, vector<128x512xbf16>, vector<2000x512xf32> -> vector<2000x512xf32>
    %add3A_548 = arith.addf %dot_general3A_544, %dot_general3A_547 : vector<2000x512xf32>
    %add3A_549 = vector.broadcast %get3A_14 : vector<1x512xf32> to vector<2000x512xf32>
    %add3A_550 = arith.addf %add3A_548, %add3A_549 : vector<2000x512xf32>
    %slice3A_551 = vector.extract_strided_slice %add3A_550 {offsets = [0, 0], sizes = [2000, 128], strides = [1, 1]} : vector<2000x512xf32> to vector<2000x128xf32>
    %logistic3A_552 = arith.negf %slice3A_551 : vector<2000x128xf32>
    %logistic3A_553 = math.exp %logistic3A_552 : vector<2000x128xf32>
    %logistic3A_554 = arith.constant 1.000000e+00 : f32
    %logistic3A_555 = vector.broadcast %logistic3A_554 : f32 to vector<2000x128xf32>
    %logistic3A_556 = arith.addf %logistic3A_555, %logistic3A_553 : vector<2000x128xf32>
    %logistic3A_557 = arith.divf %logistic3A_555, %logistic3A_556 : vector<2000x128xf32>
    %slice3A_558 = vector.extract_strided_slice %add3A_550 {offsets = [0, 128], sizes = [2000, 128], strides = [1, 1]} : vector<2000x512xf32> to vector<2000x128xf32>
    %logistic3A_559 = arith.negf %slice3A_558 : vector<2000x128xf32>
    %logistic3A_560 = math.exp %logistic3A_559 : vector<2000x128xf32>
    %logistic3A_561 = arith.constant 1.000000e+00 : f32
    %logistic3A_562 = vector.broadcast %logistic3A_561 : f32 to vector<2000x128xf32>
    %logistic3A_563 = arith.addf %logistic3A_562, %logistic3A_560 : vector<2000x128xf32>
    %logistic3A_564 = arith.divf %logistic3A_562, %logistic3A_563 : vector<2000x128xf32>
    %slice3A_565 = vector.extract_strided_slice %add3A_550 {offsets = [0, 256], sizes = [2000, 128], strides = [1, 1]} : vector<2000x512xf32> to vector<2000x128xf32>
    %tanh3A_566 = math.tanh %slice3A_565 : vector<2000x128xf32>
    %slice3A_567 = vector.extract_strided_slice %add3A_550 {offsets = [0, 384], sizes = [2000, 128], strides = [1, 1]} : vector<2000x512xf32> to vector<2000x128xf32>
    %logistic3A_568 = arith.negf %slice3A_567 : vector<2000x128xf32>
    %logistic3A_569 = math.exp %logistic3A_568 : vector<2000x128xf32>
    %logistic3A_570 = arith.constant 1.000000e+00 : f32
    %logistic3A_571 = vector.broadcast %logistic3A_570 : f32 to vector<2000x128xf32>
    %logistic3A_572 = arith.addf %logistic3A_571, %logistic3A_569 : vector<2000x128xf32>
    %logistic3A_573 = arith.divf %logistic3A_571, %logistic3A_572 : vector<2000x128xf32>
    %mul3A_574 = arith.mulf %logistic3A_564, %add3A_538 : vector<2000x128xf32>
    %mul3A_575 = arith.mulf %logistic3A_557, %tanh3A_566 : vector<2000x128xf32>
    %add3A_576 = arith.addf %mul3A_574, %mul3A_575 : vector<2000x128xf32>
    %tanh3A_577 = math.tanh %add3A_576 : vector<2000x128xf32>
    %mul3A_578 = arith.mulf %logistic3A_573, %tanh3A_577 : vector<2000x128xf32>
    %slice3A_579 = vector.extract_strided_slice %get3A_1 {offsets = [0, 75], sizes = [2000, 5], strides = [1, 1]} : vector<2000x100xf32> to vector<2000x5xf32>
    %convert_element_type3A_580 = arith.truncf %slice3A_579 : vector<2000x5xf32> to vector<2000x5xbf16>
    %dot_general3A_581 = arith.constant dense<0.000000e+00> : vector<2000x512xf32>
    %dot_general3A_582 = tpu.matmul %convert_element_type3A_580, %convert_element_type3A, %dot_general3A_581 {dimension_numbers = #tpu.dot_dimension_numbers<[1], [0], [0], [1], [0, 0, 1, 1], [], []>, transpose_lhs_hint = false} : vector<2000x5xbf16>, vector<5x512xbf16>, vector<2000x512xf32> -> vector<2000x512xf32>
    %convert_element_type3A_583 = arith.truncf %mul3A_578 : vector<2000x128xf32> to vector<2000x128xbf16>
    %dot_general3A_584 = arith.constant dense<0.000000e+00> : vector<2000x512xf32>
    %dot_general3A_585 = tpu.matmul %convert_element_type3A_583, %convert_element_type3A_11, %dot_general3A_584 {dimension_numbers = #tpu.dot_dimension_numbers<[1], [0], [0], [1], [0, 0, 1, 1], [], []>, transpose_lhs_hint = false} : vector<2000x128xbf16>, vector<128x512xbf16>, vector<2000x512xf32> -> vector<2000x512xf32>
    %add3A_586 = arith.addf %dot_general3A_582, %dot_general3A_585 : vector<2000x512xf32>
    %add3A_587 = vector.broadcast %get3A_14 : vector<1x512xf32> to vector<2000x512xf32>
    %add3A_588 = arith.addf %add3A_586, %add3A_587 : vector<2000x512xf32>
    %slice3A_589 = vector.extract_strided_slice %add3A_588 {offsets = [0, 0], sizes = [2000, 128], strides = [1, 1]} : vector<2000x512xf32> to vector<2000x128xf32>
    %logistic3A_590 = arith.negf %slice3A_589 : vector<2000x128xf32>
    %logistic3A_591 = math.exp %logistic3A_590 : vector<2000x128xf32>
    %logistic3A_592 = arith.constant 1.000000e+00 : f32
    %logistic3A_593 = vector.broadcast %logistic3A_592 : f32 to vector<2000x128xf32>
    %logistic3A_594 = arith.addf %logistic3A_593, %logistic3A_591 : vector<2000x128xf32>
    %logistic3A_595 = arith.divf %logistic3A_593, %logistic3A_594 : vector<2000x128xf32>
    %slice3A_596 = vector.extract_strided_slice %add3A_588 {offsets = [0, 128], sizes = [2000, 128], strides = [1, 1]} : vector<2000x512xf32> to vector<2000x128xf32>
    %logistic3A_597 = arith.negf %slice3A_596 : vector<2000x128xf32>
    %logistic3A_598 = math.exp %logistic3A_597 : vector<2000x128xf32>
    %logistic3A_599 = arith.constant 1.000000e+00 : f32
    %logistic3A_600 = vector.broadcast %logistic3A_599 : f32 to vector<2000x128xf32>
    %logistic3A_601 = arith.addf %logistic3A_600, %logistic3A_598 : vector<2000x128xf32>
    %logistic3A_602 = arith.divf %logistic3A_600, %logistic3A_601 : vector<2000x128xf32>
    %slice3A_603 = vector.extract_strided_slice %add3A_588 {offsets = [0, 256], sizes = [2000, 128], strides = [1, 1]} : vector<2000x512xf32> to vector<2000x128xf32>
    %tanh3A_604 = math.tanh %slice3A_603 : vector<2000x128xf32>
    %slice3A_605 = vector.extract_strided_slice %add3A_588 {offsets = [0, 384], sizes = [2000, 128], strides = [1, 1]} : vector<2000x512xf32> to vector<2000x128xf32>
    %logistic3A_606 = arith.negf %slice3A_605 : vector<2000x128xf32>
    %logistic3A_607 = math.exp %logistic3A_606 : vector<2000x128xf32>
    %logistic3A_608 = arith.constant 1.000000e+00 : f32
    %logistic3A_609 = vector.broadcast %logistic3A_608 : f32 to vector<2000x128xf32>
    %logistic3A_610 = arith.addf %logistic3A_609, %logistic3A_607 : vector<2000x128xf32>
    %logistic3A_611 = arith.divf %logistic3A_609, %logistic3A_610 : vector<2000x128xf32>
    %mul3A_612 = arith.mulf %logistic3A_602, %add3A_576 : vector<2000x128xf32>
    %mul3A_613 = arith.mulf %logistic3A_595, %tanh3A_604 : vector<2000x128xf32>
    %add3A_614 = arith.addf %mul3A_612, %mul3A_613 : vector<2000x128xf32>
    %tanh3A_615 = math.tanh %add3A_614 : vector<2000x128xf32>
    %mul3A_616 = arith.mulf %logistic3A_611, %tanh3A_615 : vector<2000x128xf32>
    %slice3A_617 = vector.extract_strided_slice %get3A_1 {offsets = [0, 80], sizes = [2000, 5], strides = [1, 1]} : vector<2000x100xf32> to vector<2000x5xf32>
    %convert_element_type3A_618 = arith.truncf %slice3A_617 : vector<2000x5xf32> to vector<2000x5xbf16>
    %dot_general3A_619 = arith.constant dense<0.000000e+00> : vector<2000x512xf32>
    %dot_general3A_620 = tpu.matmul %convert_element_type3A_618, %convert_element_type3A, %dot_general3A_619 {dimension_numbers = #tpu.dot_dimension_numbers<[1], [0], [0], [1], [0, 0, 1, 1], [], []>, transpose_lhs_hint = false} : vector<2000x5xbf16>, vector<5x512xbf16>, vector<2000x512xf32> -> vector<2000x512xf32>
    %convert_element_type3A_621 = arith.truncf %mul3A_616 : vector<2000x128xf32> to vector<2000x128xbf16>
    %dot_general3A_622 = arith.constant dense<0.000000e+00> : vector<2000x512xf32>
    %dot_general3A_623 = tpu.matmul %convert_element_type3A_621, %convert_element_type3A_11, %dot_general3A_622 {dimension_numbers = #tpu.dot_dimension_numbers<[1], [0], [0], [1], [0, 0, 1, 1], [], []>, transpose_lhs_hint = false} : vector<2000x128xbf16>, vector<128x512xbf16>, vector<2000x512xf32> -> vector<2000x512xf32>
    %add3A_624 = arith.addf %dot_general3A_620, %dot_general3A_623 : vector<2000x512xf32>
    %add3A_625 = vector.broadcast %get3A_14 : vector<1x512xf32> to vector<2000x512xf32>
    %add3A_626 = arith.addf %add3A_624, %add3A_625 : vector<2000x512xf32>
    %slice3A_627 = vector.extract_strided_slice %add3A_626 {offsets = [0, 0], sizes = [2000, 128], strides = [1, 1]} : vector<2000x512xf32> to vector<2000x128xf32>
    %logistic3A_628 = arith.negf %slice3A_627 : vector<2000x128xf32>
    %logistic3A_629 = math.exp %logistic3A_628 : vector<2000x128xf32>
    %logistic3A_630 = arith.constant 1.000000e+00 : f32
    %logistic3A_631 = vector.broadcast %logistic3A_630 : f32 to vector<2000x128xf32>
    %logistic3A_632 = arith.addf %logistic3A_631, %logistic3A_629 : vector<2000x128xf32>
    %logistic3A_633 = arith.divf %logistic3A_631, %logistic3A_632 : vector<2000x128xf32>
    %slice3A_634 = vector.extract_strided_slice %add3A_626 {offsets = [0, 128], sizes = [2000, 128], strides = [1, 1]} : vector<2000x512xf32> to vector<2000x128xf32>
    %logistic3A_635 = arith.negf %slice3A_634 : vector<2000x128xf32>
    %logistic3A_636 = math.exp %logistic3A_635 : vector<2000x128xf32>
    %logistic3A_637 = arith.constant 1.000000e+00 : f32
    %logistic3A_638 = vector.broadcast %logistic3A_637 : f32 to vector<2000x128xf32>
    %logistic3A_639 = arith.addf %logistic3A_638, %logistic3A_636 : vector<2000x128xf32>
    %logistic3A_640 = arith.divf %logistic3A_638, %logistic3A_639 : vector<2000x128xf32>
    %slice3A_641 = vector.extract_strided_slice %add3A_626 {offsets = [0, 256], sizes = [2000, 128], strides = [1, 1]} : vector<2000x512xf32> to vector<2000x128xf32>
    %tanh3A_642 = math.tanh %slice3A_641 : vector<2000x128xf32>
    %slice3A_643 = vector.extract_strided_slice %add3A_626 {offsets = [0, 384], sizes = [2000, 128], strides = [1, 1]} : vector<2000x512xf32> to vector<2000x128xf32>
    %logistic3A_644 = arith.negf %slice3A_643 : vector<2000x128xf32>
    %logistic3A_645 = math.exp %logistic3A_644 : vector<2000x128xf32>
    %logistic3A_646 = arith.constant 1.000000e+00 : f32
    %logistic3A_647 = vector.broadcast %logistic3A_646 : f32 to vector<2000x128xf32>
    %logistic3A_648 = arith.addf %logistic3A_647, %logistic3A_645 : vector<2000x128xf32>
    %logistic3A_649 = arith.divf %logistic3A_647, %logistic3A_648 : vector<2000x128xf32>
    %mul3A_650 = arith.mulf %logistic3A_640, %add3A_614 : vector<2000x128xf32>
    %mul3A_651 = arith.mulf %logistic3A_633, %tanh3A_642 : vector<2000x128xf32>
    %add3A_652 = arith.addf %mul3A_650, %mul3A_651 : vector<2000x128xf32>
    %tanh3A_653 = math.tanh %add3A_652 : vector<2000x128xf32>
    %mul3A_654 = arith.mulf %logistic3A_649, %tanh3A_653 : vector<2000x128xf32>
    %slice3A_655 = vector.extract_strided_slice %get3A_1 {offsets = [0, 85], sizes = [2000, 5], strides = [1, 1]} : vector<2000x100xf32> to vector<2000x5xf32>
    %convert_element_type3A_656 = arith.truncf %slice3A_655 : vector<2000x5xf32> to vector<2000x5xbf16>
    %dot_general3A_657 = arith.constant dense<0.000000e+00> : vector<2000x512xf32>
    %dot_general3A_658 = tpu.matmul %convert_element_type3A_656, %convert_element_type3A, %dot_general3A_657 {dimension_numbers = #tpu.dot_dimension_numbers<[1], [0], [0], [1], [0, 0, 1, 1], [], []>, transpose_lhs_hint = false} : vector<2000x5xbf16>, vector<5x512xbf16>, vector<2000x512xf32> -> vector<2000x512xf32>
    %convert_element_type3A_659 = arith.truncf %mul3A_654 : vector<2000x128xf32> to vector<2000x128xbf16>
    %dot_general3A_660 = arith.constant dense<0.000000e+00> : vector<2000x512xf32>
    %dot_general3A_661 = tpu.matmul %convert_element_type3A_659, %convert_element_type3A_11, %dot_general3A_660 {dimension_numbers = #tpu.dot_dimension_numbers<[1], [0], [0], [1], [0, 0, 1, 1], [], []>, transpose_lhs_hint = false} : vector<2000x128xbf16>, vector<128x512xbf16>, vector<2000x512xf32> -> vector<2000x512xf32>
    %add3A_662 = arith.addf %dot_general3A_658, %dot_general3A_661 : vector<2000x512xf32>
    %add3A_663 = vector.broadcast %get3A_14 : vector<1x512xf32> to vector<2000x512xf32>
    %add3A_664 = arith.addf %add3A_662, %add3A_663 : vector<2000x512xf32>
    %slice3A_665 = vector.extract_strided_slice %add3A_664 {offsets = [0, 0], sizes = [2000, 128], strides = [1, 1]} : vector<2000x512xf32> to vector<2000x128xf32>
    %logistic3A_666 = arith.negf %slice3A_665 : vector<2000x128xf32>
    %logistic3A_667 = math.exp %logistic3A_666 : vector<2000x128xf32>
    %logistic3A_668 = arith.constant 1.000000e+00 : f32
    %logistic3A_669 = vector.broadcast %logistic3A_668 : f32 to vector<2000x128xf32>
    %logistic3A_670 = arith.addf %logistic3A_669, %logistic3A_667 : vector<2000x128xf32>
    %logistic3A_671 = arith.divf %logistic3A_669, %logistic3A_670 : vector<2000x128xf32>
    %slice3A_672 = vector.extract_strided_slice %add3A_664 {offsets = [0, 128], sizes = [2000, 128], strides = [1, 1]} : vector<2000x512xf32> to vector<2000x128xf32>
    %logistic3A_673 = arith.negf %slice3A_672 : vector<2000x128xf32>
    %logistic3A_674 = math.exp %logistic3A_673 : vector<2000x128xf32>
    %logistic3A_675 = arith.constant 1.000000e+00 : f32
    %logistic3A_676 = vector.broadcast %logistic3A_675 : f32 to vector<2000x128xf32>
    %logistic3A_677 = arith.addf %logistic3A_676, %logistic3A_674 : vector<2000x128xf32>
    %logistic3A_678 = arith.divf %logistic3A_676, %logistic3A_677 : vector<2000x128xf32>
    %slice3A_679 = vector.extract_strided_slice %add3A_664 {offsets = [0, 256], sizes = [2000, 128], strides = [1, 1]} : vector<2000x512xf32> to vector<2000x128xf32>
    %tanh3A_680 = math.tanh %slice3A_679 : vector<2000x128xf32>
    %slice3A_681 = vector.extract_strided_slice %add3A_664 {offsets = [0, 384], sizes = [2000, 128], strides = [1, 1]} : vector<2000x512xf32> to vector<2000x128xf32>
    %logistic3A_682 = arith.negf %slice3A_681 : vector<2000x128xf32>
    %logistic3A_683 = math.exp %logistic3A_682 : vector<2000x128xf32>
    %logistic3A_684 = arith.constant 1.000000e+00 : f32
    %logistic3A_685 = vector.broadcast %logistic3A_684 : f32 to vector<2000x128xf32>
    %logistic3A_686 = arith.addf %logistic3A_685, %logistic3A_683 : vector<2000x128xf32>
    %logistic3A_687 = arith.divf %logistic3A_685, %logistic3A_686 : vector<2000x128xf32>
    %mul3A_688 = arith.mulf %logistic3A_678, %add3A_652 : vector<2000x128xf32>
    %mul3A_689 = arith.mulf %logistic3A_671, %tanh3A_680 : vector<2000x128xf32>
    %add3A_690 = arith.addf %mul3A_688, %mul3A_689 : vector<2000x128xf32>
    %tanh3A_691 = math.tanh %add3A_690 : vector<2000x128xf32>
    %mul3A_692 = arith.mulf %logistic3A_687, %tanh3A_691 : vector<2000x128xf32>
    %slice3A_693 = vector.extract_strided_slice %get3A_1 {offsets = [0, 90], sizes = [2000, 5], strides = [1, 1]} : vector<2000x100xf32> to vector<2000x5xf32>
    %convert_element_type3A_694 = arith.truncf %slice3A_693 : vector<2000x5xf32> to vector<2000x5xbf16>
    %dot_general3A_695 = arith.constant dense<0.000000e+00> : vector<2000x512xf32>
    %dot_general3A_696 = tpu.matmul %convert_element_type3A_694, %convert_element_type3A, %dot_general3A_695 {dimension_numbers = #tpu.dot_dimension_numbers<[1], [0], [0], [1], [0, 0, 1, 1], [], []>, transpose_lhs_hint = false} : vector<2000x5xbf16>, vector<5x512xbf16>, vector<2000x512xf32> -> vector<2000x512xf32>
    %convert_element_type3A_697 = arith.truncf %mul3A_692 : vector<2000x128xf32> to vector<2000x128xbf16>
    %dot_general3A_698 = arith.constant dense<0.000000e+00> : vector<2000x512xf32>
    %dot_general3A_699 = tpu.matmul %convert_element_type3A_697, %convert_element_type3A_11, %dot_general3A_698 {dimension_numbers = #tpu.dot_dimension_numbers<[1], [0], [0], [1], [0, 0, 1, 1], [], []>, transpose_lhs_hint = false} : vector<2000x128xbf16>, vector<128x512xbf16>, vector<2000x512xf32> -> vector<2000x512xf32>
    %add3A_700 = arith.addf %dot_general3A_696, %dot_general3A_699 : vector<2000x512xf32>
    %add3A_701 = vector.broadcast %get3A_14 : vector<1x512xf32> to vector<2000x512xf32>
    %add3A_702 = arith.addf %add3A_700, %add3A_701 : vector<2000x512xf32>
    %slice3A_703 = vector.extract_strided_slice %add3A_702 {offsets = [0, 0], sizes = [2000, 128], strides = [1, 1]} : vector<2000x512xf32> to vector<2000x128xf32>
    %logistic3A_704 = arith.negf %slice3A_703 : vector<2000x128xf32>
    %logistic3A_705 = math.exp %logistic3A_704 : vector<2000x128xf32>
    %logistic3A_706 = arith.constant 1.000000e+00 : f32
    %logistic3A_707 = vector.broadcast %logistic3A_706 : f32 to vector<2000x128xf32>
    %logistic3A_708 = arith.addf %logistic3A_707, %logistic3A_705 : vector<2000x128xf32>
    %logistic3A_709 = arith.divf %logistic3A_707, %logistic3A_708 : vector<2000x128xf32>
    %slice3A_710 = vector.extract_strided_slice %add3A_702 {offsets = [0, 128], sizes = [2000, 128], strides = [1, 1]} : vector<2000x512xf32> to vector<2000x128xf32>
    %logistic3A_711 = arith.negf %slice3A_710 : vector<2000x128xf32>
    %logistic3A_712 = math.exp %logistic3A_711 : vector<2000x128xf32>
    %logistic3A_713 = arith.constant 1.000000e+00 : f32
    %logistic3A_714 = vector.broadcast %logistic3A_713 : f32 to vector<2000x128xf32>
    %logistic3A_715 = arith.addf %logistic3A_714, %logistic3A_712 : vector<2000x128xf32>
    %logistic3A_716 = arith.divf %logistic3A_714, %logistic3A_715 : vector<2000x128xf32>
    %slice3A_717 = vector.extract_strided_slice %add3A_702 {offsets = [0, 256], sizes = [2000, 128], strides = [1, 1]} : vector<2000x512xf32> to vector<2000x128xf32>
    %tanh3A_718 = math.tanh %slice3A_717 : vector<2000x128xf32>
    %slice3A_719 = vector.extract_strided_slice %add3A_702 {offsets = [0, 384], sizes = [2000, 128], strides = [1, 1]} : vector<2000x512xf32> to vector<2000x128xf32>
    %logistic3A_720 = arith.negf %slice3A_719 : vector<2000x128xf32>
    %logistic3A_721 = math.exp %logistic3A_720 : vector<2000x128xf32>
    %logistic3A_722 = arith.constant 1.000000e+00 : f32
    %logistic3A_723 = vector.broadcast %logistic3A_722 : f32 to vector<2000x128xf32>
    %logistic3A_724 = arith.addf %logistic3A_723, %logistic3A_721 : vector<2000x128xf32>
    %logistic3A_725 = arith.divf %logistic3A_723, %logistic3A_724 : vector<2000x128xf32>
    %mul3A_726 = arith.mulf %logistic3A_716, %add3A_690 : vector<2000x128xf32>
    %mul3A_727 = arith.mulf %logistic3A_709, %tanh3A_718 : vector<2000x128xf32>
    %add3A_728 = arith.addf %mul3A_726, %mul3A_727 : vector<2000x128xf32>
    %tanh3A_729 = math.tanh %add3A_728 : vector<2000x128xf32>
    %mul3A_730 = arith.mulf %logistic3A_725, %tanh3A_729 : vector<2000x128xf32>
    %slice3A_731 = vector.extract_strided_slice %get3A_1 {offsets = [0, 95], sizes = [2000, 5], strides = [1, 1]} : vector<2000x100xf32> to vector<2000x5xf32>
    %convert_element_type3A_732 = arith.truncf %slice3A_731 : vector<2000x5xf32> to vector<2000x5xbf16>
    %dot_general3A_733 = arith.constant dense<0.000000e+00> : vector<2000x512xf32>
    %dot_general3A_734 = tpu.matmul %convert_element_type3A_732, %convert_element_type3A, %dot_general3A_733 {dimension_numbers = #tpu.dot_dimension_numbers<[1], [0], [0], [1], [0, 0, 1, 1], [], []>, transpose_lhs_hint = false} : vector<2000x5xbf16>, vector<5x512xbf16>, vector<2000x512xf32> -> vector<2000x512xf32>
    %convert_element_type3A_735 = arith.truncf %mul3A_730 : vector<2000x128xf32> to vector<2000x128xbf16>
    %dot_general3A_736 = arith.constant dense<0.000000e+00> : vector<2000x512xf32>
    %dot_general3A_737 = tpu.matmul %convert_element_type3A_735, %convert_element_type3A_11, %dot_general3A_736 {dimension_numbers = #tpu.dot_dimension_numbers<[1], [0], [0], [1], [0, 0, 1, 1], [], []>, transpose_lhs_hint = false} : vector<2000x128xbf16>, vector<128x512xbf16>, vector<2000x512xf32> -> vector<2000x512xf32>
    %add3A_738 = arith.addf %dot_general3A_734, %dot_general3A_737 : vector<2000x512xf32>
    %add3A_739 = vector.broadcast %get3A_14 : vector<1x512xf32> to vector<2000x512xf32>
    %add3A_740 = arith.addf %add3A_738, %add3A_739 : vector<2000x512xf32>
    %slice3A_741 = vector.extract_strided_slice %add3A_740 {offsets = [0, 0], sizes = [2000, 128], strides = [1, 1]} : vector<2000x512xf32> to vector<2000x128xf32>
    %logistic3A_742 = arith.negf %slice3A_741 : vector<2000x128xf32>
    %logistic3A_743 = math.exp %logistic3A_742 : vector<2000x128xf32>
    %logistic3A_744 = arith.constant 1.000000e+00 : f32
    %logistic3A_745 = vector.broadcast %logistic3A_744 : f32 to vector<2000x128xf32>
    %logistic3A_746 = arith.addf %logistic3A_745, %logistic3A_743 : vector<2000x128xf32>
    %logistic3A_747 = arith.divf %logistic3A_745, %logistic3A_746 : vector<2000x128xf32>
    %slice3A_748 = vector.extract_strided_slice %add3A_740 {offsets = [0, 128], sizes = [2000, 128], strides = [1, 1]} : vector<2000x512xf32> to vector<2000x128xf32>
    %logistic3A_749 = arith.negf %slice3A_748 : vector<2000x128xf32>
    %logistic3A_750 = math.exp %logistic3A_749 : vector<2000x128xf32>
    %logistic3A_751 = arith.constant 1.000000e+00 : f32
    %logistic3A_752 = vector.broadcast %logistic3A_751 : f32 to vector<2000x128xf32>
    %logistic3A_753 = arith.addf %logistic3A_752, %logistic3A_750 : vector<2000x128xf32>
    %logistic3A_754 = arith.divf %logistic3A_752, %logistic3A_753 : vector<2000x128xf32>
    %slice3A_755 = vector.extract_strided_slice %add3A_740 {offsets = [0, 256], sizes = [2000, 128], strides = [1, 1]} : vector<2000x512xf32> to vector<2000x128xf32>
    %tanh3A_756 = math.tanh %slice3A_755 : vector<2000x128xf32>
    %slice3A_757 = vector.extract_strided_slice %add3A_740 {offsets = [0, 384], sizes = [2000, 128], strides = [1, 1]} : vector<2000x512xf32> to vector<2000x128xf32>
    %logistic3A_758 = arith.negf %slice3A_757 : vector<2000x128xf32>
    %logistic3A_759 = math.exp %logistic3A_758 : vector<2000x128xf32>
    %logistic3A_760 = arith.constant 1.000000e+00 : f32
    %logistic3A_761 = vector.broadcast %logistic3A_760 : f32 to vector<2000x128xf32>
    %logistic3A_762 = arith.addf %logistic3A_761, %logistic3A_759 : vector<2000x128xf32>
    %logistic3A_763 = arith.divf %logistic3A_761, %logistic3A_762 : vector<2000x128xf32>
    %mul3A_764 = arith.mulf %logistic3A_754, %add3A_728 : vector<2000x128xf32>
    %mul3A_765 = arith.mulf %logistic3A_747, %tanh3A_756 : vector<2000x128xf32>
    %add3A_766 = arith.addf %mul3A_764, %mul3A_765 : vector<2000x128xf32>
    %tanh3A_767 = math.tanh %add3A_766 : vector<2000x128xf32>
    %mul3A_768 = arith.mulf %logistic3A_763, %tanh3A_767 : vector<2000x128xf32>
    %get3A_769 = arith.constant 0 : index
    %get3A_770 = arith.constant 0 : index
    %get3A_771 = vector.load %arg5[%get3A_769, %get3A_770] : memref<128x16xf32, #tpu.memory_space<vmem>>, vector<128x16xf32>
    %dot_general3A_772 = arith.constant dense<0.000000e+00> : vector<2000x16xf32>
    %dot_general3A_773 = tpu.matmul %mul3A_768, %get3A_771, %dot_general3A_772 {dimension_numbers = #tpu.dot_dimension_numbers<[1], [0], [0], [1], [0, 0, 1, 1], [], []>, transpose_lhs_hint = false} : vector<2000x128xf32>, vector<128x16xf32>, vector<2000x16xf32> -> vector<2000x16xf32>
    %get3A_774 = arith.constant 0 : index
    %get3A_775 = arith.constant 0 : index
    %get3A_776 = arith.constant 0 : index
    %get3A_777 = vector.load %arg6[%get3A_774, %get3A_775, %get3A_776] : memref<2x2000x1xf32, #tpu.memory_space<vmem>>, vector<1x2000x1xf32>
    %get3A_778 = vector.shape_cast %get3A_777 : vector<1x2000x1xf32> to vector<2000x1xf32>
    %get3A_779 = arith.constant 1 : index
    %get3A_780 = arith.constant 0 : index
    %get3A_781 = arith.constant 0 : index
    %get3A_782 = vector.load %arg6[%get3A_779, %get3A_780, %get3A_781] : memref<2x2000x1xf32, #tpu.memory_space<vmem>>, vector<1x2000x1xf32>
    %get3A_783 = vector.shape_cast %get3A_782 : vector<1x2000x1xf32> to vector<2000x1xf32>
    %add3A_784 = arith.addf %get3A_778, %get3A_783 : vector<2000x1xf32>
    %add3A_785 = arith.constant 1.000000e+00 : f32
    %add3A_786 = vector.broadcast %add3A_785 : f32 to vector<2000x1xf32>
    %add3A_787 = arith.addf %add3A_784, %add3A_786 : vector<2000x1xf32>
    %rsqrt3A = math.rsqrt %add3A_787 : vector<2000x1xf32>
    %swap3A = arith.constant 0 : index
    %swap3A_788 = arith.constant 0 : index
    %swap3A_789 = vector.load %arg7[%swap3A, %swap3A_788] : memref<2000x16xf32, #tpu.memory_space<vmem>>, vector<2000x16xf32>
    tpu.vector_store %arg7[%swap3A, %swap3A_788], %dot_general3A_773 {strides = array<i32>} : memref<2000x16xf32, #tpu.memory_space<vmem>>, vector<2000x16xf32>,
    %swap3A_790 = arith.constant 0 : index
    %swap3A_791 = arith.constant 0 : index
    %swap3A_792 = vector.load %arg8[%swap3A_790, %swap3A_791] : memref<2000x1xf32, #tpu.memory_space<vmem>>, vector<2000x1xf32>
    tpu.vector_store %arg8[%swap3A_790, %swap3A_791], %rsqrt3A {strides = array<i32>} : memref<2000x1xf32, #tpu.memory_space<vmem>>, vector<2000x1xf32>,
    %mul3A_793 = vector.broadcast %rsqrt3A : vector<2000x1xf32> to vector<2000x16xf32>
    %mul3A_794 = arith.mulf %mul3A_793, %dot_general3A_773 : vector<2000x16xf32>
    %swap3A_795 = arith.constant 0 : index
    %swap3A_796 = arith.constant 0 : index
    %swap3A_797 = vector.load %arg9[%swap3A_795, %swap3A_796] : memref<2000x16xf32, #tpu.memory_space<vmem>>, vector<2000x16xf32>
    tpu.vector_store %arg9[%swap3A_795, %swap3A_796], %mul3A_794 {strides = array<i32>} : memref<2000x16xf32, #tpu.memory_space<vmem>>, vector<2000x16xf32>,
    return
  }
  func.func @transform_0(%arg0: i32) -> (i32, i32) {
    %c0_i32 = arith.constant 0 : i32
    %c0_i32_0 = arith.constant 0 : i32
    return %arg0, %c0_i32 : i32, i32
  }
  func.func @transform_1(%arg0: i32) -> (i32, i32) {
    %c0_i32 = arith.constant 0 : i32
    %c0_i32_0 = arith.constant 0 : i32
    %c0_i32_1 = arith.constant 0 : i32
    return %c0_i32, %c0_i32_0 : i32, i32
  }
  func.func @transform_2(%arg0: i32) -> (i32, i32) {
    %c0_i32 = arith.constant 0 : i32
    %c0_i32_0 = arith.constant 0 : i32
    %c0_i32_1 = arith.constant 0 : i32
    return %c0_i32, %c0_i32_0 : i32, i32
  }
  func.func @transform_3(%arg0: i32) -> (i32, i32) {
    %c0_i32 = arith.constant 0 : i32
    %c0_i32_0 = arith.constant 0 : i32
    %c0_i32_1 = arith.constant 0 : i32
    return %c0_i32, %c0_i32_0 : i32, i32
  }
  func.func @transform_4(%arg0: i32) -> (i32, i32) {
    %c0_i32 = arith.constant 0 : i32
    %c0_i32_0 = arith.constant 0 : i32
    %c0_i32_1 = arith.constant 0 : i32
    return %c0_i32, %c0_i32_0 : i32, i32
  }
  func.func @transform_5(%arg0: i32) -> (i32, i32, i32) {
    %c0_i32 = arith.constant 0 : i32
    %c0_i32_0 = arith.constant 0 : i32
    %c0_i32_1 = arith.constant 0 : i32
    return %c0_i32, %arg0, %c0_i32_0 : i32, i32, i32
  }
  func.func @transform_6(%arg0: i32) -> (i32, i32) {
    %c0_i32 = arith.constant 0 : i32
    %c0_i32_0 = arith.constant 0 : i32
    return %arg0, %c0_i32 : i32, i32
  }
  func.func @transform_7(%arg0: i32) -> (i32, i32) {
    %c0_i32 = arith.constant 0 : i32
    %c0_i32_0 = arith.constant 0 : i32
    return %arg0, %c0_i32 : i32, i32
  }
  func.func @transform_8(%arg0: i32) -> (i32, i32) {
    %c0_i32 = arith.constant 0 : i32
    %c0_i32_0 = arith.constant 0 : i32
    return %arg0, %c0_i32 : i32, i32
  }
}

module attributes {stable_mosaic.version = 14 : i64} {
  func.func @_scale2_body(%arg0: i32, %arg1: memref<2x5000x16xf32, #tpu.memory_space<vmem>>, %arg2: memref<5000x16xf32, #tpu.memory_space<vmem>>, %arg3: memref<5000x1xf32, #tpu.memory_space<vmem>>, %arg4: memref<1x16xf32, #tpu.memory_space<vmem>>, %arg5: memref<5000x16xf32, #tpu.memory_space<vmem>>, %arg6: memref<5000x16xf32, #tpu.memory_space<vmem>>) attributes {dimension_semantics = [#tpu.dimension_semantics<arbitrary>], iteration_bounds = array<i64: 10>, scalar_prefetch = 0 : i64, scratch_operands = 0 : i64, tpu.core_type = #tpu.core_type<tc>, window_params = [{transform_indices = @transform_0, window_bounds = array<i64: 2, 5000, 16>}, {transform_indices = @transform_1, window_bounds = array<i64: 5000, 16>}, {transform_indices = @transform_2, window_bounds = array<i64: 5000, 1>}, {pipeline_mode = #tpu.pipeline_mode<synchronous>, transform_indices = @transform_3, window_bounds = array<i64: 1, 16>}, {transform_indices = @transform_4, window_bounds = array<i64: 5000, 16>}, {transform_indices = @transform_5, window_bounds = array<i64: 5000, 16>}]} {
    %get3A = arith.constant 0 : index
    %get3A_0 = arith.constant 0 : index
    %get3A_1 = vector.load %arg3[%get3A, %get3A_0] : memref<5000x1xf32, #tpu.memory_space<vmem>>, vector<5000x1xf32>
    %get3A_2 = arith.constant 0 : index
    %get3A_3 = arith.constant 0 : index
    %get3A_4 = arith.constant 0 : index
    %get3A_5 = vector.load %arg1[%get3A_2, %get3A_3, %get3A_4] : memref<2x5000x16xf32, #tpu.memory_space<vmem>>, vector<1x5000x16xf32>
    %get3A_6 = vector.shape_cast %get3A_5 : vector<1x5000x16xf32> to vector<5000x16xf32>
    %get3A_7 = arith.constant 1 : index
    %get3A_8 = arith.constant 0 : index
    %get3A_9 = arith.constant 0 : index
    %get3A_10 = vector.load %arg1[%get3A_7, %get3A_8, %get3A_9] : memref<2x5000x16xf32, #tpu.memory_space<vmem>>, vector<1x5000x16xf32>
    %get3A_11 = vector.shape_cast %get3A_10 : vector<1x5000x16xf32> to vector<5000x16xf32>
    %add3A = arith.addf %get3A_6, %get3A_11 : vector<5000x16xf32>
    %mul3A = vector.broadcast %get3A_1 : vector<5000x1xf32> to vector<5000x16xf32>
    %mul3A_12 = arith.mulf %mul3A, %add3A : vector<5000x16xf32>
    %mul3A_13 = arith.mulf %get3A_1, %get3A_1 : vector<5000x1xf32>
    %get3A_14 = arith.constant 0 : index
    %get3A_15 = arith.constant 0 : index
    %get3A_16 = vector.load %arg2[%get3A_14, %get3A_15] : memref<5000x16xf32, #tpu.memory_space<vmem>>, vector<5000x16xf32>
    %mul3A_17 = vector.broadcast %mul3A_13 : vector<5000x1xf32> to vector<5000x16xf32>
    %mul3A_18 = arith.mulf %mul3A_17, %get3A_16 : vector<5000x16xf32>
    %add3A_19 = arith.addf %mul3A_12, %mul3A_18 : vector<5000x16xf32>
    %get3A_20 = arith.constant 0 : index
    %get3A_21 = arith.constant 0 : index
    %get3A_22 = vector.load %arg4[%get3A_20, %get3A_21] : memref<1x16xf32, #tpu.memory_space<vmem>>, vector<1x16xf32>
    %add3A_23 = vector.broadcast %get3A_22 : vector<1x16xf32> to vector<5000x16xf32>
    %add3A_24 = arith.addf %add3A_19, %add3A_23 : vector<5000x16xf32>
    %max3A = arith.constant 0.000000e+00 : f32
    %max3A_25 = vector.broadcast %max3A : f32 to vector<5000x16xf32>
    %max3A_26 = arith.maximumf %add3A_24, %max3A_25 : vector<5000x16xf32>
    %swap3A = arith.constant 0 : index
    %swap3A_27 = arith.constant 0 : index
    %swap3A_28 = vector.load %arg5[%swap3A, %swap3A_27] : memref<5000x16xf32, #tpu.memory_space<vmem>>, vector<5000x16xf32>
    tpu.vector_store %arg5[%swap3A, %swap3A_27], %max3A_26 {strides = array<i32>} : memref<5000x16xf32, #tpu.memory_space<vmem>>, vector<5000x16xf32>,
    %mul3A_29 = vector.broadcast %get3A_1 : vector<5000x1xf32> to vector<5000x16xf32>
    %mul3A_30 = arith.mulf %mul3A_29, %max3A_26 : vector<5000x16xf32>
    %swap3A_31 = arith.constant 0 : index
    %swap3A_32 = arith.constant 0 : index
    %swap3A_33 = vector.load %arg6[%swap3A_31, %swap3A_32] : memref<5000x16xf32, #tpu.memory_space<vmem>>, vector<5000x16xf32>
    tpu.vector_store %arg6[%swap3A_31, %swap3A_32], %mul3A_30 {strides = array<i32>} : memref<5000x16xf32, #tpu.memory_space<vmem>>, vector<5000x16xf32>,
    return
  }
  func.func @transform_0(%arg0: i32) -> (i32, i32, i32) {
    %c0_i32 = arith.constant 0 : i32
    %c0_i32_0 = arith.constant 0 : i32
    %c0_i32_1 = arith.constant 0 : i32
    return %c0_i32, %arg0, %c0_i32_0 : i32, i32, i32
  }
  func.func @transform_1(%arg0: i32) -> (i32, i32) {
    %c0_i32 = arith.constant 0 : i32
    %c0_i32_0 = arith.constant 0 : i32
    return %arg0, %c0_i32 : i32, i32
  }
  func.func @transform_2(%arg0: i32) -> (i32, i32) {
    %c0_i32 = arith.constant 0 : i32
    %c0_i32_0 = arith.constant 0 : i32
    return %arg0, %c0_i32 : i32, i32
  }
  func.func @transform_3(%arg0: i32) -> (i32, i32) {
    %c0_i32 = arith.constant 0 : i32
    %c0_i32_0 = arith.constant 0 : i32
    %c0_i32_1 = arith.constant 0 : i32
    return %c0_i32, %c0_i32_0 : i32, i32
  }
  func.func @transform_4(%arg0: i32) -> (i32, i32) {
    %c0_i32 = arith.constant 0 : i32
    %c0_i32_0 = arith.constant 0 : i32
    return %arg0, %c0_i32 : i32, i32
  }
  func.func @transform_5(%arg0: i32) -> (i32, i32) {
    %c0_i32 = arith.constant 0 : i32
    %c0_i32_0 = arith.constant 0 : i32
    return %arg0, %c0_i32 : i32, i32
  }
}

module attributes {stable_mosaic.version = 14 : i64} {
  func.func @_final_body(%arg0: i32, %arg1: memref<2x5000x16xf32, #tpu.memory_space<vmem>>, %arg2: memref<5000x16xf32, #tpu.memory_space<vmem>>, %arg3: memref<5000x1xf32, #tpu.memory_space<vmem>>, %arg4: memref<16x128xf32, #tpu.memory_space<vmem>>, %arg5: memref<1x128xf32, #tpu.memory_space<vmem>>, %arg6: memref<1x128xf32, #tpu.memory_space<vmem>>, %arg7: memref<1x1xf32, #tpu.memory_space<vmem>>, %arg8: memref<5000x1xf32, #tpu.memory_space<vmem>>) attributes {dimension_semantics = [#tpu.dimension_semantics<arbitrary>], iteration_bounds = array<i64: 10>, scalar_prefetch = 0 : i64, scratch_operands = 0 : i64, tpu.core_type = #tpu.core_type<tc>, window_params = [{transform_indices = @transform_0, window_bounds = array<i64: 2, 5000, 16>}, {transform_indices = @transform_1, window_bounds = array<i64: 5000, 16>}, {transform_indices = @transform_2, window_bounds = array<i64: 5000, 1>}, {pipeline_mode = #tpu.pipeline_mode<synchronous>, transform_indices = @transform_3, window_bounds = array<i64: 16, 128>}, {pipeline_mode = #tpu.pipeline_mode<synchronous>, transform_indices = @transform_4, window_bounds = array<i64: 1, 128>}, {pipeline_mode = #tpu.pipeline_mode<synchronous>, transform_indices = @transform_5, window_bounds = array<i64: 1, 128>}, {pipeline_mode = #tpu.pipeline_mode<synchronous>, transform_indices = @transform_6, window_bounds = array<i64: 1, 1>}, {transform_indices = @transform_7, window_bounds = array<i64: 5000, 1>}]} {
    %get3A = arith.constant 0 : index
    %get3A_0 = arith.constant 0 : index
    %get3A_1 = vector.load %arg3[%get3A, %get3A_0] : memref<5000x1xf32, #tpu.memory_space<vmem>>, vector<5000x1xf32>
    %get3A_2 = arith.constant 0 : index
    %get3A_3 = arith.constant 0 : index
    %get3A_4 = arith.constant 0 : index
    %get3A_5 = vector.load %arg1[%get3A_2, %get3A_3, %get3A_4] : memref<2x5000x16xf32, #tpu.memory_space<vmem>>, vector<1x5000x16xf32>
    %get3A_6 = vector.shape_cast %get3A_5 : vector<1x5000x16xf32> to vector<5000x16xf32>
    %get3A_7 = arith.constant 1 : index
    %get3A_8 = arith.constant 0 : index
    %get3A_9 = arith.constant 0 : index
    %get3A_10 = vector.load %arg1[%get3A_7, %get3A_8, %get3A_9] : memref<2x5000x16xf32, #tpu.memory_space<vmem>>, vector<1x5000x16xf32>
    %get3A_11 = vector.shape_cast %get3A_10 : vector<1x5000x16xf32> to vector<5000x16xf32>
    %add3A = arith.addf %get3A_6, %get3A_11 : vector<5000x16xf32>
    %mul3A = vector.broadcast %get3A_1 : vector<5000x1xf32> to vector<5000x16xf32>
    %mul3A_12 = arith.mulf %mul3A, %add3A : vector<5000x16xf32>
    %mul3A_13 = arith.mulf %get3A_1, %get3A_1 : vector<5000x1xf32>
    %get3A_14 = arith.constant 0 : index
    %get3A_15 = arith.constant 0 : index
    %get3A_16 = vector.load %arg2[%get3A_14, %get3A_15] : memref<5000x16xf32, #tpu.memory_space<vmem>>, vector<5000x16xf32>
    %mul3A_17 = vector.broadcast %mul3A_13 : vector<5000x1xf32> to vector<5000x16xf32>
    %mul3A_18 = arith.mulf %mul3A_17, %get3A_16 : vector<5000x16xf32>
    %add3A_19 = arith.addf %mul3A_12, %mul3A_18 : vector<5000x16xf32>
    %get3A_20 = arith.constant 0 : index
    %get3A_21 = arith.constant 0 : index
    %get3A_22 = vector.load %arg4[%get3A_20, %get3A_21] : memref<16x128xf32, #tpu.memory_space<vmem>>, vector<16x128xf32>
    %get3A_23 = arith.constant 0 : index
    %get3A_24 = arith.constant 0 : index
    %get3A_25 = vector.load %arg6[%get3A_23, %get3A_24] : memref<1x128xf32, #tpu.memory_space<vmem>>, vector<1x128xf32>
    %dot_general3A = arith.constant dense<0.000000e+00> : vector<16x1xf32>
    %dot_general3A_26 = tpu.matmul %get3A_22, %get3A_25, %dot_general3A {dimension_numbers = #tpu.dot_dimension_numbers<[1], [1], [0], [0], [0, 0, 1, 0], [], []>, transpose_lhs_hint = false} : vector<16x128xf32>, vector<1x128xf32>, vector<16x1xf32> -> vector<16x1xf32>
    %get3A_27 = arith.constant 0 : index
    %get3A_28 = arith.constant 0 : index
    %get3A_29 = vector.load %arg5[%get3A_27, %get3A_28] : memref<1x128xf32, #tpu.memory_space<vmem>>, vector<1x128xf32>
    %get3A_30 = arith.constant 0 : index
    %get3A_31 = arith.constant 0 : index
    %get3A_32 = vector.load %arg6[%get3A_30, %get3A_31] : memref<1x128xf32, #tpu.memory_space<vmem>>, vector<1x128xf32>
    %dot_general3A_33 = arith.constant dense<0.000000e+00> : vector<1x1xf32>
    %dot_general3A_34 = tpu.matmul %get3A_29, %get3A_32, %dot_general3A_33 {dimension_numbers = #tpu.dot_dimension_numbers<[1], [1], [0], [0], [0, 0, 1, 0], [], []>, transpose_lhs_hint = false} : vector<1x128xf32>, vector<1x128xf32>, vector<1x1xf32> -> vector<1x1xf32>
    %dot_general3A_35 = arith.constant dense<0.000000e+00> : vector<5000x1xf32>
    %dot_general3A_36 = tpu.matmul %add3A_19, %dot_general3A_26, %dot_general3A_35 {dimension_numbers = #tpu.dot_dimension_numbers<[1], [0], [0], [1], [0, 0, 1, 1], [], []>, transpose_lhs_hint = false} : vector<5000x16xf32>, vector<16x1xf32>, vector<5000x1xf32> -> vector<5000x1xf32>
    %add3A_37 = vector.broadcast %dot_general3A_34 : vector<1x1xf32> to vector<5000x1xf32>
    %add3A_38 = arith.addf %dot_general3A_36, %add3A_37 : vector<5000x1xf32>
    %get3A_39 = arith.constant 0 : index
    %get3A_40 = arith.constant 0 : index
    %get3A_41 = vector.load %arg7[%get3A_39, %get3A_40] : memref<1x1xf32, #tpu.memory_space<vmem>>, vector<1x1xf32>
    %add3A_42 = vector.broadcast %get3A_41 : vector<1x1xf32> to vector<5000x1xf32>
    %add3A_43 = arith.addf %add3A_38, %add3A_42 : vector<5000x1xf32>
    %gt3A = arith.constant 0.000000e+00 : f32
    %gt3A_44 = vector.broadcast %gt3A : f32 to vector<5000x1xf32>
    %gt3A_45 = arith.cmpf ogt, %add3A_43, %gt3A_44 : vector<5000x1xf32>
    %mul3A_46 = arith.constant 2.000000e-01 : f32
    %mul3A_47 = vector.broadcast %mul3A_46 : f32 to vector<5000x1xf32>
    %mul3A_48 = arith.mulf %mul3A_47, %add3A_43 : vector<5000x1xf32>
    %select_n3A = arith.select %gt3A_45, %add3A_43, %mul3A_48 : vector<5000x1xi1>, vector<5000x1xf32>
    %swap3A = arith.constant 0 : index
    %swap3A_49 = arith.constant 0 : index
    %swap3A_50 = vector.load %arg8[%swap3A, %swap3A_49] : memref<5000x1xf32, #tpu.memory_space<vmem>>, vector<5000x1xf32>
    tpu.vector_store %arg8[%swap3A, %swap3A_49], %select_n3A {strides = array<i32>} : memref<5000x1xf32, #tpu.memory_space<vmem>>, vector<5000x1xf32>,
    return
  }
  func.func @transform_0(%arg0: i32) -> (i32, i32, i32) {
    %c0_i32 = arith.constant 0 : i32
    %c0_i32_0 = arith.constant 0 : i32
    %c0_i32_1 = arith.constant 0 : i32
    return %c0_i32, %arg0, %c0_i32_0 : i32, i32, i32
  }
  func.func @transform_1(%arg0: i32) -> (i32, i32) {
    %c0_i32 = arith.constant 0 : i32
    %c0_i32_0 = arith.constant 0 : i32
    return %arg0, %c0_i32 : i32, i32
  }
  func.func @transform_2(%arg0: i32) -> (i32, i32) {
    %c0_i32 = arith.constant 0 : i32
    %c0_i32_0 = arith.constant 0 : i32
    return %arg0, %c0_i32 : i32, i32
  }
  func.func @transform_3(%arg0: i32) -> (i32, i32) {
    %c0_i32 = arith.constant 0 : i32
    %c0_i32_0 = arith.constant 0 : i32
    %c0_i32_1 = arith.constant 0 : i32
    return %c0_i32, %c0_i32_0 : i32, i32
  }
  func.func @transform_4(%arg0: i32) -> (i32, i32) {
    %c0_i32 = arith.constant 0 : i32
    %c0_i32_0 = arith.constant 0 : i32
    %c0_i32_1 = arith.constant 0 : i32
    return %c0_i32, %c0_i32_0 : i32, i32
  }
  func.func @transform_5(%arg0: i32) -> (i32, i32) {
    %c0_i32 = arith.constant 0 : i32
    %c0_i32_0 = arith.constant 0 : i32
    %c0_i32_1 = arith.constant 0 : i32
    return %c0_i32, %c0_i32_0 : i32, i32
  }
  func.func @transform_6(%arg0: i32) -> (i32, i32) {
    %c0_i32 = arith.constant 0 : i32
    %c0_i32_0 = arith.constant 0 : i32
    %c0_i32_1 = arith.constant 0 : i32
    return %c0_i32, %c0_i32_0 : i32, i32
  }
  func.func @transform_7(%arg0: i32) -> (i32, i32) {
    %c0_i32 = arith.constant 0 : i32
    %c0_i32_0 = arith.constant 0 : i32
    return %arg0, %c0_i32 : i32, i32
  }
}

</mosaic_0001>

<sc_bundles>
// kernel: kernel.11.cloned.1.call-start
scs
__scs_entry_jumppad:
0x0: {  	(pc) =	sbr.rel $0x88, $3  }
0x1: {  	(tag) =	ssettag $0x0;
	lr =	simm.s32 $0x1  }
0x2: {  	[smem:$0x3F95] =	sst lr;
	_ =	strace $0xD0000000  }
0x3: {  	_ = 	snop  }
0x4: {  	_ = 	snop  }
0x5: {  	_ = 	snop  }
0x6: {  	_ = 	snop  }
0x7: {  	_ = 	snop  }
__scs_overlays_trampoline_lowered:
0x8: {  	[smem:$0x3FA4] =	sst s0  }
0x9: {  	[smem:$0x3FA5] =	sst s1  }
0xa: {  	[smem:$0x3FA6] =	sst s2  }
0xb: {  	[smem:$0x3FA7] =	sst s3  }
0xc: {  	[smem:$0x3FA8] =	sst s4  }
0xd: {  	[smem:$0x3FA9] =	sst s5  }
0xe: {  	[smem:$0x3FAA] =	sst s6  }
0xf: {  	[smem:$0x3FAB] =	sst s7  }
0x10: {  	[smem:$0x3FAC] =	sst s8  }
0x11: {  	[smem:$0x3FAD] =	sst s9;
	s0 =	simm.s32 @!p0 $0x0  }
0x12: {  	s1 =	sld [smem:$0x3F93];
	s0 =	simm.s32 @p0 $0x1  }
0x13: {  	[smem:$0x3FAE] =	sst s0;
	s0 =	simm.s32 @!p1 $0x0  }
0x14: {  	s2 =	sld [smem:$0x3F92];
	s0 =	simm.s32 @p1 $0x1  }
0x15: {  	[smem:$0x3FAF] =	sst s0;
	s0 =	simm.s32 @!p2 $0x0  }
0x16: {  	s3 =	sld [smem:$0x3FDB];
	s0 =	simm.s32 @p2 $0x1  }
0x17: {  	s4 =	simm.s32 $0x1BF5;
	[smem:$0x3FB1] =	sst s0  }
0x18: {  	s0 =	sld [smem:$0x3F94];
	_ =	swait.ge [sflag:s4], $0x0  }
0x19: {  	s7 =	sld [smem:$0x3F95]  }
0x1a: {  	s8 =	sadd.s32 $0xFFFFE003, lr  }
0x1b: {  	s9 =	sadd.s32 $0xFFFFFEF7, lr;
	s5 =	simm.s32 $0xFFFFFFFF;
	p2 =	slt.u32 s8, $0xFFFFF086  }
0x1c: {  	p1 =	slt.u32 s9, $0xF7A;
	s5 =	simm.s32 @!p2 $0x0  }
0x1d: {  	s5 =	simm.s32 @p1 $0x1;
	p0 =	seq.s32 s7, s2  }
0x1e: {  	s7 =	smul.u32 @!p0 $0xF7A, s2;
	p2 =	seq.s32 @!p0 s5, $0x0  }
0x1f: {  	s9 =	smul.u32 $0xF7A, s1;
	s8 =	simm.s32 @!p0 $0x1BF5;
	p2 =	por !p2, p0  }
0x20: {  	[sflag:s8] =	ssyncset.s32 @!p0 $0xFFFFF086;
	s6 =	sadd.s32 @!p0 s3, s7;
	s7 =	simm.s32 @!p0 $0x108  }
0x21: {  	s3 =	sadd.s32 s3, s9;
	s6 =	sadd.s32 @!p0 $0x88, s6;
	s7 =	simm.s32 @p2 $0x1082  }
0x22: {  	[simem:s7], [sflag:s8] =	dma.local @!p0 [hbm:s6], $0xF7A  }
0x23: {  	s9 =	sor.u32 $0xD0000000, s2;
	s6 =	simm.s32 $0x108;
	_ =	swait.ge @!p0 [sflag:s8], $0x0  }
0x24: {  	s3 =	sadd.s32 $0x88, s3;
	s6 =	simm.s32 @!p1 $0x1082;
	[sflag:s4] =	ssyncset.s32 $0xFFFFF086  }
0x25: {  	[simem:s6], [sflag:s4] =	dma.local [hbm:s3], $0xF7A  }
0x26: {  	[smem:$0x3F95] =	sst s1;
	(tag) =	ssettag s2;
	_ =	strace s9  }
0x27: {  	s1 =	sld [smem:$0x3FA5]  }
0x28: {  	s2 =	sld [smem:$0x3FA6]  }
0x29: {  	s4 =	sld [smem:$0x3FA8]  }
0x2a: {  	p0 =	seq.s32 s5, $0x0;
	s5 =	sld [smem:$0x3FA9]  }
0x2b: {  	s6 =	sld [smem:$0x3FAA]  }
0x2c: {  	s7 =	sld [smem:$0x3FAB]  }
0x2d: {  	s3 =	simm.s32 $0x108;
	s8 =	sld [smem:$0x3FAC]  }
0x2e: {  	s3 =	simm.s32 @!p0 $0x1082;
	s9 =	sld [smem:$0x3FAD]  }
0x2f: {  	lr =	sadd.s32 s0, s3;
	s0 =	sld [smem:$0x3FA4]  }
0x30: {  	s3 =	sld [smem:$0x3FA7]  }
0x31: {  	[smem:$0x3FB0] =	sst s10  }
0x32: {  	s10 =	sld [smem:$0x3FAE];
	_ =	sdelay $0x3  }
0x33: {  	p0 =	seq.s32 s10, $0x1;
	s10 =	sld [smem:$0x3FB0];
	_ =	sdelay $0x3  }
0x34: {  	[smem:$0x3FB0] =	sst s10  }
0x35: {  	s10 =	sld [smem:$0x3FAF];
	_ =	sdelay $0x3  }
0x36: {  	p1 =	seq.s32 s10, $0x1;
	s10 =	sld [smem:$0x3FB0];
	_ =	sdelay $0x3  }
0x37: {  	[smem:$0x3FB0] =	sst s10  }
0x38: {  	s10 =	sld [smem:$0x3FB1]  }
0x39: {  	_ = 	snop;
	(pc) =	sbr.ind lr, $3  }
0x3a: {  	_ = 	snop  }
0x3b: {  	_ = 	snop  }
0x3c: {  	p2 =	seq.s32 s10, $0x1;
	s10 =	sld [smem:$0x3FB0]  }
0x3d: {  	_ =	shalt  }
0x3e: {  	_ =	shalt  }
0x3f: {  	_ =	shalt  }
0x40: {  	_ =	shalt  }
0x41: {  	_ =	shalt  }
0x42: {  	_ =	shalt  }
0x43: {  	_ =	shalt  }
0x44: {  	_ =	shalt  }
0x45: {  	_ =	shalt  }
0x46: {  	_ =	shalt  }
0x47: {  	_ =	shalt  }
0x48: {  	_ =	shalt  }
0x49: {  	_ =	shalt  }
0x4a: {  	_ =	shalt  }
0x4b: {  	_ =	shalt  }
0x4c: {  	_ =	shalt  }
0x4d: {  	_ =	shalt  }
0x4e: {  	_ =	shalt  }
0x4f: {  	_ =	shalt  }
0x50: {  	_ =	shalt  }
0x51: {  	_ =	shalt  }
0x52: {  	_ =	shalt  }
0x53: {  	_ =	shalt  }
0x54: {  	_ =	shalt  }
0x55: {  	_ =	shalt  }
0x56: {  	_ =	shalt  }
0x57: {  	_ =	shalt  }
0x58: {  	_ =	shalt  }
0x59: {  	_ =	shalt  }
0x5a: {  	_ =	shalt  }
0x5b: {  	_ =	shalt  }
0x5c: {  	_ =	shalt  }
0x5d: {  	_ =	shalt  }
0x5e: {  	_ =	shalt  }
0x5f: {  	_ =	shalt  }
0x60: {  	_ =	shalt  }
0x61: {  	_ =	shalt  }
0x62: {  	_ =	shalt  }
0x63: {  	_ =	shalt  }
0x64: {  	_ =	shalt  }
0x65: {  	_ =	shalt  }
0x66: {  	_ =	shalt  }
0x67: {  	_ =	shalt  }
0x68: {  	_ =	shalt  }
0x69: {  	_ =	shalt  }
0x6a: {  	_ =	shalt  }
0x6b: {  	_ =	shalt  }
0x6c: {  	_ =	shalt  }
0x6d: {  	_ =	shalt  }
0x6e: {  	_ =	shalt  }
0x6f: {  	_ =	shalt  }
0x70: {  	_ =	shalt  }
0x71: {  	_ =	shalt  }
0x72: {  	_ =	shalt  }
0x73: {  	_ =	shalt  }
0x74: {  	_ =	shalt  }
0x75: {  	_ =	shalt  }
0x76: {  	_ =	shalt  }
0x77: {  	_ =	shalt  }
0x78: {  	_ =	shalt  }
0x79: {  	_ =	shalt  }
0x7a: {  	_ =	shalt  }
0x7b: {  	_ =	shalt  }
0x7c: {  	_ =	shalt  }
0x7d: {  	_ =	shalt  }
0x7e: {  	_ =	shalt  }
0x7f: {  	_ =	shalt  }
0x80: {  	_ =	shalt  }
0x81: {  	_ =	shalt  }
0x82: {  	_ =	shalt  }
0x83: {  	_ =	shalt  }
0x84: {  	_ =	shalt  }
0x85: {  	_ =	shalt  }
0x86: {  	_ =	shalt  }
0x87: {  	_ =	shalt  }
.Lfunc_end0:
.L_simem_size_0:
called_computation.1_lowered:
.L_overlay_start_0:
0x88: {  	s2 =	sld [smem:$0x3FD9]  }
0x89: {  	s3 =	sld [smem:$0x3FFE];
	_ =	sdelay $0x1  }
0x8a: {  	s1 =	srdreg.scid  }
0x8b: {  	s0 =	sand.u32 $0x1, s1  }
0x8c: {  	s16 =	sshll.u32 s0, $0xA;
	s2 =	sadd.s32 s3, s2  }
0x8d: {  	s2 =	sadd.s32 s2, s16  }
0x8e: {  	[smem:$0x3FBC] =	sst s2  }
0x8f: {  	_ = 	snop  }
0x90: {  	(tm) =	ssettm $0x1  }
0x91: {  	s17 =	sld [smem:$0x3FFB];
	_ =	sdelay $0x3  }
0x92: {  	_ =	strace s17  }
0x93: {  	s2 =	sld [smem:$0x3FFC];
	_ =	sdelay $0x3  }
0x94: {  	_ =	strace s2  }
0x95: {  	s2 =	sld [smem:$0x3FFD];
	_ =	sdelay $0x3  }
0x96: {  	_ =	strace s2  }
0x97: {  	_ =	strace $0x8FFFFFFF  }
0x98: {  	s18 =	sld [smem:$0x3FDB];
	_ =	sdelay $0x1  }
0x99: {  	s19 =	simm.s32 $_scs_section_size  }
0x9a: {  	s4 =	simm.s32 $_size__tile_overlayer_lowered;
	s5 =	simm.s32 $_tile_overlayer_lowered  }
0x9b: {  	s22 =	simm.s32 $0x1BFF;
	s21 =	sshll.u32 s5, $0x1;
	s2 =	sadd.s32 s19, s18  }
0x9c: {  	s6 =	simm.s32 $0x0;
	s20 =	sshll.u32 s4, $0x1;
	s4 =	sadd.s32 s21, s2  }
0x9d: {  	[timem:s6], [sflag:s22] =	dma.local [hbm:s4], s20  }
0x9e: {  	_ =	swait.ge [sflag:s22], s20  }
0x9f: {  	s3 =	ssub.s32 $0x0, s20;
	[sflag:s22] =	ssyncset.done $0x0  }
0xa0: {  	[sflag:s22] =	ssyncadd.s32 s3;
	_ =	sdelay $0x1  }
0xa1: {  	s23 =	simm.s32 $0x1B8B  }
0xa2: {  	_ =	swait.ge [sflag:s23], $0x1  }
0xa3: {  	[sflag:s23] =	ssyncset.done $0x0  }
0xa4: {  	s25 =	simm.s32 $0x1B8E;
	s24 =	sld [smem:$0x3FFE];
	[sflag:s23] =	ssyncadd.s32 $0xFFFFFFFF  }
0xa5: {  	s26 =	simm.s32 $execute0_lowered;
	[smem:$0x3FD2] =	sst s25  }
0xa6: {  	s4 =	sshll.u32 s26, $0x1;
	_ =	strace $0x80000049;
	[dreg:$0x1] =	wrdreg $0xFFFFFFFF  }
0xa7: {  	s28 =	simm.s32 $_size_execute0_lowered;
	s2 =	sadd.s32 s2, s4;
	[dreg:$0x0] =	wrdreg $0x0  }
0xa8: {  	s4 =	sshll.u32 s28, $0x1;
	[dreg:$0x2] =	wrdreg s2  }
0xa9: {  	[dreg:$0x3] =	wrdreg s4  }
0xaa: {  	[dreg:$0x4] =	wrdreg $0xC0  }
0xab: {  	_ =	task [dreg:s6], $0x5FFFF  }
0xac: {  	[dreg:$0x1] =	wrdreg $0xFFFFFFFF  }
0xad: {  	[dreg:$0x0] =	wrdreg $0x60  }
0xae: {  	[dreg:$0x2] =	wrdreg s24  }
0xaf: {  	[dreg:$0x3] =	wrdreg $0x106800  }
0xb0: {  	[dreg:$0x4] =	wrdreg $0x9  }
0xb1: {  	_ =	task.clear_ibuf [dreg:s6], $0x5FFFF;
	_ =	strace $0x90000049  }
0xb2: {  	s29 =	simm.s32 $0x9;
	_ =	strace $0x8000004B  }
0xb3: {  	_ =	swait.ge [sflag:s29], $0x1  }
0xb4: {  	[sflag:s29] =	ssyncadd.s32 $0xFFFFFFFF  }
0xb5: {  	_ =	strace $0x9000004B  }
0xb6: {  	_ =	sfence  }
0xb7: {  	s30 =	sld [smem:$0x0];
	_ =	sdelay $0x2  }
0xb8: {  	s31 =	sshll.u32 s1, $0xD;
	s1 =	sshrl.u32 s1, $0x2  }
0xb9: {  	s3 =	sand.u32 $0x4000, s31;
	s1 =	sadd.s32 s1, s30  }
0xba: {  	s0 =	sor.u32 s3, s0;
	s1 =	sshll.u32 s1, $0x11  }
0xbb: {  	s0 =	sor.u32 s1, s0  }
0xbc: {  	s0 =	sadd.s32 $0x8F2B, s0  }
0xbd: {  	[sflag:s0] =	ssyncadd.remote.s32 $0x1  }
0xbe: {  	_ =	sfence.sel $0xFFFF  }
0xbf: {  	[dreg:$0x0] =	wrdreg $0xFFFFFFFF;
	(pc) =	sbr.abs _section_cstart, $3  }
0xc0: {  	[dreg:$0x1] =	wrdreg $0xFFFFFFFF  }
0xc1: {  	_ =	task.clear_ibuf [dreg:s6], $0x2FFFF;
	_ =	strace $0x9FFFFFFF  }
0xc2: {  	(tm) =	ssettm $0x7FFFFFFF  }
0xc3: {  	_ =	shalt  }
tec
execute0_lowered:
.L_overlay_start_1:
0x0: {  	(tag) =	ssettag $0x1  }
0x1: {  	s6 =	rddreg [dreg:$0x0]  }
0x2: {  	s2 =	rddreg [dreg:$0x1]  }
0x3: {  	s0 =	rddreg [dreg:$0x2];
	s3 =	srdreg.scid  }
0x4: {  	s1 =	stileid.u32;
	s14 =	simm.s32 $0x1;
	s15 =	simm.s32 $0x7D  }
0x5: {  	s16 =	simm.s32 $0xC800;
	s17 =	simm.s32 $0xCFD0;
	s18 =	simm.s32 $0xD7A0  }
0x6: {  	s19 =	simm.s32 $0xDF70;
	s20 =	simm.s32 $0xE740;
	s21 =	simm.s32 $0xEF10  }
0x7: {  	s22 =	simm.s32 $0xF6E0;
	s23 =	simm.s32 $0xFEB0;
	s24 =	simm.s32 $0x2  }
0x8: {  	s25 =	simm.s32 $0x3;
	s26 =	simm.s32 $0x0;
	s5 =	sand.u32 $0x1, s3  }
0x9: {  	s4 =	sshll.u32 s1, $0x1;
	s8 =	smul.u32 $0xC380, s1;
	s3 =	simm.s32 $0x0  }
0xa: {  	s12 =	sshll.u32 s1, $0x6;
	s4 =	sor.u32 s5, s4;
	s7 =	smul.u32 $0xC3800, s5  }
0xb: {  	[smem:$0x7FF] =	sst s3;
	s10 =	ssub.s32 $0x2, s5;
	s5 =	sadd.s32 $0x1C00, s6  }
0xc: {  	s9 =	smul.u32 $0xC80, s4;
	_ =	strace $0x8000004A;
	s4 =	sadd.s32 $0x33600, s6  }
0xd: {  	s31 =	sshrl.u32 s10, $0x1;
	s13 =	sadd.s32 s8, s2;
	s7 =	sadd.s32 s8, s7  }
0xe: {  	s10 =	ssub.s32 s10, s31;
	s8 =	sor.u32 $0x1C04, s12;
	s12 =	sshrl.u32 s13, $0x3  }
0xf: {  	s13 =	simm.s32 $0x4;
	s9 =	sadd.s32 s9, s6;
	s7 =	sshrl.u32 s7, $0x3  }
0x10: {  	s10 =	smax.u32 s10, $0x1;
	s11 =	sadd.s32 s7, s6;
	s6 =	sadd.s32 $0x4BE00, s9  }
0x11: {  	s7 =	sadd.s32 $0x1A600, s9;
	s9 =	sadd.s32 $0x334E00, s11;
	s11 =	simm.s32 $0x6400  }
.LBB2_1:
0x12: {  	[tilespmem:s3], [sflag:$0x1] =	stream.linear.gather [hbm4b:s6+s3], $0x6400, $0x38;
	[tilespmem:$0x1CA00] =	vst v63  }
0x13: {  	_ = 	snop  }
0x14: {  	[tilespmem:s11], [sflag:$0x1] =	stream.linear.gather [hbm4b:s7+s3], $0x6400, $0x38;
	[tilespmem:$0x1CA00] =	vst v63  }
0x15: {  	[spmem:s12], [sflag:s8] =	dma.local [hbm:s5], $0x1870  }
0x16: {  	_ =	swait.ge [sflag:s13], $0x1870  }
0x17: {  	[sflag:s13] =	ssyncset.done $0x0  }
0x18: {  	[sflag:s13] =	ssyncadd.s32 $0xFFFFE790  }
0x19: {  	_ =	swait.ge [sflag:s14], $0x6400  }
0x1a: {  	[sflag:s14] =	ssyncset.done $0x0  }
0x1b: {  	[sflag:s14] =	ssyncadd.s32 $0xFFFF9C00  }
0x1c: {  	_ =	swait.ge [sflag:s14], $0x6400  }
0x1d: {  	[sflag:s14] =	ssyncset.done $0x0  }
0x1e: {  	[sflag:s14] =	ssyncadd.s32 $0xFFFF9C00  }
0x1f: {  	s28 =	simm.s32 $0x0;
	[bflag:$0x0] =	sbarrier.arrive $0xFFFF  }
0x20: {  	[tilespmem:s16], [sflag:$0x2] =	stream.indirect.gather [hbm4b:s4+s15], $0x10, s28, s15, $0xb8;
	[tilespmem:$0x1CA00] =	vst v63  }
0x21: {  	s28 =	simm.s32 $0x80  }
0x22: {  	[tilespmem:s17], [sflag:$0x2] =	stream.indirect.gather [hbm4b:s4+s15], $0x10, s28, s15, $0xb8;
	[tilespmem:$0x1CA00] =	vst v63  }
0x23: {  	s28 =	simm.s32 $0x100  }
0x24: {  	[tilespmem:s18], [sflag:$0x2] =	stream.indirect.gather [hbm4b:s4+s15], $0x10, s28, s15, $0xb8;
	[tilespmem:$0x1CA00] =	vst v63  }
0x25: {  	s28 =	simm.s32 $0x180  }
0x26: {  	[tilespmem:s19], [sflag:$0x2] =	stream.indirect.gather [hbm4b:s4+s15], $0x10, s28, s15, $0xb8;
	[tilespmem:$0x1CA00] =	vst v63  }
0x27: {  	s28 =	simm.s32 $0x200  }
0x28: {  	[tilespmem:s20], [sflag:$0x2] =	stream.indirect.gather [hbm4b:s4+s15], $0x10, s28, s15, $0xb8;
	[tilespmem:$0x1CA00] =	vst v63  }
0x29: {  	s28 =	simm.s32 $0x280  }
0x2a: {  	[tilespmem:s21], [sflag:$0x2] =	stream.indirect.gather [hbm4b:s4+s15], $0x10, s28, s15, $0xb8;
	[tilespmem:$0x1CA00] =	vst v63  }
0x2b: {  	s28 =	simm.s32 $0x300  }
0x2c: {  	[tilespmem:s22], [sflag:$0x2] =	stream.indirect.gather [hbm4b:s4+s15], $0x10, s28, s15, $0xb8;
	[tilespmem:$0x1CA00] =	vst v63  }
0x2d: {  	s28 =	simm.s32 $0x380  }
0x2e: {  	[tilespmem:s23], [sflag:$0x2] =	stream.indirect.gather [hbm4b:s4+s15], $0x10, s28, s15, $0xb8;
	[tilespmem:$0x1CA00] =	vst v63  }
0x2f: {  	_ =	swait.ge [sflag:s24], $0x7D0  }
0x30: {  	[sflag:s24] =	ssyncset.done $0x0  }
0x31: {  	s28 =	simm.s32 $0x6400;
	[sflag:s24] =	ssyncadd.s32 $0xFFFFF830  }
0x32: {  	[spmem:s2] =	stream.indirect.scatter.add.f32 [tilespmem:s16], [sflag:$0x3], $0x10, s28, s15, $0xb8;
	[tilespmem:$0x1CA00] =	vst v63  }
0x33: {  	_ =	swait.ge [sflag:s24], $0x7D0  }
0x34: {  	[sflag:s24] =	ssyncset.done $0x0  }
0x35: {  	s28 =	simm.s32 $0x6480;
	[sflag:s24] =	ssyncadd.s32 $0xFFFFF830  }
0x36: {  	[spmem:s2] =	stream.indirect.scatter.add.f32 [tilespmem:s17], [sflag:$0x3], $0x10, s28, s15, $0xb8;
	[tilespmem:$0x1CA00] =	vst v63  }
0x37: {  	_ =	swait.ge [sflag:s24], $0x7D0  }
0x38: {  	[sflag:s24] =	ssyncset.done $0x0  }
0x39: {  	s28 =	simm.s32 $0x6500;
	[sflag:s24] =	ssyncadd.s32 $0xFFFFF830  }
0x3a: {  	[spmem:s2] =	stream.indirect.scatter.add.f32 [tilespmem:s18], [sflag:$0x3], $0x10, s28, s15, $0xb8;
	[tilespmem:$0x1CA00] =	vst v63  }
0x3b: {  	_ =	swait.ge [sflag:s24], $0x7D0  }
0x3c: {  	[sflag:s24] =	ssyncset.done $0x0  }
0x3d: {  	s28 =	simm.s32 $0x6580;
	[sflag:s24] =	ssyncadd.s32 $0xFFFFF830  }
0x3e: {  	[spmem:s2] =	stream.indirect.scatter.add.f32 [tilespmem:s19], [sflag:$0x3], $0x10, s28, s15, $0xb8;
	[tilespmem:$0x1CA00] =	vst v63  }
0x3f: {  	_ =	swait.ge [sflag:s24], $0x7D0  }
0x40: {  	[sflag:s24] =	ssyncset.done $0x0  }
0x41: {  	s28 =	simm.s32 $0x6600;
	[sflag:s24] =	ssyncadd.s32 $0xFFFFF830  }
0x42: {  	[spmem:s2] =	stream.indirect.scatter.add.f32 [tilespmem:s20], [sflag:$0x3], $0x10, s28, s15, $0xb8;
	[tilespmem:$0x1CA00] =	vst v63  }
0x43: {  	_ =	swait.ge [sflag:s24], $0x7D0  }
0x44: {  	[sflag:s24] =	ssyncset.done $0x0  }
0x45: {  	s28 =	simm.s32 $0x6680;
	[sflag:s24] =	ssyncadd.s32 $0xFFFFF830  }
0x46: {  	[spmem:s2] =	stream.indirect.scatter.add.f32 [tilespmem:s21], [sflag:$0x3], $0x10, s28, s15, $0xb8;
	[tilespmem:$0x1CA00] =	vst v63  }
0x47: {  	_ =	swait.ge [sflag:s24], $0x7D0  }
0x48: {  	[sflag:s24] =	ssyncset.done $0x0  }
0x49: {  	s28 =	simm.s32 $0x6700;
	[sflag:s24] =	ssyncadd.s32 $0xFFFFF830  }
0x4a: {  	[spmem:s2] =	stream.indirect.scatter.add.f32 [tilespmem:s22], [sflag:$0x3], $0x10, s28, s15, $0xb8;
	[tilespmem:$0x1CA00] =	vst v63  }
0x4b: {  	_ =	swait.ge [sflag:s24], $0x7D0  }
0x4c: {  	[sflag:s24] =	ssyncset.done $0x0  }
0x4d: {  	s28 =	simm.s32 $0x6780;
	[sflag:s24] =	ssyncadd.s32 $0xFFFFF830  }
0x4e: {  	[spmem:s2] =	stream.indirect.scatter.add.f32 [tilespmem:s23], [sflag:$0x3], $0x10, s28, s15, $0xb8;
	[tilespmem:$0x1CA00] =	vst v63  }
0x4f: {  	_ =	swait.ge [sflag:s25], $0x7D0  }
0x50: {  	[sflag:s25] =	ssyncset.done $0x0  }
0x51: {  	[sflag:s25] =	ssyncadd.s32 $0xFFFFF830  }
0x52: {  	_ =	swait.ge [sflag:s25], $0x7D0  }
0x53: {  	[sflag:s25] =	ssyncset.done $0x0  }
0x54: {  	[sflag:s25] =	ssyncadd.s32 $0xFFFFF830  }
0x55: {  	_ =	swait.ge [sflag:s25], $0x7D0  }
0x56: {  	[sflag:s25] =	ssyncset.done $0x0  }
0x57: {  	[sflag:s25] =	ssyncadd.s32 $0xFFFFF830  }
0x58: {  	_ =	swait.ge [sflag:s25], $0x7D0  }
0x59: {  	[sflag:s25] =	ssyncset.done $0x0  }
0x5a: {  	[sflag:s25] =	ssyncadd.s32 $0xFFFFF830  }
0x5b: {  	_ =	swait.ge [sflag:s25], $0x7D0  }
0x5c: {  	[sflag:s25] =	ssyncset.done $0x0  }
0x5d: {  	[sflag:s25] =	ssyncadd.s32 $0xFFFFF830  }
0x5e: {  	_ =	swait.ge [sflag:s25], $0x7D0  }
0x5f: {  	[sflag:s25] =	ssyncset.done $0x0  }
0x60: {  	[sflag:s25] =	ssyncadd.s32 $0xFFFFF830  }
0x61: {  	_ =	swait.ge [sflag:s25], $0x7D0  }
0x62: {  	[sflag:s25] =	ssyncset.done $0x0  }
0x63: {  	[sflag:s25] =	ssyncadd.s32 $0xFFFFF830  }
0x64: {  	_ =	swait.ge [sflag:s25], $0x7D0  }
0x65: {  	s31 =	simm.s32 $0x2000;
	s28 =	simm.s32 $0x1000;
	[sflag:s25] =	ssyncset.done $0x0  }
.LBB2_2:
0x66: {  	s30 =	sshra.s32 s28, $0x2  }
0x67: {  	[sflag:s25] =	ssyncadd.s32 $0xFFFFF830;
	s28 =	smov.u32 s31;
	s29 =	sadd.s32 $0x1000, s31  }
0x68: {  	[tilespmem:s16], [sflag:$0x2] =	stream.indirect.gather [hbm4b:s4+s15], $0x10, s30, s15, $0xb8;
	[tilespmem:$0x1CA00] =	vst v63  }
0x69: {  	p0 =	sne.s32 s31, $0x18000;
	s31 =	sadd.s32 $0x80, s30  }
0x6a: {  	[tilespmem:s17], [sflag:$0x2] =	stream.indirect.gather [hbm4b:s4+s15], $0x10, s31, s15, $0xb8;
	[tilespmem:$0x1CA00] =	vst v63  }
0x6b: {  	s31 =	sadd.s32 $0x100, s30  }
0x6c: {  	[tilespmem:s18], [sflag:$0x2] =	stream.indirect.gather [hbm4b:s4+s15], $0x10, s31, s15, $0xb8;
	[tilespmem:$0x1CA00] =	vst v63  }
0x6d: {  	s31 =	sadd.s32 $0x180, s30  }
0x6e: {  	[tilespmem:s19], [sflag:$0x2] =	stream.indirect.gather [hbm4b:s4+s15], $0x10, s31, s15, $0xb8;
	[tilespmem:$0x1CA00] =	vst v63  }
0x6f: {  	s31 =	sadd.s32 $0x200, s30  }
0x70: {  	[tilespmem:s20], [sflag:$0x2] =	stream.indirect.gather [hbm4b:s4+s15], $0x10, s31, s15, $0xb8;
	[tilespmem:$0x1CA00] =	vst v63  }
0x71: {  	s31 =	sadd.s32 $0x280, s30  }
0x72: {  	[tilespmem:s21], [sflag:$0x2] =	stream.indirect.gather [hbm4b:s4+s15], $0x10, s31, s15, $0xb8;
	[tilespmem:$0x1CA00] =	vst v63  }
0x73: {  	s31 =	sadd.s32 $0x300, s30  }
0x74: {  	[tilespmem:s22], [sflag:$0x2] =	stream.indirect.gather [hbm4b:s4+s15], $0x10, s31, s15, $0xb8;
	[tilespmem:$0x1CA00] =	vst v63  }
0x75: {  	s31 =	sadd.s32 $0x380, s30  }
0x76: {  	[tilespmem:s23], [sflag:$0x2] =	stream.indirect.gather [hbm4b:s4+s15], $0x10, s31, s15, $0xb8;
	[tilespmem:$0x1CA00] =	vst v63  }
0x77: {  	_ =	swait.ge [sflag:s24], $0x7D0  }
0x78: {  	[sflag:s24] =	ssyncset.done $0x0  }
0x79: {  	s31 =	sadd.s32 $0x6400, s30;
	[sflag:s24] =	ssyncadd.s32 $0xFFFFF830  }
0x7a: {  	[spmem:s2] =	stream.indirect.scatter.add.f32 [tilespmem:s16], [sflag:$0x3], $0x10, s31, s15, $0xb8;
	[tilespmem:$0x1CA00] =	vst v63  }
0x7b: {  	_ =	swait.ge [sflag:s24], $0x7D0  }
0x7c: {  	[sflag:s24] =	ssyncset.done $0x0  }
0x7d: {  	s31 =	sadd.s32 $0x6480, s30;
	[sflag:s24] =	ssyncadd.s32 $0xFFFFF830  }
0x7e: {  	[spmem:s2] =	stream.indirect.scatter.add.f32 [tilespmem:s17], [sflag:$0x3], $0x10, s31, s15, $0xb8;
	[tilespmem:$0x1CA00] =	vst v63  }
0x7f: {  	_ =	swait.ge [sflag:s24], $0x7D0  }
0x80: {  	[sflag:s24] =	ssyncset.done $0x0  }
0x81: {  	s31 =	sadd.s32 $0x6500, s30;
	[sflag:s24] =	ssyncadd.s32 $0xFFFFF830  }
0x82: {  	[spmem:s2] =	stream.indirect.scatter.add.f32 [tilespmem:s18], [sflag:$0x3], $0x10, s31, s15, $0xb8;
	[tilespmem:$0x1CA00] =	vst v63  }
0x83: {  	_ =	swait.ge [sflag:s24], $0x7D0  }
0x84: {  	[sflag:s24] =	ssyncset.done $0x0  }
0x85: {  	s31 =	sadd.s32 $0x6580, s30;
	[sflag:s24] =	ssyncadd.s32 $0xFFFFF830  }
0x86: {  	[spmem:s2] =	stream.indirect.scatter.add.f32 [tilespmem:s19], [sflag:$0x3], $0x10, s31, s15, $0xb8;
	[tilespmem:$0x1CA00] =	vst v63  }
0x87: {  	_ =	swait.ge [sflag:s24], $0x7D0  }
0x88: {  	[sflag:s24] =	ssyncset.done $0x0  }
0x89: {  	s31 =	sadd.s32 $0x6600, s30;
	[sflag:s24] =	ssyncadd.s32 $0xFFFFF830  }
0x8a: {  	[spmem:s2] =	stream.indirect.scatter.add.f32 [tilespmem:s20], [sflag:$0x3], $0x10, s31, s15, $0xb8;
	[tilespmem:$0x1CA00] =	vst v63  }
0x8b: {  	_ =	swait.ge [sflag:s24], $0x7D0  }
0x8c: {  	[sflag:s24] =	ssyncset.done $0x0  }
0x8d: {  	s31 =	sadd.s32 $0x6680, s30;
	[sflag:s24] =	ssyncadd.s32 $0xFFFFF830  }
0x8e: {  	[spmem:s2] =	stream.indirect.scatter.add.f32 [tilespmem:s21], [sflag:$0x3], $0x10, s31, s15, $0xb8;
	[tilespmem:$0x1CA00] =	vst v63  }
0x8f: {  	_ =	swait.ge [sflag:s24], $0x7D0  }
0x90: {  	[sflag:s24] =	ssyncset.done $0x0  }
0x91: {  	s31 =	sadd.s32 $0x6700, s30;
	[sflag:s24] =	ssyncadd.s32 $0xFFFFF830  }
0x92: {  	[spmem:s2] =	stream.indirect.scatter.add.f32 [tilespmem:s22], [sflag:$0x3], $0x10, s31, s15, $0xb8;
	[tilespmem:$0x1CA00] =	vst v63  }
0x93: {  	_ =	swait.ge [sflag:s24], $0x7D0  }
0x94: {  	[sflag:s24] =	ssyncset.done $0x0  }
0x95: {  	s30 =	sadd.s32 $0x6780, s30;
	[sflag:s24] =	ssyncadd.s32 $0xFFFFF830  }
0x96: {  	[spmem:s2] =	stream.indirect.scatter.add.f32 [tilespmem:s23], [sflag:$0x3], $0x10, s30, s15, $0xb8;
	[tilespmem:$0x1CA00] =	vst v63  }
0x97: {  	_ =	swait.ge [sflag:s25], $0x7D0  }
0x98: {  	[sflag:s25] =	ssyncset.done $0x0  }
0x99: {  	[sflag:s25] =	ssyncadd.s32 $0xFFFFF830  }
0x9a: {  	_ =	swait.ge [sflag:s25], $0x7D0  }
0x9b: {  	[sflag:s25] =	ssyncset.done $0x0  }
0x9c: {  	[sflag:s25] =	ssyncadd.s32 $0xFFFFF830  }
0x9d: {  	_ =	swait.ge [sflag:s25], $0x7D0  }
0x9e: {  	[sflag:s25] =	ssyncset.done $0x0  }
0x9f: {  	[sflag:s25] =	ssyncadd.s32 $0xFFFFF830  }
0xa0: {  	_ =	swait.ge [sflag:s25], $0x7D0  }
0xa1: {  	[sflag:s25] =	ssyncset.done $0x0  }
0xa2: {  	[sflag:s25] =	ssyncadd.s32 $0xFFFFF830  }
0xa3: {  	_ =	swait.ge [sflag:s25], $0x7D0  }
0xa4: {  	[sflag:s25] =	ssyncset.done $0x0  }
0xa5: {  	[sflag:s25] =	ssyncadd.s32 $0xFFFFF830  }
0xa6: {  	_ =	swait.ge [sflag:s25], $0x7D0  }
0xa7: {  	[sflag:s25] =	ssyncset.done $0x0  }
0xa8: {  	[sflag:s25] =	ssyncadd.s32 $0xFFFFF830  }
.Ltmp0:
0xa9: {  	_ =	swait.ge [sflag:s25], $0x7D0;
	(pc) =	sbr.rel @p0 .LBB2_2-.Ltmp0, $4  }
0xaa: {  	[sflag:s25] =	ssyncset.done $0x0  }
0xab: {  	[sflag:s25] =	ssyncadd.s32 $0xFFFFF830  }
0xac: {  	_ =	swait.ge [sflag:s25], $0x7D0  }
0xad: {  	s31 =	smov.u32 s29;
	[sflag:s25] =	ssyncset.done $0x0  }
0xae: {  	s28 =	sshra.s32 s28, $0x2;
	[sflag:s25] =	ssyncadd.s32 $0xFFFFF830  }
0xaf: {  	[tilespmem:s16], [sflag:$0x2] =	stream.indirect.gather [hbm4b:s4+s15], $0x10, s28, s15, $0xb8;
	[tilespmem:$0x1CA00] =	vst v63  }
0xb0: {  	s29 =	sadd.s32 $0x80, s28  }
0xb1: {  	[tilespmem:s17], [sflag:$0x2] =	stream.indirect.gather [hbm4b:s4+s15], $0x10, s29, s15, $0xb8;
	[tilespmem:$0x1CA00] =	vst v63  }
0xb2: {  	s31 =	sadd.s32 $0x100, s28  }
0xb3: {  	[tilespmem:s18], [sflag:$0x2] =	stream.indirect.gather [hbm4b:s4+s15], $0x10, s31, s15, $0xb8;
	[tilespmem:$0x1CA00] =	vst v63  }
0xb4: {  	s30 =	sadd.s32 $0x180, s28  }
0xb5: {  	[tilespmem:s19], [sflag:$0x2] =	stream.indirect.gather [hbm4b:s4+s15], $0x10, s30, s15, $0xb8;
	[tilespmem:$0x1CA00] =	vst v63  }
0xb6: {  	s31 =	sadd.s32 $0x200, s28  }
0xb7: {  	[tilespmem:s20], [sflag:$0x2] =	stream.indirect.gather [hbm4b:s4+s15], $0x10, s31, s15, $0xb8;
	[tilespmem:$0x1CA00] =	vst v63  }
0xb8: {  	s30 =	sadd.s32 $0x280, s28  }
0xb9: {  	[tilespmem:s21], [sflag:$0x2] =	stream.indirect.gather [hbm4b:s4+s15], $0x10, s30, s15, $0xb8;
	[tilespmem:$0x1CA00] =	vst v63  }
0xba: {  	s31 =	sadd.s32 $0x300, s28  }
0xbb: {  	[tilespmem:s22], [sflag:$0x2] =	stream.indirect.gather [hbm4b:s4+s15], $0x10, s31, s15, $0xb8;
	[tilespmem:$0x1CA00] =	vst v63  }
0xbc: {  	s30 =	sadd.s32 $0x380, s28  }
0xbd: {  	[tilespmem:s23], [sflag:$0x2] =	stream.indirect.gather [hbm4b:s4+s15], $0x10, s30, s15, $0xb8;
	[tilespmem:$0x1CA00] =	vst v63  }
0xbe: {  	_ =	swait.ge [sflag:s24], $0x7D0  }
0xbf: {  	[sflag:s24] =	ssyncset.done $0x0  }
0xc0: {  	s31 =	sadd.s32 $0x6400, s28;
	[sflag:s24] =	ssyncadd.s32 $0xFFFFF830  }
0xc1: {  	[spmem:s2] =	stream.indirect.scatter.add.f32 [tilespmem:s16], [sflag:$0x3], $0x10, s31, s15, $0xb8;
	[tilespmem:$0x1CA00] =	vst v63  }
0xc2: {  	_ =	swait.ge [sflag:s24], $0x7D0  }
0xc3: {  	[sflag:s24] =	ssyncset.done $0x0  }
0xc4: {  	s30 =	sadd.s32 $0x6480, s28;
	[sflag:s24] =	ssyncadd.s32 $0xFFFFF830  }
0xc5: {  	[spmem:s2] =	stream.indirect.scatter.add.f32 [tilespmem:s17], [sflag:$0x3], $0x10, s30, s15, $0xb8;
	[tilespmem:$0x1CA00] =	vst v63  }
0xc6: {  	_ =	swait.ge [sflag:s24], $0x7D0  }
0xc7: {  	[sflag:s24] =	ssyncset.done $0x0  }
0xc8: {  	s31 =	sadd.s32 $0x6500, s28;
	[sflag:s24] =	ssyncadd.s32 $0xFFFFF830  }
0xc9: {  	[spmem:s2] =	stream.indirect.scatter.add.f32 [tilespmem:s18], [sflag:$0x3], $0x10, s31, s15, $0xb8;
	[tilespmem:$0x1CA00] =	vst v63  }
0xca: {  	_ =	swait.ge [sflag:s24], $0x7D0  }
0xcb: {  	[sflag:s24] =	ssyncset.done $0x0  }
0xcc: {  	s30 =	sadd.s32 $0x6580, s28;
	[sflag:s24] =	ssyncadd.s32 $0xFFFFF830  }
0xcd: {  	[spmem:s2] =	stream.indirect.scatter.add.f32 [tilespmem:s19], [sflag:$0x3], $0x10, s30, s15, $0xb8;
	[tilespmem:$0x1CA00] =	vst v63  }
0xce: {  	_ =	swait.ge [sflag:s24], $0x7D0  }
0xcf: {  	[sflag:s24] =	ssyncset.done $0x0  }
0xd0: {  	s31 =	sadd.s32 $0x6600, s28;
	[sflag:s24] =	ssyncadd.s32 $0xFFFFF830  }
0xd1: {  	[spmem:s2] =	stream.indirect.scatter.add.f32 [tilespmem:s20], [sflag:$0x3], $0x10, s31, s15, $0xb8;
	[tilespmem:$0x1CA00] =	vst v63  }
0xd2: {  	_ =	swait.ge [sflag:s24], $0x7D0  }
0xd3: {  	[sflag:s24] =	ssyncset.done $0x0  }
0xd4: {  	s30 =	sadd.s32 $0x6680, s28;
	[sflag:s24] =	ssyncadd.s32 $0xFFFFF830  }
0xd5: {  	[spmem:s2] =	stream.indirect.scatter.add.f32 [tilespmem:s21], [sflag:$0x3], $0x10, s30, s15, $0xb8;
	[tilespmem:$0x1CA00] =	vst v63  }
0xd6: {  	_ =	swait.ge [sflag:s24], $0x7D0  }
0xd7: {  	[sflag:s24] =	ssyncset.done $0x0  }
0xd8: {  	s31 =	sadd.s32 $0x6700, s28;
	[sflag:s24] =	ssyncadd.s32 $0xFFFFF830  }
0xd9: {  	[spmem:s2] =	stream.indirect.scatter.add.f32 [tilespmem:s22], [sflag:$0x3], $0x10, s31, s15, $0xb8;
	[tilespmem:$0x1CA00] =	vst v63  }
0xda: {  	_ =	swait.ge [sflag:s24], $0x7D0  }
0xdb: {  	[sflag:s24] =	ssyncset.done $0x0  }
0xdc: {  	s28 =	sadd.s32 $0x6780, s28;
	[sflag:s24] =	ssyncadd.s32 $0xFFFFF830  }
0xdd: {  	[spmem:s2] =	stream.indirect.scatter.add.f32 [tilespmem:s23], [sflag:$0x3], $0x10, s28, s15, $0xb8;
	[tilespmem:$0x1CA00] =	vst v63  }
0xde: {  	_ =	swait.ge [sflag:s25], $0x7D0  }
0xdf: {  	[sflag:s25] =	ssyncset.done $0x0  }
0xe0: {  	[sflag:s25] =	ssyncadd.s32 $0xFFFFF830  }
0xe1: {  	_ =	swait.ge [sflag:s25], $0x7D0  }
0xe2: {  	[sflag:s25] =	ssyncset.done $0x0  }
0xe3: {  	[sflag:s25] =	ssyncadd.s32 $0xFFFFF830  }
0xe4: {  	_ =	swait.ge [sflag:s25], $0x7D0  }
0xe5: {  	[sflag:s25] =	ssyncset.done $0x0  }
0xe6: {  	[sflag:s25] =	ssyncadd.s32 $0xFFFFF830  }
0xe7: {  	_ =	swait.ge [sflag:s25], $0x7D0  }
0xe8: {  	[sflag:s25] =	ssyncset.done $0x0  }
0xe9: {  	[sflag:s25] =	ssyncadd.s32 $0xFFFFF830  }
0xea: {  	_ =	swait.ge [sflag:s25], $0x7D0  }
0xeb: {  	[sflag:s25] =	ssyncset.done $0x0  }
0xec: {  	[sflag:s25] =	ssyncadd.s32 $0xFFFFF830  }
0xed: {  	_ =	swait.ge [sflag:s25], $0x7D0  }
0xee: {  	[sflag:s25] =	ssyncset.done $0x0  }
0xef: {  	[sflag:s25] =	ssyncadd.s32 $0xFFFFF830  }
0xf0: {  	_ =	swait.ge [sflag:s25], $0x7D0  }
0xf1: {  	[sflag:s25] =	ssyncset.done $0x0  }
0xf2: {  	[sflag:s25] =	ssyncadd.s32 $0xFFFFF830  }
0xf3: {  	_ =	swait.ge [sflag:s25], $0x7D0  }
0xf4: {  	s26 =	sadd.s32 $0x1, s26;
	[sflag:s25] =	ssyncset.done $0x0  }
0xf5: {  	p0 =	sne.s32 s26, s10;
	[sflag:s25] =	ssyncadd.s32 $0xFFFFF830  }
.Ltmp1:
0xf6: {  	[bflag:$0x0] =	sbarrier.arrive $0xFFFF;
	(pc) =	sbr.rel @p0 .LBB2_1-.Ltmp1, $4  }
0xf7: {  	[hbm:s9], [sflag:s8] =	dma.local [spmem:s12], $0x1870  }
0xf8: {  	_ =	swait.ge [sflag:s13], $0x1870  }
0xf9: {  	[sflag:s13] =	ssyncset.done $0x0  }
0xfa: {  	[sflag:s13] =	ssyncadd.s32 $0xFFFFE790  }
0xfb: {  	_ =	sfence.sel $0x180000  }
0xfc: {  	[bflag:$0x0] =	sbarrier.arrive $0xFFFF  }
0xfd: {  	p0 =	sne.s32 s1, $0x0;
	_ =	strace $0x9000004A  }
0xfe: {  	s0 =	sadd.s32 @!p0 $0x100000, s0;
	[bflag:$0x2] =	sbarrier.arrive $0xFFFF  }
0xff: {  	[sflag:s0] =	ssyncadd.tile.s32 @!p0 $0x1;
	_ =	shalt  }
.Lfunc_end2:
_tile_overlayer_lowered:
.L_overlay_start_2:
0x100: {  	(tag) =	ssettag $0x2  }
0x101: {  	s0 =	rddreg [dreg:$0x0];
	s2 =	stileid.u32  }
0x102: {  	s1 =	rddreg [dreg:$0x1];
	p0 =	sne.s32 s2, $0x0  }
0x103: {  	s3 =	rddreg [dreg:$0x2];
	[bflag:$0x3] =	sbarrier.arrive $0xFFFF;
	s2 =	simm.s32 @!p0 $0x1C04  }
0x104: {  	[timem:s3], [sflag:s2] =	dma.local @!p0 [hbm:s0], s1  }
0x105: {  	s0 =	simm.s32 @!p0 $0x4  }
0x106: {  	_ =	swait.ge @!p0 [sflag:s0], s1  }
0x107: {  	s1 =	ssub.s32 @!p0 $0x0, s1;
	[sflag:s0] =	ssyncset.done @!p0 $0x0  }
0x108: {  	[sflag:s0] =	ssyncadd.s32 @!p0 s1  }
0x109: {  	[bflag:$0x3] =	sbarrier.arrive $0xFFFF  }
0x10a: {  	_ =	shalt  }

// kernel: kernel.14.cloned.1.call-start
scs
__scs_entry_jumppad:
0x0: {  	(pc) =	sbr.rel $0x88, $3  }
0x1: {  	(tag) =	ssettag $0x0;
	lr =	simm.s32 $0x1  }
0x2: {  	[smem:$0x3F95] =	sst lr;
	_ =	strace $0xD0000000  }
0x3: {  	_ = 	snop  }
0x4: {  	_ = 	snop  }
0x5: {  	_ = 	snop  }
0x6: {  	_ = 	snop  }
0x7: {  	_ = 	snop  }
__scs_overlays_trampoline_lowered:
0x8: {  	[smem:$0x3FA4] =	sst s0  }
0x9: {  	[smem:$0x3FA5] =	sst s1  }
0xa: {  	[smem:$0x3FA6] =	sst s2  }
0xb: {  	[smem:$0x3FA7] =	sst s3  }
0xc: {  	[smem:$0x3FA8] =	sst s4  }
0xd: {  	[smem:$0x3FA9] =	sst s5  }
0xe: {  	[smem:$0x3FAA] =	sst s6  }
0xf: {  	[smem:$0x3FAB] =	sst s7  }
0x10: {  	[smem:$0x3FAC] =	sst s8  }
0x11: {  	[smem:$0x3FAD] =	sst s9;
	s0 =	simm.s32 @!p0 $0x0  }
0x12: {  	s1 =	sld [smem:$0x3F93];
	s0 =	simm.s32 @p0 $0x1  }
0x13: {  	[smem:$0x3FAE] =	sst s0;
	s0 =	simm.s32 @!p1 $0x0  }
0x14: {  	s2 =	sld [smem:$0x3F92];
	s0 =	simm.s32 @p1 $0x1  }
0x15: {  	[smem:$0x3FAF] =	sst s0;
	s0 =	simm.s32 @!p2 $0x0  }
0x16: {  	s3 =	sld [smem:$0x3FDB];
	s0 =	simm.s32 @p2 $0x1  }
0x17: {  	s4 =	simm.s32 $0x1BF5;
	[smem:$0x3FB1] =	sst s0  }
0x18: {  	s0 =	sld [smem:$0x3F94];
	_ =	swait.ge [sflag:s4], $0x0  }
0x19: {  	s7 =	sld [smem:$0x3F95]  }
0x1a: {  	s8 =	sadd.s32 $0xFFFFE003, lr  }
0x1b: {  	s9 =	sadd.s32 $0xFFFFFEF7, lr;
	s5 =	simm.s32 $0xFFFFFFFF;
	p2 =	slt.u32 s8, $0xFFFFF086  }
0x1c: {  	p1 =	slt.u32 s9, $0xF7A;
	s5 =	simm.s32 @!p2 $0x0  }
0x1d: {  	s5 =	simm.s32 @p1 $0x1;
	p0 =	seq.s32 s7, s2  }
0x1e: {  	s7 =	smul.u32 @!p0 $0xF7A, s2;
	p2 =	seq.s32 @!p0 s5, $0x0  }
0x1f: {  	s9 =	smul.u32 $0xF7A, s1;
	s8 =	simm.s32 @!p0 $0x1BF5;
	p2 =	por !p2, p0  }
0x20: {  	[sflag:s8] =	ssyncset.s32 @!p0 $0xFFFFF086;
	s6 =	sadd.s32 @!p0 s3, s7;
	s7 =	simm.s32 @!p0 $0x108  }
0x21: {  	s3 =	sadd.s32 s3, s9;
	s6 =	sadd.s32 @!p0 $0x88, s6;
	s7 =	simm.s32 @p2 $0x1082  }
0x22: {  	[simem:s7], [sflag:s8] =	dma.local @!p0 [hbm:s6], $0xF7A  }
0x23: {  	s9 =	sor.u32 $0xD0000000, s2;
	s6 =	simm.s32 $0x108;
	_ =	swait.ge @!p0 [sflag:s8], $0x0  }
0x24: {  	s3 =	sadd.s32 $0x88, s3;
	s6 =	simm.s32 @!p1 $0x1082;
	[sflag:s4] =	ssyncset.s32 $0xFFFFF086  }
0x25: {  	[simem:s6], [sflag:s4] =	dma.local [hbm:s3], $0xF7A  }
0x26: {  	[smem:$0x3F95] =	sst s1;
	(tag) =	ssettag s2;
	_ =	strace s9  }
0x27: {  	s1 =	sld [smem:$0x3FA5]  }
0x28: {  	s2 =	sld [smem:$0x3FA6]  }
0x29: {  	s4 =	sld [smem:$0x3FA8]  }
0x2a: {  	p0 =	seq.s32 s5, $0x0;
	s5 =	sld [smem:$0x3FA9]  }
0x2b: {  	s6 =	sld [smem:$0x3FAA]  }
0x2c: {  	s7 =	sld [smem:$0x3FAB]  }
0x2d: {  	s3 =	simm.s32 $0x108;
	s8 =	sld [smem:$0x3FAC]  }
0x2e: {  	s3 =	simm.s32 @!p0 $0x1082;
	s9 =	sld [smem:$0x3FAD]  }
0x2f: {  	lr =	sadd.s32 s0, s3;
	s0 =	sld [smem:$0x3FA4]  }
0x30: {  	s3 =	sld [smem:$0x3FA7]  }
0x31: {  	[smem:$0x3FB0] =	sst s10  }
0x32: {  	s10 =	sld [smem:$0x3FAE];
	_ =	sdelay $0x3  }
0x33: {  	p0 =	seq.s32 s10, $0x1;
	s10 =	sld [smem:$0x3FB0];
	_ =	sdelay $0x3  }
0x34: {  	[smem:$0x3FB0] =	sst s10  }
0x35: {  	s10 =	sld [smem:$0x3FAF];
	_ =	sdelay $0x3  }
0x36: {  	p1 =	seq.s32 s10, $0x1;
	s10 =	sld [smem:$0x3FB0];
	_ =	sdelay $0x3  }
0x37: {  	[smem:$0x3FB0] =	sst s10  }
0x38: {  	s10 =	sld [smem:$0x3FB1]  }
0x39: {  	_ = 	snop;
	(pc) =	sbr.ind lr, $3  }
0x3a: {  	_ = 	snop  }
0x3b: {  	_ = 	snop  }
0x3c: {  	p2 =	seq.s32 s10, $0x1;
	s10 =	sld [smem:$0x3FB0]  }
0x3d: {  	_ =	shalt  }
0x3e: {  	_ =	shalt  }
0x3f: {  	_ =	shalt  }
0x40: {  	_ =	shalt  }
0x41: {  	_ =	shalt  }
0x42: {  	_ =	shalt  }
0x43: {  	_ =	shalt  }
0x44: {  	_ =	shalt  }
0x45: {  	_ =	shalt  }
0x46: {  	_ =	shalt  }
0x47: {  	_ =	shalt  }
0x48: {  	_ =	shalt  }
0x49: {  	_ =	shalt  }
0x4a: {  	_ =	shalt  }
0x4b: {  	_ =	shalt  }
0x4c: {  	_ =	shalt  }
0x4d: {  	_ =	shalt  }
0x4e: {  	_ =	shalt  }
0x4f: {  	_ =	shalt  }
0x50: {  	_ =	shalt  }
0x51: {  	_ =	shalt  }
0x52: {  	_ =	shalt  }
0x53: {  	_ =	shalt  }
0x54: {  	_ =	shalt  }
0x55: {  	_ =	shalt  }
0x56: {  	_ =	shalt  }
0x57: {  	_ =	shalt  }
0x58: {  	_ =	shalt  }
0x59: {  	_ =	shalt  }
0x5a: {  	_ =	shalt  }
0x5b: {  	_ =	shalt  }
0x5c: {  	_ =	shalt  }
0x5d: {  	_ =	shalt  }
0x5e: {  	_ =	shalt  }
0x5f: {  	_ =	shalt  }
0x60: {  	_ =	shalt  }
0x61: {  	_ =	shalt  }
0x62: {  	_ =	shalt  }
0x63: {  	_ =	shalt  }
0x64: {  	_ =	shalt  }
0x65: {  	_ =	shalt  }
0x66: {  	_ =	shalt  }
0x67: {  	_ =	shalt  }
0x68: {  	_ =	shalt  }
0x69: {  	_ =	shalt  }
0x6a: {  	_ =	shalt  }
0x6b: {  	_ =	shalt  }
0x6c: {  	_ =	shalt  }
0x6d: {  	_ =	shalt  }
0x6e: {  	_ =	shalt  }
0x6f: {  	_ =	shalt  }
0x70: {  	_ =	shalt  }
0x71: {  	_ =	shalt  }
0x72: {  	_ =	shalt  }
0x73: {  	_ =	shalt  }
0x74: {  	_ =	shalt  }
0x75: {  	_ =	shalt  }
0x76: {  	_ =	shalt  }
0x77: {  	_ =	shalt  }
0x78: {  	_ =	shalt  }
0x79: {  	_ =	shalt  }
0x7a: {  	_ =	shalt  }
0x7b: {  	_ =	shalt  }
0x7c: {  	_ =	shalt  }
0x7d: {  	_ =	shalt  }
0x7e: {  	_ =	shalt  }
0x7f: {  	_ =	shalt  }
0x80: {  	_ =	shalt  }
0x81: {  	_ =	shalt  }
0x82: {  	_ =	shalt  }
0x83: {  	_ =	shalt  }
0x84: {  	_ =	shalt  }
0x85: {  	_ =	shalt  }
0x86: {  	_ =	shalt  }
0x87: {  	_ =	shalt  }
.Lfunc_end0:
.L_simem_size_0:
called_computation.2_lowered:
.L_overlay_start_0:
0x88: {  	s2 =	sld [smem:$0x3FD9]  }
0x89: {  	s3 =	sld [smem:$0x3FFE];
	_ =	sdelay $0x1  }
0x8a: {  	s1 =	srdreg.scid  }
0x8b: {  	s0 =	sand.u32 $0x1, s1  }
0x8c: {  	s16 =	sshll.u32 s0, $0xA;
	s2 =	sadd.s32 s3, s2  }
0x8d: {  	s2 =	sadd.s32 s2, s16  }
0x8e: {  	[smem:$0x3FBC] =	sst s2  }
0x8f: {  	_ = 	snop  }
0x90: {  	(tm) =	ssettm $0x1  }
0x91: {  	s17 =	sld [smem:$0x3FFB];
	_ =	sdelay $0x3  }
0x92: {  	_ =	strace s17  }
0x93: {  	s2 =	sld [smem:$0x3FFC];
	_ =	sdelay $0x3  }
0x94: {  	_ =	strace s2  }
0x95: {  	s2 =	sld [smem:$0x3FFD];
	_ =	sdelay $0x3  }
0x96: {  	_ =	strace s2  }
0x97: {  	_ =	strace $0x8FFFFFFF  }
0x98: {  	s18 =	sld [smem:$0x3FDB];
	_ =	sdelay $0x1  }
0x99: {  	s19 =	simm.s32 $_scs_section_size  }
0x9a: {  	s4 =	simm.s32 $_size__tile_overlayer_lowered;
	s5 =	simm.s32 $_tile_overlayer_lowered  }
0x9b: {  	s22 =	simm.s32 $0x1BFF;
	s21 =	sshll.u32 s5, $0x1;
	s2 =	sadd.s32 s19, s18  }
0x9c: {  	s6 =	simm.s32 $0x0;
	s20 =	sshll.u32 s4, $0x1;
	s4 =	sadd.s32 s21, s2  }
0x9d: {  	[timem:s6], [sflag:s22] =	dma.local [hbm:s4], s20  }
0x9e: {  	_ =	swait.ge [sflag:s22], s20  }
0x9f: {  	s3 =	ssub.s32 $0x0, s20;
	[sflag:s22] =	ssyncset.done $0x0  }
0xa0: {  	[sflag:s22] =	ssyncadd.s32 s3;
	_ =	sdelay $0x1  }
0xa1: {  	s23 =	simm.s32 $0x1B8B  }
0xa2: {  	_ =	swait.ge [sflag:s23], $0x1  }
0xa3: {  	[sflag:s23] =	ssyncset.done $0x0  }
0xa4: {  	s25 =	simm.s32 $0x1B8E;
	s24 =	sld [smem:$0x3FFE];
	[sflag:s23] =	ssyncadd.s32 $0xFFFFFFFF  }
0xa5: {  	s26 =	simm.s32 $execute0_lowered;
	[smem:$0x3FD2] =	sst s25  }
0xa6: {  	s4 =	sshll.u32 s26, $0x1;
	_ =	strace $0x8000004C;
	[dreg:$0x1] =	wrdreg $0xFFFFFFFF  }
0xa7: {  	s28 =	simm.s32 $_size_execute0_lowered;
	s2 =	sadd.s32 s2, s4;
	[dreg:$0x0] =	wrdreg $0x0  }
0xa8: {  	s4 =	sshll.u32 s28, $0x1;
	[dreg:$0x2] =	wrdreg s2  }
0xa9: {  	[dreg:$0x3] =	wrdreg s4  }
0xaa: {  	[dreg:$0x4] =	wrdreg $0xC0  }
0xab: {  	_ =	task [dreg:s6], $0x5FFFF  }
0xac: {  	[dreg:$0x1] =	wrdreg $0xFFFFFFFF  }
0xad: {  	[dreg:$0x0] =	wrdreg $0x60  }
0xae: {  	[dreg:$0x2] =	wrdreg s24  }
0xaf: {  	[dreg:$0x3] =	wrdreg $0x106800  }
0xb0: {  	[dreg:$0x4] =	wrdreg $0x9  }
0xb1: {  	_ =	task.clear_ibuf [dreg:s6], $0x5FFFF;
	_ =	strace $0x9000004C  }
0xb2: {  	s29 =	simm.s32 $0x9;
	_ =	strace $0x8000004E  }
0xb3: {  	_ =	swait.ge [sflag:s29], $0x1  }
0xb4: {  	[sflag:s29] =	ssyncadd.s32 $0xFFFFFFFF  }
0xb5: {  	_ =	strace $0x9000004E  }
0xb6: {  	_ =	sfence  }
0xb7: {  	s30 =	sld [smem:$0x0];
	_ =	sdelay $0x2  }
0xb8: {  	s31 =	sshll.u32 s1, $0xD;
	s1 =	sshrl.u32 s1, $0x2  }
0xb9: {  	s3 =	sand.u32 $0x4000, s31;
	s1 =	sadd.s32 s1, s30  }
0xba: {  	s0 =	sor.u32 s3, s0;
	s1 =	sshll.u32 s1, $0x11  }
0xbb: {  	s0 =	sor.u32 s1, s0  }
0xbc: {  	s0 =	sadd.s32 $0x8F2B, s0  }
0xbd: {  	[sflag:s0] =	ssyncadd.remote.s32 $0x1  }
0xbe: {  	_ =	sfence.sel $0xFFFF  }
0xbf: {  	[dreg:$0x0] =	wrdreg $0xFFFFFFFF;
	(pc) =	sbr.abs _section_cstart, $3  }
0xc0: {  	[dreg:$0x1] =	wrdreg $0xFFFFFFFF  }
0xc1: {  	_ =	task.clear_ibuf [dreg:s6], $0x2FFFF;
	_ =	strace $0x9FFFFFFF  }
0xc2: {  	(tm) =	ssettm $0x7FFFFFFF  }
0xc3: {  	_ =	shalt  }
tec
execute0_lowered:
.L_overlay_start_1:
0x0: {  	(tag) =	ssettag $0x1  }
0x1: {  	s6 =	rddreg [dreg:$0x0]  }
0x2: {  	s2 =	rddreg [dreg:$0x1]  }
0x3: {  	s0 =	rddreg [dreg:$0x2];
	s3 =	srdreg.scid  }
0x4: {  	s1 =	stileid.u32;
	s14 =	simm.s32 $0x1;
	s15 =	simm.s32 $0x7D  }
0x5: {  	s16 =	simm.s32 $0xC800;
	s17 =	simm.s32 $0xCFD0;
	s18 =	simm.s32 $0xD7A0  }
0x6: {  	s19 =	simm.s32 $0xDF70;
	s20 =	simm.s32 $0xE740;
	s21 =	simm.s32 $0xEF10  }
0x7: {  	s22 =	simm.s32 $0xF6E0;
	s23 =	simm.s32 $0xFEB0;
	s24 =	simm.s32 $0x2  }
0x8: {  	s25 =	simm.s32 $0x3;
	s26 =	simm.s32 $0x0;
	s5 =	sand.u32 $0x1, s3  }
0x9: {  	s4 =	sshll.u32 s1, $0x1;
	s8 =	smul.u32 $0xC380, s1;
	s3 =	simm.s32 $0x0  }
0xa: {  	s12 =	sshll.u32 s1, $0x6;
	s4 =	sor.u32 s5, s4;
	s7 =	smul.u32 $0xC3800, s5  }
0xb: {  	[smem:$0x7FF] =	sst s3;
	s10 =	ssub.s32 $0x2, s5;
	s5 =	sadd.s32 $0x1C00, s6  }
0xc: {  	s9 =	smul.u32 $0xC80, s4;
	_ =	strace $0x8000004D;
	s4 =	sadd.s32 $0x33600, s6  }
0xd: {  	s31 =	sshrl.u32 s10, $0x1;
	s13 =	sadd.s32 s8, s2;
	s7 =	sadd.s32 s8, s7  }
0xe: {  	s10 =	ssub.s32 s10, s31;
	s8 =	sor.u32 $0x1C04, s12;
	s12 =	sshrl.u32 s13, $0x3  }
0xf: {  	s13 =	simm.s32 $0x4;
	s9 =	sadd.s32 s9, s6;
	s7 =	sshrl.u32 s7, $0x3  }
0x10: {  	s10 =	smax.u32 s10, $0x1;
	s11 =	sadd.s32 s7, s6;
	s6 =	sadd.s32 $0x4BE00, s9  }
0x11: {  	s7 =	sadd.s32 $0x1A600, s9;
	s9 =	sadd.s32 $0x64E00, s11;
	s11 =	simm.s32 $0x6400  }
.LBB2_1:
0x12: {  	[tilespmem:s3], [sflag:$0x1] =	stream.linear.gather [hbm4b:s6+s3], $0x6400, $0x38;
	[tilespmem:$0x1CA00] =	vst v63  }
0x13: {  	_ = 	snop  }
0x14: {  	[tilespmem:s11], [sflag:$0x1] =	stream.linear.gather [hbm4b:s7+s3], $0x6400, $0x38;
	[tilespmem:$0x1CA00] =	vst v63  }
0x15: {  	[spmem:s12], [sflag:s8] =	dma.local [hbm:s5], $0x1870  }
0x16: {  	_ =	swait.ge [sflag:s13], $0x1870  }
0x17: {  	[sflag:s13] =	ssyncset.done $0x0  }
0x18: {  	[sflag:s13] =	ssyncadd.s32 $0xFFFFE790  }
0x19: {  	_ =	swait.ge [sflag:s14], $0x6400  }
0x1a: {  	[sflag:s14] =	ssyncset.done $0x0  }
0x1b: {  	[sflag:s14] =	ssyncadd.s32 $0xFFFF9C00  }
0x1c: {  	_ =	swait.ge [sflag:s14], $0x6400  }
0x1d: {  	[sflag:s14] =	ssyncset.done $0x0  }
0x1e: {  	[sflag:s14] =	ssyncadd.s32 $0xFFFF9C00  }
0x1f: {  	s28 =	simm.s32 $0x0;
	[bflag:$0x0] =	sbarrier.arrive $0xFFFF  }
0x20: {  	[tilespmem:s16], [sflag:$0x2] =	stream.indirect.gather [hbm4b:s4+s15], $0x10, s28, s15, $0xb8;
	[tilespmem:$0x1CA00] =	vst v63  }
0x21: {  	s28 =	simm.s32 $0x80  }
0x22: {  	[tilespmem:s17], [sflag:$0x2] =	stream.indirect.gather [hbm4b:s4+s15], $0x10, s28, s15, $0xb8;
	[tilespmem:$0x1CA00] =	vst v63  }
0x23: {  	s28 =	simm.s32 $0x100  }
0x24: {  	[tilespmem:s18], [sflag:$0x2] =	stream.indirect.gather [hbm4b:s4+s15], $0x10, s28, s15, $0xb8;
	[tilespmem:$0x1CA00] =	vst v63  }
0x25: {  	s28 =	simm.s32 $0x180  }
0x26: {  	[tilespmem:s19], [sflag:$0x2] =	stream.indirect.gather [hbm4b:s4+s15], $0x10, s28, s15, $0xb8;
	[tilespmem:$0x1CA00] =	vst v63  }
0x27: {  	s28 =	simm.s32 $0x200  }
0x28: {  	[tilespmem:s20], [sflag:$0x2] =	stream.indirect.gather [hbm4b:s4+s15], $0x10, s28, s15, $0xb8;
	[tilespmem:$0x1CA00] =	vst v63  }
0x29: {  	s28 =	simm.s32 $0x280  }
0x2a: {  	[tilespmem:s21], [sflag:$0x2] =	stream.indirect.gather [hbm4b:s4+s15], $0x10, s28, s15, $0xb8;
	[tilespmem:$0x1CA00] =	vst v63  }
0x2b: {  	s28 =	simm.s32 $0x300  }
0x2c: {  	[tilespmem:s22], [sflag:$0x2] =	stream.indirect.gather [hbm4b:s4+s15], $0x10, s28, s15, $0xb8;
	[tilespmem:$0x1CA00] =	vst v63  }
0x2d: {  	s28 =	simm.s32 $0x380  }
0x2e: {  	[tilespmem:s23], [sflag:$0x2] =	stream.indirect.gather [hbm4b:s4+s15], $0x10, s28, s15, $0xb8;
	[tilespmem:$0x1CA00] =	vst v63  }
0x2f: {  	_ =	swait.ge [sflag:s24], $0x7D0  }
0x30: {  	[sflag:s24] =	ssyncset.done $0x0  }
0x31: {  	s28 =	simm.s32 $0x6400;
	[sflag:s24] =	ssyncadd.s32 $0xFFFFF830  }
0x32: {  	[spmem:s2] =	stream.indirect.scatter.add.f32 [tilespmem:s16], [sflag:$0x3], $0x10, s28, s15, $0xb8;
	[tilespmem:$0x1CA00] =	vst v63  }
0x33: {  	_ =	swait.ge [sflag:s24], $0x7D0  }
0x34: {  	[sflag:s24] =	ssyncset.done $0x0  }
0x35: {  	s28 =	simm.s32 $0x6480;
	[sflag:s24] =	ssyncadd.s32 $0xFFFFF830  }
0x36: {  	[spmem:s2] =	stream.indirect.scatter.add.f32 [tilespmem:s17], [sflag:$0x3], $0x10, s28, s15, $0xb8;
	[tilespmem:$0x1CA00] =	vst v63  }
0x37: {  	_ =	swait.ge [sflag:s24], $0x7D0  }
0x38: {  	[sflag:s24] =	ssyncset.done $0x0  }
0x39: {  	s28 =	simm.s32 $0x6500;
	[sflag:s24] =	ssyncadd.s32 $0xFFFFF830  }
0x3a: {  	[spmem:s2] =	stream.indirect.scatter.add.f32 [tilespmem:s18], [sflag:$0x3], $0x10, s28, s15, $0xb8;
	[tilespmem:$0x1CA00] =	vst v63  }
0x3b: {  	_ =	swait.ge [sflag:s24], $0x7D0  }
0x3c: {  	[sflag:s24] =	ssyncset.done $0x0  }
0x3d: {  	s28 =	simm.s32 $0x6580;
	[sflag:s24] =	ssyncadd.s32 $0xFFFFF830  }
0x3e: {  	[spmem:s2] =	stream.indirect.scatter.add.f32 [tilespmem:s19], [sflag:$0x3], $0x10, s28, s15, $0xb8;
	[tilespmem:$0x1CA00] =	vst v63  }
0x3f: {  	_ =	swait.ge [sflag:s24], $0x7D0  }
0x40: {  	[sflag:s24] =	ssyncset.done $0x0  }
0x41: {  	s28 =	simm.s32 $0x6600;
	[sflag:s24] =	ssyncadd.s32 $0xFFFFF830  }
0x42: {  	[spmem:s2] =	stream.indirect.scatter.add.f32 [tilespmem:s20], [sflag:$0x3], $0x10, s28, s15, $0xb8;
	[tilespmem:$0x1CA00] =	vst v63  }
0x43: {  	_ =	swait.ge [sflag:s24], $0x7D0  }
0x44: {  	[sflag:s24] =	ssyncset.done $0x0  }
0x45: {  	s28 =	simm.s32 $0x6680;
	[sflag:s24] =	ssyncadd.s32 $0xFFFFF830  }
0x46: {  	[spmem:s2] =	stream.indirect.scatter.add.f32 [tilespmem:s21], [sflag:$0x3], $0x10, s28, s15, $0xb8;
	[tilespmem:$0x1CA00] =	vst v63  }
0x47: {  	_ =	swait.ge [sflag:s24], $0x7D0  }
0x48: {  	[sflag:s24] =	ssyncset.done $0x0  }
0x49: {  	s28 =	simm.s32 $0x6700;
	[sflag:s24] =	ssyncadd.s32 $0xFFFFF830  }
0x4a: {  	[spmem:s2] =	stream.indirect.scatter.add.f32 [tilespmem:s22], [sflag:$0x3], $0x10, s28, s15, $0xb8;
	[tilespmem:$0x1CA00] =	vst v63  }
0x4b: {  	_ =	swait.ge [sflag:s24], $0x7D0  }
0x4c: {  	[sflag:s24] =	ssyncset.done $0x0  }
0x4d: {  	s28 =	simm.s32 $0x6780;
	[sflag:s24] =	ssyncadd.s32 $0xFFFFF830  }
0x4e: {  	[spmem:s2] =	stream.indirect.scatter.add.f32 [tilespmem:s23], [sflag:$0x3], $0x10, s28, s15, $0xb8;
	[tilespmem:$0x1CA00] =	vst v63  }
0x4f: {  	_ =	swait.ge [sflag:s25], $0x7D0  }
0x50: {  	[sflag:s25] =	ssyncset.done $0x0  }
0x51: {  	[sflag:s25] =	ssyncadd.s32 $0xFFFFF830  }
0x52: {  	_ =	swait.ge [sflag:s25], $0x7D0  }
0x53: {  	[sflag:s25] =	ssyncset.done $0x0  }
0x54: {  	[sflag:s25] =	ssyncadd.s32 $0xFFFFF830  }
0x55: {  	_ =	swait.ge [sflag:s25], $0x7D0  }
0x56: {  	[sflag:s25] =	ssyncset.done $0x0  }
0x57: {  	[sflag:s25] =	ssyncadd.s32 $0xFFFFF830  }
0x58: {  	_ =	swait.ge [sflag:s25], $0x7D0  }
0x59: {  	[sflag:s25] =	ssyncset.done $0x0  }
0x5a: {  	[sflag:s25] =	ssyncadd.s32 $0xFFFFF830  }
0x5b: {  	_ =	swait.ge [sflag:s25], $0x7D0  }
0x5c: {  	[sflag:s25] =	ssyncset.done $0x0  }
0x5d: {  	[sflag:s25] =	ssyncadd.s32 $0xFFFFF830  }
0x5e: {  	_ =	swait.ge [sflag:s25], $0x7D0  }
0x5f: {  	[sflag:s25] =	ssyncset.done $0x0  }
0x60: {  	[sflag:s25] =	ssyncadd.s32 $0xFFFFF830  }
0x61: {  	_ =	swait.ge [sflag:s25], $0x7D0  }
0x62: {  	[sflag:s25] =	ssyncset.done $0x0  }
0x63: {  	[sflag:s25] =	ssyncadd.s32 $0xFFFFF830  }
0x64: {  	_ =	swait.ge [sflag:s25], $0x7D0  }
0x65: {  	s31 =	simm.s32 $0x2000;
	s28 =	simm.s32 $0x1000;
	[sflag:s25] =	ssyncset.done $0x0  }
.LBB2_2:
0x66: {  	s30 =	sshra.s32 s28, $0x2  }
0x67: {  	[sflag:s25] =	ssyncadd.s32 $0xFFFFF830;
	s28 =	smov.u32 s31;
	s29 =	sadd.s32 $0x1000, s31  }
0x68: {  	[tilespmem:s16], [sflag:$0x2] =	stream.indirect.gather [hbm4b:s4+s15], $0x10, s30, s15, $0xb8;
	[tilespmem:$0x1CA00] =	vst v63  }
0x69: {  	p0 =	sne.s32 s31, $0x18000;
	s31 =	sadd.s32 $0x80, s30  }
0x6a: {  	[tilespmem:s17], [sflag:$0x2] =	stream.indirect.gather [hbm4b:s4+s15], $0x10, s31, s15, $0xb8;
	[tilespmem:$0x1CA00] =	vst v63  }
0x6b: {  	s31 =	sadd.s32 $0x100, s30  }
0x6c: {  	[tilespmem:s18], [sflag:$0x2] =	stream.indirect.gather [hbm4b:s4+s15], $0x10, s31, s15, $0xb8;
	[tilespmem:$0x1CA00] =	vst v63  }
0x6d: {  	s31 =	sadd.s32 $0x180, s30  }
0x6e: {  	[tilespmem:s19], [sflag:$0x2] =	stream.indirect.gather [hbm4b:s4+s15], $0x10, s31, s15, $0xb8;
	[tilespmem:$0x1CA00] =	vst v63  }
0x6f: {  	s31 =	sadd.s32 $0x200, s30  }
0x70: {  	[tilespmem:s20], [sflag:$0x2] =	stream.indirect.gather [hbm4b:s4+s15], $0x10, s31, s15, $0xb8;
	[tilespmem:$0x1CA00] =	vst v63  }
0x71: {  	s31 =	sadd.s32 $0x280, s30  }
0x72: {  	[tilespmem:s21], [sflag:$0x2] =	stream.indirect.gather [hbm4b:s4+s15], $0x10, s31, s15, $0xb8;
	[tilespmem:$0x1CA00] =	vst v63  }
0x73: {  	s31 =	sadd.s32 $0x300, s30  }
0x74: {  	[tilespmem:s22], [sflag:$0x2] =	stream.indirect.gather [hbm4b:s4+s15], $0x10, s31, s15, $0xb8;
	[tilespmem:$0x1CA00] =	vst v63  }
0x75: {  	s31 =	sadd.s32 $0x380, s30  }
0x76: {  	[tilespmem:s23], [sflag:$0x2] =	stream.indirect.gather [hbm4b:s4+s15], $0x10, s31, s15, $0xb8;
	[tilespmem:$0x1CA00] =	vst v63  }
0x77: {  	_ =	swait.ge [sflag:s24], $0x7D0  }
0x78: {  	[sflag:s24] =	ssyncset.done $0x0  }
0x79: {  	s31 =	sadd.s32 $0x6400, s30;
	[sflag:s24] =	ssyncadd.s32 $0xFFFFF830  }
0x7a: {  	[spmem:s2] =	stream.indirect.scatter.add.f32 [tilespmem:s16], [sflag:$0x3], $0x10, s31, s15, $0xb8;
	[tilespmem:$0x1CA00] =	vst v63  }
0x7b: {  	_ =	swait.ge [sflag:s24], $0x7D0  }
0x7c: {  	[sflag:s24] =	ssyncset.done $0x0  }
0x7d: {  	s31 =	sadd.s32 $0x6480, s30;
	[sflag:s24] =	ssyncadd.s32 $0xFFFFF830  }
0x7e: {  	[spmem:s2] =	stream.indirect.scatter.add.f32 [tilespmem:s17], [sflag:$0x3], $0x10, s31, s15, $0xb8;
	[tilespmem:$0x1CA00] =	vst v63  }
0x7f: {  	_ =	swait.ge [sflag:s24], $0x7D0  }
0x80: {  	[sflag:s24] =	ssyncset.done $0x0  }
0x81: {  	s31 =	sadd.s32 $0x6500, s30;
	[sflag:s24] =	ssyncadd.s32 $0xFFFFF830  }
0x82: {  	[spmem:s2] =	stream.indirect.scatter.add.f32 [tilespmem:s18], [sflag:$0x3], $0x10, s31, s15, $0xb8;
	[tilespmem:$0x1CA00] =	vst v63  }
0x83: {  	_ =	swait.ge [sflag:s24], $0x7D0  }
0x84: {  	[sflag:s24] =	ssyncset.done $0x0  }
0x85: {  	s31 =	sadd.s32 $0x6580, s30;
	[sflag:s24] =	ssyncadd.s32 $0xFFFFF830  }
0x86: {  	[spmem:s2] =	stream.indirect.scatter.add.f32 [tilespmem:s19], [sflag:$0x3], $0x10, s31, s15, $0xb8;
	[tilespmem:$0x1CA00] =	vst v63  }
0x87: {  	_ =	swait.ge [sflag:s24], $0x7D0  }
0x88: {  	[sflag:s24] =	ssyncset.done $0x0  }
0x89: {  	s31 =	sadd.s32 $0x6600, s30;
	[sflag:s24] =	ssyncadd.s32 $0xFFFFF830  }
0x8a: {  	[spmem:s2] =	stream.indirect.scatter.add.f32 [tilespmem:s20], [sflag:$0x3], $0x10, s31, s15, $0xb8;
	[tilespmem:$0x1CA00] =	vst v63  }
0x8b: {  	_ =	swait.ge [sflag:s24], $0x7D0  }
0x8c: {  	[sflag:s24] =	ssyncset.done $0x0  }
0x8d: {  	s31 =	sadd.s32 $0x6680, s30;
	[sflag:s24] =	ssyncadd.s32 $0xFFFFF830  }
0x8e: {  	[spmem:s2] =	stream.indirect.scatter.add.f32 [tilespmem:s21], [sflag:$0x3], $0x10, s31, s15, $0xb8;
	[tilespmem:$0x1CA00] =	vst v63  }
0x8f: {  	_ =	swait.ge [sflag:s24], $0x7D0  }
0x90: {  	[sflag:s24] =	ssyncset.done $0x0  }
0x91: {  	s31 =	sadd.s32 $0x6700, s30;
	[sflag:s24] =	ssyncadd.s32 $0xFFFFF830  }
0x92: {  	[spmem:s2] =	stream.indirect.scatter.add.f32 [tilespmem:s22], [sflag:$0x3], $0x10, s31, s15, $0xb8;
	[tilespmem:$0x1CA00] =	vst v63  }
0x93: {  	_ =	swait.ge [sflag:s24], $0x7D0  }
0x94: {  	[sflag:s24] =	ssyncset.done $0x0  }
0x95: {  	s30 =	sadd.s32 $0x6780, s30;
	[sflag:s24] =	ssyncadd.s32 $0xFFFFF830  }
0x96: {  	[spmem:s2] =	stream.indirect.scatter.add.f32 [tilespmem:s23], [sflag:$0x3], $0x10, s30, s15, $0xb8;
	[tilespmem:$0x1CA00] =	vst v63  }
0x97: {  	_ =	swait.ge [sflag:s25], $0x7D0  }
0x98: {  	[sflag:s25] =	ssyncset.done $0x0  }
0x99: {  	[sflag:s25] =	ssyncadd.s32 $0xFFFFF830  }
0x9a: {  	_ =	swait.ge [sflag:s25], $0x7D0  }
0x9b: {  	[sflag:s25] =	ssyncset.done $0x0  }
0x9c: {  	[sflag:s25] =	ssyncadd.s32 $0xFFFFF830  }
0x9d: {  	_ =	swait.ge [sflag:s25], $0x7D0  }
0x9e: {  	[sflag:s25] =	ssyncset.done $0x0  }
0x9f: {  	[sflag:s25] =	ssyncadd.s32 $0xFFFFF830  }
0xa0: {  	_ =	swait.ge [sflag:s25], $0x7D0  }
0xa1: {  	[sflag:s25] =	ssyncset.done $0x0  }
0xa2: {  	[sflag:s25] =	ssyncadd.s32 $0xFFFFF830  }
0xa3: {  	_ =	swait.ge [sflag:s25], $0x7D0  }
0xa4: {  	[sflag:s25] =	ssyncset.done $0x0  }
0xa5: {  	[sflag:s25] =	ssyncadd.s32 $0xFFFFF830  }
0xa6: {  	_ =	swait.ge [sflag:s25], $0x7D0  }
0xa7: {  	[sflag:s25] =	ssyncset.done $0x0  }
0xa8: {  	[sflag:s25] =	ssyncadd.s32 $0xFFFFF830  }
.Ltmp0:
0xa9: {  	_ =	swait.ge [sflag:s25], $0x7D0;
	(pc) =	sbr.rel @p0 .LBB2_2-.Ltmp0, $4  }
0xaa: {  	[sflag:s25] =	ssyncset.done $0x0  }
0xab: {  	[sflag:s25] =	ssyncadd.s32 $0xFFFFF830  }
0xac: {  	_ =	swait.ge [sflag:s25], $0x7D0  }
0xad: {  	s31 =	smov.u32 s29;
	[sflag:s25] =	ssyncset.done $0x0  }
0xae: {  	s28 =	sshra.s32 s28, $0x2;
	[sflag:s25] =	ssyncadd.s32 $0xFFFFF830  }
0xaf: {  	[tilespmem:s16], [sflag:$0x2] =	stream.indirect.gather [hbm4b:s4+s15], $0x10, s28, s15, $0xb8;
	[tilespmem:$0x1CA00] =	vst v63  }
0xb0: {  	s29 =	sadd.s32 $0x80, s28  }
0xb1: {  	[tilespmem:s17], [sflag:$0x2] =	stream.indirect.gather [hbm4b:s4+s15], $0x10, s29, s15, $0xb8;
	[tilespmem:$0x1CA00] =	vst v63  }
0xb2: {  	s31 =	sadd.s32 $0x100, s28  }
0xb3: {  	[tilespmem:s18], [sflag:$0x2] =	stream.indirect.gather [hbm4b:s4+s15], $0x10, s31, s15, $0xb8;
	[tilespmem:$0x1CA00] =	vst v63  }
0xb4: {  	s30 =	sadd.s32 $0x180, s28  }
0xb5: {  	[tilespmem:s19], [sflag:$0x2] =	stream.indirect.gather [hbm4b:s4+s15], $0x10, s30, s15, $0xb8;
	[tilespmem:$0x1CA00] =	vst v63  }
0xb6: {  	s31 =	sadd.s32 $0x200, s28  }
0xb7: {  	[tilespmem:s20], [sflag:$0x2] =	stream.indirect.gather [hbm4b:s4+s15], $0x10, s31, s15, $0xb8;
	[tilespmem:$0x1CA00] =	vst v63  }
0xb8: {  	s30 =	sadd.s32 $0x280, s28  }
0xb9: {  	[tilespmem:s21], [sflag:$0x2] =	stream.indirect.gather [hbm4b:s4+s15], $0x10, s30, s15, $0xb8;
	[tilespmem:$0x1CA00] =	vst v63  }
0xba: {  	s31 =	sadd.s32 $0x300, s28  }
0xbb: {  	[tilespmem:s22], [sflag:$0x2] =	stream.indirect.gather [hbm4b:s4+s15], $0x10, s31, s15, $0xb8;
	[tilespmem:$0x1CA00] =	vst v63  }
0xbc: {  	s30 =	sadd.s32 $0x380, s28  }
0xbd: {  	[tilespmem:s23], [sflag:$0x2] =	stream.indirect.gather [hbm4b:s4+s15], $0x10, s30, s15, $0xb8;
	[tilespmem:$0x1CA00] =	vst v63  }
0xbe: {  	_ =	swait.ge [sflag:s24], $0x7D0  }
0xbf: {  	[sflag:s24] =	ssyncset.done $0x0  }
0xc0: {  	s31 =	sadd.s32 $0x6400, s28;
	[sflag:s24] =	ssyncadd.s32 $0xFFFFF830  }
0xc1: {  	[spmem:s2] =	stream.indirect.scatter.add.f32 [tilespmem:s16], [sflag:$0x3], $0x10, s31, s15, $0xb8;
	[tilespmem:$0x1CA00] =	vst v63  }
0xc2: {  	_ =	swait.ge [sflag:s24], $0x7D0  }
0xc3: {  	[sflag:s24] =	ssyncset.done $0x0  }
0xc4: {  	s30 =	sadd.s32 $0x6480, s28;
	[sflag:s24] =	ssyncadd.s32 $0xFFFFF830  }
0xc5: {  	[spmem:s2] =	stream.indirect.scatter.add.f32 [tilespmem:s17], [sflag:$0x3], $0x10, s30, s15, $0xb8;
	[tilespmem:$0x1CA00] =	vst v63  }
0xc6: {  	_ =	swait.ge [sflag:s24], $0x7D0  }
0xc7: {  	[sflag:s24] =	ssyncset.done $0x0  }
0xc8: {  	s31 =	sadd.s32 $0x6500, s28;
	[sflag:s24] =	ssyncadd.s32 $0xFFFFF830  }
0xc9: {  	[spmem:s2] =	stream.indirect.scatter.add.f32 [tilespmem:s18], [sflag:$0x3], $0x10, s31, s15, $0xb8;
	[tilespmem:$0x1CA00] =	vst v63  }
0xca: {  	_ =	swait.ge [sflag:s24], $0x7D0  }
0xcb: {  	[sflag:s24] =	ssyncset.done $0x0  }
0xcc: {  	s30 =	sadd.s32 $0x6580, s28;
	[sflag:s24] =	ssyncadd.s32 $0xFFFFF830  }
0xcd: {  	[spmem:s2] =	stream.indirect.scatter.add.f32 [tilespmem:s19], [sflag:$0x3], $0x10, s30, s15, $0xb8;
	[tilespmem:$0x1CA00] =	vst v63  }
0xce: {  	_ =	swait.ge [sflag:s24], $0x7D0  }
0xcf: {  	[sflag:s24] =	ssyncset.done $0x0  }
0xd0: {  	s31 =	sadd.s32 $0x6600, s28;
	[sflag:s24] =	ssyncadd.s32 $0xFFFFF830  }
0xd1: {  	[spmem:s2] =	stream.indirect.scatter.add.f32 [tilespmem:s20], [sflag:$0x3], $0x10, s31, s15, $0xb8;
	[tilespmem:$0x1CA00] =	vst v63  }
0xd2: {  	_ =	swait.ge [sflag:s24], $0x7D0  }
0xd3: {  	[sflag:s24] =	ssyncset.done $0x0  }
0xd4: {  	s30 =	sadd.s32 $0x6680, s28;
	[sflag:s24] =	ssyncadd.s32 $0xFFFFF830  }
0xd5: {  	[spmem:s2] =	stream.indirect.scatter.add.f32 [tilespmem:s21], [sflag:$0x3], $0x10, s30, s15, $0xb8;
	[tilespmem:$0x1CA00] =	vst v63  }
0xd6: {  	_ =	swait.ge [sflag:s24], $0x7D0  }
0xd7: {  	[sflag:s24] =	ssyncset.done $0x0  }
0xd8: {  	s31 =	sadd.s32 $0x6700, s28;
	[sflag:s24] =	ssyncadd.s32 $0xFFFFF830  }
0xd9: {  	[spmem:s2] =	stream.indirect.scatter.add.f32 [tilespmem:s22], [sflag:$0x3], $0x10, s31, s15, $0xb8;
	[tilespmem:$0x1CA00] =	vst v63  }
0xda: {  	_ =	swait.ge [sflag:s24], $0x7D0  }
0xdb: {  	[sflag:s24] =	ssyncset.done $0x0  }
0xdc: {  	s28 =	sadd.s32 $0x6780, s28;
	[sflag:s24] =	ssyncadd.s32 $0xFFFFF830  }
0xdd: {  	[spmem:s2] =	stream.indirect.scatter.add.f32 [tilespmem:s23], [sflag:$0x3], $0x10, s28, s15, $0xb8;
	[tilespmem:$0x1CA00] =	vst v63  }
0xde: {  	_ =	swait.ge [sflag:s25], $0x7D0  }
0xdf: {  	[sflag:s25] =	ssyncset.done $0x0  }
0xe0: {  	[sflag:s25] =	ssyncadd.s32 $0xFFFFF830  }
0xe1: {  	_ =	swait.ge [sflag:s25], $0x7D0  }
0xe2: {  	[sflag:s25] =	ssyncset.done $0x0  }
0xe3: {  	[sflag:s25] =	ssyncadd.s32 $0xFFFFF830  }
0xe4: {  	_ =	swait.ge [sflag:s25], $0x7D0  }
0xe5: {  	[sflag:s25] =	ssyncset.done $0x0  }
0xe6: {  	[sflag:s25] =	ssyncadd.s32 $0xFFFFF830  }
0xe7: {  	_ =	swait.ge [sflag:s25], $0x7D0  }
0xe8: {  	[sflag:s25] =	ssyncset.done $0x0  }
0xe9: {  	[sflag:s25] =	ssyncadd.s32 $0xFFFFF830  }
0xea: {  	_ =	swait.ge [sflag:s25], $0x7D0  }
0xeb: {  	[sflag:s25] =	ssyncset.done $0x0  }
0xec: {  	[sflag:s25] =	ssyncadd.s32 $0xFFFFF830  }
0xed: {  	_ =	swait.ge [sflag:s25], $0x7D0  }
0xee: {  	[sflag:s25] =	ssyncset.done $0x0  }
0xef: {  	[sflag:s25] =	ssyncadd.s32 $0xFFFFF830  }
0xf0: {  	_ =	swait.ge [sflag:s25], $0x7D0  }
0xf1: {  	[sflag:s25] =	ssyncset.done $0x0  }
0xf2: {  	[sflag:s25] =	ssyncadd.s32 $0xFFFFF830  }
0xf3: {  	_ =	swait.ge [sflag:s25], $0x7D0  }
0xf4: {  	s26 =	sadd.s32 $0x1, s26;
	[sflag:s25] =	ssyncset.done $0x0  }
0xf5: {  	p0 =	sne.s32 s26, s10;
	[sflag:s25] =	ssyncadd.s32 $0xFFFFF830  }
.Ltmp1:
0xf6: {  	[bflag:$0x0] =	sbarrier.arrive $0xFFFF;
	(pc) =	sbr.rel @p0 .LBB2_1-.Ltmp1, $4  }
0xf7: {  	[hbm:s9], [sflag:s8] =	dma.local [spmem:s12], $0x1870  }
0xf8: {  	_ =	swait.ge [sflag:s13], $0x1870  }
0xf9: {  	[sflag:s13] =	ssyncset.done $0x0  }
0xfa: {  	[sflag:s13] =	ssyncadd.s32 $0xFFFFE790  }
0xfb: {  	_ =	sfence.sel $0x180000  }
0xfc: {  	[bflag:$0x0] =	sbarrier.arrive $0xFFFF  }
0xfd: {  	p0 =	sne.s32 s1, $0x0;
	_ =	strace $0x9000004D  }
0xfe: {  	s0 =	sadd.s32 @!p0 $0x100000, s0;
	[bflag:$0x2] =	sbarrier.arrive $0xFFFF  }
0xff: {  	[sflag:s0] =	ssyncadd.tile.s32 @!p0 $0x1;
	_ =	shalt  }
.Lfunc_end2:
_tile_overlayer_lowered:
.L_overlay_start_2:
0x100: {  	(tag) =	ssettag $0x2  }
0x101: {  	s0 =	rddreg [dreg:$0x0];
	s2 =	stileid.u32  }
0x102: {  	s1 =	rddreg [dreg:$0x1];
	p0 =	sne.s32 s2, $0x0  }
0x103: {  	s3 =	rddreg [dreg:$0x2];
	[bflag:$0x3] =	sbarrier.arrive $0xFFFF;
	s2 =	simm.s32 @!p0 $0x1C04  }
0x104: {  	[timem:s3], [sflag:s2] =	dma.local @!p0 [hbm:s0], s1  }
0x105: {  	s0 =	simm.s32 @!p0 $0x4  }
0x106: {  	_ =	swait.ge @!p0 [sflag:s0], s1  }
0x107: {  	s1 =	ssub.s32 @!p0 $0x0, s1;
	[sflag:s0] =	ssyncset.done @!p0 $0x0  }
0x108: {  	[sflag:s0] =	ssyncadd.s32 @!p0 s1  }
0x109: {  	[bflag:$0x3] =	sbarrier.arrive $0xFFFF  }
0x10a: {  	_ =	shalt  }

// kernel: kernel.8.cloned.1.call-start
scs
__scs_entry_jumppad:
0x0: {  	(pc) =	sbr.rel $0x88, $3  }
0x1: {  	(tag) =	ssettag $0x0;
	lr =	simm.s32 $0x1  }
0x2: {  	[smem:$0x3F95] =	sst lr;
	_ =	strace $0xD0000000  }
0x3: {  	_ = 	snop  }
0x4: {  	_ = 	snop  }
0x5: {  	_ = 	snop  }
0x6: {  	_ = 	snop  }
0x7: {  	_ = 	snop  }
__scs_overlays_trampoline_lowered:
0x8: {  	[smem:$0x3FA4] =	sst s0  }
0x9: {  	[smem:$0x3FA5] =	sst s1  }
0xa: {  	[smem:$0x3FA6] =	sst s2  }
0xb: {  	[smem:$0x3FA7] =	sst s3  }
0xc: {  	[smem:$0x3FA8] =	sst s4  }
0xd: {  	[smem:$0x3FA9] =	sst s5  }
0xe: {  	[smem:$0x3FAA] =	sst s6  }
0xf: {  	[smem:$0x3FAB] =	sst s7  }
0x10: {  	[smem:$0x3FAC] =	sst s8  }
0x11: {  	[smem:$0x3FAD] =	sst s9;
	s0 =	simm.s32 @!p0 $0x0  }
0x12: {  	s1 =	sld [smem:$0x3F93];
	s0 =	simm.s32 @p0 $0x1  }
0x13: {  	[smem:$0x3FAE] =	sst s0;
	s0 =	simm.s32 @!p1 $0x0  }
0x14: {  	s2 =	sld [smem:$0x3F92];
	s0 =	simm.s32 @p1 $0x1  }
0x15: {  	[smem:$0x3FAF] =	sst s0;
	s0 =	simm.s32 @!p2 $0x0  }
0x16: {  	s3 =	sld [smem:$0x3FDB];
	s0 =	simm.s32 @p2 $0x1  }
0x17: {  	s4 =	simm.s32 $0x1BF5;
	[smem:$0x3FB1] =	sst s0  }
0x18: {  	s0 =	sld [smem:$0x3F94];
	_ =	swait.ge [sflag:s4], $0x0  }
0x19: {  	s7 =	sld [smem:$0x3F95]  }
0x1a: {  	s8 =	sadd.s32 $0xFFFFE003, lr  }
0x1b: {  	s9 =	sadd.s32 $0xFFFFFEF7, lr;
	s5 =	simm.s32 $0xFFFFFFFF;
	p2 =	slt.u32 s8, $0xFFFFF086  }
0x1c: {  	p1 =	slt.u32 s9, $0xF7A;
	s5 =	simm.s32 @!p2 $0x0  }
0x1d: {  	s5 =	simm.s32 @p1 $0x1;
	p0 =	seq.s32 s7, s2  }
0x1e: {  	s7 =	smul.u32 @!p0 $0xF7A, s2;
	p2 =	seq.s32 @!p0 s5, $0x0  }
0x1f: {  	s9 =	smul.u32 $0xF7A, s1;
	s8 =	simm.s32 @!p0 $0x1BF5;
	p2 =	por !p2, p0  }
0x20: {  	[sflag:s8] =	ssyncset.s32 @!p0 $0xFFFFF086;
	s6 =	sadd.s32 @!p0 s3, s7;
	s7 =	simm.s32 @!p0 $0x108  }
0x21: {  	s3 =	sadd.s32 s3, s9;
	s6 =	sadd.s32 @!p0 $0x88, s6;
	s7 =	simm.s32 @p2 $0x1082  }
0x22: {  	[simem:s7], [sflag:s8] =	dma.local @!p0 [hbm:s6], $0xF7A  }
0x23: {  	s9 =	sor.u32 $0xD0000000, s2;
	s6 =	simm.s32 $0x108;
	_ =	swait.ge @!p0 [sflag:s8], $0x0  }
0x24: {  	s3 =	sadd.s32 $0x88, s3;
	s6 =	simm.s32 @!p1 $0x1082;
	[sflag:s4] =	ssyncset.s32 $0xFFFFF086  }
0x25: {  	[simem:s6], [sflag:s4] =	dma.local [hbm:s3], $0xF7A  }
0x26: {  	[smem:$0x3F95] =	sst s1;
	(tag) =	ssettag s2;
	_ =	strace s9  }
0x27: {  	s1 =	sld [smem:$0x3FA5]  }
0x28: {  	s2 =	sld [smem:$0x3FA6]  }
0x29: {  	s4 =	sld [smem:$0x3FA8]  }
0x2a: {  	p0 =	seq.s32 s5, $0x0;
	s5 =	sld [smem:$0x3FA9]  }
0x2b: {  	s6 =	sld [smem:$0x3FAA]  }
0x2c: {  	s7 =	sld [smem:$0x3FAB]  }
0x2d: {  	s3 =	simm.s32 $0x108;
	s8 =	sld [smem:$0x3FAC]  }
0x2e: {  	s3 =	simm.s32 @!p0 $0x1082;
	s9 =	sld [smem:$0x3FAD]  }
0x2f: {  	lr =	sadd.s32 s0, s3;
	s0 =	sld [smem:$0x3FA4]  }
0x30: {  	s3 =	sld [smem:$0x3FA7]  }
0x31: {  	[smem:$0x3FB0] =	sst s10  }
0x32: {  	s10 =	sld [smem:$0x3FAE];
	_ =	sdelay $0x3  }
0x33: {  	p0 =	seq.s32 s10, $0x1;
	s10 =	sld [smem:$0x3FB0];
	_ =	sdelay $0x3  }
0x34: {  	[smem:$0x3FB0] =	sst s10  }
0x35: {  	s10 =	sld [smem:$0x3FAF];
	_ =	sdelay $0x3  }
0x36: {  	p1 =	seq.s32 s10, $0x1;
	s10 =	sld [smem:$0x3FB0];
	_ =	sdelay $0x3  }
0x37: {  	[smem:$0x3FB0] =	sst s10  }
0x38: {  	s10 =	sld [smem:$0x3FB1]  }
0x39: {  	_ = 	snop;
	(pc) =	sbr.ind lr, $3  }
0x3a: {  	_ = 	snop  }
0x3b: {  	_ = 	snop  }
0x3c: {  	p2 =	seq.s32 s10, $0x1;
	s10 =	sld [smem:$0x3FB0]  }
0x3d: {  	_ =	shalt  }
0x3e: {  	_ =	shalt  }
0x3f: {  	_ =	shalt  }
0x40: {  	_ =	shalt  }
0x41: {  	_ =	shalt  }
0x42: {  	_ =	shalt  }
0x43: {  	_ =	shalt  }
0x44: {  	_ =	shalt  }
0x45: {  	_ =	shalt  }
0x46: {  	_ =	shalt  }
0x47: {  	_ =	shalt  }
0x48: {  	_ =	shalt  }
0x49: {  	_ =	shalt  }
0x4a: {  	_ =	shalt  }
0x4b: {  	_ =	shalt  }
0x4c: {  	_ =	shalt  }
0x4d: {  	_ =	shalt  }
0x4e: {  	_ =	shalt  }
0x4f: {  	_ =	shalt  }
0x50: {  	_ =	shalt  }
0x51: {  	_ =	shalt  }
0x52: {  	_ =	shalt  }
0x53: {  	_ =	shalt  }
0x54: {  	_ =	shalt  }
0x55: {  	_ =	shalt  }
0x56: {  	_ =	shalt  }
0x57: {  	_ =	shalt  }
0x58: {  	_ =	shalt  }
0x59: {  	_ =	shalt  }
0x5a: {  	_ =	shalt  }
0x5b: {  	_ =	shalt  }
0x5c: {  	_ =	shalt  }
0x5d: {  	_ =	shalt  }
0x5e: {  	_ =	shalt  }
0x5f: {  	_ =	shalt  }
0x60: {  	_ =	shalt  }
0x61: {  	_ =	shalt  }
0x62: {  	_ =	shalt  }
0x63: {  	_ =	shalt  }
0x64: {  	_ =	shalt  }
0x65: {  	_ =	shalt  }
0x66: {  	_ =	shalt  }
0x67: {  	_ =	shalt  }
0x68: {  	_ =	shalt  }
0x69: {  	_ =	shalt  }
0x6a: {  	_ =	shalt  }
0x6b: {  	_ =	shalt  }
0x6c: {  	_ =	shalt  }
0x6d: {  	_ =	shalt  }
0x6e: {  	_ =	shalt  }
0x6f: {  	_ =	shalt  }
0x70: {  	_ =	shalt  }
0x71: {  	_ =	shalt  }
0x72: {  	_ =	shalt  }
0x73: {  	_ =	shalt  }
0x74: {  	_ =	shalt  }
0x75: {  	_ =	shalt  }
0x76: {  	_ =	shalt  }
0x77: {  	_ =	shalt  }
0x78: {  	_ =	shalt  }
0x79: {  	_ =	shalt  }
0x7a: {  	_ =	shalt  }
0x7b: {  	_ =	shalt  }
0x7c: {  	_ =	shalt  }
0x7d: {  	_ =	shalt  }
0x7e: {  	_ =	shalt  }
0x7f: {  	_ =	shalt  }
0x80: {  	_ =	shalt  }
0x81: {  	_ =	shalt  }
0x82: {  	_ =	shalt  }
0x83: {  	_ =	shalt  }
0x84: {  	_ =	shalt  }
0x85: {  	_ =	shalt  }
0x86: {  	_ =	shalt  }
0x87: {  	_ =	shalt  }
.Lfunc_end0:
.L_simem_size_0:
called_computation_lowered:
.L_overlay_start_0:
0x88: {  	s2 =	sld [smem:$0x3FD9]  }
0x89: {  	s3 =	sld [smem:$0x3FFE];
	_ =	sdelay $0x1  }
0x8a: {  	s1 =	srdreg.scid  }
0x8b: {  	s0 =	sand.u32 $0x1, s1  }
0x8c: {  	s17 =	sshll.u32 s0, $0xA;
	s2 =	sadd.s32 s3, s2  }
0x8d: {  	s2 =	sadd.s32 s2, s17  }
0x8e: {  	[smem:$0x3FBC] =	sst s2  }
0x8f: {  	_ = 	snop  }
0x90: {  	s2 =	sld [smem:$0x3FD0];
	(tm) =	ssettm $0x1  }
0x91: {  	s18 =	sld [smem:$0x3FFB];
	_ =	sdelay $0x3  }
0x92: {  	_ =	strace s18  }
0x93: {  	s3 =	sld [smem:$0x3FFC];
	_ =	sdelay $0x3  }
0x94: {  	_ =	strace s3  }
0x95: {  	s3 =	sld [smem:$0x3FFD];
	_ =	sdelay $0x3  }
0x96: {  	_ =	strace s3  }
0x97: {  	_ =	strace $0x8FFFFFFF  }
0x98: {  	s19 =	sld [smem:$0x3FDB];
	_ =	sdelay $0x1  }
0x99: {  	s4 =	simm.s32 $_scs_section_size  }
0x9a: {  	s5 =	simm.s32 $_size__tile_overlayer_lowered;
	s6 =	simm.s32 $_tile_overlayer_lowered  }
0x9b: {  	s22 =	simm.s32 $0x1BFF;
	s21 =	sshll.u32 s6, $0x1;
	s3 =	sadd.s32 s4, s19  }
0x9c: {  	s7 =	simm.s32 $0x0;
	s20 =	sshll.u32 s5, $0x1;
	s5 =	sadd.s32 s21, s3  }
0x9d: {  	[timem:s7], [sflag:s22] =	dma.local [hbm:s5], s20  }
0x9e: {  	_ =	swait.ge [sflag:s22], s20  }
0x9f: {  	s4 =	ssub.s32 $0x0, s20;
	[sflag:s22] =	ssyncset.done $0x0  }
0xa0: {  	[sflag:s22] =	ssyncadd.s32 s4;
	_ =	sdelay $0x1  }
0xa1: {  	s23 =	simm.s32 $0x1B8B  }
0xa2: {  	_ =	swait.ge [sflag:s23], $0x1  }
0xa3: {  	[sflag:s23] =	ssyncset.done $0x0  }
0xa4: {  	s25 =	simm.s32 $0x1B8E;
	s24 =	sld [smem:$0x3FFE];
	[sflag:s23] =	ssyncadd.s32 $0xFFFFFFFF  }
0xa5: {  	s26 =	simm.s32 $execute0_lowered;
	[smem:$0x3FD2] =	sst s25  }
0xa6: {  	s5 =	sshll.u32 s26, $0x1;
	_ =	strace $0x80000046;
	[dreg:$0x1] =	wrdreg $0xFFFFFFFF  }
0xa7: {  	s28 =	simm.s32 $_size_execute0_lowered;
	s3 =	sadd.s32 s3, s5;
	[dreg:$0x0] =	wrdreg $0x0  }
0xa8: {  	s5 =	sshll.u32 s28, $0x1;
	[dreg:$0x2] =	wrdreg s3  }
0xa9: {  	[dreg:$0x3] =	wrdreg s5  }
0xaa: {  	[dreg:$0x4] =	wrdreg $0xC0  }
0xab: {  	_ =	task [dreg:s7], $0x5FFFF  }
0xac: {  	[dreg:$0x1] =	wrdreg $0xFFFFFFFF  }
0xad: {  	[dreg:$0x0] =	wrdreg $0x60  }
0xae: {  	[dreg:$0x2] =	wrdreg s24  }
0xaf: {  	[dreg:$0x3] =	wrdreg s2  }
0xb0: {  	[dreg:$0x4] =	wrdreg $0x67E80  }
0xb1: {  	[dreg:$0x5] =	wrdreg $0x9  }
0xb2: {  	_ =	task.clear_ibuf [dreg:s7], $0x6FFFF;
	_ =	strace $0x90000046  }
0xb3: {  	s29 =	simm.s32 $0x9;
	_ =	strace $0x80000048  }
0xb4: {  	_ =	swait.ge [sflag:s29], $0x1  }
0xb5: {  	[sflag:s29] =	ssyncadd.s32 $0xFFFFFFFF  }
0xb6: {  	_ =	strace $0x90000048  }
0xb7: {  	_ =	sfence  }
0xb8: {  	s30 =	sld [smem:$0x0];
	_ =	sdelay $0x2  }
0xb9: {  	s31 =	sshll.u32 s1, $0xD;
	s1 =	sshrl.u32 s1, $0x2  }
0xba: {  	s3 =	sand.u32 $0x4000, s31;
	s1 =	sadd.s32 s1, s30  }
0xbb: {  	s0 =	sor.u32 s3, s0;
	s1 =	sshll.u32 s1, $0x11  }
0xbc: {  	s0 =	sor.u32 s1, s0  }
0xbd: {  	s0 =	sadd.s32 $0x8F2B, s0  }
0xbe: {  	[sflag:s0] =	ssyncadd.remote.s32 $0x1  }
0xbf: {  	_ =	sfence.sel $0xFFFF  }
0xc0: {  	[dreg:$0x0] =	wrdreg $0xFFFFFFFF;
	(pc) =	sbr.abs _section_cstart, $3  }
0xc1: {  	[dreg:$0x1] =	wrdreg $0xFFFFFFFF  }
0xc2: {  	_ =	task.clear_ibuf [dreg:s7], $0x2FFFF;
	_ =	strace $0x9FFFFFFF  }
0xc3: {  	(tm) =	ssettm $0x7FFFFFFF  }
tec
execute0_lowered:
.L_overlay_start_1:
0x0: {  	(tag) =	ssettag $0x1  }
0x1: {  	s6 =	rddreg [dreg:$0x0]  }
0x2: {  	s1 =	srdreg.scid;
	s2 =	rddreg [dreg:$0x1]  }
0x3: {  	s0 =	stileid.u32;
	s3 =	rddreg [dreg:$0x2];
	s4 =	simm.s32 $0x0  }
0x4: {  	s13 =	simm.s32 $0x1;
	s14 =	simm.s32 $0x7D;
	s15 =	simm.s32 $0x2  }
0x5: {  	s16 =	simm.s32 $0x0;
	s5 =	sand.u32 $0x1, s1;
	s30 =	sshll.u32 s0, $0x1  }
0x6: {  	s8 =	smul.u32 $0x61C0, s0;
	[smem:$0x7FF] =	sst s4;
	s31 =	sshll.u32 s0, $0x6  }
0x7: {  	s1 =	sor.u32 s5, s30;
	s9 =	smul.u32 $0x61C00, s5;
	s10 =	ssub.s32 $0x2, s5  }
0x8: {  	s5 =	sadd.s32 $0x1A400, s6;
	s7 =	smul.u32 $0xC80, s1;
	s1 =	rddreg [dreg:$0x3]  }
0x9: {  	_ =	strace $0x80000047;
	s11 =	sshrl.u32 s10, $0x1;
	s12 =	sadd.s32 s8, s3  }
0xa: {  	s9 =	sadd.s32 s8, s9;
	s10 =	ssub.s32 s10, s11;
	s11 =	sor.u32 $0x1C03, s31  }
0xb: {  	s12 =	sshrl.u32 s12, $0x3;
	s7 =	sadd.s32 s7, s6;
	s9 =	sshrl.u32 s9, $0x3  }
0xc: {  	s8 =	smax.u32 s10, $0x1;
	s10 =	simm.s32 $0x3;
	s9 =	sadd.s32 s9, s6  }
0xd: {  	s6 =	sadd.s32 $0x1A600, s7;
	s7 =	sadd.s32 $0x33600, s9;
	s9 =	simm.s32 $0x6400  }
.LBB2_1:
0xe: {  	[tilespmem:s4], [sflag:$0x1] =	stream.linear.gather [hbm4b:s6+s4], $0x6400, $0x38;
	[tilespmem:$0x7420] =	vst v63  }
0xf: {  	_ = 	snop  }
0x10: {  	[tilespmem:s9], [sflag:$0x3] =	stream.linear.gather [hbm4b:s5+s4], $0x3E8, $0x38;
	[tilespmem:$0x7420] =	vst v63  }
0x11: {  	_ =	swait.ge [sflag:s10], $0x3E8  }
0x12: {  	[sflag:s10] =	ssyncset.done $0x0  }
0x13: {  	[sflag:s10] =	ssyncadd.s32 $0xFFFFFC18  }
0x14: {  	[spmem:s12], [sflag:s11] =	dma.local [hbm:s2], $0xC38  }
0x15: {  	_ =	swait.ge [sflag:s10], $0xC38  }
0x16: {  	[sflag:s10] =	ssyncset.done $0x0  }
0x17: {  	[sflag:s10] =	ssyncadd.s32 $0xFFFFF3C8  }
0x18: {  	_ =	swait.ge [sflag:s13], $0x6400  }
0x19: {  	[sflag:s13] =	ssyncset.done $0x0  }
0x1a: {  	[sflag:s13] =	ssyncadd.s32 $0xFFFF9C00  }
0x1b: {  	s17 =	simm.s32 $0x0;
	[bflag:$0x0] =	sbarrier.arrive $0xFFFF  }
0x1c: {  	[spmem:s3] =	stream.indirect.scatter.add.f32 [tilespmem:s9], [sflag:$0x2], $0x1, s17, s14, $0xb8;
	[tilespmem:$0x7420] =	vst v63  }
0x1d: {  	s24 =	simm.s32 $0x80  }
0x1e: {  	[spmem:s3] =	stream.indirect.scatter.add.f32 [tilespmem:s9], [sflag:$0x2], $0x1, s24, s14, $0xb8;
	[tilespmem:$0x7420] =	vst v63  }
0x1f: {  	s25 =	simm.s32 $0x100  }
0x20: {  	[spmem:s3] =	stream.indirect.scatter.add.f32 [tilespmem:s9], [sflag:$0x2], $0x1, s25, s14, $0xb8;
	[tilespmem:$0x7420] =	vst v63  }
0x21: {  	s26 =	simm.s32 $0x180  }
0x22: {  	[spmem:s3] =	stream.indirect.scatter.add.f32 [tilespmem:s9], [sflag:$0x2], $0x1, s26, s14, $0xb8;
	[tilespmem:$0x7420] =	vst v63  }
0x23: {  	s28 =	simm.s32 $0x200  }
0x24: {  	[spmem:s3] =	stream.indirect.scatter.add.f32 [tilespmem:s9], [sflag:$0x2], $0x1, s28, s14, $0xb8;
	[tilespmem:$0x7420] =	vst v63  }
0x25: {  	s29 =	simm.s32 $0x280  }
0x26: {  	[spmem:s3] =	stream.indirect.scatter.add.f32 [tilespmem:s9], [sflag:$0x2], $0x1, s29, s14, $0xb8;
	[tilespmem:$0x7420] =	vst v63  }
0x27: {  	s30 =	simm.s32 $0x300  }
0x28: {  	[spmem:s3] =	stream.indirect.scatter.add.f32 [tilespmem:s9], [sflag:$0x2], $0x1, s30, s14, $0xb8;
	[tilespmem:$0x7420] =	vst v63  }
0x29: {  	s31 =	simm.s32 $0x380  }
0x2a: {  	[spmem:s3] =	stream.indirect.scatter.add.f32 [tilespmem:s9], [sflag:$0x2], $0x1, s31, s14, $0xb8;
	[tilespmem:$0x7420] =	vst v63  }
0x2b: {  	_ =	swait.ge [sflag:s15], $0x7D  }
0x2c: {  	[sflag:s15] =	ssyncset.done $0x0  }
0x2d: {  	[sflag:s15] =	ssyncadd.s32 $0xFFFFFF83  }
0x2e: {  	_ =	swait.ge [sflag:s15], $0x7D  }
0x2f: {  	[sflag:s15] =	ssyncset.done $0x0  }
0x30: {  	[sflag:s15] =	ssyncadd.s32 $0xFFFFFF83  }
0x31: {  	_ =	swait.ge [sflag:s15], $0x7D  }
0x32: {  	[sflag:s15] =	ssyncset.done $0x0  }
0x33: {  	[sflag:s15] =	ssyncadd.s32 $0xFFFFFF83  }
0x34: {  	_ =	swait.ge [sflag:s15], $0x7D  }
0x35: {  	[sflag:s15] =	ssyncset.done $0x0  }
0x36: {  	[sflag:s15] =	ssyncadd.s32 $0xFFFFFF83  }
0x37: {  	_ =	swait.ge [sflag:s15], $0x7D  }
0x38: {  	[sflag:s15] =	ssyncset.done $0x0  }
0x39: {  	[sflag:s15] =	ssyncadd.s32 $0xFFFFFF83  }
0x3a: {  	_ =	swait.ge [sflag:s15], $0x7D  }
0x3b: {  	[sflag:s15] =	ssyncset.done $0x0  }
0x3c: {  	[sflag:s15] =	ssyncadd.s32 $0xFFFFFF83  }
0x3d: {  	_ =	swait.ge [sflag:s15], $0x7D  }
0x3e: {  	[sflag:s15] =	ssyncset.done $0x0  }
0x3f: {  	[sflag:s15] =	ssyncadd.s32 $0xFFFFFF83  }
0x40: {  	_ =	swait.ge [sflag:s15], $0x7D  }
0x41: {  	s19 =	simm.s32 $0x2000;
	s17 =	simm.s32 $0x1000;
	[sflag:s15] =	ssyncset.done $0x0  }
.LBB2_2:
0x42: {  	s20 =	sshra.s32 s17, $0x2  }
0x43: {  	[sflag:s15] =	ssyncadd.s32 $0xFFFFFF83;
	s17 =	smov.u32 s19;
	s18 =	sadd.s32 $0x1000, s19  }
0x44: {  	[spmem:s3] =	stream.indirect.scatter.add.f32 [tilespmem:s9], [sflag:$0x2], $0x1, s20, s14, $0xb8;
	[tilespmem:$0x7420] =	vst v63  }
0x45: {  	p0 =	sne.s32 s19, $0x18000;
	s19 =	sadd.s32 $0x80, s20  }
0x46: {  	[spmem:s3] =	stream.indirect.scatter.add.f32 [tilespmem:s9], [sflag:$0x2], $0x1, s19, s14, $0xb8;
	[tilespmem:$0x7420] =	vst v63  }
0x47: {  	s19 =	sadd.s32 $0x100, s20  }
0x48: {  	[spmem:s3] =	stream.indirect.scatter.add.f32 [tilespmem:s9], [sflag:$0x2], $0x1, s19, s14, $0xb8;
	[tilespmem:$0x7420] =	vst v63  }
0x49: {  	s19 =	sadd.s32 $0x180, s20  }
0x4a: {  	[spmem:s3] =	stream.indirect.scatter.add.f32 [tilespmem:s9], [sflag:$0x2], $0x1, s19, s14, $0xb8;
	[tilespmem:$0x7420] =	vst v63  }
0x4b: {  	s19 =	sadd.s32 $0x200, s20  }
0x4c: {  	[spmem:s3] =	stream.indirect.scatter.add.f32 [tilespmem:s9], [sflag:$0x2], $0x1, s19, s14, $0xb8;
	[tilespmem:$0x7420] =	vst v63  }
0x4d: {  	s19 =	sadd.s32 $0x280, s20  }
0x4e: {  	[spmem:s3] =	stream.indirect.scatter.add.f32 [tilespmem:s9], [sflag:$0x2], $0x1, s19, s14, $0xb8;
	[tilespmem:$0x7420] =	vst v63  }
0x4f: {  	s19 =	sadd.s32 $0x300, s20  }
0x50: {  	[spmem:s3] =	stream.indirect.scatter.add.f32 [tilespmem:s9], [sflag:$0x2], $0x1, s19, s14, $0xb8;
	[tilespmem:$0x7420] =	vst v63  }
0x51: {  	s19 =	sadd.s32 $0x380, s20  }
0x52: {  	[spmem:s3] =	stream.indirect.scatter.add.f32 [tilespmem:s9], [sflag:$0x2], $0x1, s19, s14, $0xb8;
	[tilespmem:$0x7420] =	vst v63  }
0x53: {  	_ =	swait.ge [sflag:s15], $0x7D  }
0x54: {  	[sflag:s15] =	ssyncset.done $0x0  }
0x55: {  	[sflag:s15] =	ssyncadd.s32 $0xFFFFFF83  }
0x56: {  	_ =	swait.ge [sflag:s15], $0x7D  }
0x57: {  	[sflag:s15] =	ssyncset.done $0x0  }
0x58: {  	[sflag:s15] =	ssyncadd.s32 $0xFFFFFF83  }
0x59: {  	_ =	swait.ge [sflag:s15], $0x7D  }
0x5a: {  	[sflag:s15] =	ssyncset.done $0x0  }
0x5b: {  	[sflag:s15] =	ssyncadd.s32 $0xFFFFFF83  }
0x5c: {  	_ =	swait.ge [sflag:s15], $0x7D  }
0x5d: {  	[sflag:s15] =	ssyncset.done $0x0  }
0x5e: {  	[sflag:s15] =	ssyncadd.s32 $0xFFFFFF83  }
0x5f: {  	_ =	swait.ge [sflag:s15], $0x7D  }
0x60: {  	[sflag:s15] =	ssyncset.done $0x0  }
0x61: {  	[sflag:s15] =	ssyncadd.s32 $0xFFFFFF83  }
0x62: {  	_ =	swait.ge [sflag:s15], $0x7D  }
0x63: {  	[sflag:s15] =	ssyncset.done $0x0  }
0x64: {  	[sflag:s15] =	ssyncadd.s32 $0xFFFFFF83  }
.Ltmp0:
0x65: {  	_ =	swait.ge [sflag:s15], $0x7D;
	(pc) =	sbr.rel @p0 .LBB2_2-.Ltmp0, $4  }
0x66: {  	[sflag:s15] =	ssyncset.done $0x0  }
0x67: {  	[sflag:s15] =	ssyncadd.s32 $0xFFFFFF83  }
0x68: {  	_ =	swait.ge [sflag:s15], $0x7D  }
0x69: {  	s19 =	smov.u32 s18;
	[sflag:s15] =	ssyncset.done $0x0  }
0x6a: {  	s17 =	sshra.s32 s17, $0x2;
	[sflag:s15] =	ssyncadd.s32 $0xFFFFFF83  }
0x6b: {  	[spmem:s3] =	stream.indirect.scatter.add.f32 [tilespmem:s9], [sflag:$0x2], $0x1, s17, s14, $0xb8;
	[tilespmem:$0x7420] =	vst v63  }
0x6c: {  	s18 =	sadd.s32 $0x80, s17  }
0x6d: {  	[spmem:s3] =	stream.indirect.scatter.add.f32 [tilespmem:s9], [sflag:$0x2], $0x1, s18, s14, $0xb8;
	[tilespmem:$0x7420] =	vst v63  }
0x6e: {  	s26 =	sadd.s32 $0x100, s17  }
0x6f: {  	[spmem:s3] =	stream.indirect.scatter.add.f32 [tilespmem:s9], [sflag:$0x2], $0x1, s26, s14, $0xb8;
	[tilespmem:$0x7420] =	vst v63  }
0x70: {  	s28 =	sadd.s32 $0x180, s17  }
0x71: {  	[spmem:s3] =	stream.indirect.scatter.add.f32 [tilespmem:s9], [sflag:$0x2], $0x1, s28, s14, $0xb8;
	[tilespmem:$0x7420] =	vst v63  }
0x72: {  	s29 =	sadd.s32 $0x200, s17  }
0x73: {  	[spmem:s3] =	stream.indirect.scatter.add.f32 [tilespmem:s9], [sflag:$0x2], $0x1, s29, s14, $0xb8;
	[tilespmem:$0x7420] =	vst v63  }
0x74: {  	s30 =	sadd.s32 $0x280, s17  }
0x75: {  	[spmem:s3] =	stream.indirect.scatter.add.f32 [tilespmem:s9], [sflag:$0x2], $0x1, s30, s14, $0xb8;
	[tilespmem:$0x7420] =	vst v63  }
0x76: {  	s31 =	sadd.s32 $0x300, s17  }
0x77: {  	[spmem:s3] =	stream.indirect.scatter.add.f32 [tilespmem:s9], [sflag:$0x2], $0x1, s31, s14, $0xb8;
	[tilespmem:$0x7420] =	vst v63  }
0x78: {  	s17 =	sadd.s32 $0x380, s17  }
0x79: {  	[spmem:s3] =	stream.indirect.scatter.add.f32 [tilespmem:s9], [sflag:$0x2], $0x1, s17, s14, $0xb8;
	[tilespmem:$0x7420] =	vst v63  }
0x7a: {  	_ =	swait.ge [sflag:s15], $0x7D  }
0x7b: {  	[sflag:s15] =	ssyncset.done $0x0  }
0x7c: {  	[sflag:s15] =	ssyncadd.s32 $0xFFFFFF83  }
0x7d: {  	_ =	swait.ge [sflag:s15], $0x7D  }
0x7e: {  	[sflag:s15] =	ssyncset.done $0x0  }
0x7f: {  	[sflag:s15] =	ssyncadd.s32 $0xFFFFFF83  }
0x80: {  	_ =	swait.ge [sflag:s15], $0x7D  }
0x81: {  	[sflag:s15] =	ssyncset.done $0x0  }
0x82: {  	[sflag:s15] =	ssyncadd.s32 $0xFFFFFF83  }
0x83: {  	_ =	swait.ge [sflag:s15], $0x7D  }
0x84: {  	[sflag:s15] =	ssyncset.done $0x0  }
0x85: {  	[sflag:s15] =	ssyncadd.s32 $0xFFFFFF83  }
0x86: {  	_ =	swait.ge [sflag:s15], $0x7D  }
0x87: {  	[sflag:s15] =	ssyncset.done $0x0  }
0x88: {  	[sflag:s15] =	ssyncadd.s32 $0xFFFFFF83  }
0x89: {  	_ =	swait.ge [sflag:s15], $0x7D  }
0x8a: {  	[sflag:s15] =	ssyncset.done $0x0  }
0x8b: {  	[sflag:s15] =	ssyncadd.s32 $0xFFFFFF83  }
0x8c: {  	_ =	swait.ge [sflag:s15], $0x7D  }
0x8d: {  	[sflag:s15] =	ssyncset.done $0x0  }
0x8e: {  	[sflag:s15] =	ssyncadd.s32 $0xFFFFFF83  }
0x8f: {  	_ =	swait.ge [sflag:s15], $0x7D  }
0x90: {  	s16 =	sadd.s32 $0x1, s16;
	[sflag:s15] =	ssyncset.done $0x0  }
0x91: {  	p0 =	sne.s32 s16, s8;
	[sflag:s15] =	ssyncadd.s32 $0xFFFFFF83  }
.Ltmp1:
0x92: {  	[bflag:$0x0] =	sbarrier.arrive $0xFFFF;
	(pc) =	sbr.rel @p0 .LBB2_1-.Ltmp1, $4  }
0x93: {  	[hbm:s7], [sflag:s11] =	dma.local [spmem:s12], $0xC38  }
0x94: {  	_ =	swait.ge [sflag:s10], $0xC38  }
0x95: {  	[sflag:s10] =	ssyncset.done $0x0  }
0x96: {  	[sflag:s10] =	ssyncadd.s32 $0xFFFFF3C8  }
0x97: {  	_ =	sfence.sel $0x180000  }
0x98: {  	[bflag:$0x0] =	sbarrier.arrive $0xFFFF  }
0x99: {  	p0 =	sne.s32 s0, $0x0;
	_ =	strace $0x90000047  }
0x9a: {  	s0 =	sadd.s32 @!p0 $0x100000, s1;
	[bflag:$0x2] =	sbarrier.arrive $0xFFFF  }
0x9b: {  	[sflag:s0] =	ssyncadd.tile.s32 @!p0 $0x1;
	_ =	shalt  }
.Lfunc_end2:
_tile_overlayer_lowered:
.L_overlay_start_2:
0x9c: {  	(tag) =	ssettag $0x2  }
0x9d: {  	s0 =	rddreg [dreg:$0x0];
	s2 =	stileid.u32  }
0x9e: {  	s1 =	rddreg [dreg:$0x1];
	p0 =	sne.s32 s2, $0x0  }
0x9f: {  	s3 =	rddreg [dreg:$0x2];
	[bflag:$0x3] =	sbarrier.arrive $0xFFFF;
	s2 =	simm.s32 @!p0 $0x1C03  }
0xa0: {  	[timem:s3], [sflag:s2] =	dma.local @!p0 [hbm:s0], s1  }
0xa1: {  	s0 =	simm.s32 @!p0 $0x3  }
0xa2: {  	_ =	swait.ge @!p0 [sflag:s0], s1  }
0xa3: {  	s1 =	ssub.s32 @!p0 $0x0, s1;
	[sflag:s0] =	ssyncset.done @!p0 $0x0  }
0xa4: {  	[sflag:s0] =	ssyncadd.s32 @!p0 s1  }
0xa5: {  	[bflag:$0x3] =	sbarrier.arrive $0xFFFF  }
0xa6: {  	_ =	shalt  }

</sc_bundles>
